<compile_context>
chip_gen: v7x
topology: tpu7x:2x2x1
jax: 0.10.2.dev20260603
libtpu: 0.0.44.dev20260713+nightly
codegen_flags: <defaults>
</compile_context>

<pallas_src>
import functools

import jax
import jax.numpy as jnp
from jax.experimental import pallas as pl
from jax.experimental.pallas import tpu as pltpu
from jax.experimental.pallas import tpu_sc as plsc

EPS = 1e-10
ALPHA = 0.8
TOPK = 9
NPAD = 20480
GPAD = 112
CAND = TOPK * GPAD
TRASH = 20000


def _tc_body(preds_ref, cls_ref, gtt_ref, lab_ref, idx_ref):
    N = preds_ref.shape[0]
    C = cls_ref.shape[1]
    G = gtt_ref.shape[1]
    B = 5000
    NB = N // B

    gx1 = gtt_ref[0:1, :]
    gy1 = gtt_ref[1:2, :]
    gx2 = gtt_ref[2:3, :]
    gy2 = gtt_ref[3:4, :]
    area2 = (gx2 - gx1) * (gy2 - gy1)

    labels = lab_ref[0:1, :]
    cls_ids = jax.lax.broadcasted_iota(jnp.int32, (C, G), 0)
    onehot = (cls_ids == jnp.broadcast_to(labels, (C, G))).astype(jnp.float32)

    PAD = 16

    def block_step(i, carry):
        vals, idxs = carry
        base = i * B
        pb = preds_ref[pl.ds(base, B), :]
        px1 = pb[:, 0:1]
        py1 = pb[:, 1:2]
        px2 = pb[:, 2:3]
        py2 = pb[:, 3:4]
        area1 = (px2 - px1) * (py2 - py1)
        iw = jnp.maximum(jnp.minimum(px2, gx2) - jnp.maximum(px1, gx1), 0.0)
        ih = jnp.maximum(jnp.minimum(py2, gy2) - jnp.maximum(py1, gy1), 0.0)
        inter = iw * ih
        union = jnp.maximum(area1 + area2 - inter, 1e-6)
        iou = inter / union
        ov_pow = jnp.where(iou > 0.0, jnp.maximum(iou, EPS) ** ALPHA, 0.0)

        cb = cls_ref[pl.ds(base, B), :]
        cls_pow = jax.nn.sigmoid(cb) ** (1.0 - ALPHA)
        cls_sel = jnp.dot(
            cls_pow,
            onehot,
            preferred_element_type=jnp.float32,
            precision=jax.lax.Precision.HIGHEST,
        )
        score = cls_sel * ov_pow

        rid = jax.lax.broadcasted_iota(jnp.int32, (B, G), 0) + base
        pool_v = jnp.concatenate([vals, score], axis=0)
        pool_i = jnp.concatenate([idxs, rid], axis=0)

        H = (B + PAD) // 2
        a_v, b_v = pool_v[:H], pool_v[H:]
        a_i, b_i = pool_i[:H], pool_i[H:]
        awins = a_v >= b_v
        w_v = jnp.where(awins, a_v, b_v)
        w_i = jnp.where(awins, a_i, b_i)
        l_v = jnp.where(awins, b_v, a_v)
        l_i = jnp.where(awins, b_i, a_i)

        vr, ir = [], []
        for _ in range(TOPK):
            m = jnp.max(w_v, axis=0, keepdims=True)
            ismax = w_v == m
            sel = jnp.min(
                jnp.where(ismax, w_i, jnp.int32(2**31 - 1)),
                axis=0,
                keepdims=True,
            )
            vr.append(m)
            ir.append(sel)
            issel = w_i == sel
            w_v = jnp.where(issel, l_v, w_v)
            w_i = jnp.where(issel, l_i, w_i)
            l_v = jnp.where(issel, -1.0, l_v)

        pad_rows = PAD - TOPK
        vr.append(jnp.full((pad_rows, G), -1.0, jnp.float32))
        ir.append(jnp.full((pad_rows, G), 2**30, jnp.int32))
        return jnp.concatenate(vr, axis=0), jnp.concatenate(ir, axis=0)

    init = (
        jnp.full((PAD, G), -1.0, jnp.float32),
        jnp.full((PAD, G), 2**30, jnp.int32),
    )
    _, idxs = jax.lax.fori_loop(0, NB, block_step, init)
    idx_ref[...] = jnp.concatenate(
        [idxs, jnp.full((PAD, GPAD - G), TRASH, jnp.int32)], axis=1
    )


def _sc_body(
    idx_hbm, nx_hbm, ny_hbm, g1_hbm, g2_hbm, g3_hbm, g4_hbm, bflat_hbm,
    out_hbm,
    idx_v, xa, xb, ya, yb, nx_v, ny_v,
    g1_v, g2_v, g3_v, g4_v, w_v, tmp_i, tmp_w, out_v, w_sh, sem,
):
    n_real = NPAD - 480
    cid = jax.lax.axis_index("c")
    sid = jax.lax.axis_index("s")
    wid = sid * 2 + cid
    per = NPAD // 32
    base = wid * per

    pltpu.sync_copy(idx_hbm.at[pl.ds(0, CAND)], idx_v)

    rot_vecs = [(jax.lax.iota(jnp.int32, 16) + r) & 15 for r in range(1, 16)]

    @pl.when(sid < GPAD // 16)
    def _gauss():
        s = sid * 16
        pltpu.sync_copy(nx_hbm, nx_v)
        pltpu.sync_copy(ny_hbm, ny_v)
        pltpu.sync_copy(g1_hbm, g1_v)
        pltpu.sync_copy(g2_hbm, g2_v)
        pltpu.sync_copy(g3_hbm, g3_v)
        pltpu.sync_copy(g4_hbm, g4_v)

        cps = []
        for k in range(TOPK):
            o = k * GPAD
            iv = jnp.minimum(idx_v[pl.ds(o + s, 16)], n_real - 1) * 4
            for dst, off in ((xa, 0), (ya, 1), (xb, 2), (yb, 3)):
                cp = pltpu.make_async_copy(
                    bflat_hbm.at[iv + off],
                    dst.at[pl.ds(o + s, 16)],
                    sem,
                )
                cp.start()
                cps.append(cp)
        for cp in cps:
            cp.wait()

        glane = jax.lax.iota(jnp.int32, 16)
        laneok = (glane + s) < 100
        c1 = g1_v[pl.ds(s, 16)]
        c2 = g2_v[pl.ds(s, 16)]
        c3 = g3_v[pl.ds(s, 16)]
        c4 = g4_v[pl.ds(s, 16)]
        cxs, cys, nxs, nys = [], [], [], []
        sx = jnp.zeros((16,), jnp.float32)
        sy = jnp.zeros((16,), jnp.float32)
        for k in range(TOPK):
            o = k * GPAD + s
            cx = (xa[pl.ds(o, 16)] + xb[pl.ds(o, 16)]) * 0.5
            cy = (ya[pl.ds(o, 16)] + yb[pl.ds(o, 16)]) * 0.5
            nk = nx_v[pl.ds(o, 16)]
            mk = ny_v[pl.ds(o, 16)]
            cxs.append(cx)
            cys.append(cy)
            nxs.append(nk)
            nys.append(mk)
            sx = sx + (cx + nk)
            sy = sy + (cy + mk)
        mx = sx / 9.0
        my = sy / 9.0
        sxx = jnp.zeros((16,), jnp.float32)
        sxy = jnp.zeros((16,), jnp.float32)
        syy = jnp.zeros((16,), jnp.float32)
        for k in range(TOPK):
            dxn = (cxs[k] + nxs[k]) - mx
            dyn = (cys[k] + nys[k]) - my
            sxx = sxx + dxn * dxn
            sxy = sxy + dxn * dyn
            syy = syy + dyn * dyn
        sxx = sxx / 9.0
        sxy = sxy / 9.0
        syy = syy / 9.0
        den = sxx * syy - sxy * sxy + 1e-10
        i00 = syy / den
        i01 = -sxy / den
        i11 = sxx / den
        for k in range(TOPK):
            px = cxs[k] - mx
            py = cys[k] - my
            q = i00 * px * px + 2.0 * i01 * px * py + i11 * py * py
            w = jnp.exp(-0.5 * q)
            valid = (
                (cxs[k] - c1 > EPS)
                & (cys[k] - c2 > EPS)
                & (c3 - cxs[k] > EPS)
                & (c4 - cys[k] > EPS)
            )
            w = jnp.where(valid & laneok, w, 0.0)
            iv = idx_v[pl.ds(k * GPAD + s, 16)]
            tmp_i[...] = iv
            tmp_w[...] = w
            for rv in rot_vecs:
                ir = plsc.load_gather(tmp_i, [rv])
                wr = plsc.load_gather(tmp_w, [rv])
                w = jnp.where(ir == iv, jnp.maximum(w, wr), w)
            w_v[pl.ds(k * GPAD + s, 16)] = w
            pltpu.sync_copy(
                w_v.at[pl.ds(k * GPAD + s, 16)],
                w_sh.at[pl.ds(k * GPAD + s, 16)],
            )

    plsc.subcore_barrier()
    pltpu.sync_copy(w_sh, w_v)

    zeros16 = jnp.zeros((16,), jnp.float32)

    def zero(i, _):
        out_v[pl.ds(i * 16, 16)] = zeros16
        return 0

    jax.lax.fori_loop(0, per // 16, zero, 0)

    def scat(j, _):
        iv = idx_v[pl.ds(j * 16, 16)]
        wv = w_v[pl.ds(j * 16, 16)]
        msk = (iv >= base) & (iv < base + per)
        loc = jnp.where(msk, iv - base, 0)
        old = plsc.load_gather(out_v, [loc], mask=msk)
        new = jnp.where(msk, jnp.maximum(old, wv), wv)
        plsc.store_scatter(out_v, [loc], new, mask=msk)
        return 0

    jax.lax.fori_loop(0, CAND // 16, scat, 0)
    pltpu.sync_copy(out_v, out_hbm.at[pl.ds(base, per)])


def kernel(bboxes, cls_scores, bbox_preds, gt_bboxes, bbox_levels, gt_labels):
    del bbox_levels
    N, C = cls_scores.shape
    G = gt_bboxes.shape[0]

    gt_t = gt_bboxes[:, :4].T.astype(jnp.float32)
    labels2 = gt_labels.astype(jnp.int32).reshape(1, G)

    idx_o = pl.pallas_call(
        _tc_body,
        out_shape=jax.ShapeDtypeStruct((16, GPAD), jnp.int32),
    )(
        bbox_preds.astype(jnp.float32),
        cls_scores.astype(jnp.float32),
        gt_t,
        labels2,
    )

    noise = (
        jax.random.uniform(jax.random.key(1), (G, TOPK, 2), dtype=jnp.float32) - 0.5
    ) * 0.1
    nxp = jnp.zeros((TOPK, GPAD), jnp.float32).at[:, :G].set(noise[:, :, 0].T)
    nyp = jnp.zeros((TOPK, GPAD), jnp.float32).at[:, :G].set(noise[:, :, 1].T)
    gpad = jnp.zeros((4, GPAD), jnp.float32).at[:, :G].set(gt_t)
    bflat = bboxes[:, :4].astype(jnp.float32).reshape(-1)

    mesh = plsc.VectorSubcoreMesh(core_axis_name="c", subcore_axis_name="s")
    sc = functools.partial(
        pl.kernel,
        mesh=mesh,
        compiler_params=pltpu.CompilerParams(needs_layout_passes=False),
        out_type=jax.ShapeDtypeStruct((NPAD,), jnp.float32),
        scratch_types=[
            pltpu.VMEM((CAND,), jnp.int32),
            pltpu.VMEM((CAND,), jnp.float32),
            pltpu.VMEM((CAND,), jnp.float32),
            pltpu.VMEM((CAND,), jnp.float32),
            pltpu.VMEM((CAND,), jnp.float32),
            pltpu.VMEM((CAND,), jnp.float32),
            pltpu.VMEM((CAND,), jnp.float32),
            pltpu.VMEM((GPAD,), jnp.float32),
            pltpu.VMEM((GPAD,), jnp.float32),
            pltpu.VMEM((GPAD,), jnp.float32),
            pltpu.VMEM((GPAD,), jnp.float32),
            pltpu.VMEM((CAND,), jnp.float32),
            pltpu.VMEM((16,), jnp.int32),
            pltpu.VMEM((16,), jnp.float32),
            pltpu.VMEM((NPAD // 32,), jnp.float32),
            pltpu.VMEM_SHARED((CAND,), jnp.float32),
            pltpu.SemaphoreType.DMA,
        ],
    )(_sc_body)
    out_pad = sc(
        idx_o.reshape(-1),
        nxp.reshape(-1),
        nyp.reshape(-1),
        gpad[0],
        gpad[1],
        gpad[2],
        gpad[3],
        bflat,
    )
    return out_pad[:N]

# --- scband reference (transcript-rebuilt; emitter-appended) ---
"""Pipeline reference for scband-pgwanchor-module-32710470926889 (READ-ONLY COPY).

The authoritative reference and input builder live on the scoring server;
editing this copy changes nothing except your own understanding.
"""

import jax, jax.numpy as jnp
import numpy as np

EPS = 1e-10
ALPHA = 0.8
TOPK = 9


def bbox_overlaps(b1, b2):
    # pairwise IoU, matches mmdet BboxOverlaps2D (union clamped at 1e-6)
    area1 = (b1[:, 2] - b1[:, 0]) * (b1[:, 3] - b1[:, 1])
    area2 = (b2[:, 2] - b2[:, 0]) * (b2[:, 3] - b2[:, 1])
    lt = jnp.maximum(b1[:, None, :2], b2[None, :, :2])
    rb = jnp.minimum(b1[:, None, 2:], b2[None, :, 2:])
    wh = jnp.clip(rb - lt, 0.0, None)
    inter = wh[..., 0] * wh[..., 1]
    union = area1[:, None] + area2[None, :] - inter
    return inter / jnp.maximum(union, 1e-6)


def mle_2d_gaussian_2(sampled_data, key):
    noise = (jax.random.uniform(key, sampled_data.shape, dtype=sampled_data.dtype) - 0.5) * 0.1
    data = sampled_data + noise
    miu = data.mean(axis=1, keepdims=True)
    diff = (data - miu)[:, :, :, None]
    sigma = jnp.matmul(diff, jnp.swapaxes(diff, 2, 3)).mean(axis=1)
    deter = sigma[:, 0, 0] * sigma[:, 1, 1] - sigma[:, 0, 1] * sigma[:, 1, 0]
    row0 = jnp.stack([sigma[:, 1, 1], -1.0 * sigma[:, 0, 1]], axis=-1)
    row1 = jnp.stack([-1.0 * sigma[:, 1, 0], sigma[:, 0, 0]], axis=-1)
    inverse = jnp.stack([row0, row1], axis=-2)
    inverse = inverse / (deter[:, None, None] + 1e-10)
    return miu, sigma, inverse, deter


def setup_inputs(seed: int = 0) -> dict:
    key = jax.random.key(seed)
    ks = jax.random.split(key, 8)
    N, G, C = 20000, 100, 80
    img = 1024.0
    cxy = jax.random.uniform(ks[0], (N, 2)) * img
    wh = jax.random.uniform(ks[1], (N, 2)) * 112.0 + 16.0
    bboxes = jnp.concatenate([cxy - wh / 2.0, cxy + wh / 2.0], axis=1)
    bbox_preds = bboxes + jax.random.normal(ks[2], (N, 4)) * 4.0
    gcxy = jax.random.uniform(ks[3], (G, 2)) * img
    gwh = jax.random.uniform(ks[4], (G, 2)) * 320.0 + 64.0
    gt_bboxes = jnp.concatenate([gcxy - gwh / 2.0, gcxy + gwh / 2.0], axis=1)
    cls_scores = jax.random.normal(ks[5], (N, C))
    bbox_levels = jax.random.randint(ks[6], (N,), 0, 5)
    gt_labels = jax.random.randint(ks[7], (G,), 0, C)
    return {
        "bboxes": bboxes,
        "cls_scores": cls_scores,
        "bbox_preds": bbox_preds,
        "gt_bboxes": gt_bboxes,
        "bbox_levels": bbox_levels,
        "gt_labels": gt_labels,
    }


def reference(bboxes, cls_scores, bbox_preds, gt_bboxes, bbox_levels, gt_labels):
    bboxes = bboxes[:, :4]
    num_gt = gt_bboxes.shape[0]
    num_bboxes = bboxes.shape[0]

    overlaps = bbox_overlaps(bbox_preds, gt_bboxes)  # [N, G]
    cls_cost = jax.nn.sigmoid(cls_scores[:, gt_labels])  # [N, G]
    # overlaps ** ALPHA, written grad-safely (forward-identical: 0**a == 0)
    ov_pow = jnp.where(overlaps > 0.0, jnp.maximum(overlaps, EPS) ** ALPHA, 0.0)
    overlaps = cls_cost ** (1.0 - ALPHA) * ov_pow

    bboxes_cx = (bboxes[:, 0] + bboxes[:, 2]) / 2.0
    bboxes_cy = (bboxes[:, 1] + bboxes[:, 3]) / 2.0

    # topk over anchor dim (dim=0 in torch)
    _, topk_idxs_t = jax.lax.top_k(overlaps.T, TOPK)  # [G, TOPK]
    candidate_idxs = topk_idxs_t.T  # [TOPK, G]

    candidate_cx = bboxes_cx[candidate_idxs.reshape(-1)].reshape(candidate_idxs.shape)
    candidate_cy = bboxes_cy[candidate_idxs.reshape(-1)].reshape(candidate_idxs.shape)
    candidate_pos = jnp.stack((candidate_cx.T, candidate_cy.T), axis=-1)  # [G, TOPK, 2]

    miu, sigma, inverse, deter = mle_2d_gaussian_2(candidate_pos, jax.random.key(1))

    cx = bboxes_cx[:, None]
    cy = bboxes_cy[:, None]
    gx1 = gt_bboxes[None, :, 0]
    gy1 = gt_bboxes[None, :, 1]
    gx2 = gt_bboxes[None, :, 2]
    gy2 = gt_bboxes[None, :, 3]
    valid = ((cx - gx1 > EPS) & (cy - gy1 > EPS) & (gx2 - cx > EPS) & (gy2 - cy > EPS)).astype(cls_scores.dtype)

    pos_diff = (candidate_pos - miu)[:, :, None, :]  # [G, TOPK, 1, 2]
    candidate_w = jnp.exp(-0.5 * jnp.matmul(jnp.matmul(pos_diff, inverse[:, None, :, :]), jnp.swapaxes(pos_diff, 2, 3)))
    candidate_w = jnp.swapaxes(candidate_w, 0, 1).reshape(TOPK, num_gt)  # [TOPK, G]

    w = jnp.zeros((num_bboxes, num_gt), dtype=cls_scores.dtype)
    col = jnp.broadcast_to(jnp.arange(num_gt)[None, :], candidate_idxs.shape)
    w = w.at[candidate_idxs, col].set(candidate_w)

    w = w * valid
    w = jnp.max(w, axis=1)
    w = jnp.where(w < 0.0, 0.0, w)  # low_bound = 0.0; ignore branch inactive (ignore_iof_thr=-1)
    return w


if False:  # reference __main__ guard neutralized (emitter)
    out = reference(**setup_inputs())
    print(out.shape, out.dtype)

if __name__ == "__main__":
    import jax
    _d = setup_inputs()
    print(jax.jit(kernel)(*tuple(_d.values())))

</pallas_src>

<mosaic_0001>
#map = affine_map<(d0, d1) -> (0)>
module attributes {stable_mosaic.version = 14 : i64} {
  func.func @_sc_body(%arg0: i32, %arg1: i32, %arg2: memref<1792xi32, #tpu.memory_space<hbm>>, %arg3: memref<1008xf32, #tpu.memory_space<hbm>>, %arg4: memref<1008xf32, #tpu.memory_space<hbm>>, %arg5: memref<112xf32, #tpu.memory_space<hbm>>, %arg6: memref<112xf32, #tpu.memory_space<hbm>>, %arg7: memref<112xf32, #tpu.memory_space<hbm>>, %arg8: memref<112xf32, #tpu.memory_space<hbm>>, %arg9: memref<80000xf32, #tpu.memory_space<hbm>>, %arg10: memref<20480xf32, #tpu.memory_space<hbm>>, %arg11: memref<1008xi32, #tpu.memory_space<vmem>>, %arg12: memref<1008xf32, #tpu.memory_space<vmem>>, %arg13: memref<1008xf32, #tpu.memory_space<vmem>>, %arg14: memref<1008xf32, #tpu.memory_space<vmem>>, %arg15: memref<1008xf32, #tpu.memory_space<vmem>>, %arg16: memref<1008xf32, #tpu.memory_space<vmem>>, %arg17: memref<1008xf32, #tpu.memory_space<vmem>>, %arg18: memref<112xf32, #tpu.memory_space<vmem>>, %arg19: memref<112xf32, #tpu.memory_space<vmem>>, %arg20: memref<112xf32, #tpu.memory_space<vmem>>, %arg21: memref<112xf32, #tpu.memory_space<vmem>>, %arg22: memref<1008xf32, #tpu.memory_space<vmem>>, %arg23: memref<16xi32, #tpu.memory_space<vmem>>, %arg24: memref<16xf32, #tpu.memory_space<vmem>>, %arg25: memref<640xf32, #tpu.memory_space<vmem>>, %arg26: memref<1008xf32, #tpu.memory_space<vmem_shared>>, %arg27: memref<!tpu.dma_semaphore, #tpu.memory_space<semaphore_mem>>) attributes {dimension_semantics = [#tpu.dimension_semantics<core_parallel>, #tpu.dimension_semantics<subcore_parallel>], iteration_bounds = array<i64: 2, 16>, scalar_prefetch = 0 : i64, scratch_operands = 17 : i64, tpu.core_type = #tpu.core_type<sc_vector_subcore>, window_params = [{transform_indices = #map}, {transform_indices = #map}, {transform_indices = #map}, {transform_indices = #map}, {transform_indices = #map}, {transform_indices = #map}, {transform_indices = #map}, {transform_indices = #map}, {transform_indices = #map}]} {
    %mul3A = arith.constant 2 : i32
    %mul3A_0 = arith.muli %arg1, %mul3A : i32
    %add3A = arith.addi %mul3A_0, %arg0 : i32
    %mul3A_1 = arith.constant 640 : i32
    %mul3A_2 = arith.muli %add3A, %mul3A_1 : i32
    "tpu.region"() ({
      %run_scoped3A = tpu.sem_alloc : memref<!tpu.dma_semaphore, #tpu.memory_space<semaphore_mem>>
      %dma_start3A = arith.constant 0 : i32
      %dma_start3A_122 = tpu.memref_slice %arg2[%dma_start3A] : memref<1792xi32, #tpu.memory_space<hbm>> -> memref<1008xi32, #tpu.memory_space<hbm>>
      %dma_start3A_123 = arith.constant 0 : i32
      %dma_start3A_124 = tpu.memref_slice %arg2[%dma_start3A_123] : memref<1792xi32, #tpu.memory_space<hbm>> -> memref<1008xi32, #tpu.memory_space<hbm>>
      tpu.enqueue_dma source(%dma_start3A_124 : memref<1008xi32, #tpu.memory_space<hbm>>) target(%arg11 : memref<1008xi32, #tpu.memory_space<vmem>>) target_semaphore(%run_scoped3A : memref<!tpu.dma_semaphore, #tpu.memory_space<semaphore_mem>>)
      %dma_wait3A = arith.constant 0 : i32
      %dma_wait3A_125 = tpu.memref_slice %arg2[%dma_wait3A] : memref<1792xi32, #tpu.memory_space<hbm>> -> memref<1008xi32, #tpu.memory_space<hbm>>
      %dma_wait3A_126 = arith.constant 0 : i32
      %dma_wait3A_127 = tpu.memref_slice %arg2[%dma_wait3A_126] : memref<1792xi32, #tpu.memory_space<hbm>> -> memref<1008xi32, #tpu.memory_space<hbm>>
      tpu.wait_dma2 semaphore(%run_scoped3A : memref<!tpu.dma_semaphore, #tpu.memory_space<semaphore_mem>>) src(%dma_wait3A_127 : memref<1008xi32, #tpu.memory_space<hbm>>) dst(%arg11 : memref<1008xi32, #tpu.memory_space<vmem>>)
      tpu.yield
    }) : () -> ()
    %iota3A = tpu.iota {dimensions = array<i32: 0>} : vector<16xi32>
    %add3A_3 = arith.constant 1 : i32
    %add3A_4 = vector.broadcast %add3A_3 : i32 to vector<16xi32>
    %add3A_5 = arith.addi %iota3A, %add3A_4 : vector<16xi32>
    %and3A = arith.constant 15 : i32
    %and3A_6 = vector.broadcast %and3A : i32 to vector<16xi32>
    %and3A_7 = arith.andi %add3A_5, %and3A_6 : vector<16xi32>
    %iota3A_8 = tpu.iota {dimensions = array<i32: 0>} : vector<16xi32>
    %add3A_9 = arith.constant 2 : i32
    %add3A_10 = vector.broadcast %add3A_9 : i32 to vector<16xi32>
    %add3A_11 = arith.addi %iota3A_8, %add3A_10 : vector<16xi32>
    %and3A_12 = arith.constant 15 : i32
    %and3A_13 = vector.broadcast %and3A_12 : i32 to vector<16xi32>
    %and3A_14 = arith.andi %add3A_11, %and3A_13 : vector<16xi32>
    %iota3A_15 = tpu.iota {dimensions = array<i32: 0>} : vector<16xi32>
    %add3A_16 = arith.constant 3 : i32
    %add3A_17 = vector.broadcast %add3A_16 : i32 to vector<16xi32>
    %add3A_18 = arith.addi %iota3A_15, %add3A_17 : vector<16xi32>
    %and3A_19 = arith.constant 15 : i32
    %and3A_20 = vector.broadcast %and3A_19 : i32 to vector<16xi32>
    %and3A_21 = arith.andi %add3A_18, %and3A_20 : vector<16xi32>
    %iota3A_22 = tpu.iota {dimensions = array<i32: 0>} : vector<16xi32>
    %add3A_23 = arith.constant 4 : i32
    %add3A_24 = vector.broadcast %add3A_23 : i32 to vector<16xi32>
    %add3A_25 = arith.addi %iota3A_22, %add3A_24 : vector<16xi32>
    %and3A_26 = arith.constant 15 : i32
    %and3A_27 = vector.broadcast %and3A_26 : i32 to vector<16xi32>
    %and3A_28 = arith.andi %add3A_25, %and3A_27 : vector<16xi32>
    %iota3A_29 = tpu.iota {dimensions = array<i32: 0>} : vector<16xi32>
    %add3A_30 = arith.constant 5 : i32
    %add3A_31 = vector.broadcast %add3A_30 : i32 to vector<16xi32>
    %add3A_32 = arith.addi %iota3A_29, %add3A_31 : vector<16xi32>
    %and3A_33 = arith.constant 15 : i32
    %and3A_34 = vector.broadcast %and3A_33 : i32 to vector<16xi32>
    %and3A_35 = arith.andi %add3A_32, %and3A_34 : vector<16xi32>
    %iota3A_36 = tpu.iota {dimensions = array<i32: 0>} : vector<16xi32>
    %add3A_37 = arith.constant 6 : i32
    %add3A_38 = vector.broadcast %add3A_37 : i32 to vector<16xi32>
    %add3A_39 = arith.addi %iota3A_36, %add3A_38 : vector<16xi32>
    %and3A_40 = arith.constant 15 : i32
    %and3A_41 = vector.broadcast %and3A_40 : i32 to vector<16xi32>
    %and3A_42 = arith.andi %add3A_39, %and3A_41 : vector<16xi32>
    %iota3A_43 = tpu.iota {dimensions = array<i32: 0>} : vector<16xi32>
    %add3A_44 = arith.constant 7 : i32
    %add3A_45 = vector.broadcast %add3A_44 : i32 to vector<16xi32>
    %add3A_46 = arith.addi %iota3A_43, %add3A_45 : vector<16xi32>
    %and3A_47 = arith.constant 15 : i32
    %and3A_48 = vector.broadcast %and3A_47 : i32 to vector<16xi32>
    %and3A_49 = arith.andi %add3A_46, %and3A_48 : vector<16xi32>
    %iota3A_50 = tpu.iota {dimensions = array<i32: 0>} : vector<16xi32>
    %add3A_51 = arith.constant 8 : i32
    %add3A_52 = vector.broadcast %add3A_51 : i32 to vector<16xi32>
    %add3A_53 = arith.addi %iota3A_50, %add3A_52 : vector<16xi32>
    %and3A_54 = arith.constant 15 : i32
    %and3A_55 = vector.broadcast %and3A_54 : i32 to vector<16xi32>
    %and3A_56 = arith.andi %add3A_53, %and3A_55 : vector<16xi32>
    %iota3A_57 = tpu.iota {dimensions = array<i32: 0>} : vector<16xi32>
    %add3A_58 = arith.constant 9 : i32
    %add3A_59 = vector.broadcast %add3A_58 : i32 to vector<16xi32>
    %add3A_60 = arith.addi %iota3A_57, %add3A_59 : vector<16xi32>
    %and3A_61 = arith.constant 15 : i32
    %and3A_62 = vector.broadcast %and3A_61 : i32 to vector<16xi32>
    %and3A_63 = arith.andi %add3A_60, %and3A_62 : vector<16xi32>
    %iota3A_64 = tpu.iota {dimensions = array<i32: 0>} : vector<16xi32>
    %add3A_65 = arith.constant 10 : i32
    %add3A_66 = vector.broadcast %add3A_65 : i32 to vector<16xi32>
    %add3A_67 = arith.addi %iota3A_64, %add3A_66 : vector<16xi32>
    %and3A_68 = arith.constant 15 : i32
    %and3A_69 = vector.broadcast %and3A_68 : i32 to vector<16xi32>
    %and3A_70 = arith.andi %add3A_67, %and3A_69 : vector<16xi32>
    %iota3A_71 = tpu.iota {dimensions = array<i32: 0>} : vector<16xi32>
    %add3A_72 = arith.constant 11 : i32
    %add3A_73 = vector.broadcast %add3A_72 : i32 to vector<16xi32>
    %add3A_74 = arith.addi %iota3A_71, %add3A_73 : vector<16xi32>
    %and3A_75 = arith.constant 15 : i32
    %and3A_76 = vector.broadcast %and3A_75 : i32 to vector<16xi32>
    %and3A_77 = arith.andi %add3A_74, %and3A_76 : vector<16xi32>
    %iota3A_78 = tpu.iota {dimensions = array<i32: 0>} : vector<16xi32>
    %add3A_79 = arith.constant 12 : i32
    %add3A_80 = vector.broadcast %add3A_79 : i32 to vector<16xi32>
    %add3A_81 = arith.addi %iota3A_78, %add3A_80 : vector<16xi32>
    %and3A_82 = arith.constant 15 : i32
    %and3A_83 = vector.broadcast %and3A_82 : i32 to vector<16xi32>
    %and3A_84 = arith.andi %add3A_81, %and3A_83 : vector<16xi32>
    %iota3A_85 = tpu.iota {dimensions = array<i32: 0>} : vector<16xi32>
    %add3A_86 = arith.constant 13 : i32
    %add3A_87 = vector.broadcast %add3A_86 : i32 to vector<16xi32>
    %add3A_88 = arith.addi %iota3A_85, %add3A_87 : vector<16xi32>
    %and3A_89 = arith.constant 15 : i32
    %and3A_90 = vector.broadcast %and3A_89 : i32 to vector<16xi32>
    %and3A_91 = arith.andi %add3A_88, %and3A_90 : vector<16xi32>
    %iota3A_92 = tpu.iota {dimensions = array<i32: 0>} : vector<16xi32>
    %add3A_93 = arith.constant 14 : i32
    %add3A_94 = vector.broadcast %add3A_93 : i32 to vector<16xi32>
    %add3A_95 = arith.addi %iota3A_92, %add3A_94 : vector<16xi32>
    %and3A_96 = arith.constant 15 : i32
    %and3A_97 = vector.broadcast %and3A_96 : i32 to vector<16xi32>
    %and3A_98 = arith.andi %add3A_95, %and3A_97 : vector<16xi32>
    %iota3A_99 = tpu.iota {dimensions = array<i32: 0>} : vector<16xi32>
    %add3A_100 = arith.constant 15 : i32
    %add3A_101 = vector.broadcast %add3A_100 : i32 to vector<16xi32>
    %add3A_102 = arith.addi %iota3A_99, %add3A_101 : vector<16xi32>
    %and3A_103 = arith.constant 15 : i32
    %and3A_104 = vector.broadcast %and3A_103 : i32 to vector<16xi32>
    %and3A_105 = arith.andi %add3A_102, %and3A_104 : vector<16xi32>
    %lt3A = arith.constant 7 : i32
    %lt3A_106 = arith.cmpi slt, %arg1, %lt3A : i32
    %convert_element_type3A = arith.extui %lt3A_106 : i1 to i32
    %cond3A = arith.constant 0 : i32
    %cond3A_107 = arith.cmpi ne, %convert_element_type3A, %cond3A : i32
    scf.if %cond3A_107 {
      %mul3A_122 = arith.constant 16 : i32
      %mul3A_123 = arith.muli %arg1, %mul3A_122 : i32
      "tpu.region"() ({
        %run_scoped3A = tpu.sem_alloc : memref<!tpu.dma_semaphore, #tpu.memory_space<semaphore_mem>>
        tpu.enqueue_dma source(%arg3 : memref<1008xf32, #tpu.memory_space<hbm>>) target(%arg16 : memref<1008xf32, #tpu.memory_space<vmem>>) target_semaphore(%run_scoped3A : memref<!tpu.dma_semaphore, #tpu.memory_space<semaphore_mem>>)
        tpu.wait_dma2 semaphore(%run_scoped3A : memref<!tpu.dma_semaphore, #tpu.memory_space<semaphore_mem>>) src(%arg3 : memref<1008xf32, #tpu.memory_space<hbm>>) dst(%arg16 : memref<1008xf32, #tpu.memory_space<vmem>>)
        tpu.yield
      }) : () -> ()
      "tpu.region"() ({
        %run_scoped3A = tpu.sem_alloc : memref<!tpu.dma_semaphore, #tpu.memory_space<semaphore_mem>>
        tpu.enqueue_dma source(%arg4 : memref<1008xf32, #tpu.memory_space<hbm>>) target(%arg17 : memref<1008xf32, #tpu.memory_space<vmem>>) target_semaphore(%run_scoped3A : memref<!tpu.dma_semaphore, #tpu.memory_space<semaphore_mem>>)
        tpu.wait_dma2 semaphore(%run_scoped3A : memref<!tpu.dma_semaphore, #tpu.memory_space<semaphore_mem>>) src(%arg4 : memref<1008xf32, #tpu.memory_space<hbm>>) dst(%arg17 : memref<1008xf32, #tpu.memory_space<vmem>>)
        tpu.yield
      }) : () -> ()
      "tpu.region"() ({
        %run_scoped3A = tpu.sem_alloc : memref<!tpu.dma_semaphore, #tpu.memory_space<semaphore_mem>>
        tpu.enqueue_dma source(%arg5 : memref<112xf32, #tpu.memory_space<hbm>>) target(%arg18 : memref<112xf32, #tpu.memory_space<vmem>>) target_semaphore(%run_scoped3A : memref<!tpu.dma_semaphore, #tpu.memory_space<semaphore_mem>>)
        tpu.wait_dma2 semaphore(%run_scoped3A : memref<!tpu.dma_semaphore, #tpu.memory_space<semaphore_mem>>) src(%arg5 : memref<112xf32, #tpu.memory_space<hbm>>) dst(%arg18 : memref<112xf32, #tpu.memory_space<vmem>>)
        tpu.yield
      }) : () -> ()
      "tpu.region"() ({
        %run_scoped3A = tpu.sem_alloc : memref<!tpu.dma_semaphore, #tpu.memory_space<semaphore_mem>>
        tpu.enqueue_dma source(%arg6 : memref<112xf32, #tpu.memory_space<hbm>>) target(%arg19 : memref<112xf32, #tpu.memory_space<vmem>>) target_semaphore(%run_scoped3A : memref<!tpu.dma_semaphore, #tpu.memory_space<semaphore_mem>>)
        tpu.wait_dma2 semaphore(%run_scoped3A : memref<!tpu.dma_semaphore, #tpu.memory_space<semaphore_mem>>) src(%arg6 : memref<112xf32, #tpu.memory_space<hbm>>) dst(%arg19 : memref<112xf32, #tpu.memory_space<vmem>>)
        tpu.yield
      }) : () -> ()
      "tpu.region"() ({
        %run_scoped3A = tpu.sem_alloc : memref<!tpu.dma_semaphore, #tpu.memory_space<semaphore_mem>>
        tpu.enqueue_dma source(%arg7 : memref<112xf32, #tpu.memory_space<hbm>>) target(%arg20 : memref<112xf32, #tpu.memory_space<vmem>>) target_semaphore(%run_scoped3A : memref<!tpu.dma_semaphore, #tpu.memory_space<semaphore_mem>>)
        tpu.wait_dma2 semaphore(%run_scoped3A : memref<!tpu.dma_semaphore, #tpu.memory_space<semaphore_mem>>) src(%arg7 : memref<112xf32, #tpu.memory_space<hbm>>) dst(%arg20 : memref<112xf32, #tpu.memory_space<vmem>>)
        tpu.yield
      }) : () -> ()
      "tpu.region"() ({
        %run_scoped3A = tpu.sem_alloc : memref<!tpu.dma_semaphore, #tpu.memory_space<semaphore_mem>>
        tpu.enqueue_dma source(%arg8 : memref<112xf32, #tpu.memory_space<hbm>>) target(%arg21 : memref<112xf32, #tpu.memory_space<vmem>>) target_semaphore(%run_scoped3A : memref<!tpu.dma_semaphore, #tpu.memory_space<semaphore_mem>>)
        tpu.wait_dma2 semaphore(%run_scoped3A : memref<!tpu.dma_semaphore, #tpu.memory_space<semaphore_mem>>) src(%arg8 : memref<112xf32, #tpu.memory_space<hbm>>) dst(%arg21 : memref<112xf32, #tpu.memory_space<vmem>>)
        tpu.yield
      }) : () -> ()
      %add3A_124 = arith.constant 0 : i32
      %add3A_125 = arith.addi %add3A_124, %mul3A_123 : i32
      %get3A = arith.index_cast %add3A_125 : i32 to index
      %get3A_126 = tpu.vector_load %arg11[%get3A] {strides = array<i32>} : memref<1008xi32, #tpu.memory_space<vmem>>, vector<16xi32>,
      %min3A = arith.constant 19999 : i32
      %min3A_127 = vector.broadcast %min3A : i32 to vector<16xi32>
      %min3A_128 = arith.minsi %get3A_126, %min3A_127 : vector<16xi32>
      %mul3A_129 = arith.constant 4 : i32
      %mul3A_130 = vector.broadcast %mul3A_129 : i32 to vector<16xi32>
      %mul3A_131 = arith.muli %min3A_128, %mul3A_130 : vector<16xi32>
      %add3A_132 = arith.constant 0 : i32
      %add3A_133 = vector.broadcast %add3A_132 : i32 to vector<16xi32>
      %add3A_134 = arith.addi %mul3A_131, %add3A_133 : vector<16xi32>
      %add3A_135 = arith.constant 0 : i32
      %add3A_136 = arith.addi %add3A_135, %mul3A_123 : i32
      %dma_start3A = tpu.memref_slice %arg12[%add3A_136] : memref<1008xf32, #tpu.memory_space<vmem>> -> memref<16xf32, #tpu.memory_space<vmem>>
      %dma_start3A_137 = arith.constant 0 : i32
      %dma_start3A_138 = tpu.memref_slice %arg9[%dma_start3A_137] : memref<80000xf32, #tpu.memory_space<hbm>> -> memref<80000xf32, #tpu.memory_space<hbm>>
      tpu.enqueue_indirect_dma source(%dma_start3A_138 : memref<80000xf32, #tpu.memory_space<hbm>>) target(%dma_start3A : memref<16xf32, #tpu.memory_space<vmem>>) offsets(%add3A_134 : vector<16xi32>) semaphore(%arg27 : memref<!tpu.dma_semaphore, #tpu.memory_space<semaphore_mem>>)
      %add3A_139 = arith.constant 1 : i32
      %add3A_140 = vector.broadcast %add3A_139 : i32 to vector<16xi32>
      %add3A_141 = arith.addi %mul3A_131, %add3A_140 : vector<16xi32>
      %add3A_142 = arith.constant 0 : i32
      %add3A_143 = arith.addi %add3A_142, %mul3A_123 : i32
      %dma_start3A_144 = tpu.memref_slice %arg14[%add3A_143] : memref<1008xf32, #tpu.memory_space<vmem>> -> memref<16xf32, #tpu.memory_space<vmem>>
      %dma_start3A_145 = arith.constant 0 : i32
      %dma_start3A_146 = tpu.memref_slice %arg9[%dma_start3A_145] : memref<80000xf32, #tpu.memory_space<hbm>> -> memref<80000xf32, #tpu.memory_space<hbm>>
      tpu.enqueue_indirect_dma source(%dma_start3A_146 : memref<80000xf32, #tpu.memory_space<hbm>>) target(%dma_start3A_144 : memref<16xf32, #tpu.memory_space<vmem>>) offsets(%add3A_141 : vector<16xi32>) semaphore(%arg27 : memref<!tpu.dma_semaphore, #tpu.memory_space<semaphore_mem>>)
      %add3A_147 = arith.constant 2 : i32
      %add3A_148 = vector.broadcast %add3A_147 : i32 to vector<16xi32>
      %add3A_149 = arith.addi %mul3A_131, %add3A_148 : vector<16xi32>
      %add3A_150 = arith.constant 0 : i32
      %add3A_151 = arith.addi %add3A_150, %mul3A_123 : i32
      %dma_start3A_152 = tpu.memref_slice %arg13[%add3A_151] : memref<1008xf32, #tpu.memory_space<vmem>> -> memref<16xf32, #tpu.memory_space<vmem>>
      %dma_start3A_153 = arith.constant 0 : i32
      %dma_start3A_154 = tpu.memref_slice %arg9[%dma_start3A_153] : memref<80000xf32, #tpu.memory_space<hbm>> -> memref<80000xf32, #tpu.memory_space<hbm>>
      tpu.enqueue_indirect_dma source(%dma_start3A_154 : memref<80000xf32, #tpu.memory_space<hbm>>) target(%dma_start3A_152 : memref<16xf32, #tpu.memory_space<vmem>>) offsets(%add3A_149 : vector<16xi32>) semaphore(%arg27 : memref<!tpu.dma_semaphore, #tpu.memory_space<semaphore_mem>>)
      %add3A_155 = arith.constant 3 : i32
      %add3A_156 = vector.broadcast %add3A_155 : i32 to vector<16xi32>
      %add3A_157 = arith.addi %mul3A_131, %add3A_156 : vector<16xi32>
      %add3A_158 = arith.constant 0 : i32
      %add3A_159 = arith.addi %add3A_158, %mul3A_123 : i32
      %dma_start3A_160 = tpu.memref_slice %arg15[%add3A_159] : memref<1008xf32, #tpu.memory_space<vmem>> -> memref<16xf32, #tpu.memory_space<vmem>>
      %dma_start3A_161 = arith.constant 0 : i32
      %dma_start3A_162 = tpu.memref_slice %arg9[%dma_start3A_161] : memref<80000xf32, #tpu.memory_space<hbm>> -> memref<80000xf32, #tpu.memory_space<hbm>>
      tpu.enqueue_indirect_dma source(%dma_start3A_162 : memref<80000xf32, #tpu.memory_space<hbm>>) target(%dma_start3A_160 : memref<16xf32, #tpu.memory_space<vmem>>) offsets(%add3A_157 : vector<16xi32>) semaphore(%arg27 : memref<!tpu.dma_semaphore, #tpu.memory_space<semaphore_mem>>)
      %add3A_163 = arith.constant 112 : i32
      %add3A_164 = arith.addi %add3A_163, %mul3A_123 : i32
      %get3A_165 = arith.index_cast %add3A_164 : i32 to index
      %get3A_166 = tpu.vector_load %arg11[%get3A_165] {strides = array<i32>} : memref<1008xi32, #tpu.memory_space<vmem>>, vector<16xi32>,
      %min3A_167 = arith.constant 19999 : i32
      %min3A_168 = vector.broadcast %min3A_167 : i32 to vector<16xi32>
      %min3A_169 = arith.minsi %get3A_166, %min3A_168 : vector<16xi32>
      %mul3A_170 = arith.constant 4 : i32
      %mul3A_171 = vector.broadcast %mul3A_170 : i32 to vector<16xi32>
      %mul3A_172 = arith.muli %min3A_169, %mul3A_171 : vector<16xi32>
      %add3A_173 = arith.constant 0 : i32
      %add3A_174 = vector.broadcast %add3A_173 : i32 to vector<16xi32>
      %add3A_175 = arith.addi %mul3A_172, %add3A_174 : vector<16xi32>
      %add3A_176 = arith.constant 112 : i32
      %add3A_177 = arith.addi %add3A_176, %mul3A_123 : i32
      %dma_start3A_178 = tpu.memref_slice %arg12[%add3A_177] : memref<1008xf32, #tpu.memory_space<vmem>> -> memref<16xf32, #tpu.memory_space<vmem>>
      %dma_start3A_179 = arith.constant 0 : i32
      %dma_start3A_180 = tpu.memref_slice %arg9[%dma_start3A_179] : memref<80000xf32, #tpu.memory_space<hbm>> -> memref<80000xf32, #tpu.memory_space<hbm>>
      tpu.enqueue_indirect_dma source(%dma_start3A_180 : memref<80000xf32, #tpu.memory_space<hbm>>) target(%dma_start3A_178 : memref<16xf32, #tpu.memory_space<vmem>>) offsets(%add3A_175 : vector<16xi32>) semaphore(%arg27 : memref<!tpu.dma_semaphore, #tpu.memory_space<semaphore_mem>>)
      %add3A_181 = arith.constant 1 : i32
      %add3A_182 = vector.broadcast %add3A_181 : i32 to vector<16xi32>
      %add3A_183 = arith.addi %mul3A_172, %add3A_182 : vector<16xi32>
      %add3A_184 = arith.constant 112 : i32
      %add3A_185 = arith.addi %add3A_184, %mul3A_123 : i32
      %dma_start3A_186 = tpu.memref_slice %arg14[%add3A_185] : memref<1008xf32, #tpu.memory_space<vmem>> -> memref<16xf32, #tpu.memory_space<vmem>>
      %dma_start3A_187 = arith.constant 0 : i32
      %dma_start3A_188 = tpu.memref_slice %arg9[%dma_start3A_187] : memref<80000xf32, #tpu.memory_space<hbm>> -> memref<80000xf32, #tpu.memory_space<hbm>>
      tpu.enqueue_indirect_dma source(%dma_start3A_188 : memref<80000xf32, #tpu.memory_space<hbm>>) target(%dma_start3A_186 : memref<16xf32, #tpu.memory_space<vmem>>) offsets(%add3A_183 : vector<16xi32>) semaphore(%arg27 : memref<!tpu.dma_semaphore, #tpu.memory_space<semaphore_mem>>)
      %add3A_189 = arith.constant 2 : i32
      %add3A_190 = vector.broadcast %add3A_189 : i32 to vector<16xi32>
      %add3A_191 = arith.addi %mul3A_172, %add3A_190 : vector<16xi32>
      %add3A_192 = arith.constant 112 : i32
      %add3A_193 = arith.addi %add3A_192, %mul3A_123 : i32
      %dma_start3A_194 = tpu.memref_slice %arg13[%add3A_193] : memref<1008xf32, #tpu.memory_space<vmem>> -> memref<16xf32, #tpu.memory_space<vmem>>
      %dma_start3A_195 = arith.constant 0 : i32
      %dma_start3A_196 = tpu.memref_slice %arg9[%dma_start3A_195] : memref<80000xf32, #tpu.memory_space<hbm>> -> memref<80000xf32, #tpu.memory_space<hbm>>
      tpu.enqueue_indirect_dma source(%dma_start3A_196 : memref<80000xf32, #tpu.memory_space<hbm>>) target(%dma_start3A_194 : memref<16xf32, #tpu.memory_space<vmem>>) offsets(%add3A_191 : vector<16xi32>) semaphore(%arg27 : memref<!tpu.dma_semaphore, #tpu.memory_space<semaphore_mem>>)
      %add3A_197 = arith.constant 3 : i32
      %add3A_198 = vector.broadcast %add3A_197 : i32 to vector<16xi32>
      %add3A_199 = arith.addi %mul3A_172, %add3A_198 : vector<16xi32>
      %add3A_200 = arith.constant 112 : i32
      %add3A_201 = arith.addi %add3A_200, %mul3A_123 : i32
      %dma_start3A_202 = tpu.memref_slice %arg15[%add3A_201] : memref<1008xf32, #tpu.memory_space<vmem>> -> memref<16xf32, #tpu.memory_space<vmem>>
      %dma_start3A_203 = arith.constant 0 : i32
      %dma_start3A_204 = tpu.memref_slice %arg9[%dma_start3A_203] : memref<80000xf32, #tpu.memory_space<hbm>> -> memref<80000xf32, #tpu.memory_space<hbm>>
      tpu.enqueue_indirect_dma source(%dma_start3A_204 : memref<80000xf32, #tpu.memory_space<hbm>>) target(%dma_start3A_202 : memref<16xf32, #tpu.memory_space<vmem>>) offsets(%add3A_199 : vector<16xi32>) semaphore(%arg27 : memref<!tpu.dma_semaphore, #tpu.memory_space<semaphore_mem>>)
      %add3A_205 = arith.constant 224 : i32
      %add3A_206 = arith.addi %add3A_205, %mul3A_123 : i32
      %get3A_207 = arith.index_cast %add3A_206 : i32 to index
      %get3A_208 = tpu.vector_load %arg11[%get3A_207] {strides = array<i32>} : memref<1008xi32, #tpu.memory_space<vmem>>, vector<16xi32>,
      %min3A_209 = arith.constant 19999 : i32
      %min3A_210 = vector.broadcast %min3A_209 : i32 to vector<16xi32>
      %min3A_211 = arith.minsi %get3A_208, %min3A_210 : vector<16xi32>
      %mul3A_212 = arith.constant 4 : i32
      %mul3A_213 = vector.broadcast %mul3A_212 : i32 to vector<16xi32>
      %mul3A_214 = arith.muli %min3A_211, %mul3A_213 : vector<16xi32>
      %add3A_215 = arith.constant 0 : i32
      %add3A_216 = vector.broadcast %add3A_215 : i32 to vector<16xi32>
      %add3A_217 = arith.addi %mul3A_214, %add3A_216 : vector<16xi32>
      %add3A_218 = arith.constant 224 : i32
      %add3A_219 = arith.addi %add3A_218, %mul3A_123 : i32
      %dma_start3A_220 = tpu.memref_slice %arg12[%add3A_219] : memref<1008xf32, #tpu.memory_space<vmem>> -> memref<16xf32, #tpu.memory_space<vmem>>
      %dma_start3A_221 = arith.constant 0 : i32
      %dma_start3A_222 = tpu.memref_slice %arg9[%dma_start3A_221] : memref<80000xf32, #tpu.memory_space<hbm>> -> memref<80000xf32, #tpu.memory_space<hbm>>
      tpu.enqueue_indirect_dma source(%dma_start3A_222 : memref<80000xf32, #tpu.memory_space<hbm>>) target(%dma_start3A_220 : memref<16xf32, #tpu.memory_space<vmem>>) offsets(%add3A_217 : vector<16xi32>) semaphore(%arg27 : memref<!tpu.dma_semaphore, #tpu.memory_space<semaphore_mem>>)
      %add3A_223 = arith.constant 1 : i32
      %add3A_224 = vector.broadcast %add3A_223 : i32 to vector<16xi32>
      %add3A_225 = arith.addi %mul3A_214, %add3A_224 : vector<16xi32>
      %add3A_226 = arith.constant 224 : i32
      %add3A_227 = arith.addi %add3A_226, %mul3A_123 : i32
      %dma_start3A_228 = tpu.memref_slice %arg14[%add3A_227] : memref<1008xf32, #tpu.memory_space<vmem>> -> memref<16xf32, #tpu.memory_space<vmem>>
      %dma_start3A_229 = arith.constant 0 : i32
      %dma_start3A_230 = tpu.memref_slice %arg9[%dma_start3A_229] : memref<80000xf32, #tpu.memory_space<hbm>> -> memref<80000xf32, #tpu.memory_space<hbm>>
      tpu.enqueue_indirect_dma source(%dma_start3A_230 : memref<80000xf32, #tpu.memory_space<hbm>>) target(%dma_start3A_228 : memref<16xf32, #tpu.memory_space<vmem>>) offsets(%add3A_225 : vector<16xi32>) semaphore(%arg27 : memref<!tpu.dma_semaphore, #tpu.memory_space<semaphore_mem>>)
      %add3A_231 = arith.constant 2 : i32
      %add3A_232 = vector.broadcast %add3A_231 : i32 to vector<16xi32>
      %add3A_233 = arith.addi %mul3A_214, %add3A_232 : vector<16xi32>
      %add3A_234 = arith.constant 224 : i32
      %add3A_235 = arith.addi %add3A_234, %mul3A_123 : i32
      %dma_start3A_236 = tpu.memref_slice %arg13[%add3A_235] : memref<1008xf32, #tpu.memory_space<vmem>> -> memref<16xf32, #tpu.memory_space<vmem>>
      %dma_start3A_237 = arith.constant 0 : i32
      %dma_start3A_238 = tpu.memref_slice %arg9[%dma_start3A_237] : memref<80000xf32, #tpu.memory_space<hbm>> -> memref<80000xf32, #tpu.memory_space<hbm>>
      tpu.enqueue_indirect_dma source(%dma_start3A_238 : memref<80000xf32, #tpu.memory_space<hbm>>) target(%dma_start3A_236 : memref<16xf32, #tpu.memory_space<vmem>>) offsets(%add3A_233 : vector<16xi32>) semaphore(%arg27 : memref<!tpu.dma_semaphore, #tpu.memory_space<semaphore_mem>>)
      %add3A_239 = arith.constant 3 : i32
      %add3A_240 = vector.broadcast %add3A_239 : i32 to vector<16xi32>
      %add3A_241 = arith.addi %mul3A_214, %add3A_240 : vector<16xi32>
      %add3A_242 = arith.constant 224 : i32
      %add3A_243 = arith.addi %add3A_242, %mul3A_123 : i32
      %dma_start3A_244 = tpu.memref_slice %arg15[%add3A_243] : memref<1008xf32, #tpu.memory_space<vmem>> -> memref<16xf32, #tpu.memory_space<vmem>>
      %dma_start3A_245 = arith.constant 0 : i32
      %dma_start3A_246 = tpu.memref_slice %arg9[%dma_start3A_245] : memref<80000xf32, #tpu.memory_space<hbm>> -> memref<80000xf32, #tpu.memory_space<hbm>>
      tpu.enqueue_indirect_dma source(%dma_start3A_246 : memref<80000xf32, #tpu.memory_space<hbm>>) target(%dma_start3A_244 : memref<16xf32, #tpu.memory_space<vmem>>) offsets(%add3A_241 : vector<16xi32>) semaphore(%arg27 : memref<!tpu.dma_semaphore, #tpu.memory_space<semaphore_mem>>)
      %add3A_247 = arith.constant 336 : i32
      %add3A_248 = arith.addi %add3A_247, %mul3A_123 : i32
      %get3A_249 = arith.index_cast %add3A_248 : i32 to index
      %get3A_250 = tpu.vector_load %arg11[%get3A_249] {strides = array<i32>} : memref<1008xi32, #tpu.memory_space<vmem>>, vector<16xi32>,
      %min3A_251 = arith.constant 19999 : i32
      %min3A_252 = vector.broadcast %min3A_251 : i32 to vector<16xi32>
      %min3A_253 = arith.minsi %get3A_250, %min3A_252 : vector<16xi32>
      %mul3A_254 = arith.constant 4 : i32
      %mul3A_255 = vector.broadcast %mul3A_254 : i32 to vector<16xi32>
      %mul3A_256 = arith.muli %min3A_253, %mul3A_255 : vector<16xi32>
      %add3A_257 = arith.constant 0 : i32
      %add3A_258 = vector.broadcast %add3A_257 : i32 to vector<16xi32>
      %add3A_259 = arith.addi %mul3A_256, %add3A_258 : vector<16xi32>
      %add3A_260 = arith.constant 336 : i32
      %add3A_261 = arith.addi %add3A_260, %mul3A_123 : i32
      %dma_start3A_262 = tpu.memref_slice %arg12[%add3A_261] : memref<1008xf32, #tpu.memory_space<vmem>> -> memref<16xf32, #tpu.memory_space<vmem>>
      %dma_start3A_263 = arith.constant 0 : i32
      %dma_start3A_264 = tpu.memref_slice %arg9[%dma_start3A_263] : memref<80000xf32, #tpu.memory_space<hbm>> -> memref<80000xf32, #tpu.memory_space<hbm>>
      tpu.enqueue_indirect_dma source(%dma_start3A_264 : memref<80000xf32, #tpu.memory_space<hbm>>) target(%dma_start3A_262 : memref<16xf32, #tpu.memory_space<vmem>>) offsets(%add3A_259 : vector<16xi32>) semaphore(%arg27 : memref<!tpu.dma_semaphore, #tpu.memory_space<semaphore_mem>>)
      %add3A_265 = arith.constant 1 : i32
      %add3A_266 = vector.broadcast %add3A_265 : i32 to vector<16xi32>
      %add3A_267 = arith.addi %mul3A_256, %add3A_266 : vector<16xi32>
      %add3A_268 = arith.constant 336 : i32
      %add3A_269 = arith.addi %add3A_268, %mul3A_123 : i32
      %dma_start3A_270 = tpu.memref_slice %arg14[%add3A_269] : memref<1008xf32, #tpu.memory_space<vmem>> -> memref<16xf32, #tpu.memory_space<vmem>>
      %dma_start3A_271 = arith.constant 0 : i32
      %dma_start3A_272 = tpu.memref_slice %arg9[%dma_start3A_271] : memref<80000xf32, #tpu.memory_space<hbm>> -> memref<80000xf32, #tpu.memory_space<hbm>>
      tpu.enqueue_indirect_dma source(%dma_start3A_272 : memref<80000xf32, #tpu.memory_space<hbm>>) target(%dma_start3A_270 : memref<16xf32, #tpu.memory_space<vmem>>) offsets(%add3A_267 : vector<16xi32>) semaphore(%arg27 : memref<!tpu.dma_semaphore, #tpu.memory_space<semaphore_mem>>)
      %add3A_273 = arith.constant 2 : i32
      %add3A_274 = vector.broadcast %add3A_273 : i32 to vector<16xi32>
      %add3A_275 = arith.addi %mul3A_256, %add3A_274 : vector<16xi32>
      %add3A_276 = arith.constant 336 : i32
      %add3A_277 = arith.addi %add3A_276, %mul3A_123 : i32
      %dma_start3A_278 = tpu.memref_slice %arg13[%add3A_277] : memref<1008xf32, #tpu.memory_space<vmem>> -> memref<16xf32, #tpu.memory_space<vmem>>
      %dma_start3A_279 = arith.constant 0 : i32
      %dma_start3A_280 = tpu.memref_slice %arg9[%dma_start3A_279] : memref<80000xf32, #tpu.memory_space<hbm>> -> memref<80000xf32, #tpu.memory_space<hbm>>
      tpu.enqueue_indirect_dma source(%dma_start3A_280 : memref<80000xf32, #tpu.memory_space<hbm>>) target(%dma_start3A_278 : memref<16xf32, #tpu.memory_space<vmem>>) offsets(%add3A_275 : vector<16xi32>) semaphore(%arg27 : memref<!tpu.dma_semaphore, #tpu.memory_space<semaphore_mem>>)
      %add3A_281 = arith.constant 3 : i32
      %add3A_282 = vector.broadcast %add3A_281 : i32 to vector<16xi32>
      %add3A_283 = arith.addi %mul3A_256, %add3A_282 : vector<16xi32>
      %add3A_284 = arith.constant 336 : i32
      %add3A_285 = arith.addi %add3A_284, %mul3A_123 : i32
      %dma_start3A_286 = tpu.memref_slice %arg15[%add3A_285] : memref<1008xf32, #tpu.memory_space<vmem>> -> memref<16xf32, #tpu.memory_space<vmem>>
      %dma_start3A_287 = arith.constant 0 : i32
      %dma_start3A_288 = tpu.memref_slice %arg9[%dma_start3A_287] : memref<80000xf32, #tpu.memory_space<hbm>> -> memref<80000xf32, #tpu.memory_space<hbm>>
      tpu.enqueue_indirect_dma source(%dma_start3A_288 : memref<80000xf32, #tpu.memory_space<hbm>>) target(%dma_start3A_286 : memref<16xf32, #tpu.memory_space<vmem>>) offsets(%add3A_283 : vector<16xi32>) semaphore(%arg27 : memref<!tpu.dma_semaphore, #tpu.memory_space<semaphore_mem>>)
      %add3A_289 = arith.constant 448 : i32
      %add3A_290 = arith.addi %add3A_289, %mul3A_123 : i32
      %get3A_291 = arith.index_cast %add3A_290 : i32 to index
      %get3A_292 = tpu.vector_load %arg11[%get3A_291] {strides = array<i32>} : memref<1008xi32, #tpu.memory_space<vmem>>, vector<16xi32>,
      %min3A_293 = arith.constant 19999 : i32
      %min3A_294 = vector.broadcast %min3A_293 : i32 to vector<16xi32>
      %min3A_295 = arith.minsi %get3A_292, %min3A_294 : vector<16xi32>
      %mul3A_296 = arith.constant 4 : i32
      %mul3A_297 = vector.broadcast %mul3A_296 : i32 to vector<16xi32>
      %mul3A_298 = arith.muli %min3A_295, %mul3A_297 : vector<16xi32>
      %add3A_299 = arith.constant 0 : i32
      %add3A_300 = vector.broadcast %add3A_299 : i32 to vector<16xi32>
      %add3A_301 = arith.addi %mul3A_298, %add3A_300 : vector<16xi32>
      %add3A_302 = arith.constant 448 : i32
      %add3A_303 = arith.addi %add3A_302, %mul3A_123 : i32
      %dma_start3A_304 = tpu.memref_slice %arg12[%add3A_303] : memref<1008xf32, #tpu.memory_space<vmem>> -> memref<16xf32, #tpu.memory_space<vmem>>
      %dma_start3A_305 = arith.constant 0 : i32
      %dma_start3A_306 = tpu.memref_slice %arg9[%dma_start3A_305] : memref<80000xf32, #tpu.memory_space<hbm>> -> memref<80000xf32, #tpu.memory_space<hbm>>
      tpu.enqueue_indirect_dma source(%dma_start3A_306 : memref<80000xf32, #tpu.memory_space<hbm>>) target(%dma_start3A_304 : memref<16xf32, #tpu.memory_space<vmem>>) offsets(%add3A_301 : vector<16xi32>) semaphore(%arg27 : memref<!tpu.dma_semaphore, #tpu.memory_space<semaphore_mem>>)
      %add3A_307 = arith.constant 1 : i32
      %add3A_308 = vector.broadcast %add3A_307 : i32 to vector<16xi32>
      %add3A_309 = arith.addi %mul3A_298, %add3A_308 : vector<16xi32>
      %add3A_310 = arith.constant 448 : i32
      %add3A_311 = arith.addi %add3A_310, %mul3A_123 : i32
      %dma_start3A_312 = tpu.memref_slice %arg14[%add3A_311] : memref<1008xf32, #tpu.memory_space<vmem>> -> memref<16xf32, #tpu.memory_space<vmem>>
      %dma_start3A_313 = arith.constant 0 : i32
      %dma_start3A_314 = tpu.memref_slice %arg9[%dma_start3A_313] : memref<80000xf32, #tpu.memory_space<hbm>> -> memref<80000xf32, #tpu.memory_space<hbm>>
      tpu.enqueue_indirect_dma source(%dma_start3A_314 : memref<80000xf32, #tpu.memory_space<hbm>>) target(%dma_start3A_312 : memref<16xf32, #tpu.memory_space<vmem>>) offsets(%add3A_309 : vector<16xi32>) semaphore(%arg27 : memref<!tpu.dma_semaphore, #tpu.memory_space<semaphore_mem>>)
      %add3A_315 = arith.constant 2 : i32
      %add3A_316 = vector.broadcast %add3A_315 : i32 to vector<16xi32>
      %add3A_317 = arith.addi %mul3A_298, %add3A_316 : vector<16xi32>
      %add3A_318 = arith.constant 448 : i32
      %add3A_319 = arith.addi %add3A_318, %mul3A_123 : i32
      %dma_start3A_320 = tpu.memref_slice %arg13[%add3A_319] : memref<1008xf32, #tpu.memory_space<vmem>> -> memref<16xf32, #tpu.memory_space<vmem>>
      %dma_start3A_321 = arith.constant 0 : i32
      %dma_start3A_322 = tpu.memref_slice %arg9[%dma_start3A_321] : memref<80000xf32, #tpu.memory_space<hbm>> -> memref<80000xf32, #tpu.memory_space<hbm>>
      tpu.enqueue_indirect_dma source(%dma_start3A_322 : memref<80000xf32, #tpu.memory_space<hbm>>) target(%dma_start3A_320 : memref<16xf32, #tpu.memory_space<vmem>>) offsets(%add3A_317 : vector<16xi32>) semaphore(%arg27 : memref<!tpu.dma_semaphore, #tpu.memory_space<semaphore_mem>>)
      %add3A_323 = arith.constant 3 : i32
      %add3A_324 = vector.broadcast %add3A_323 : i32 to vector<16xi32>
      %add3A_325 = arith.addi %mul3A_298, %add3A_324 : vector<16xi32>
      %add3A_326 = arith.constant 448 : i32
      %add3A_327 = arith.addi %add3A_326, %mul3A_123 : i32
      %dma_start3A_328 = tpu.memref_slice %arg15[%add3A_327] : memref<1008xf32, #tpu.memory_space<vmem>> -> memref<16xf32, #tpu.memory_space<vmem>>
      %dma_start3A_329 = arith.constant 0 : i32
      %dma_start3A_330 = tpu.memref_slice %arg9[%dma_start3A_329] : memref<80000xf32, #tpu.memory_space<hbm>> -> memref<80000xf32, #tpu.memory_space<hbm>>
      tpu.enqueue_indirect_dma source(%dma_start3A_330 : memref<80000xf32, #tpu.memory_space<hbm>>) target(%dma_start3A_328 : memref<16xf32, #tpu.memory_space<vmem>>) offsets(%add3A_325 : vector<16xi32>) semaphore(%arg27 : memref<!tpu.dma_semaphore, #tpu.memory_space<semaphore_mem>>)
      %add3A_331 = arith.constant 560 : i32
      %add3A_332 = arith.addi %add3A_331, %mul3A_123 : i32
      %get3A_333 = arith.index_cast %add3A_332 : i32 to index
      %get3A_334 = tpu.vector_load %arg11[%get3A_333] {strides = array<i32>} : memref<1008xi32, #tpu.memory_space<vmem>>, vector<16xi32>,
      %min3A_335 = arith.constant 19999 : i32
      %min3A_336 = vector.broadcast %min3A_335 : i32 to vector<16xi32>
      %min3A_337 = arith.minsi %get3A_334, %min3A_336 : vector<16xi32>
      %mul3A_338 = arith.constant 4 : i32
      %mul3A_339 = vector.broadcast %mul3A_338 : i32 to vector<16xi32>
      %mul3A_340 = arith.muli %min3A_337, %mul3A_339 : vector<16xi32>
      %add3A_341 = arith.constant 0 : i32
      %add3A_342 = vector.broadcast %add3A_341 : i32 to vector<16xi32>
      %add3A_343 = arith.addi %mul3A_340, %add3A_342 : vector<16xi32>
      %add3A_344 = arith.constant 560 : i32
      %add3A_345 = arith.addi %add3A_344, %mul3A_123 : i32
      %dma_start3A_346 = tpu.memref_slice %arg12[%add3A_345] : memref<1008xf32, #tpu.memory_space<vmem>> -> memref<16xf32, #tpu.memory_space<vmem>>
      %dma_start3A_347 = arith.constant 0 : i32
      %dma_start3A_348 = tpu.memref_slice %arg9[%dma_start3A_347] : memref<80000xf32, #tpu.memory_space<hbm>> -> memref<80000xf32, #tpu.memory_space<hbm>>
      tpu.enqueue_indirect_dma source(%dma_start3A_348 : memref<80000xf32, #tpu.memory_space<hbm>>) target(%dma_start3A_346 : memref<16xf32, #tpu.memory_space<vmem>>) offsets(%add3A_343 : vector<16xi32>) semaphore(%arg27 : memref<!tpu.dma_semaphore, #tpu.memory_space<semaphore_mem>>)
      %add3A_349 = arith.constant 1 : i32
      %add3A_350 = vector.broadcast %add3A_349 : i32 to vector<16xi32>
      %add3A_351 = arith.addi %mul3A_340, %add3A_350 : vector<16xi32>
      %add3A_352 = arith.constant 560 : i32
      %add3A_353 = arith.addi %add3A_352, %mul3A_123 : i32
      %dma_start3A_354 = tpu.memref_slice %arg14[%add3A_353] : memref<1008xf32, #tpu.memory_space<vmem>> -> memref<16xf32, #tpu.memory_space<vmem>>
      %dma_start3A_355 = arith.constant 0 : i32
      %dma_start3A_356 = tpu.memref_slice %arg9[%dma_start3A_355] : memref<80000xf32, #tpu.memory_space<hbm>> -> memref<80000xf32, #tpu.memory_space<hbm>>
      tpu.enqueue_indirect_dma source(%dma_start3A_356 : memref<80000xf32, #tpu.memory_space<hbm>>) target(%dma_start3A_354 : memref<16xf32, #tpu.memory_space<vmem>>) offsets(%add3A_351 : vector<16xi32>) semaphore(%arg27 : memref<!tpu.dma_semaphore, #tpu.memory_space<semaphore_mem>>)
      %add3A_357 = arith.constant 2 : i32
      %add3A_358 = vector.broadcast %add3A_357 : i32 to vector<16xi32>
      %add3A_359 = arith.addi %mul3A_340, %add3A_358 : vector<16xi32>
      %add3A_360 = arith.constant 560 : i32
      %add3A_361 = arith.addi %add3A_360, %mul3A_123 : i32
      %dma_start3A_362 = tpu.memref_slice %arg13[%add3A_361] : memref<1008xf32, #tpu.memory_space<vmem>> -> memref<16xf32, #tpu.memory_space<vmem>>
      %dma_start3A_363 = arith.constant 0 : i32
      %dma_start3A_364 = tpu.memref_slice %arg9[%dma_start3A_363] : memref<80000xf32, #tpu.memory_space<hbm>> -> memref<80000xf32, #tpu.memory_space<hbm>>
      tpu.enqueue_indirect_dma source(%dma_start3A_364 : memref<80000xf32, #tpu.memory_space<hbm>>) target(%dma_start3A_362 : memref<16xf32, #tpu.memory_space<vmem>>) offsets(%add3A_359 : vector<16xi32>) semaphore(%arg27 : memref<!tpu.dma_semaphore, #tpu.memory_space<semaphore_mem>>)
      %add3A_365 = arith.constant 3 : i32
      %add3A_366 = vector.broadcast %add3A_365 : i32 to vector<16xi32>
      %add3A_367 = arith.addi %mul3A_340, %add3A_366 : vector<16xi32>
      %add3A_368 = arith.constant 560 : i32
      %add3A_369 = arith.addi %add3A_368, %mul3A_123 : i32
      %dma_start3A_370 = tpu.memref_slice %arg15[%add3A_369] : memref<1008xf32, #tpu.memory_space<vmem>> -> memref<16xf32, #tpu.memory_space<vmem>>
      %dma_start3A_371 = arith.constant 0 : i32
      %dma_start3A_372 = tpu.memref_slice %arg9[%dma_start3A_371] : memref<80000xf32, #tpu.memory_space<hbm>> -> memref<80000xf32, #tpu.memory_space<hbm>>
      tpu.enqueue_indirect_dma source(%dma_start3A_372 : memref<80000xf32, #tpu.memory_space<hbm>>) target(%dma_start3A_370 : memref<16xf32, #tpu.memory_space<vmem>>) offsets(%add3A_367 : vector<16xi32>) semaphore(%arg27 : memref<!tpu.dma_semaphore, #tpu.memory_space<semaphore_mem>>)
      %add3A_373 = arith.constant 672 : i32
      %add3A_374 = arith.addi %add3A_373, %mul3A_123 : i32
      %get3A_375 = arith.index_cast %add3A_374 : i32 to index
      %get3A_376 = tpu.vector_load %arg11[%get3A_375] {strides = array<i32>} : memref<1008xi32, #tpu.memory_space<vmem>>, vector<16xi32>,
      %min3A_377 = arith.constant 19999 : i32
      %min3A_378 = vector.broadcast %min3A_377 : i32 to vector<16xi32>
      %min3A_379 = arith.minsi %get3A_376, %min3A_378 : vector<16xi32>
      %mul3A_380 = arith.constant 4 : i32
      %mul3A_381 = vector.broadcast %mul3A_380 : i32 to vector<16xi32>
      %mul3A_382 = arith.muli %min3A_379, %mul3A_381 : vector<16xi32>
      %add3A_383 = arith.constant 0 : i32
      %add3A_384 = vector.broadcast %add3A_383 : i32 to vector<16xi32>
      %add3A_385 = arith.addi %mul3A_382, %add3A_384 : vector<16xi32>
      %add3A_386 = arith.constant 672 : i32
      %add3A_387 = arith.addi %add3A_386, %mul3A_123 : i32
      %dma_start3A_388 = tpu.memref_slice %arg12[%add3A_387] : memref<1008xf32, #tpu.memory_space<vmem>> -> memref<16xf32, #tpu.memory_space<vmem>>
      %dma_start3A_389 = arith.constant 0 : i32
      %dma_start3A_390 = tpu.memref_slice %arg9[%dma_start3A_389] : memref<80000xf32, #tpu.memory_space<hbm>> -> memref<80000xf32, #tpu.memory_space<hbm>>
      tpu.enqueue_indirect_dma source(%dma_start3A_390 : memref<80000xf32, #tpu.memory_space<hbm>>) target(%dma_start3A_388 : memref<16xf32, #tpu.memory_space<vmem>>) offsets(%add3A_385 : vector<16xi32>) semaphore(%arg27 : memref<!tpu.dma_semaphore, #tpu.memory_space<semaphore_mem>>)
      %add3A_391 = arith.constant 1 : i32
      %add3A_392 = vector.broadcast %add3A_391 : i32 to vector<16xi32>
      %add3A_393 = arith.addi %mul3A_382, %add3A_392 : vector<16xi32>
      %add3A_394 = arith.constant 672 : i32
      %add3A_395 = arith.addi %add3A_394, %mul3A_123 : i32
      %dma_start3A_396 = tpu.memref_slice %arg14[%add3A_395] : memref<1008xf32, #tpu.memory_space<vmem>> -> memref<16xf32, #tpu.memory_space<vmem>>
      %dma_start3A_397 = arith.constant 0 : i32
      %dma_start3A_398 = tpu.memref_slice %arg9[%dma_start3A_397] : memref<80000xf32, #tpu.memory_space<hbm>> -> memref<80000xf32, #tpu.memory_space<hbm>>
      tpu.enqueue_indirect_dma source(%dma_start3A_398 : memref<80000xf32, #tpu.memory_space<hbm>>) target(%dma_start3A_396 : memref<16xf32, #tpu.memory_space<vmem>>) offsets(%add3A_393 : vector<16xi32>) semaphore(%arg27 : memref<!tpu.dma_semaphore, #tpu.memory_space<semaphore_mem>>)
      %add3A_399 = arith.constant 2 : i32
      %add3A_400 = vector.broadcast %add3A_399 : i32 to vector<16xi32>
      %add3A_401 = arith.addi %mul3A_382, %add3A_400 : vector<16xi32>
      %add3A_402 = arith.constant 672 : i32
      %add3A_403 = arith.addi %add3A_402, %mul3A_123 : i32
      %dma_start3A_404 = tpu.memref_slice %arg13[%add3A_403] : memref<1008xf32, #tpu.memory_space<vmem>> -> memref<16xf32, #tpu.memory_space<vmem>>
      %dma_start3A_405 = arith.constant 0 : i32
      %dma_start3A_406 = tpu.memref_slice %arg9[%dma_start3A_405] : memref<80000xf32, #tpu.memory_space<hbm>> -> memref<80000xf32, #tpu.memory_space<hbm>>
      tpu.enqueue_indirect_dma source(%dma_start3A_406 : memref<80000xf32, #tpu.memory_space<hbm>>) target(%dma_start3A_404 : memref<16xf32, #tpu.memory_space<vmem>>) offsets(%add3A_401 : vector<16xi32>) semaphore(%arg27 : memref<!tpu.dma_semaphore, #tpu.memory_space<semaphore_mem>>)
      %add3A_407 = arith.constant 3 : i32
      %add3A_408 = vector.broadcast %add3A_407 : i32 to vector<16xi32>
      %add3A_409 = arith.addi %mul3A_382, %add3A_408 : vector<16xi32>
      %add3A_410 = arith.constant 672 : i32
      %add3A_411 = arith.addi %add3A_410, %mul3A_123 : i32
      %dma_start3A_412 = tpu.memref_slice %arg15[%add3A_411] : memref<1008xf32, #tpu.memory_space<vmem>> -> memref<16xf32, #tpu.memory_space<vmem>>
      %dma_start3A_413 = arith.constant 0 : i32
      %dma_start3A_414 = tpu.memref_slice %arg9[%dma_start3A_413] : memref<80000xf32, #tpu.memory_space<hbm>> -> memref<80000xf32, #tpu.memory_space<hbm>>
      tpu.enqueue_indirect_dma source(%dma_start3A_414 : memref<80000xf32, #tpu.memory_space<hbm>>) target(%dma_start3A_412 : memref<16xf32, #tpu.memory_space<vmem>>) offsets(%add3A_409 : vector<16xi32>) semaphore(%arg27 : memref<!tpu.dma_semaphore, #tpu.memory_space<semaphore_mem>>)
      %add3A_415 = arith.constant 784 : i32
      %add3A_416 = arith.addi %add3A_415, %mul3A_123 : i32
      %get3A_417 = arith.index_cast %add3A_416 : i32 to index
      %get3A_418 = tpu.vector_load %arg11[%get3A_417] {strides = array<i32>} : memref<1008xi32, #tpu.memory_space<vmem>>, vector<16xi32>,
      %min3A_419 = arith.constant 19999 : i32
      %min3A_420 = vector.broadcast %min3A_419 : i32 to vector<16xi32>
      %min3A_421 = arith.minsi %get3A_418, %min3A_420 : vector<16xi32>
      %mul3A_422 = arith.constant 4 : i32
      %mul3A_423 = vector.broadcast %mul3A_422 : i32 to vector<16xi32>
      %mul3A_424 = arith.muli %min3A_421, %mul3A_423 : vector<16xi32>
      %add3A_425 = arith.constant 0 : i32
      %add3A_426 = vector.broadcast %add3A_425 : i32 to vector<16xi32>
      %add3A_427 = arith.addi %mul3A_424, %add3A_426 : vector<16xi32>
      %add3A_428 = arith.constant 784 : i32
      %add3A_429 = arith.addi %add3A_428, %mul3A_123 : i32
      %dma_start3A_430 = tpu.memref_slice %arg12[%add3A_429] : memref<1008xf32, #tpu.memory_space<vmem>> -> memref<16xf32, #tpu.memory_space<vmem>>
      %dma_start3A_431 = arith.constant 0 : i32
      %dma_start3A_432 = tpu.memref_slice %arg9[%dma_start3A_431] : memref<80000xf32, #tpu.memory_space<hbm>> -> memref<80000xf32, #tpu.memory_space<hbm>>
      tpu.enqueue_indirect_dma source(%dma_start3A_432 : memref<80000xf32, #tpu.memory_space<hbm>>) target(%dma_start3A_430 : memref<16xf32, #tpu.memory_space<vmem>>) offsets(%add3A_427 : vector<16xi32>) semaphore(%arg27 : memref<!tpu.dma_semaphore, #tpu.memory_space<semaphore_mem>>)
      %add3A_433 = arith.constant 1 : i32
      %add3A_434 = vector.broadcast %add3A_433 : i32 to vector<16xi32>
      %add3A_435 = arith.addi %mul3A_424, %add3A_434 : vector<16xi32>
      %add3A_436 = arith.constant 784 : i32
      %add3A_437 = arith.addi %add3A_436, %mul3A_123 : i32
      %dma_start3A_438 = tpu.memref_slice %arg14[%add3A_437] : memref<1008xf32, #tpu.memory_space<vmem>> -> memref<16xf32, #tpu.memory_space<vmem>>
      %dma_start3A_439 = arith.constant 0 : i32
      %dma_start3A_440 = tpu.memref_slice %arg9[%dma_start3A_439] : memref<80000xf32, #tpu.memory_space<hbm>> -> memref<80000xf32, #tpu.memory_space<hbm>>
      tpu.enqueue_indirect_dma source(%dma_start3A_440 : memref<80000xf32, #tpu.memory_space<hbm>>) target(%dma_start3A_438 : memref<16xf32, #tpu.memory_space<vmem>>) offsets(%add3A_435 : vector<16xi32>) semaphore(%arg27 : memref<!tpu.dma_semaphore, #tpu.memory_space<semaphore_mem>>)
      %add3A_441 = arith.constant 2 : i32
      %add3A_442 = vector.broadcast %add3A_441 : i32 to vector<16xi32>
      %add3A_443 = arith.addi %mul3A_424, %add3A_442 : vector<16xi32>
      %add3A_444 = arith.constant 784 : i32
      %add3A_445 = arith.addi %add3A_444, %mul3A_123 : i32
      %dma_start3A_446 = tpu.memref_slice %arg13[%add3A_445] : memref<1008xf32, #tpu.memory_space<vmem>> -> memref<16xf32, #tpu.memory_space<vmem>>
      %dma_start3A_447 = arith.constant 0 : i32
      %dma_start3A_448 = tpu.memref_slice %arg9[%dma_start3A_447] : memref<80000xf32, #tpu.memory_space<hbm>> -> memref<80000xf32, #tpu.memory_space<hbm>>
      tpu.enqueue_indirect_dma source(%dma_start3A_448 : memref<80000xf32, #tpu.memory_space<hbm>>) target(%dma_start3A_446 : memref<16xf32, #tpu.memory_space<vmem>>) offsets(%add3A_443 : vector<16xi32>) semaphore(%arg27 : memref<!tpu.dma_semaphore, #tpu.memory_space<semaphore_mem>>)
      %add3A_449 = arith.constant 3 : i32
      %add3A_450 = vector.broadcast %add3A_449 : i32 to vector<16xi32>
      %add3A_451 = arith.addi %mul3A_424, %add3A_450 : vector<16xi32>
      %add3A_452 = arith.constant 784 : i32
      %add3A_453 = arith.addi %add3A_452, %mul3A_123 : i32
      %dma_start3A_454 = tpu.memref_slice %arg15[%add3A_453] : memref<1008xf32, #tpu.memory_space<vmem>> -> memref<16xf32, #tpu.memory_space<vmem>>
      %dma_start3A_455 = arith.constant 0 : i32
      %dma_start3A_456 = tpu.memref_slice %arg9[%dma_start3A_455] : memref<80000xf32, #tpu.memory_space<hbm>> -> memref<80000xf32, #tpu.memory_space<hbm>>
      tpu.enqueue_indirect_dma source(%dma_start3A_456 : memref<80000xf32, #tpu.memory_space<hbm>>) target(%dma_start3A_454 : memref<16xf32, #tpu.memory_space<vmem>>) offsets(%add3A_451 : vector<16xi32>) semaphore(%arg27 : memref<!tpu.dma_semaphore, #tpu.memory_space<semaphore_mem>>)
      %add3A_457 = arith.constant 896 : i32
      %add3A_458 = arith.addi %add3A_457, %mul3A_123 : i32
      %get3A_459 = arith.index_cast %add3A_458 : i32 to index
      %get3A_460 = tpu.vector_load %arg11[%get3A_459] {strides = array<i32>} : memref<1008xi32, #tpu.memory_space<vmem>>, vector<16xi32>,
      %min3A_461 = arith.constant 19999 : i32
      %min3A_462 = vector.broadcast %min3A_461 : i32 to vector<16xi32>
      %min3A_463 = arith.minsi %get3A_460, %min3A_462 : vector<16xi32>
      %mul3A_464 = arith.constant 4 : i32
      %mul3A_465 = vector.broadcast %mul3A_464 : i32 to vector<16xi32>
      %mul3A_466 = arith.muli %min3A_463, %mul3A_465 : vector<16xi32>
      %add3A_467 = arith.constant 0 : i32
      %add3A_468 = vector.broadcast %add3A_467 : i32 to vector<16xi32>
      %add3A_469 = arith.addi %mul3A_466, %add3A_468 : vector<16xi32>
      %add3A_470 = arith.constant 896 : i32
      %add3A_471 = arith.addi %add3A_470, %mul3A_123 : i32
      %dma_start3A_472 = tpu.memref_slice %arg12[%add3A_471] : memref<1008xf32, #tpu.memory_space<vmem>> -> memref<16xf32, #tpu.memory_space<vmem>>
      %dma_start3A_473 = arith.constant 0 : i32
      %dma_start3A_474 = tpu.memref_slice %arg9[%dma_start3A_473] : memref<80000xf32, #tpu.memory_space<hbm>> -> memref<80000xf32, #tpu.memory_space<hbm>>
      tpu.enqueue_indirect_dma source(%dma_start3A_474 : memref<80000xf32, #tpu.memory_space<hbm>>) target(%dma_start3A_472 : memref<16xf32, #tpu.memory_space<vmem>>) offsets(%add3A_469 : vector<16xi32>) semaphore(%arg27 : memref<!tpu.dma_semaphore, #tpu.memory_space<semaphore_mem>>)
      %add3A_475 = arith.constant 1 : i32
      %add3A_476 = vector.broadcast %add3A_475 : i32 to vector<16xi32>
      %add3A_477 = arith.addi %mul3A_466, %add3A_476 : vector<16xi32>
      %add3A_478 = arith.constant 896 : i32
      %add3A_479 = arith.addi %add3A_478, %mul3A_123 : i32
      %dma_start3A_480 = tpu.memref_slice %arg14[%add3A_479] : memref<1008xf32, #tpu.memory_space<vmem>> -> memref<16xf32, #tpu.memory_space<vmem>>
      %dma_start3A_481 = arith.constant 0 : i32
      %dma_start3A_482 = tpu.memref_slice %arg9[%dma_start3A_481] : memref<80000xf32, #tpu.memory_space<hbm>> -> memref<80000xf32, #tpu.memory_space<hbm>>
      tpu.enqueue_indirect_dma source(%dma_start3A_482 : memref<80000xf32, #tpu.memory_space<hbm>>) target(%dma_start3A_480 : memref<16xf32, #tpu.memory_space<vmem>>) offsets(%add3A_477 : vector<16xi32>) semaphore(%arg27 : memref<!tpu.dma_semaphore, #tpu.memory_space<semaphore_mem>>)
      %add3A_483 = arith.constant 2 : i32
      %add3A_484 = vector.broadcast %add3A_483 : i32 to vector<16xi32>
      %add3A_485 = arith.addi %mul3A_466, %add3A_484 : vector<16xi32>
      %add3A_486 = arith.constant 896 : i32
      %add3A_487 = arith.addi %add3A_486, %mul3A_123 : i32
      %dma_start3A_488 = tpu.memref_slice %arg13[%add3A_487] : memref<1008xf32, #tpu.memory_space<vmem>> -> memref<16xf32, #tpu.memory_space<vmem>>
      %dma_start3A_489 = arith.constant 0 : i32
      %dma_start3A_490 = tpu.memref_slice %arg9[%dma_start3A_489] : memref<80000xf32, #tpu.memory_space<hbm>> -> memref<80000xf32, #tpu.memory_space<hbm>>
      tpu.enqueue_indirect_dma source(%dma_start3A_490 : memref<80000xf32, #tpu.memory_space<hbm>>) target(%dma_start3A_488 : memref<16xf32, #tpu.memory_space<vmem>>) offsets(%add3A_485 : vector<16xi32>) semaphore(%arg27 : memref<!tpu.dma_semaphore, #tpu.memory_space<semaphore_mem>>)
      %add3A_491 = arith.constant 3 : i32
      %add3A_492 = vector.broadcast %add3A_491 : i32 to vector<16xi32>
      %add3A_493 = arith.addi %mul3A_466, %add3A_492 : vector<16xi32>
      %add3A_494 = arith.constant 896 : i32
      %add3A_495 = arith.addi %add3A_494, %mul3A_123 : i32
      %dma_start3A_496 = tpu.memref_slice %arg15[%add3A_495] : memref<1008xf32, #tpu.memory_space<vmem>> -> memref<16xf32, #tpu.memory_space<vmem>>
      %dma_start3A_497 = arith.constant 0 : i32
      %dma_start3A_498 = tpu.memref_slice %arg9[%dma_start3A_497] : memref<80000xf32, #tpu.memory_space<hbm>> -> memref<80000xf32, #tpu.memory_space<hbm>>
      tpu.enqueue_indirect_dma source(%dma_start3A_498 : memref<80000xf32, #tpu.memory_space<hbm>>) target(%dma_start3A_496 : memref<16xf32, #tpu.memory_space<vmem>>) offsets(%add3A_493 : vector<16xi32>) semaphore(%arg27 : memref<!tpu.dma_semaphore, #tpu.memory_space<semaphore_mem>>)
      %dma_wait3A = tpu.memref_slice %arg12[%add3A_136] : memref<1008xf32, #tpu.memory_space<vmem>> -> memref<16xf32, #tpu.memory_space<vmem>>
      %dma_wait3A_499 = arith.constant 0 : i32
      %dma_wait3A_500 = tpu.memref_slice %arg9[%dma_wait3A_499] : memref<80000xf32, #tpu.memory_space<hbm>> -> memref<80000xf32, #tpu.memory_space<hbm>>
      tpu.wait_indirect_dma semaphore(%arg27 : memref<!tpu.dma_semaphore, #tpu.memory_space<semaphore_mem>>) src(%dma_wait3A_500 : memref<80000xf32, #tpu.memory_space<hbm>>) dst(%dma_wait3A : memref<16xf32, #tpu.memory_space<vmem>>)
      %dma_wait3A_501 = tpu.memref_slice %arg14[%add3A_143] : memref<1008xf32, #tpu.memory_space<vmem>> -> memref<16xf32, #tpu.memory_space<vmem>>
      %dma_wait3A_502 = arith.constant 0 : i32
      %dma_wait3A_503 = tpu.memref_slice %arg9[%dma_wait3A_502] : memref<80000xf32, #tpu.memory_space<hbm>> -> memref<80000xf32, #tpu.memory_space<hbm>>
      tpu.wait_indirect_dma semaphore(%arg27 : memref<!tpu.dma_semaphore, #tpu.memory_space<semaphore_mem>>) src(%dma_wait3A_503 : memref<80000xf32, #tpu.memory_space<hbm>>) dst(%dma_wait3A_501 : memref<16xf32, #tpu.memory_space<vmem>>)
      %dma_wait3A_504 = tpu.memref_slice %arg13[%add3A_151] : memref<1008xf32, #tpu.memory_space<vmem>> -> memref<16xf32, #tpu.memory_space<vmem>>
      %dma_wait3A_505 = arith.constant 0 : i32
      %dma_wait3A_506 = tpu.memref_slice %arg9[%dma_wait3A_505] : memref<80000xf32, #tpu.memory_space<hbm>> -> memref<80000xf32, #tpu.memory_space<hbm>>
      tpu.wait_indirect_dma semaphore(%arg27 : memref<!tpu.dma_semaphore, #tpu.memory_space<semaphore_mem>>) src(%dma_wait3A_506 : memref<80000xf32, #tpu.memory_space<hbm>>) dst(%dma_wait3A_504 : memref<16xf32, #tpu.memory_space<vmem>>)
      %dma_wait3A_507 = tpu.memref_slice %arg15[%add3A_159] : memref<1008xf32, #tpu.memory_space<vmem>> -> memref<16xf32, #tpu.memory_space<vmem>>
      %dma_wait3A_508 = arith.constant 0 : i32
      %dma_wait3A_509 = tpu.memref_slice %arg9[%dma_wait3A_508] : memref<80000xf32, #tpu.memory_space<hbm>> -> memref<80000xf32, #tpu.memory_space<hbm>>
      tpu.wait_indirect_dma semaphore(%arg27 : memref<!tpu.dma_semaphore, #tpu.memory_space<semaphore_mem>>) src(%dma_wait3A_509 : memref<80000xf32, #tpu.memory_space<hbm>>) dst(%dma_wait3A_507 : memref<16xf32, #tpu.memory_space<vmem>>)
      %dma_wait3A_510 = tpu.memref_slice %arg12[%add3A_177] : memref<1008xf32, #tpu.memory_space<vmem>> -> memref<16xf32, #tpu.memory_space<vmem>>
      %dma_wait3A_511 = arith.constant 0 : i32
      %dma_wait3A_512 = tpu.memref_slice %arg9[%dma_wait3A_511] : memref<80000xf32, #tpu.memory_space<hbm>> -> memref<80000xf32, #tpu.memory_space<hbm>>
      tpu.wait_indirect_dma semaphore(%arg27 : memref<!tpu.dma_semaphore, #tpu.memory_space<semaphore_mem>>) src(%dma_wait3A_512 : memref<80000xf32, #tpu.memory_space<hbm>>) dst(%dma_wait3A_510 : memref<16xf32, #tpu.memory_space<vmem>>)
      %dma_wait3A_513 = tpu.memref_slice %arg14[%add3A_185] : memref<1008xf32, #tpu.memory_space<vmem>> -> memref<16xf32, #tpu.memory_space<vmem>>
      %dma_wait3A_514 = arith.constant 0 : i32
      %dma_wait3A_515 = tpu.memref_slice %arg9[%dma_wait3A_514] : memref<80000xf32, #tpu.memory_space<hbm>> -> memref<80000xf32, #tpu.memory_space<hbm>>
      tpu.wait_indirect_dma semaphore(%arg27 : memref<!tpu.dma_semaphore, #tpu.memory_space<semaphore_mem>>) src(%dma_wait3A_515 : memref<80000xf32, #tpu.memory_space<hbm>>) dst(%dma_wait3A_513 : memref<16xf32, #tpu.memory_space<vmem>>)
      %dma_wait3A_516 = tpu.memref_slice %arg13[%add3A_193] : memref<1008xf32, #tpu.memory_space<vmem>> -> memref<16xf32, #tpu.memory_space<vmem>>
      %dma_wait3A_517 = arith.constant 0 : i32
      %dma_wait3A_518 = tpu.memref_slice %arg9[%dma_wait3A_517] : memref<80000xf32, #tpu.memory_space<hbm>> -> memref<80000xf32, #tpu.memory_space<hbm>>
      tpu.wait_indirect_dma semaphore(%arg27 : memref<!tpu.dma_semaphore, #tpu.memory_space<semaphore_mem>>) src(%dma_wait3A_518 : memref<80000xf32, #tpu.memory_space<hbm>>) dst(%dma_wait3A_516 : memref<16xf32, #tpu.memory_space<vmem>>)
      %dma_wait3A_519 = tpu.memref_slice %arg15[%add3A_201] : memref<1008xf32, #tpu.memory_space<vmem>> -> memref<16xf32, #tpu.memory_space<vmem>>
      %dma_wait3A_520 = arith.constant 0 : i32
      %dma_wait3A_521 = tpu.memref_slice %arg9[%dma_wait3A_520] : memref<80000xf32, #tpu.memory_space<hbm>> -> memref<80000xf32, #tpu.memory_space<hbm>>
      tpu.wait_indirect_dma semaphore(%arg27 : memref<!tpu.dma_semaphore, #tpu.memory_space<semaphore_mem>>) src(%dma_wait3A_521 : memref<80000xf32, #tpu.memory_space<hbm>>) dst(%dma_wait3A_519 : memref<16xf32, #tpu.memory_space<vmem>>)
      %dma_wait3A_522 = tpu.memref_slice %arg12[%add3A_219] : memref<1008xf32, #tpu.memory_space<vmem>> -> memref<16xf32, #tpu.memory_space<vmem>>
      %dma_wait3A_523 = arith.constant 0 : i32
      %dma_wait3A_524 = tpu.memref_slice %arg9[%dma_wait3A_523] : memref<80000xf32, #tpu.memory_space<hbm>> -> memref<80000xf32, #tpu.memory_space<hbm>>
      tpu.wait_indirect_dma semaphore(%arg27 : memref<!tpu.dma_semaphore, #tpu.memory_space<semaphore_mem>>) src(%dma_wait3A_524 : memref<80000xf32, #tpu.memory_space<hbm>>) dst(%dma_wait3A_522 : memref<16xf32, #tpu.memory_space<vmem>>)
      %dma_wait3A_525 = tpu.memref_slice %arg14[%add3A_227] : memref<1008xf32, #tpu.memory_space<vmem>> -> memref<16xf32, #tpu.memory_space<vmem>>
      %dma_wait3A_526 = arith.constant 0 : i32
      %dma_wait3A_527 = tpu.memref_slice %arg9[%dma_wait3A_526] : memref<80000xf32, #tpu.memory_space<hbm>> -> memref<80000xf32, #tpu.memory_space<hbm>>
      tpu.wait_indirect_dma semaphore(%arg27 : memref<!tpu.dma_semaphore, #tpu.memory_space<semaphore_mem>>) src(%dma_wait3A_527 : memref<80000xf32, #tpu.memory_space<hbm>>) dst(%dma_wait3A_525 : memref<16xf32, #tpu.memory_space<vmem>>)
      %dma_wait3A_528 = tpu.memref_slice %arg13[%add3A_235] : memref<1008xf32, #tpu.memory_space<vmem>> -> memref<16xf32, #tpu.memory_space<vmem>>
      %dma_wait3A_529 = arith.constant 0 : i32
      %dma_wait3A_530 = tpu.memref_slice %arg9[%dma_wait3A_529] : memref<80000xf32, #tpu.memory_space<hbm>> -> memref<80000xf32, #tpu.memory_space<hbm>>
      tpu.wait_indirect_dma semaphore(%arg27 : memref<!tpu.dma_semaphore, #tpu.memory_space<semaphore_mem>>) src(%dma_wait3A_530 : memref<80000xf32, #tpu.memory_space<hbm>>) dst(%dma_wait3A_528 : memref<16xf32, #tpu.memory_space<vmem>>)
      %dma_wait3A_531 = tpu.memref_slice %arg15[%add3A_243] : memref<1008xf32, #tpu.memory_space<vmem>> -> memref<16xf32, #tpu.memory_space<vmem>>
      %dma_wait3A_532 = arith.constant 0 : i32
      %dma_wait3A_533 = tpu.memref_slice %arg9[%dma_wait3A_532] : memref<80000xf32, #tpu.memory_space<hbm>> -> memref<80000xf32, #tpu.memory_space<hbm>>
      tpu.wait_indirect_dma semaphore(%arg27 : memref<!tpu.dma_semaphore, #tpu.memory_space<semaphore_mem>>) src(%dma_wait3A_533 : memref<80000xf32, #tpu.memory_space<hbm>>) dst(%dma_wait3A_531 : memref<16xf32, #tpu.memory_space<vmem>>)
      %dma_wait3A_534 = tpu.memref_slice %arg12[%add3A_261] : memref<1008xf32, #tpu.memory_space<vmem>> -> memref<16xf32, #tpu.memory_space<vmem>>
      %dma_wait3A_535 = arith.constant 0 : i32
      %dma_wait3A_536 = tpu.memref_slice %arg9[%dma_wait3A_535] : memref<80000xf32, #tpu.memory_space<hbm>> -> memref<80000xf32, #tpu.memory_space<hbm>>
      tpu.wait_indirect_dma semaphore(%arg27 : memref<!tpu.dma_semaphore, #tpu.memory_space<semaphore_mem>>) src(%dma_wait3A_536 : memref<80000xf32, #tpu.memory_space<hbm>>) dst(%dma_wait3A_534 : memref<16xf32, #tpu.memory_space<vmem>>)
      %dma_wait3A_537 = tpu.memref_slice %arg14[%add3A_269] : memref<1008xf32, #tpu.memory_space<vmem>> -> memref<16xf32, #tpu.memory_space<vmem>>
      %dma_wait3A_538 = arith.constant 0 : i32
      %dma_wait3A_539 = tpu.memref_slice %arg9[%dma_wait3A_538] : memref<80000xf32, #tpu.memory_space<hbm>> -> memref<80000xf32, #tpu.memory_space<hbm>>
      tpu.wait_indirect_dma semaphore(%arg27 : memref<!tpu.dma_semaphore, #tpu.memory_space<semaphore_mem>>) src(%dma_wait3A_539 : memref<80000xf32, #tpu.memory_space<hbm>>) dst(%dma_wait3A_537 : memref<16xf32, #tpu.memory_space<vmem>>)
      %dma_wait3A_540 = tpu.memref_slice %arg13[%add3A_277] : memref<1008xf32, #tpu.memory_space<vmem>> -> memref<16xf32, #tpu.memory_space<vmem>>
      %dma_wait3A_541 = arith.constant 0 : i32
      %dma_wait3A_542 = tpu.memref_slice %arg9[%dma_wait3A_541] : memref<80000xf32, #tpu.memory_space<hbm>> -> memref<80000xf32, #tpu.memory_space<hbm>>
      tpu.wait_indirect_dma semaphore(%arg27 : memref<!tpu.dma_semaphore, #tpu.memory_space<semaphore_mem>>) src(%dma_wait3A_542 : memref<80000xf32, #tpu.memory_space<hbm>>) dst(%dma_wait3A_540 : memref<16xf32, #tpu.memory_space<vmem>>)
      %dma_wait3A_543 = tpu.memref_slice %arg15[%add3A_285] : memref<1008xf32, #tpu.memory_space<vmem>> -> memref<16xf32, #tpu.memory_space<vmem>>
      %dma_wait3A_544 = arith.constant 0 : i32
      %dma_wait3A_545 = tpu.memref_slice %arg9[%dma_wait3A_544] : memref<80000xf32, #tpu.memory_space<hbm>> -> memref<80000xf32, #tpu.memory_space<hbm>>
      tpu.wait_indirect_dma semaphore(%arg27 : memref<!tpu.dma_semaphore, #tpu.memory_space<semaphore_mem>>) src(%dma_wait3A_545 : memref<80000xf32, #tpu.memory_space<hbm>>) dst(%dma_wait3A_543 : memref<16xf32, #tpu.memory_space<vmem>>)
      %dma_wait3A_546 = tpu.memref_slice %arg12[%add3A_303] : memref<1008xf32, #tpu.memory_space<vmem>> -> memref<16xf32, #tpu.memory_space<vmem>>
      %dma_wait3A_547 = arith.constant 0 : i32
      %dma_wait3A_548 = tpu.memref_slice %arg9[%dma_wait3A_547] : memref<80000xf32, #tpu.memory_space<hbm>> -> memref<80000xf32, #tpu.memory_space<hbm>>
      tpu.wait_indirect_dma semaphore(%arg27 : memref<!tpu.dma_semaphore, #tpu.memory_space<semaphore_mem>>) src(%dma_wait3A_548 : memref<80000xf32, #tpu.memory_space<hbm>>) dst(%dma_wait3A_546 : memref<16xf32, #tpu.memory_space<vmem>>)
      %dma_wait3A_549 = tpu.memref_slice %arg14[%add3A_311] : memref<1008xf32, #tpu.memory_space<vmem>> -> memref<16xf32, #tpu.memory_space<vmem>>
      %dma_wait3A_550 = arith.constant 0 : i32
      %dma_wait3A_551 = tpu.memref_slice %arg9[%dma_wait3A_550] : memref<80000xf32, #tpu.memory_space<hbm>> -> memref<80000xf32, #tpu.memory_space<hbm>>
      tpu.wait_indirect_dma semaphore(%arg27 : memref<!tpu.dma_semaphore, #tpu.memory_space<semaphore_mem>>) src(%dma_wait3A_551 : memref<80000xf32, #tpu.memory_space<hbm>>) dst(%dma_wait3A_549 : memref<16xf32, #tpu.memory_space<vmem>>)
      %dma_wait3A_552 = tpu.memref_slice %arg13[%add3A_319] : memref<1008xf32, #tpu.memory_space<vmem>> -> memref<16xf32, #tpu.memory_space<vmem>>
      %dma_wait3A_553 = arith.constant 0 : i32
      %dma_wait3A_554 = tpu.memref_slice %arg9[%dma_wait3A_553] : memref<80000xf32, #tpu.memory_space<hbm>> -> memref<80000xf32, #tpu.memory_space<hbm>>
      tpu.wait_indirect_dma semaphore(%arg27 : memref<!tpu.dma_semaphore, #tpu.memory_space<semaphore_mem>>) src(%dma_wait3A_554 : memref<80000xf32, #tpu.memory_space<hbm>>) dst(%dma_wait3A_552 : memref<16xf32, #tpu.memory_space<vmem>>)
      %dma_wait3A_555 = tpu.memref_slice %arg15[%add3A_327] : memref<1008xf32, #tpu.memory_space<vmem>> -> memref<16xf32, #tpu.memory_space<vmem>>
      %dma_wait3A_556 = arith.constant 0 : i32
      %dma_wait3A_557 = tpu.memref_slice %arg9[%dma_wait3A_556] : memref<80000xf32, #tpu.memory_space<hbm>> -> memref<80000xf32, #tpu.memory_space<hbm>>
      tpu.wait_indirect_dma semaphore(%arg27 : memref<!tpu.dma_semaphore, #tpu.memory_space<semaphore_mem>>) src(%dma_wait3A_557 : memref<80000xf32, #tpu.memory_space<hbm>>) dst(%dma_wait3A_555 : memref<16xf32, #tpu.memory_space<vmem>>)
      %dma_wait3A_558 = tpu.memref_slice %arg12[%add3A_345] : memref<1008xf32, #tpu.memory_space<vmem>> -> memref<16xf32, #tpu.memory_space<vmem>>
      %dma_wait3A_559 = arith.constant 0 : i32
      %dma_wait3A_560 = tpu.memref_slice %arg9[%dma_wait3A_559] : memref<80000xf32, #tpu.memory_space<hbm>> -> memref<80000xf32, #tpu.memory_space<hbm>>
      tpu.wait_indirect_dma semaphore(%arg27 : memref<!tpu.dma_semaphore, #tpu.memory_space<semaphore_mem>>) src(%dma_wait3A_560 : memref<80000xf32, #tpu.memory_space<hbm>>) dst(%dma_wait3A_558 : memref<16xf32, #tpu.memory_space<vmem>>)
      %dma_wait3A_561 = tpu.memref_slice %arg14[%add3A_353] : memref<1008xf32, #tpu.memory_space<vmem>> -> memref<16xf32, #tpu.memory_space<vmem>>
      %dma_wait3A_562 = arith.constant 0 : i32
      %dma_wait3A_563 = tpu.memref_slice %arg9[%dma_wait3A_562] : memref<80000xf32, #tpu.memory_space<hbm>> -> memref<80000xf32, #tpu.memory_space<hbm>>
      tpu.wait_indirect_dma semaphore(%arg27 : memref<!tpu.dma_semaphore, #tpu.memory_space<semaphore_mem>>) src(%dma_wait3A_563 : memref<80000xf32, #tpu.memory_space<hbm>>) dst(%dma_wait3A_561 : memref<16xf32, #tpu.memory_space<vmem>>)
      %dma_wait3A_564 = tpu.memref_slice %arg13[%add3A_361] : memref<1008xf32, #tpu.memory_space<vmem>> -> memref<16xf32, #tpu.memory_space<vmem>>
      %dma_wait3A_565 = arith.constant 0 : i32
      %dma_wait3A_566 = tpu.memref_slice %arg9[%dma_wait3A_565] : memref<80000xf32, #tpu.memory_space<hbm>> -> memref<80000xf32, #tpu.memory_space<hbm>>
      tpu.wait_indirect_dma semaphore(%arg27 : memref<!tpu.dma_semaphore, #tpu.memory_space<semaphore_mem>>) src(%dma_wait3A_566 : memref<80000xf32, #tpu.memory_space<hbm>>) dst(%dma_wait3A_564 : memref<16xf32, #tpu.memory_space<vmem>>)
      %dma_wait3A_567 = tpu.memref_slice %arg15[%add3A_369] : memref<1008xf32, #tpu.memory_space<vmem>> -> memref<16xf32, #tpu.memory_space<vmem>>
      %dma_wait3A_568 = arith.constant 0 : i32
      %dma_wait3A_569 = tpu.memref_slice %arg9[%dma_wait3A_568] : memref<80000xf32, #tpu.memory_space<hbm>> -> memref<80000xf32, #tpu.memory_space<hbm>>
      tpu.wait_indirect_dma semaphore(%arg27 : memref<!tpu.dma_semaphore, #tpu.memory_space<semaphore_mem>>) src(%dma_wait3A_569 : memref<80000xf32, #tpu.memory_space<hbm>>) dst(%dma_wait3A_567 : memref<16xf32, #tpu.memory_space<vmem>>)
      %dma_wait3A_570 = tpu.memref_slice %arg12[%add3A_387] : memref<1008xf32, #tpu.memory_space<vmem>> -> memref<16xf32, #tpu.memory_space<vmem>>
      %dma_wait3A_571 = arith.constant 0 : i32
      %dma_wait3A_572 = tpu.memref_slice %arg9[%dma_wait3A_571] : memref<80000xf32, #tpu.memory_space<hbm>> -> memref<80000xf32, #tpu.memory_space<hbm>>
      tpu.wait_indirect_dma semaphore(%arg27 : memref<!tpu.dma_semaphore, #tpu.memory_space<semaphore_mem>>) src(%dma_wait3A_572 : memref<80000xf32, #tpu.memory_space<hbm>>) dst(%dma_wait3A_570 : memref<16xf32, #tpu.memory_space<vmem>>)
      %dma_wait3A_573 = tpu.memref_slice %arg14[%add3A_395] : memref<1008xf32, #tpu.memory_space<vmem>> -> memref<16xf32, #tpu.memory_space<vmem>>
      %dma_wait3A_574 = arith.constant 0 : i32
      %dma_wait3A_575 = tpu.memref_slice %arg9[%dma_wait3A_574] : memref<80000xf32, #tpu.memory_space<hbm>> -> memref<80000xf32, #tpu.memory_space<hbm>>
      tpu.wait_indirect_dma semaphore(%arg27 : memref<!tpu.dma_semaphore, #tpu.memory_space<semaphore_mem>>) src(%dma_wait3A_575 : memref<80000xf32, #tpu.memory_space<hbm>>) dst(%dma_wait3A_573 : memref<16xf32, #tpu.memory_space<vmem>>)
      %dma_wait3A_576 = tpu.memref_slice %arg13[%add3A_403] : memref<1008xf32, #tpu.memory_space<vmem>> -> memref<16xf32, #tpu.memory_space<vmem>>
      %dma_wait3A_577 = arith.constant 0 : i32
      %dma_wait3A_578 = tpu.memref_slice %arg9[%dma_wait3A_577] : memref<80000xf32, #tpu.memory_space<hbm>> -> memref<80000xf32, #tpu.memory_space<hbm>>
      tpu.wait_indirect_dma semaphore(%arg27 : memref<!tpu.dma_semaphore, #tpu.memory_space<semaphore_mem>>) src(%dma_wait3A_578 : memref<80000xf32, #tpu.memory_space<hbm>>) dst(%dma_wait3A_576 : memref<16xf32, #tpu.memory_space<vmem>>)
      %dma_wait3A_579 = tpu.memref_slice %arg15[%add3A_411] : memref<1008xf32, #tpu.memory_space<vmem>> -> memref<16xf32, #tpu.memory_space<vmem>>
      %dma_wait3A_580 = arith.constant 0 : i32
      %dma_wait3A_581 = tpu.memref_slice %arg9[%dma_wait3A_580] : memref<80000xf32, #tpu.memory_space<hbm>> -> memref<80000xf32, #tpu.memory_space<hbm>>
      tpu.wait_indirect_dma semaphore(%arg27 : memref<!tpu.dma_semaphore, #tpu.memory_space<semaphore_mem>>) src(%dma_wait3A_581 : memref<80000xf32, #tpu.memory_space<hbm>>) dst(%dma_wait3A_579 : memref<16xf32, #tpu.memory_space<vmem>>)
      %dma_wait3A_582 = tpu.memref_slice %arg12[%add3A_429] : memref<1008xf32, #tpu.memory_space<vmem>> -> memref<16xf32, #tpu.memory_space<vmem>>
      %dma_wait3A_583 = arith.constant 0 : i32
      %dma_wait3A_584 = tpu.memref_slice %arg9[%dma_wait3A_583] : memref<80000xf32, #tpu.memory_space<hbm>> -> memref<80000xf32, #tpu.memory_space<hbm>>
      tpu.wait_indirect_dma semaphore(%arg27 : memref<!tpu.dma_semaphore, #tpu.memory_space<semaphore_mem>>) src(%dma_wait3A_584 : memref<80000xf32, #tpu.memory_space<hbm>>) dst(%dma_wait3A_582 : memref<16xf32, #tpu.memory_space<vmem>>)
      %dma_wait3A_585 = tpu.memref_slice %arg14[%add3A_437] : memref<1008xf32, #tpu.memory_space<vmem>> -> memref<16xf32, #tpu.memory_space<vmem>>
      %dma_wait3A_586 = arith.constant 0 : i32
      %dma_wait3A_587 = tpu.memref_slice %arg9[%dma_wait3A_586] : memref<80000xf32, #tpu.memory_space<hbm>> -> memref<80000xf32, #tpu.memory_space<hbm>>
      tpu.wait_indirect_dma semaphore(%arg27 : memref<!tpu.dma_semaphore, #tpu.memory_space<semaphore_mem>>) src(%dma_wait3A_587 : memref<80000xf32, #tpu.memory_space<hbm>>) dst(%dma_wait3A_585 : memref<16xf32, #tpu.memory_space<vmem>>)
      %dma_wait3A_588 = tpu.memref_slice %arg13[%add3A_445] : memref<1008xf32, #tpu.memory_space<vmem>> -> memref<16xf32, #tpu.memory_space<vmem>>
      %dma_wait3A_589 = arith.constant 0 : i32
      %dma_wait3A_590 = tpu.memref_slice %arg9[%dma_wait3A_589] : memref<80000xf32, #tpu.memory_space<hbm>> -> memref<80000xf32, #tpu.memory_space<hbm>>
      tpu.wait_indirect_dma semaphore(%arg27 : memref<!tpu.dma_semaphore, #tpu.memory_space<semaphore_mem>>) src(%dma_wait3A_590 : memref<80000xf32, #tpu.memory_space<hbm>>) dst(%dma_wait3A_588 : memref<16xf32, #tpu.memory_space<vmem>>)
      %dma_wait3A_591 = tpu.memref_slice %arg15[%add3A_453] : memref<1008xf32, #tpu.memory_space<vmem>> -> memref<16xf32, #tpu.memory_space<vmem>>
      %dma_wait3A_592 = arith.constant 0 : i32
      %dma_wait3A_593 = tpu.memref_slice %arg9[%dma_wait3A_592] : memref<80000xf32, #tpu.memory_space<hbm>> -> memref<80000xf32, #tpu.memory_space<hbm>>
      tpu.wait_indirect_dma semaphore(%arg27 : memref<!tpu.dma_semaphore, #tpu.memory_space<semaphore_mem>>) src(%dma_wait3A_593 : memref<80000xf32, #tpu.memory_space<hbm>>) dst(%dma_wait3A_591 : memref<16xf32, #tpu.memory_space<vmem>>)
      %dma_wait3A_594 = tpu.memref_slice %arg12[%add3A_471] : memref<1008xf32, #tpu.memory_space<vmem>> -> memref<16xf32, #tpu.memory_space<vmem>>
      %dma_wait3A_595 = arith.constant 0 : i32
      %dma_wait3A_596 = tpu.memref_slice %arg9[%dma_wait3A_595] : memref<80000xf32, #tpu.memory_space<hbm>> -> memref<80000xf32, #tpu.memory_space<hbm>>
      tpu.wait_indirect_dma semaphore(%arg27 : memref<!tpu.dma_semaphore, #tpu.memory_space<semaphore_mem>>) src(%dma_wait3A_596 : memref<80000xf32, #tpu.memory_space<hbm>>) dst(%dma_wait3A_594 : memref<16xf32, #tpu.memory_space<vmem>>)
      %dma_wait3A_597 = tpu.memref_slice %arg14[%add3A_479] : memref<1008xf32, #tpu.memory_space<vmem>> -> memref<16xf32, #tpu.memory_space<vmem>>
      %dma_wait3A_598 = arith.constant 0 : i32
      %dma_wait3A_599 = tpu.memref_slice %arg9[%dma_wait3A_598] : memref<80000xf32, #tpu.memory_space<hbm>> -> memref<80000xf32, #tpu.memory_space<hbm>>
      tpu.wait_indirect_dma semaphore(%arg27 : memref<!tpu.dma_semaphore, #tpu.memory_space<semaphore_mem>>) src(%dma_wait3A_599 : memref<80000xf32, #tpu.memory_space<hbm>>) dst(%dma_wait3A_597 : memref<16xf32, #tpu.memory_space<vmem>>)
      %dma_wait3A_600 = tpu.memref_slice %arg13[%add3A_487] : memref<1008xf32, #tpu.memory_space<vmem>> -> memref<16xf32, #tpu.memory_space<vmem>>
      %dma_wait3A_601 = arith.constant 0 : i32
      %dma_wait3A_602 = tpu.memref_slice %arg9[%dma_wait3A_601] : memref<80000xf32, #tpu.memory_space<hbm>> -> memref<80000xf32, #tpu.memory_space<hbm>>
      tpu.wait_indirect_dma semaphore(%arg27 : memref<!tpu.dma_semaphore, #tpu.memory_space<semaphore_mem>>) src(%dma_wait3A_602 : memref<80000xf32, #tpu.memory_space<hbm>>) dst(%dma_wait3A_600 : memref<16xf32, #tpu.memory_space<vmem>>)
      %dma_wait3A_603 = tpu.memref_slice %arg15[%add3A_495] : memref<1008xf32, #tpu.memory_space<vmem>> -> memref<16xf32, #tpu.memory_space<vmem>>
      %dma_wait3A_604 = arith.constant 0 : i32
      %dma_wait3A_605 = tpu.memref_slice %arg9[%dma_wait3A_604] : memref<80000xf32, #tpu.memory_space<hbm>> -> memref<80000xf32, #tpu.memory_space<hbm>>
      tpu.wait_indirect_dma semaphore(%arg27 : memref<!tpu.dma_semaphore, #tpu.memory_space<semaphore_mem>>) src(%dma_wait3A_605 : memref<80000xf32, #tpu.memory_space<hbm>>) dst(%dma_wait3A_603 : memref<16xf32, #tpu.memory_space<vmem>>)
      %iota3A_606 = tpu.iota {dimensions = array<i32: 0>} : vector<16xi32>
      %add3A_607 = vector.broadcast %mul3A_123 : i32 to vector<16xi32>
      %add3A_608 = arith.addi %iota3A_606, %add3A_607 : vector<16xi32>
      %lt3A_609 = arith.constant 100 : i32
      %lt3A_610 = vector.broadcast %lt3A_609 : i32 to vector<16xi32>
      %lt3A_611 = arith.cmpi slt, %add3A_608, %lt3A_610 : vector<16xi32>
      %get3A_612 = arith.index_cast %mul3A_123 : i32 to index
      %get3A_613 = tpu.vector_load %arg18[%get3A_612] {strides = array<i32>} : memref<112xf32, #tpu.memory_space<vmem>>, vector<16xf32>,
      %get3A_614 = arith.index_cast %mul3A_123 : i32 to index
      %get3A_615 = tpu.vector_load %arg19[%get3A_614] {strides = array<i32>} : memref<112xf32, #tpu.memory_space<vmem>>, vector<16xf32>,
      %get3A_616 = arith.index_cast %mul3A_123 : i32 to index
      %get3A_617 = tpu.vector_load %arg20[%get3A_616] {strides = array<i32>} : memref<112xf32, #tpu.memory_space<vmem>>, vector<16xf32>,
      %get3A_618 = arith.index_cast %mul3A_123 : i32 to index
      %get3A_619 = tpu.vector_load %arg21[%get3A_618] {strides = array<i32>} : memref<112xf32, #tpu.memory_space<vmem>>, vector<16xf32>,
      %broadcast_in_dim3A_620 = arith.constant 0.000000e+00 : f32
      %broadcast_in_dim3A_621 = vector.broadcast %broadcast_in_dim3A_620 : f32 to vector<16xf32>
      %broadcast_in_dim3A_622 = arith.constant 0.000000e+00 : f32
      %broadcast_in_dim3A_623 = vector.broadcast %broadcast_in_dim3A_622 : f32 to vector<16xf32>
      %add3A_624 = arith.constant 0 : i32
      %add3A_625 = arith.addi %add3A_624, %mul3A_123 : i32
      %get3A_626 = arith.index_cast %add3A_625 : i32 to index
      %get3A_627 = tpu.vector_load %arg12[%get3A_626] {strides = array<i32>} : memref<1008xf32, #tpu.memory_space<vmem>>, vector<16xf32>,
      %get3A_628 = arith.index_cast %add3A_625 : i32 to index
      %get3A_629 = tpu.vector_load %arg13[%get3A_628] {strides = array<i32>} : memref<1008xf32, #tpu.memory_space<vmem>>, vector<16xf32>,
      %add3A_630 = arith.addf %get3A_627, %get3A_629 : vector<16xf32>
      %mul3A_631 = arith.constant 5.000000e-01 : f32
      %mul3A_632 = vector.broadcast %mul3A_631 : f32 to vector<16xf32>
      %mul3A_633 = arith.mulf %add3A_630, %mul3A_632 : vector<16xf32>
      %get3A_634 = arith.index_cast %add3A_625 : i32 to index
      %get3A_635 = tpu.vector_load %arg14[%get3A_634] {strides = array<i32>} : memref<1008xf32, #tpu.memory_space<vmem>>, vector<16xf32>,
      %get3A_636 = arith.index_cast %add3A_625 : i32 to index
      %get3A_637 = tpu.vector_load %arg15[%get3A_636] {strides = array<i32>} : memref<1008xf32, #tpu.memory_space<vmem>>, vector<16xf32>,
      %add3A_638 = arith.addf %get3A_635, %get3A_637 : vector<16xf32>
      %mul3A_639 = arith.constant 5.000000e-01 : f32
      %mul3A_640 = vector.broadcast %mul3A_639 : f32 to vector<16xf32>
      %mul3A_641 = arith.mulf %add3A_638, %mul3A_640 : vector<16xf32>
      %get3A_642 = arith.index_cast %add3A_625 : i32 to index
      %get3A_643 = tpu.vector_load %arg16[%get3A_642] {strides = array<i32>} : memref<1008xf32, #tpu.memory_space<vmem>>, vector<16xf32>,
      %get3A_644 = arith.index_cast %add3A_625 : i32 to index
      %get3A_645 = tpu.vector_load %arg17[%get3A_644] {strides = array<i32>} : memref<1008xf32, #tpu.memory_space<vmem>>, vector<16xf32>,
      %add3A_646 = arith.addf %mul3A_633, %get3A_643 : vector<16xf32>
      %add3A_647 = arith.addf %broadcast_in_dim3A_621, %add3A_646 : vector<16xf32>
      %add3A_648 = arith.addf %mul3A_641, %get3A_645 : vector<16xf32>
      %add3A_649 = arith.addf %broadcast_in_dim3A_623, %add3A_648 : vector<16xf32>
      %add3A_650 = arith.constant 112 : i32
      %add3A_651 = arith.addi %add3A_650, %mul3A_123 : i32
      %get3A_652 = arith.index_cast %add3A_651 : i32 to index
      %get3A_653 = tpu.vector_load %arg12[%get3A_652] {strides = array<i32>} : memref<1008xf32, #tpu.memory_space<vmem>>, vector<16xf32>,
      %get3A_654 = arith.index_cast %add3A_651 : i32 to index
      %get3A_655 = tpu.vector_load %arg13[%get3A_654] {strides = array<i32>} : memref<1008xf32, #tpu.memory_space<vmem>>, vector<16xf32>,
      %add3A_656 = arith.addf %get3A_653, %get3A_655 : vector<16xf32>
      %mul3A_657 = arith.constant 5.000000e-01 : f32
      %mul3A_658 = vector.broadcast %mul3A_657 : f32 to vector<16xf32>
      %mul3A_659 = arith.mulf %add3A_656, %mul3A_658 : vector<16xf32>
      %get3A_660 = arith.index_cast %add3A_651 : i32 to index
      %get3A_661 = tpu.vector_load %arg14[%get3A_660] {strides = array<i32>} : memref<1008xf32, #tpu.memory_space<vmem>>, vector<16xf32>,
      %get3A_662 = arith.index_cast %add3A_651 : i32 to index
      %get3A_663 = tpu.vector_load %arg15[%get3A_662] {strides = array<i32>} : memref<1008xf32, #tpu.memory_space<vmem>>, vector<16xf32>,
      %add3A_664 = arith.addf %get3A_661, %get3A_663 : vector<16xf32>
      %mul3A_665 = arith.constant 5.000000e-01 : f32
      %mul3A_666 = vector.broadcast %mul3A_665 : f32 to vector<16xf32>
      %mul3A_667 = arith.mulf %add3A_664, %mul3A_666 : vector<16xf32>
      %get3A_668 = arith.index_cast %add3A_651 : i32 to index
      %get3A_669 = tpu.vector_load %arg16[%get3A_668] {strides = array<i32>} : memref<1008xf32, #tpu.memory_space<vmem>>, vector<16xf32>,
      %get3A_670 = arith.index_cast %add3A_651 : i32 to index
      %get3A_671 = tpu.vector_load %arg17[%get3A_670] {strides = array<i32>} : memref<1008xf32, #tpu.memory_space<vmem>>, vector<16xf32>,
      %add3A_672 = arith.addf %mul3A_659, %get3A_669 : vector<16xf32>
      %add3A_673 = arith.addf %add3A_647, %add3A_672 : vector<16xf32>
      %add3A_674 = arith.addf %mul3A_667, %get3A_671 : vector<16xf32>
      %add3A_675 = arith.addf %add3A_649, %add3A_674 : vector<16xf32>
      %add3A_676 = arith.constant 224 : i32
      %add3A_677 = arith.addi %add3A_676, %mul3A_123 : i32
      %get3A_678 = arith.index_cast %add3A_677 : i32 to index
      %get3A_679 = tpu.vector_load %arg12[%get3A_678] {strides = array<i32>} : memref<1008xf32, #tpu.memory_space<vmem>>, vector<16xf32>,
      %get3A_680 = arith.index_cast %add3A_677 : i32 to index
      %get3A_681 = tpu.vector_load %arg13[%get3A_680] {strides = array<i32>} : memref<1008xf32, #tpu.memory_space<vmem>>, vector<16xf32>,
      %add3A_682 = arith.addf %get3A_679, %get3A_681 : vector<16xf32>
      %mul3A_683 = arith.constant 5.000000e-01 : f32
      %mul3A_684 = vector.broadcast %mul3A_683 : f32 to vector<16xf32>
      %mul3A_685 = arith.mulf %add3A_682, %mul3A_684 : vector<16xf32>
      %get3A_686 = arith.index_cast %add3A_677 : i32 to index
      %get3A_687 = tpu.vector_load %arg14[%get3A_686] {strides = array<i32>} : memref<1008xf32, #tpu.memory_space<vmem>>, vector<16xf32>,
      %get3A_688 = arith.index_cast %add3A_677 : i32 to index
      %get3A_689 = tpu.vector_load %arg15[%get3A_688] {strides = array<i32>} : memref<1008xf32, #tpu.memory_space<vmem>>, vector<16xf32>,
      %add3A_690 = arith.addf %get3A_687, %get3A_689 : vector<16xf32>
      %mul3A_691 = arith.constant 5.000000e-01 : f32
      %mul3A_692 = vector.broadcast %mul3A_691 : f32 to vector<16xf32>
      %mul3A_693 = arith.mulf %add3A_690, %mul3A_692 : vector<16xf32>
      %get3A_694 = arith.index_cast %add3A_677 : i32 to index
      %get3A_695 = tpu.vector_load %arg16[%get3A_694] {strides = array<i32>} : memref<1008xf32, #tpu.memory_space<vmem>>, vector<16xf32>,
      %get3A_696 = arith.index_cast %add3A_677 : i32 to index
      %get3A_697 = tpu.vector_load %arg17[%get3A_696] {strides = array<i32>} : memref<1008xf32, #tpu.memory_space<vmem>>, vector<16xf32>,
      %add3A_698 = arith.addf %mul3A_685, %get3A_695 : vector<16xf32>
      %add3A_699 = arith.addf %add3A_673, %add3A_698 : vector<16xf32>
      %add3A_700 = arith.addf %mul3A_693, %get3A_697 : vector<16xf32>
      %add3A_701 = arith.addf %add3A_675, %add3A_700 : vector<16xf32>
      %add3A_702 = arith.constant 336 : i32
      %add3A_703 = arith.addi %add3A_702, %mul3A_123 : i32
      %get3A_704 = arith.index_cast %add3A_703 : i32 to index
      %get3A_705 = tpu.vector_load %arg12[%get3A_704] {strides = array<i32>} : memref<1008xf32, #tpu.memory_space<vmem>>, vector<16xf32>,
      %get3A_706 = arith.index_cast %add3A_703 : i32 to index
      %get3A_707 = tpu.vector_load %arg13[%get3A_706] {strides = array<i32>} : memref<1008xf32, #tpu.memory_space<vmem>>, vector<16xf32>,
      %add3A_708 = arith.addf %get3A_705, %get3A_707 : vector<16xf32>
      %mul3A_709 = arith.constant 5.000000e-01 : f32
      %mul3A_710 = vector.broadcast %mul3A_709 : f32 to vector<16xf32>
      %mul3A_711 = arith.mulf %add3A_708, %mul3A_710 : vector<16xf32>
      %get3A_712 = arith.index_cast %add3A_703 : i32 to index
      %get3A_713 = tpu.vector_load %arg14[%get3A_712] {strides = array<i32>} : memref<1008xf32, #tpu.memory_space<vmem>>, vector<16xf32>,
      %get3A_714 = arith.index_cast %add3A_703 : i32 to index
      %get3A_715 = tpu.vector_load %arg15[%get3A_714] {strides = array<i32>} : memref<1008xf32, #tpu.memory_space<vmem>>, vector<16xf32>,
      %add3A_716 = arith.addf %get3A_713, %get3A_715 : vector<16xf32>
      %mul3A_717 = arith.constant 5.000000e-01 : f32
      %mul3A_718 = vector.broadcast %mul3A_717 : f32 to vector<16xf32>
      %mul3A_719 = arith.mulf %add3A_716, %mul3A_718 : vector<16xf32>
      %get3A_720 = arith.index_cast %add3A_703 : i32 to index
      %get3A_721 = tpu.vector_load %arg16[%get3A_720] {strides = array<i32>} : memref<1008xf32, #tpu.memory_space<vmem>>, vector<16xf32>,
      %get3A_722 = arith.index_cast %add3A_703 : i32 to index
      %get3A_723 = tpu.vector_load %arg17[%get3A_722] {strides = array<i32>} : memref<1008xf32, #tpu.memory_space<vmem>>, vector<16xf32>,
      %add3A_724 = arith.addf %mul3A_711, %get3A_721 : vector<16xf32>
      %add3A_725 = arith.addf %add3A_699, %add3A_724 : vector<16xf32>
      %add3A_726 = arith.addf %mul3A_719, %get3A_723 : vector<16xf32>
      %add3A_727 = arith.addf %add3A_701, %add3A_726 : vector<16xf32>
      %add3A_728 = arith.constant 448 : i32
      %add3A_729 = arith.addi %add3A_728, %mul3A_123 : i32
      %get3A_730 = arith.index_cast %add3A_729 : i32 to index
      %get3A_731 = tpu.vector_load %arg12[%get3A_730] {strides = array<i32>} : memref<1008xf32, #tpu.memory_space<vmem>>, vector<16xf32>,
      %get3A_732 = arith.index_cast %add3A_729 : i32 to index
      %get3A_733 = tpu.vector_load %arg13[%get3A_732] {strides = array<i32>} : memref<1008xf32, #tpu.memory_space<vmem>>, vector<16xf32>,
      %add3A_734 = arith.addf %get3A_731, %get3A_733 : vector<16xf32>
      %mul3A_735 = arith.constant 5.000000e-01 : f32
      %mul3A_736 = vector.broadcast %mul3A_735 : f32 to vector<16xf32>
      %mul3A_737 = arith.mulf %add3A_734, %mul3A_736 : vector<16xf32>
      %get3A_738 = arith.index_cast %add3A_729 : i32 to index
      %get3A_739 = tpu.vector_load %arg14[%get3A_738] {strides = array<i32>} : memref<1008xf32, #tpu.memory_space<vmem>>, vector<16xf32>,
      %get3A_740 = arith.index_cast %add3A_729 : i32 to index
      %get3A_741 = tpu.vector_load %arg15[%get3A_740] {strides = array<i32>} : memref<1008xf32, #tpu.memory_space<vmem>>, vector<16xf32>,
      %add3A_742 = arith.addf %get3A_739, %get3A_741 : vector<16xf32>
      %mul3A_743 = arith.constant 5.000000e-01 : f32
      %mul3A_744 = vector.broadcast %mul3A_743 : f32 to vector<16xf32>
      %mul3A_745 = arith.mulf %add3A_742, %mul3A_744 : vector<16xf32>
      %get3A_746 = arith.index_cast %add3A_729 : i32 to index
      %get3A_747 = tpu.vector_load %arg16[%get3A_746] {strides = array<i32>} : memref<1008xf32, #tpu.memory_space<vmem>>, vector<16xf32>,
      %get3A_748 = arith.index_cast %add3A_729 : i32 to index
      %get3A_749 = tpu.vector_load %arg17[%get3A_748] {strides = array<i32>} : memref<1008xf32, #tpu.memory_space<vmem>>, vector<16xf32>,
      %add3A_750 = arith.addf %mul3A_737, %get3A_747 : vector<16xf32>
      %add3A_751 = arith.addf %add3A_725, %add3A_750 : vector<16xf32>
      %add3A_752 = arith.addf %mul3A_745, %get3A_749 : vector<16xf32>
      %add3A_753 = arith.addf %add3A_727, %add3A_752 : vector<16xf32>
      %add3A_754 = arith.constant 560 : i32
      %add3A_755 = arith.addi %add3A_754, %mul3A_123 : i32
      %get3A_756 = arith.index_cast %add3A_755 : i32 to index
      %get3A_757 = tpu.vector_load %arg12[%get3A_756] {strides = array<i32>} : memref<1008xf32, #tpu.memory_space<vmem>>, vector<16xf32>,
      %get3A_758 = arith.index_cast %add3A_755 : i32 to index
      %get3A_759 = tpu.vector_load %arg13[%get3A_758] {strides = array<i32>} : memref<1008xf32, #tpu.memory_space<vmem>>, vector<16xf32>,
      %add3A_760 = arith.addf %get3A_757, %get3A_759 : vector<16xf32>
      %mul3A_761 = arith.constant 5.000000e-01 : f32
      %mul3A_762 = vector.broadcast %mul3A_761 : f32 to vector<16xf32>
      %mul3A_763 = arith.mulf %add3A_760, %mul3A_762 : vector<16xf32>
      %get3A_764 = arith.index_cast %add3A_755 : i32 to index
      %get3A_765 = tpu.vector_load %arg14[%get3A_764] {strides = array<i32>} : memref<1008xf32, #tpu.memory_space<vmem>>, vector<16xf32>,
      %get3A_766 = arith.index_cast %add3A_755 : i32 to index
      %get3A_767 = tpu.vector_load %arg15[%get3A_766] {strides = array<i32>} : memref<1008xf32, #tpu.memory_space<vmem>>, vector<16xf32>,
      %add3A_768 = arith.addf %get3A_765, %get3A_767 : vector<16xf32>
      %mul3A_769 = arith.constant 5.000000e-01 : f32
      %mul3A_770 = vector.broadcast %mul3A_769 : f32 to vector<16xf32>
      %mul3A_771 = arith.mulf %add3A_768, %mul3A_770 : vector<16xf32>
      %get3A_772 = arith.index_cast %add3A_755 : i32 to index
      %get3A_773 = tpu.vector_load %arg16[%get3A_772] {strides = array<i32>} : memref<1008xf32, #tpu.memory_space<vmem>>, vector<16xf32>,
      %get3A_774 = arith.index_cast %add3A_755 : i32 to index
      %get3A_775 = tpu.vector_load %arg17[%get3A_774] {strides = array<i32>} : memref<1008xf32, #tpu.memory_space<vmem>>, vector<16xf32>,
      %add3A_776 = arith.addf %mul3A_763, %get3A_773 : vector<16xf32>
      %add3A_777 = arith.addf %add3A_751, %add3A_776 : vector<16xf32>
      %add3A_778 = arith.addf %mul3A_771, %get3A_775 : vector<16xf32>
      %add3A_779 = arith.addf %add3A_753, %add3A_778 : vector<16xf32>
      %add3A_780 = arith.constant 672 : i32
      %add3A_781 = arith.addi %add3A_780, %mul3A_123 : i32
      %get3A_782 = arith.index_cast %add3A_781 : i32 to index
      %get3A_783 = tpu.vector_load %arg12[%get3A_782] {strides = array<i32>} : memref<1008xf32, #tpu.memory_space<vmem>>, vector<16xf32>,
      %get3A_784 = arith.index_cast %add3A_781 : i32 to index
      %get3A_785 = tpu.vector_load %arg13[%get3A_784] {strides = array<i32>} : memref<1008xf32, #tpu.memory_space<vmem>>, vector<16xf32>,
      %add3A_786 = arith.addf %get3A_783, %get3A_785 : vector<16xf32>
      %mul3A_787 = arith.constant 5.000000e-01 : f32
      %mul3A_788 = vector.broadcast %mul3A_787 : f32 to vector<16xf32>
      %mul3A_789 = arith.mulf %add3A_786, %mul3A_788 : vector<16xf32>
      %get3A_790 = arith.index_cast %add3A_781 : i32 to index
      %get3A_791 = tpu.vector_load %arg14[%get3A_790] {strides = array<i32>} : memref<1008xf32, #tpu.memory_space<vmem>>, vector<16xf32>,
      %get3A_792 = arith.index_cast %add3A_781 : i32 to index
      %get3A_793 = tpu.vector_load %arg15[%get3A_792] {strides = array<i32>} : memref<1008xf32, #tpu.memory_space<vmem>>, vector<16xf32>,
      %add3A_794 = arith.addf %get3A_791, %get3A_793 : vector<16xf32>
      %mul3A_795 = arith.constant 5.000000e-01 : f32
      %mul3A_796 = vector.broadcast %mul3A_795 : f32 to vector<16xf32>
      %mul3A_797 = arith.mulf %add3A_794, %mul3A_796 : vector<16xf32>
      %get3A_798 = arith.index_cast %add3A_781 : i32 to index
      %get3A_799 = tpu.vector_load %arg16[%get3A_798] {strides = array<i32>} : memref<1008xf32, #tpu.memory_space<vmem>>, vector<16xf32>,
      %get3A_800 = arith.index_cast %add3A_781 : i32 to index
      %get3A_801 = tpu.vector_load %arg17[%get3A_800] {strides = array<i32>} : memref<1008xf32, #tpu.memory_space<vmem>>, vector<16xf32>,
      %add3A_802 = arith.addf %mul3A_789, %get3A_799 : vector<16xf32>
      %add3A_803 = arith.addf %add3A_777, %add3A_802 : vector<16xf32>
      %add3A_804 = arith.addf %mul3A_797, %get3A_801 : vector<16xf32>
      %add3A_805 = arith.addf %add3A_779, %add3A_804 : vector<16xf32>
      %add3A_806 = arith.constant 784 : i32
      %add3A_807 = arith.addi %add3A_806, %mul3A_123 : i32
      %get3A_808 = arith.index_cast %add3A_807 : i32 to index
      %get3A_809 = tpu.vector_load %arg12[%get3A_808] {strides = array<i32>} : memref<1008xf32, #tpu.memory_space<vmem>>, vector<16xf32>,
      %get3A_810 = arith.index_cast %add3A_807 : i32 to index
      %get3A_811 = tpu.vector_load %arg13[%get3A_810] {strides = array<i32>} : memref<1008xf32, #tpu.memory_space<vmem>>, vector<16xf32>,
      %add3A_812 = arith.addf %get3A_809, %get3A_811 : vector<16xf32>
      %mul3A_813 = arith.constant 5.000000e-01 : f32
      %mul3A_814 = vector.broadcast %mul3A_813 : f32 to vector<16xf32>
      %mul3A_815 = arith.mulf %add3A_812, %mul3A_814 : vector<16xf32>
      %get3A_816 = arith.index_cast %add3A_807 : i32 to index
      %get3A_817 = tpu.vector_load %arg14[%get3A_816] {strides = array<i32>} : memref<1008xf32, #tpu.memory_space<vmem>>, vector<16xf32>,
      %get3A_818 = arith.index_cast %add3A_807 : i32 to index
      %get3A_819 = tpu.vector_load %arg15[%get3A_818] {strides = array<i32>} : memref<1008xf32, #tpu.memory_space<vmem>>, vector<16xf32>,
      %add3A_820 = arith.addf %get3A_817, %get3A_819 : vector<16xf32>
      %mul3A_821 = arith.constant 5.000000e-01 : f32
      %mul3A_822 = vector.broadcast %mul3A_821 : f32 to vector<16xf32>
      %mul3A_823 = arith.mulf %add3A_820, %mul3A_822 : vector<16xf32>
      %get3A_824 = arith.index_cast %add3A_807 : i32 to index
      %get3A_825 = tpu.vector_load %arg16[%get3A_824] {strides = array<i32>} : memref<1008xf32, #tpu.memory_space<vmem>>, vector<16xf32>,
      %get3A_826 = arith.index_cast %add3A_807 : i32 to index
      %get3A_827 = tpu.vector_load %arg17[%get3A_826] {strides = array<i32>} : memref<1008xf32, #tpu.memory_space<vmem>>, vector<16xf32>,
      %add3A_828 = arith.addf %mul3A_815, %get3A_825 : vector<16xf32>
      %add3A_829 = arith.addf %add3A_803, %add3A_828 : vector<16xf32>
      %add3A_830 = arith.addf %mul3A_823, %get3A_827 : vector<16xf32>
      %add3A_831 = arith.addf %add3A_805, %add3A_830 : vector<16xf32>
      %add3A_832 = arith.constant 896 : i32
      %add3A_833 = arith.addi %add3A_832, %mul3A_123 : i32
      %get3A_834 = arith.index_cast %add3A_833 : i32 to index
      %get3A_835 = tpu.vector_load %arg12[%get3A_834] {strides = array<i32>} : memref<1008xf32, #tpu.memory_space<vmem>>, vector<16xf32>,
      %get3A_836 = arith.index_cast %add3A_833 : i32 to index
      %get3A_837 = tpu.vector_load %arg13[%get3A_836] {strides = array<i32>} : memref<1008xf32, #tpu.memory_space<vmem>>, vector<16xf32>,
      %add3A_838 = arith.addf %get3A_835, %get3A_837 : vector<16xf32>
      %mul3A_839 = arith.constant 5.000000e-01 : f32
      %mul3A_840 = vector.broadcast %mul3A_839 : f32 to vector<16xf32>
      %mul3A_841 = arith.mulf %add3A_838, %mul3A_840 : vector<16xf32>
      %get3A_842 = arith.index_cast %add3A_833 : i32 to index
      %get3A_843 = tpu.vector_load %arg14[%get3A_842] {strides = array<i32>} : memref<1008xf32, #tpu.memory_space<vmem>>, vector<16xf32>,
      %get3A_844 = arith.index_cast %add3A_833 : i32 to index
      %get3A_845 = tpu.vector_load %arg15[%get3A_844] {strides = array<i32>} : memref<1008xf32, #tpu.memory_space<vmem>>, vector<16xf32>,
      %add3A_846 = arith.addf %get3A_843, %get3A_845 : vector<16xf32>
      %mul3A_847 = arith.constant 5.000000e-01 : f32
      %mul3A_848 = vector.broadcast %mul3A_847 : f32 to vector<16xf32>
      %mul3A_849 = arith.mulf %add3A_846, %mul3A_848 : vector<16xf32>
      %get3A_850 = arith.index_cast %add3A_833 : i32 to index
      %get3A_851 = tpu.vector_load %arg16[%get3A_850] {strides = array<i32>} : memref<1008xf32, #tpu.memory_space<vmem>>, vector<16xf32>,
      %get3A_852 = arith.index_cast %add3A_833 : i32 to index
      %get3A_853 = tpu.vector_load %arg17[%get3A_852] {strides = array<i32>} : memref<1008xf32, #tpu.memory_space<vmem>>, vector<16xf32>,
      %add3A_854 = arith.addf %mul3A_841, %get3A_851 : vector<16xf32>
      %add3A_855 = arith.addf %add3A_829, %add3A_854 : vector<16xf32>
      %add3A_856 = arith.addf %mul3A_849, %get3A_853 : vector<16xf32>
      %add3A_857 = arith.addf %add3A_831, %add3A_856 : vector<16xf32>
      %div3A = arith.constant 9.000000e+00 : f32
      %div3A_858 = vector.broadcast %div3A : f32 to vector<16xf32>
      %div3A_859 = arith.divf %add3A_855, %div3A_858 : vector<16xf32>
      %div3A_860 = arith.constant 9.000000e+00 : f32
      %div3A_861 = vector.broadcast %div3A_860 : f32 to vector<16xf32>
      %div3A_862 = arith.divf %add3A_857, %div3A_861 : vector<16xf32>
      %broadcast_in_dim3A_863 = arith.constant 0.000000e+00 : f32
      %broadcast_in_dim3A_864 = vector.broadcast %broadcast_in_dim3A_863 : f32 to vector<16xf32>
      %broadcast_in_dim3A_865 = arith.constant 0.000000e+00 : f32
      %broadcast_in_dim3A_866 = vector.broadcast %broadcast_in_dim3A_865 : f32 to vector<16xf32>
      %broadcast_in_dim3A_867 = arith.constant 0.000000e+00 : f32
      %broadcast_in_dim3A_868 = vector.broadcast %broadcast_in_dim3A_867 : f32 to vector<16xf32>
      %add3A_869 = arith.addf %mul3A_633, %get3A_643 : vector<16xf32>
      %sub3A = arith.subf %add3A_869, %div3A_859 : vector<16xf32>
      %add3A_870 = arith.addf %mul3A_641, %get3A_645 : vector<16xf32>
      %sub3A_871 = arith.subf %add3A_870, %div3A_862 : vector<16xf32>
      %mul3A_872 = arith.mulf %sub3A, %sub3A : vector<16xf32>
      %add3A_873 = arith.addf %broadcast_in_dim3A_864, %mul3A_872 : vector<16xf32>
      %mul3A_874 = arith.mulf %sub3A, %sub3A_871 : vector<16xf32>
      %add3A_875 = arith.addf %broadcast_in_dim3A_866, %mul3A_874 : vector<16xf32>
      %mul3A_876 = arith.mulf %sub3A_871, %sub3A_871 : vector<16xf32>
      %add3A_877 = arith.addf %broadcast_in_dim3A_868, %mul3A_876 : vector<16xf32>
      %add3A_878 = arith.addf %mul3A_659, %get3A_669 : vector<16xf32>
      %sub3A_879 = arith.subf %add3A_878, %div3A_859 : vector<16xf32>
      %add3A_880 = arith.addf %mul3A_667, %get3A_671 : vector<16xf32>
      %sub3A_881 = arith.subf %add3A_880, %div3A_862 : vector<16xf32>
      %mul3A_882 = arith.mulf %sub3A_879, %sub3A_879 : vector<16xf32>
      %add3A_883 = arith.addf %add3A_873, %mul3A_882 : vector<16xf32>
      %mul3A_884 = arith.mulf %sub3A_879, %sub3A_881 : vector<16xf32>
      %add3A_885 = arith.addf %add3A_875, %mul3A_884 : vector<16xf32>
      %mul3A_886 = arith.mulf %sub3A_881, %sub3A_881 : vector<16xf32>
      %add3A_887 = arith.addf %add3A_877, %mul3A_886 : vector<16xf32>
      %add3A_888 = arith.addf %mul3A_685, %get3A_695 : vector<16xf32>
      %sub3A_889 = arith.subf %add3A_888, %div3A_859 : vector<16xf32>
      %add3A_890 = arith.addf %mul3A_693, %get3A_697 : vector<16xf32>
      %sub3A_891 = arith.subf %add3A_890, %div3A_862 : vector<16xf32>
      %mul3A_892 = arith.mulf %sub3A_889, %sub3A_889 : vector<16xf32>
      %add3A_893 = arith.addf %add3A_883, %mul3A_892 : vector<16xf32>
      %mul3A_894 = arith.mulf %sub3A_889, %sub3A_891 : vector<16xf32>
      %add3A_895 = arith.addf %add3A_885, %mul3A_894 : vector<16xf32>
      %mul3A_896 = arith.mulf %sub3A_891, %sub3A_891 : vector<16xf32>
      %add3A_897 = arith.addf %add3A_887, %mul3A_896 : vector<16xf32>
      %add3A_898 = arith.addf %mul3A_711, %get3A_721 : vector<16xf32>
      %sub3A_899 = arith.subf %add3A_898, %div3A_859 : vector<16xf32>
      %add3A_900 = arith.addf %mul3A_719, %get3A_723 : vector<16xf32>
      %sub3A_901 = arith.subf %add3A_900, %div3A_862 : vector<16xf32>
      %mul3A_902 = arith.mulf %sub3A_899, %sub3A_899 : vector<16xf32>
      %add3A_903 = arith.addf %add3A_893, %mul3A_902 : vector<16xf32>
      %mul3A_904 = arith.mulf %sub3A_899, %sub3A_901 : vector<16xf32>
      %add3A_905 = arith.addf %add3A_895, %mul3A_904 : vector<16xf32>
      %mul3A_906 = arith.mulf %sub3A_901, %sub3A_901 : vector<16xf32>
      %add3A_907 = arith.addf %add3A_897, %mul3A_906 : vector<16xf32>
      %add3A_908 = arith.addf %mul3A_737, %get3A_747 : vector<16xf32>
      %sub3A_909 = arith.subf %add3A_908, %div3A_859 : vector<16xf32>
      %add3A_910 = arith.addf %mul3A_745, %get3A_749 : vector<16xf32>
      %sub3A_911 = arith.subf %add3A_910, %div3A_862 : vector<16xf32>
      %mul3A_912 = arith.mulf %sub3A_909, %sub3A_909 : vector<16xf32>
      %add3A_913 = arith.addf %add3A_903, %mul3A_912 : vector<16xf32>
      %mul3A_914 = arith.mulf %sub3A_909, %sub3A_911 : vector<16xf32>
      %add3A_915 = arith.addf %add3A_905, %mul3A_914 : vector<16xf32>
      %mul3A_916 = arith.mulf %sub3A_911, %sub3A_911 : vector<16xf32>
      %add3A_917 = arith.addf %add3A_907, %mul3A_916 : vector<16xf32>
      %add3A_918 = arith.addf %mul3A_763, %get3A_773 : vector<16xf32>
      %sub3A_919 = arith.subf %add3A_918, %div3A_859 : vector<16xf32>
      %add3A_920 = arith.addf %mul3A_771, %get3A_775 : vector<16xf32>
      %sub3A_921 = arith.subf %add3A_920, %div3A_862 : vector<16xf32>
      %mul3A_922 = arith.mulf %sub3A_919, %sub3A_919 : vector<16xf32>
      %add3A_923 = arith.addf %add3A_913, %mul3A_922 : vector<16xf32>
      %mul3A_924 = arith.mulf %sub3A_919, %sub3A_921 : vector<16xf32>
      %add3A_925 = arith.addf %add3A_915, %mul3A_924 : vector<16xf32>
      %mul3A_926 = arith.mulf %sub3A_921, %sub3A_921 : vector<16xf32>
      %add3A_927 = arith.addf %add3A_917, %mul3A_926 : vector<16xf32>
      %add3A_928 = arith.addf %mul3A_789, %get3A_799 : vector<16xf32>
      %sub3A_929 = arith.subf %add3A_928, %div3A_859 : vector<16xf32>
      %add3A_930 = arith.addf %mul3A_797, %get3A_801 : vector<16xf32>
      %sub3A_931 = arith.subf %add3A_930, %div3A_862 : vector<16xf32>
      %mul3A_932 = arith.mulf %sub3A_929, %sub3A_929 : vector<16xf32>
      %add3A_933 = arith.addf %add3A_923, %mul3A_932 : vector<16xf32>
      %mul3A_934 = arith.mulf %sub3A_929, %sub3A_931 : vector<16xf32>
      %add3A_935 = arith.addf %add3A_925, %mul3A_934 : vector<16xf32>
      %mul3A_936 = arith.mulf %sub3A_931, %sub3A_931 : vector<16xf32>
      %add3A_937 = arith.addf %add3A_927, %mul3A_936 : vector<16xf32>
      %add3A_938 = arith.addf %mul3A_815, %get3A_825 : vector<16xf32>
      %sub3A_939 = arith.subf %add3A_938, %div3A_859 : vector<16xf32>
      %add3A_940 = arith.addf %mul3A_823, %get3A_827 : vector<16xf32>
      %sub3A_941 = arith.subf %add3A_940, %div3A_862 : vector<16xf32>
      %mul3A_942 = arith.mulf %sub3A_939, %sub3A_939 : vector<16xf32>
      %add3A_943 = arith.addf %add3A_933, %mul3A_942 : vector<16xf32>
      %mul3A_944 = arith.mulf %sub3A_939, %sub3A_941 : vector<16xf32>
      %add3A_945 = arith.addf %add3A_935, %mul3A_944 : vector<16xf32>
      %mul3A_946 = arith.mulf %sub3A_941, %sub3A_941 : vector<16xf32>
      %add3A_947 = arith.addf %add3A_937, %mul3A_946 : vector<16xf32>
      %add3A_948 = arith.addf %mul3A_841, %get3A_851 : vector<16xf32>
      %sub3A_949 = arith.subf %add3A_948, %div3A_859 : vector<16xf32>
      %add3A_950 = arith.addf %mul3A_849, %get3A_853 : vector<16xf32>
      %sub3A_951 = arith.subf %add3A_950, %div3A_862 : vector<16xf32>
      %mul3A_952 = arith.mulf %sub3A_949, %sub3A_949 : vector<16xf32>
      %add3A_953 = arith.addf %add3A_943, %mul3A_952 : vector<16xf32>
      %mul3A_954 = arith.mulf %sub3A_949, %sub3A_951 : vector<16xf32>
      %add3A_955 = arith.addf %add3A_945, %mul3A_954 : vector<16xf32>
      %mul3A_956 = arith.mulf %sub3A_951, %sub3A_951 : vector<16xf32>
      %add3A_957 = arith.addf %add3A_947, %mul3A_956 : vector<16xf32>
      %div3A_958 = arith.constant 9.000000e+00 : f32
      %div3A_959 = vector.broadcast %div3A_958 : f32 to vector<16xf32>
      %div3A_960 = arith.divf %add3A_953, %div3A_959 : vector<16xf32>
      %div3A_961 = arith.constant 9.000000e+00 : f32
      %div3A_962 = vector.broadcast %div3A_961 : f32 to vector<16xf32>
      %div3A_963 = arith.divf %add3A_955, %div3A_962 : vector<16xf32>
      %div3A_964 = arith.constant 9.000000e+00 : f32
      %div3A_965 = vector.broadcast %div3A_964 : f32 to vector<16xf32>
      %div3A_966 = arith.divf %add3A_957, %div3A_965 : vector<16xf32>
      %mul3A_967 = arith.mulf %div3A_960, %div3A_966 : vector<16xf32>
      %mul3A_968 = arith.mulf %div3A_963, %div3A_963 : vector<16xf32>
      %sub3A_969 = arith.subf %mul3A_967, %mul3A_968 : vector<16xf32>
      %add3A_970 = arith.constant 1.000000e-10 : f32
      %add3A_971 = vector.broadcast %add3A_970 : f32 to vector<16xf32>
      %add3A_972 = arith.addf %sub3A_969, %add3A_971 : vector<16xf32>
      %div3A_973 = arith.divf %div3A_966, %add3A_972 : vector<16xf32>
      %neg3A = arith.constant 0.000000e+00 : f32
      %neg3A_974 = vector.broadcast %neg3A : f32 to vector<16xf32>
      %neg3A_975 = arith.subf %neg3A_974, %div3A_963 : vector<16xf32>
      %div3A_976 = arith.divf %neg3A_975, %add3A_972 : vector<16xf32>
      %div3A_977 = arith.divf %div3A_960, %add3A_972 : vector<16xf32>
      %sub3A_978 = arith.subf %mul3A_633, %div3A_859 : vector<16xf32>
      %sub3A_979 = arith.subf %mul3A_641, %div3A_862 : vector<16xf32>
      %mul3A_980 = arith.mulf %div3A_973, %sub3A_978 : vector<16xf32>
      %mul3A_981 = arith.mulf %mul3A_980, %sub3A_978 : vector<16xf32>
      %mul3A_982 = arith.constant 2.000000e+00 : f32
      %mul3A_983 = vector.broadcast %mul3A_982 : f32 to vector<16xf32>
      %mul3A_984 = arith.mulf %mul3A_983, %div3A_976 : vector<16xf32>
      %mul3A_985 = arith.mulf %mul3A_984, %sub3A_978 : vector<16xf32>
      %mul3A_986 = arith.mulf %mul3A_985, %sub3A_979 : vector<16xf32>
      %add3A_987 = arith.addf %mul3A_981, %mul3A_986 : vector<16xf32>
      %mul3A_988 = arith.mulf %div3A_977, %sub3A_979 : vector<16xf32>
      %mul3A_989 = arith.mulf %mul3A_988, %sub3A_979 : vector<16xf32>
      %add3A_990 = arith.addf %add3A_987, %mul3A_989 : vector<16xf32>
      %mul3A_991 = arith.constant -5.000000e-01 : f32
      %mul3A_992 = vector.broadcast %mul3A_991 : f32 to vector<16xf32>
      %mul3A_993 = arith.mulf %mul3A_992, %add3A_990 : vector<16xf32>
      %exp3A = math.exp %mul3A_993 : vector<16xf32>
      %sub3A_994 = arith.subf %mul3A_633, %get3A_613 : vector<16xf32>
      %gt3A = arith.constant 1.000000e-10 : f32
      %gt3A_995 = vector.broadcast %gt3A : f32 to vector<16xf32>
      %gt3A_996 = arith.cmpf ogt, %sub3A_994, %gt3A_995 : vector<16xf32>
      %sub3A_997 = arith.subf %mul3A_641, %get3A_615 : vector<16xf32>
      %gt3A_998 = arith.constant 1.000000e-10 : f32
      %gt3A_999 = vector.broadcast %gt3A_998 : f32 to vector<16xf32>
      %gt3A_1000 = arith.cmpf ogt, %sub3A_997, %gt3A_999 : vector<16xf32>
      %and3A_1001 = arith.andi %gt3A_996, %gt3A_1000 : vector<16xi1>
      %sub3A_1002 = arith.subf %get3A_617, %mul3A_633 : vector<16xf32>
      %gt3A_1003 = arith.constant 1.000000e-10 : f32
      %gt3A_1004 = vector.broadcast %gt3A_1003 : f32 to vector<16xf32>
      %gt3A_1005 = arith.cmpf ogt, %sub3A_1002, %gt3A_1004 : vector<16xf32>
      %and3A_1006 = arith.andi %and3A_1001, %gt3A_1005 : vector<16xi1>
      %sub3A_1007 = arith.subf %get3A_619, %mul3A_641 : vector<16xf32>
      %gt3A_1008 = arith.constant 1.000000e-10 : f32
      %gt3A_1009 = vector.broadcast %gt3A_1008 : f32 to vector<16xf32>
      %gt3A_1010 = arith.cmpf ogt, %sub3A_1007, %gt3A_1009 : vector<16xf32>
      %and3A_1011 = arith.andi %and3A_1006, %gt3A_1010 : vector<16xi1>
      %and3A_1012 = arith.andi %and3A_1011, %lt3A_611 : vector<16xi1>
      %jit3A = arith.constant 0.000000e+00 : f32
      %broadcast_in_dim3A_1013 = vector.broadcast %jit3A : f32 to vector<16xf32>
      %select_n3A = arith.select %and3A_1012, %exp3A, %broadcast_in_dim3A_1013 : vector<16xi1>, vector<16xf32>
      %add3A_1014 = arith.constant 0 : i32
      %add3A_1015 = arith.addi %add3A_1014, %mul3A_123 : i32
      %get3A_1016 = arith.index_cast %add3A_1015 : i32 to index
      %get3A_1017 = tpu.vector_load %arg11[%get3A_1016] {strides = array<i32>} : memref<1008xi32, #tpu.memory_space<vmem>>, vector<16xi32>,
      %swap3A = arith.constant 0 : index
      %swap3A_1018 = tpu.vector_load %arg23[%swap3A] {strides = array<i32>} : memref<16xi32, #tpu.memory_space<vmem>>, vector<16xi32>,
      tpu.vector_store %arg23[%swap3A], %get3A_1017 {strides = array<i32>} : memref<16xi32, #tpu.memory_space<vmem>>, vector<16xi32>,
      %swap3A_1019 = arith.constant 0 : index
      %swap3A_1020 = tpu.vector_load %arg24[%swap3A_1019] {strides = array<i32>} : memref<16xf32, #tpu.memory_space<vmem>>, vector<16xf32>,
      tpu.vector_store %arg24[%swap3A_1019], %select_n3A {strides = array<i32>} : memref<16xf32, #tpu.memory_space<vmem>>, vector<16xf32>,
      %gather3A = tpu.vector_load_idx %arg23[%and3A_7] : memref<16xi32, #tpu.memory_space<vmem>>[vector<16xi32>], vector<16xi32>,
      %gather3A_1021 = tpu.vector_load_idx %arg24[%and3A_7] : memref<16xf32, #tpu.memory_space<vmem>>[vector<16xi32>], vector<16xf32>,
      %eq3A = arith.cmpi eq, %gather3A, %get3A_1017 : vector<16xi32>
      %max3A = arith.maximumf %select_n3A, %gather3A_1021 : vector<16xf32>
      %select_n3A_1022 = arith.select %eq3A, %max3A, %select_n3A : vector<16xi1>, vector<16xf32>
      %gather3A_1023 = tpu.vector_load_idx %arg23[%and3A_14] : memref<16xi32, #tpu.memory_space<vmem>>[vector<16xi32>], vector<16xi32>,
      %gather3A_1024 = tpu.vector_load_idx %arg24[%and3A_14] : memref<16xf32, #tpu.memory_space<vmem>>[vector<16xi32>], vector<16xf32>,
      %eq3A_1025 = arith.cmpi eq, %gather3A_1023, %get3A_1017 : vector<16xi32>
      %max3A_1026 = arith.maximumf %select_n3A_1022, %gather3A_1024 : vector<16xf32>
      %select_n3A_1027 = arith.select %eq3A_1025, %max3A_1026, %select_n3A_1022 : vector<16xi1>, vector<16xf32>
      %gather3A_1028 = tpu.vector_load_idx %arg23[%and3A_21] : memref<16xi32, #tpu.memory_space<vmem>>[vector<16xi32>], vector<16xi32>,
      %gather3A_1029 = tpu.vector_load_idx %arg24[%and3A_21] : memref<16xf32, #tpu.memory_space<vmem>>[vector<16xi32>], vector<16xf32>,
      %eq3A_1030 = arith.cmpi eq, %gather3A_1028, %get3A_1017 : vector<16xi32>
      %max3A_1031 = arith.maximumf %select_n3A_1027, %gather3A_1029 : vector<16xf32>
      %select_n3A_1032 = arith.select %eq3A_1030, %max3A_1031, %select_n3A_1027 : vector<16xi1>, vector<16xf32>
      %gather3A_1033 = tpu.vector_load_idx %arg23[%and3A_28] : memref<16xi32, #tpu.memory_space<vmem>>[vector<16xi32>], vector<16xi32>,
      %gather3A_1034 = tpu.vector_load_idx %arg24[%and3A_28] : memref<16xf32, #tpu.memory_space<vmem>>[vector<16xi32>], vector<16xf32>,
      %eq3A_1035 = arith.cmpi eq, %gather3A_1033, %get3A_1017 : vector<16xi32>
      %max3A_1036 = arith.maximumf %select_n3A_1032, %gather3A_1034 : vector<16xf32>
      %select_n3A_1037 = arith.select %eq3A_1035, %max3A_1036, %select_n3A_1032 : vector<16xi1>, vector<16xf32>
      %gather3A_1038 = tpu.vector_load_idx %arg23[%and3A_35] : memref<16xi32, #tpu.memory_space<vmem>>[vector<16xi32>], vector<16xi32>,
      %gather3A_1039 = tpu.vector_load_idx %arg24[%and3A_35] : memref<16xf32, #tpu.memory_space<vmem>>[vector<16xi32>], vector<16xf32>,
      %eq3A_1040 = arith.cmpi eq, %gather3A_1038, %get3A_1017 : vector<16xi32>
      %max3A_1041 = arith.maximumf %select_n3A_1037, %gather3A_1039 : vector<16xf32>
      %select_n3A_1042 = arith.select %eq3A_1040, %max3A_1041, %select_n3A_1037 : vector<16xi1>, vector<16xf32>
      %gather3A_1043 = tpu.vector_load_idx %arg23[%and3A_42] : memref<16xi32, #tpu.memory_space<vmem>>[vector<16xi32>], vector<16xi32>,
      %gather3A_1044 = tpu.vector_load_idx %arg24[%and3A_42] : memref<16xf32, #tpu.memory_space<vmem>>[vector<16xi32>], vector<16xf32>,
      %eq3A_1045 = arith.cmpi eq, %gather3A_1043, %get3A_1017 : vector<16xi32>
      %max3A_1046 = arith.maximumf %select_n3A_1042, %gather3A_1044 : vector<16xf32>
      %select_n3A_1047 = arith.select %eq3A_1045, %max3A_1046, %select_n3A_1042 : vector<16xi1>, vector<16xf32>
      %gather3A_1048 = tpu.vector_load_idx %arg23[%and3A_49] : memref<16xi32, #tpu.memory_space<vmem>>[vector<16xi32>], vector<16xi32>,
      %gather3A_1049 = tpu.vector_load_idx %arg24[%and3A_49] : memref<16xf32, #tpu.memory_space<vmem>>[vector<16xi32>], vector<16xf32>,
      %eq3A_1050 = arith.cmpi eq, %gather3A_1048, %get3A_1017 : vector<16xi32>
      %max3A_1051 = arith.maximumf %select_n3A_1047, %gather3A_1049 : vector<16xf32>
      %select_n3A_1052 = arith.select %eq3A_1050, %max3A_1051, %select_n3A_1047 : vector<16xi1>, vector<16xf32>
      %gather3A_1053 = tpu.vector_load_idx %arg23[%and3A_56] : memref<16xi32, #tpu.memory_space<vmem>>[vector<16xi32>], vector<16xi32>,
      %gather3A_1054 = tpu.vector_load_idx %arg24[%and3A_56] : memref<16xf32, #tpu.memory_space<vmem>>[vector<16xi32>], vector<16xf32>,
      %eq3A_1055 = arith.cmpi eq, %gather3A_1053, %get3A_1017 : vector<16xi32>
      %max3A_1056 = arith.maximumf %select_n3A_1052, %gather3A_1054 : vector<16xf32>
      %select_n3A_1057 = arith.select %eq3A_1055, %max3A_1056, %select_n3A_1052 : vector<16xi1>, vector<16xf32>
      %gather3A_1058 = tpu.vector_load_idx %arg23[%and3A_63] : memref<16xi32, #tpu.memory_space<vmem>>[vector<16xi32>], vector<16xi32>,
      %gather3A_1059 = tpu.vector_load_idx %arg24[%and3A_63] : memref<16xf32, #tpu.memory_space<vmem>>[vector<16xi32>], vector<16xf32>,
      %eq3A_1060 = arith.cmpi eq, %gather3A_1058, %get3A_1017 : vector<16xi32>
      %max3A_1061 = arith.maximumf %select_n3A_1057, %gather3A_1059 : vector<16xf32>
      %select_n3A_1062 = arith.select %eq3A_1060, %max3A_1061, %select_n3A_1057 : vector<16xi1>, vector<16xf32>
      %gather3A_1063 = tpu.vector_load_idx %arg23[%and3A_70] : memref<16xi32, #tpu.memory_space<vmem>>[vector<16xi32>], vector<16xi32>,
      %gather3A_1064 = tpu.vector_load_idx %arg24[%and3A_70] : memref<16xf32, #tpu.memory_space<vmem>>[vector<16xi32>], vector<16xf32>,
      %eq3A_1065 = arith.cmpi eq, %gather3A_1063, %get3A_1017 : vector<16xi32>
      %max3A_1066 = arith.maximumf %select_n3A_1062, %gather3A_1064 : vector<16xf32>
      %select_n3A_1067 = arith.select %eq3A_1065, %max3A_1066, %select_n3A_1062 : vector<16xi1>, vector<16xf32>
      %gather3A_1068 = tpu.vector_load_idx %arg23[%and3A_77] : memref<16xi32, #tpu.memory_space<vmem>>[vector<16xi32>], vector<16xi32>,
      %gather3A_1069 = tpu.vector_load_idx %arg24[%and3A_77] : memref<16xf32, #tpu.memory_space<vmem>>[vector<16xi32>], vector<16xf32>,
      %eq3A_1070 = arith.cmpi eq, %gather3A_1068, %get3A_1017 : vector<16xi32>
      %max3A_1071 = arith.maximumf %select_n3A_1067, %gather3A_1069 : vector<16xf32>
      %select_n3A_1072 = arith.select %eq3A_1070, %max3A_1071, %select_n3A_1067 : vector<16xi1>, vector<16xf32>
      %gather3A_1073 = tpu.vector_load_idx %arg23[%and3A_84] : memref<16xi32, #tpu.memory_space<vmem>>[vector<16xi32>], vector<16xi32>,
      %gather3A_1074 = tpu.vector_load_idx %arg24[%and3A_84] : memref<16xf32, #tpu.memory_space<vmem>>[vector<16xi32>], vector<16xf32>,
      %eq3A_1075 = arith.cmpi eq, %gather3A_1073, %get3A_1017 : vector<16xi32>
      %max3A_1076 = arith.maximumf %select_n3A_1072, %gather3A_1074 : vector<16xf32>
      %select_n3A_1077 = arith.select %eq3A_1075, %max3A_1076, %select_n3A_1072 : vector<16xi1>, vector<16xf32>
      %gather3A_1078 = tpu.vector_load_idx %arg23[%and3A_91] : memref<16xi32, #tpu.memory_space<vmem>>[vector<16xi32>], vector<16xi32>,
      %gather3A_1079 = tpu.vector_load_idx %arg24[%and3A_91] : memref<16xf32, #tpu.memory_space<vmem>>[vector<16xi32>], vector<16xf32>,
      %eq3A_1080 = arith.cmpi eq, %gather3A_1078, %get3A_1017 : vector<16xi32>
      %max3A_1081 = arith.maximumf %select_n3A_1077, %gather3A_1079 : vector<16xf32>
      %select_n3A_1082 = arith.select %eq3A_1080, %max3A_1081, %select_n3A_1077 : vector<16xi1>, vector<16xf32>
      %gather3A_1083 = tpu.vector_load_idx %arg23[%and3A_98] : memref<16xi32, #tpu.memory_space<vmem>>[vector<16xi32>], vector<16xi32>,
      %gather3A_1084 = tpu.vector_load_idx %arg24[%and3A_98] : memref<16xf32, #tpu.memory_space<vmem>>[vector<16xi32>], vector<16xf32>,
      %eq3A_1085 = arith.cmpi eq, %gather3A_1083, %get3A_1017 : vector<16xi32>
      %max3A_1086 = arith.maximumf %select_n3A_1082, %gather3A_1084 : vector<16xf32>
      %select_n3A_1087 = arith.select %eq3A_1085, %max3A_1086, %select_n3A_1082 : vector<16xi1>, vector<16xf32>
      %gather3A_1088 = tpu.vector_load_idx %arg23[%and3A_105] : memref<16xi32, #tpu.memory_space<vmem>>[vector<16xi32>], vector<16xi32>,
      %gather3A_1089 = tpu.vector_load_idx %arg24[%and3A_105] : memref<16xf32, #tpu.memory_space<vmem>>[vector<16xi32>], vector<16xf32>,
      %eq3A_1090 = arith.cmpi eq, %gather3A_1088, %get3A_1017 : vector<16xi32>
      %max3A_1091 = arith.maximumf %select_n3A_1087, %gather3A_1089 : vector<16xf32>
      %select_n3A_1092 = arith.select %eq3A_1090, %max3A_1091, %select_n3A_1087 : vector<16xi1>, vector<16xf32>
      %add3A_1093 = arith.constant 0 : i32
      %add3A_1094 = arith.addi %add3A_1093, %mul3A_123 : i32
      %swap3A_1095 = arith.index_cast %add3A_1094 : i32 to index
      %swap3A_1096 = tpu.vector_load %arg22[%swap3A_1095] {strides = array<i32>} : memref<1008xf32, #tpu.memory_space<vmem>>, vector<16xf32>,
      tpu.vector_store %arg22[%swap3A_1095], %select_n3A_1092 {strides = array<i32>} : memref<1008xf32, #tpu.memory_space<vmem>>, vector<16xf32>,
      %add3A_1097 = arith.constant 0 : i32
      %add3A_1098 = arith.addi %add3A_1097, %mul3A_123 : i32
      %add3A_1099 = arith.constant 0 : i32
      %add3A_1100 = arith.addi %add3A_1099, %mul3A_123 : i32
      "tpu.region"() ({
        %run_scoped3A = tpu.sem_alloc : memref<!tpu.dma_semaphore, #tpu.memory_space<semaphore_mem>>
        %dma_start3A_2149 = tpu.memref_slice %arg22[%add3A_1098] : memref<1008xf32, #tpu.memory_space<vmem>> -> memref<16xf32, #tpu.memory_space<vmem>>
        %dma_start3A_2150 = tpu.memref_slice %arg26[%add3A_1100] : memref<1008xf32, #tpu.memory_space<vmem_shared>> -> memref<16xf32, #tpu.memory_space<vmem_shared>>
        %dma_start3A_2151 = tpu.memref_slice %arg26[%add3A_1100] : memref<1008xf32, #tpu.memory_space<vmem_shared>> -> memref<16xf32, #tpu.memory_space<vmem_shared>>
        %dma_start3A_2152 = tpu.memref_slice %arg22[%add3A_1098] : memref<1008xf32, #tpu.memory_space<vmem>> -> memref<16xf32, #tpu.memory_space<vmem>>
        tpu.enqueue_dma source(%dma_start3A_2152 : memref<16xf32, #tpu.memory_space<vmem>>) target(%dma_start3A_2151 : memref<16xf32, #tpu.memory_space<vmem_shared>>) target_semaphore(%run_scoped3A : memref<!tpu.dma_semaphore, #tpu.memory_space<semaphore_mem>>)
        %dma_wait3A_2153 = tpu.memref_slice %arg22[%add3A_1098] : memref<1008xf32, #tpu.memory_space<vmem>> -> memref<16xf32, #tpu.memory_space<vmem>>
        %dma_wait3A_2154 = tpu.memref_slice %arg26[%add3A_1100] : memref<1008xf32, #tpu.memory_space<vmem_shared>> -> memref<16xf32, #tpu.memory_space<vmem_shared>>
        %dma_wait3A_2155 = tpu.memref_slice %arg26[%add3A_1100] : memref<1008xf32, #tpu.memory_space<vmem_shared>> -> memref<16xf32, #tpu.memory_space<vmem_shared>>
        %dma_wait3A_2156 = tpu.memref_slice %arg22[%add3A_1098] : memref<1008xf32, #tpu.memory_space<vmem>> -> memref<16xf32, #tpu.memory_space<vmem>>
        tpu.wait_dma2 semaphore(%run_scoped3A : memref<!tpu.dma_semaphore, #tpu.memory_space<semaphore_mem>>) src(%dma_wait3A_2156 : memref<16xf32, #tpu.memory_space<vmem>>) dst(%dma_wait3A_2155 : memref<16xf32, #tpu.memory_space<vmem_shared>>)
        tpu.yield
      }) : () -> ()
      %sub3A_1101 = arith.subf %mul3A_659, %div3A_859 : vector<16xf32>
      %sub3A_1102 = arith.subf %mul3A_667, %div3A_862 : vector<16xf32>
      %mul3A_1103 = arith.mulf %div3A_973, %sub3A_1101 : vector<16xf32>
      %mul3A_1104 = arith.mulf %mul3A_1103, %sub3A_1101 : vector<16xf32>
      %mul3A_1105 = arith.constant 2.000000e+00 : f32
      %mul3A_1106 = vector.broadcast %mul3A_1105 : f32 to vector<16xf32>
      %mul3A_1107 = arith.mulf %mul3A_1106, %div3A_976 : vector<16xf32>
      %mul3A_1108 = arith.mulf %mul3A_1107, %sub3A_1101 : vector<16xf32>
      %mul3A_1109 = arith.mulf %mul3A_1108, %sub3A_1102 : vector<16xf32>
      %add3A_1110 = arith.addf %mul3A_1104, %mul3A_1109 : vector<16xf32>
      %mul3A_1111 = arith.mulf %div3A_977, %sub3A_1102 : vector<16xf32>
      %mul3A_1112 = arith.mulf %mul3A_1111, %sub3A_1102 : vector<16xf32>
      %add3A_1113 = arith.addf %add3A_1110, %mul3A_1112 : vector<16xf32>
      %mul3A_1114 = arith.constant -5.000000e-01 : f32
      %mul3A_1115 = vector.broadcast %mul3A_1114 : f32 to vector<16xf32>
      %mul3A_1116 = arith.mulf %mul3A_1115, %add3A_1113 : vector<16xf32>
      %exp3A_1117 = math.exp %mul3A_1116 : vector<16xf32>
      %sub3A_1118 = arith.subf %mul3A_659, %get3A_613 : vector<16xf32>
      %gt3A_1119 = arith.constant 1.000000e-10 : f32
      %gt3A_1120 = vector.broadcast %gt3A_1119 : f32 to vector<16xf32>
      %gt3A_1121 = arith.cmpf ogt, %sub3A_1118, %gt3A_1120 : vector<16xf32>
      %sub3A_1122 = arith.subf %mul3A_667, %get3A_615 : vector<16xf32>
      %gt3A_1123 = arith.constant 1.000000e-10 : f32
      %gt3A_1124 = vector.broadcast %gt3A_1123 : f32 to vector<16xf32>
      %gt3A_1125 = arith.cmpf ogt, %sub3A_1122, %gt3A_1124 : vector<16xf32>
      %and3A_1126 = arith.andi %gt3A_1121, %gt3A_1125 : vector<16xi1>
      %sub3A_1127 = arith.subf %get3A_617, %mul3A_659 : vector<16xf32>
      %gt3A_1128 = arith.constant 1.000000e-10 : f32
      %gt3A_1129 = vector.broadcast %gt3A_1128 : f32 to vector<16xf32>
      %gt3A_1130 = arith.cmpf ogt, %sub3A_1127, %gt3A_1129 : vector<16xf32>
      %and3A_1131 = arith.andi %and3A_1126, %gt3A_1130 : vector<16xi1>
      %sub3A_1132 = arith.subf %get3A_619, %mul3A_667 : vector<16xf32>
      %gt3A_1133 = arith.constant 1.000000e-10 : f32
      %gt3A_1134 = vector.broadcast %gt3A_1133 : f32 to vector<16xf32>
      %gt3A_1135 = arith.cmpf ogt, %sub3A_1132, %gt3A_1134 : vector<16xf32>
      %and3A_1136 = arith.andi %and3A_1131, %gt3A_1135 : vector<16xi1>
      %and3A_1137 = arith.andi %and3A_1136, %lt3A_611 : vector<16xi1>
      %jit3A_1138 = arith.constant 0.000000e+00 : f32
      %broadcast_in_dim3A_1139 = vector.broadcast %jit3A_1138 : f32 to vector<16xf32>
      %select_n3A_1140 = arith.select %and3A_1137, %exp3A_1117, %broadcast_in_dim3A_1139 : vector<16xi1>, vector<16xf32>
      %add3A_1141 = arith.constant 112 : i32
      %add3A_1142 = arith.addi %add3A_1141, %mul3A_123 : i32
      %get3A_1143 = arith.index_cast %add3A_1142 : i32 to index
      %get3A_1144 = tpu.vector_load %arg11[%get3A_1143] {strides = array<i32>} : memref<1008xi32, #tpu.memory_space<vmem>>, vector<16xi32>,
      %swap3A_1145 = arith.constant 0 : index
      %swap3A_1146 = tpu.vector_load %arg23[%swap3A_1145] {strides = array<i32>} : memref<16xi32, #tpu.memory_space<vmem>>, vector<16xi32>,
      tpu.vector_store %arg23[%swap3A_1145], %get3A_1144 {strides = array<i32>} : memref<16xi32, #tpu.memory_space<vmem>>, vector<16xi32>,
      %swap3A_1147 = arith.constant 0 : index
      %swap3A_1148 = tpu.vector_load %arg24[%swap3A_1147] {strides = array<i32>} : memref<16xf32, #tpu.memory_space<vmem>>, vector<16xf32>,
      tpu.vector_store %arg24[%swap3A_1147], %select_n3A_1140 {strides = array<i32>} : memref<16xf32, #tpu.memory_space<vmem>>, vector<16xf32>,
      %gather3A_1149 = tpu.vector_load_idx %arg23[%and3A_7] : memref<16xi32, #tpu.memory_space<vmem>>[vector<16xi32>], vector<16xi32>,
      %gather3A_1150 = tpu.vector_load_idx %arg24[%and3A_7] : memref<16xf32, #tpu.memory_space<vmem>>[vector<16xi32>], vector<16xf32>,
      %eq3A_1151 = arith.cmpi eq, %gather3A_1149, %get3A_1144 : vector<16xi32>
      %max3A_1152 = arith.maximumf %select_n3A_1140, %gather3A_1150 : vector<16xf32>
      %select_n3A_1153 = arith.select %eq3A_1151, %max3A_1152, %select_n3A_1140 : vector<16xi1>, vector<16xf32>
      %gather3A_1154 = tpu.vector_load_idx %arg23[%and3A_14] : memref<16xi32, #tpu.memory_space<vmem>>[vector<16xi32>], vector<16xi32>,
      %gather3A_1155 = tpu.vector_load_idx %arg24[%and3A_14] : memref<16xf32, #tpu.memory_space<vmem>>[vector<16xi32>], vector<16xf32>,
      %eq3A_1156 = arith.cmpi eq, %gather3A_1154, %get3A_1144 : vector<16xi32>
      %max3A_1157 = arith.maximumf %select_n3A_1153, %gather3A_1155 : vector<16xf32>
      %select_n3A_1158 = arith.select %eq3A_1156, %max3A_1157, %select_n3A_1153 : vector<16xi1>, vector<16xf32>
      %gather3A_1159 = tpu.vector_load_idx %arg23[%and3A_21] : memref<16xi32, #tpu.memory_space<vmem>>[vector<16xi32>], vector<16xi32>,
      %gather3A_1160 = tpu.vector_load_idx %arg24[%and3A_21] : memref<16xf32, #tpu.memory_space<vmem>>[vector<16xi32>], vector<16xf32>,
      %eq3A_1161 = arith.cmpi eq, %gather3A_1159, %get3A_1144 : vector<16xi32>
      %max3A_1162 = arith.maximumf %select_n3A_1158, %gather3A_1160 : vector<16xf32>
      %select_n3A_1163 = arith.select %eq3A_1161, %max3A_1162, %select_n3A_1158 : vector<16xi1>, vector<16xf32>
      %gather3A_1164 = tpu.vector_load_idx %arg23[%and3A_28] : memref<16xi32, #tpu.memory_space<vmem>>[vector<16xi32>], vector<16xi32>,
      %gather3A_1165 = tpu.vector_load_idx %arg24[%and3A_28] : memref<16xf32, #tpu.memory_space<vmem>>[vector<16xi32>], vector<16xf32>,
      %eq3A_1166 = arith.cmpi eq, %gather3A_1164, %get3A_1144 : vector<16xi32>
      %max3A_1167 = arith.maximumf %select_n3A_1163, %gather3A_1165 : vector<16xf32>
      %select_n3A_1168 = arith.select %eq3A_1166, %max3A_1167, %select_n3A_1163 : vector<16xi1>, vector<16xf32>
      %gather3A_1169 = tpu.vector_load_idx %arg23[%and3A_35] : memref<16xi32, #tpu.memory_space<vmem>>[vector<16xi32>], vector<16xi32>,
      %gather3A_1170 = tpu.vector_load_idx %arg24[%and3A_35] : memref<16xf32, #tpu.memory_space<vmem>>[vector<16xi32>], vector<16xf32>,
      %eq3A_1171 = arith.cmpi eq, %gather3A_1169, %get3A_1144 : vector<16xi32>
      %max3A_1172 = arith.maximumf %select_n3A_1168, %gather3A_1170 : vector<16xf32>
      %select_n3A_1173 = arith.select %eq3A_1171, %max3A_1172, %select_n3A_1168 : vector<16xi1>, vector<16xf32>
      %gather3A_1174 = tpu.vector_load_idx %arg23[%and3A_42] : memref<16xi32, #tpu.memory_space<vmem>>[vector<16xi32>], vector<16xi32>,
      %gather3A_1175 = tpu.vector_load_idx %arg24[%and3A_42] : memref<16xf32, #tpu.memory_space<vmem>>[vector<16xi32>], vector<16xf32>,
      %eq3A_1176 = arith.cmpi eq, %gather3A_1174, %get3A_1144 : vector<16xi32>
      %max3A_1177 = arith.maximumf %select_n3A_1173, %gather3A_1175 : vector<16xf32>
      %select_n3A_1178 = arith.select %eq3A_1176, %max3A_1177, %select_n3A_1173 : vector<16xi1>, vector<16xf32>
      %gather3A_1179 = tpu.vector_load_idx %arg23[%and3A_49] : memref<16xi32, #tpu.memory_space<vmem>>[vector<16xi32>], vector<16xi32>,
      %gather3A_1180 = tpu.vector_load_idx %arg24[%and3A_49] : memref<16xf32, #tpu.memory_space<vmem>>[vector<16xi32>], vector<16xf32>,
      %eq3A_1181 = arith.cmpi eq, %gather3A_1179, %get3A_1144 : vector<16xi32>
      %max3A_1182 = arith.maximumf %select_n3A_1178, %gather3A_1180 : vector<16xf32>
      %select_n3A_1183 = arith.select %eq3A_1181, %max3A_1182, %select_n3A_1178 : vector<16xi1>, vector<16xf32>
      %gather3A_1184 = tpu.vector_load_idx %arg23[%and3A_56] : memref<16xi32, #tpu.memory_space<vmem>>[vector<16xi32>], vector<16xi32>,
      %gather3A_1185 = tpu.vector_load_idx %arg24[%and3A_56] : memref<16xf32, #tpu.memory_space<vmem>>[vector<16xi32>], vector<16xf32>,
      %eq3A_1186 = arith.cmpi eq, %gather3A_1184, %get3A_1144 : vector<16xi32>
      %max3A_1187 = arith.maximumf %select_n3A_1183, %gather3A_1185 : vector<16xf32>
      %select_n3A_1188 = arith.select %eq3A_1186, %max3A_1187, %select_n3A_1183 : vector<16xi1>, vector<16xf32>
      %gather3A_1189 = tpu.vector_load_idx %arg23[%and3A_63] : memref<16xi32, #tpu.memory_space<vmem>>[vector<16xi32>], vector<16xi32>,
      %gather3A_1190 = tpu.vector_load_idx %arg24[%and3A_63] : memref<16xf32, #tpu.memory_space<vmem>>[vector<16xi32>], vector<16xf32>,
      %eq3A_1191 = arith.cmpi eq, %gather3A_1189, %get3A_1144 : vector<16xi32>
      %max3A_1192 = arith.maximumf %select_n3A_1188, %gather3A_1190 : vector<16xf32>
      %select_n3A_1193 = arith.select %eq3A_1191, %max3A_1192, %select_n3A_1188 : vector<16xi1>, vector<16xf32>
      %gather3A_1194 = tpu.vector_load_idx %arg23[%and3A_70] : memref<16xi32, #tpu.memory_space<vmem>>[vector<16xi32>], vector<16xi32>,
      %gather3A_1195 = tpu.vector_load_idx %arg24[%and3A_70] : memref<16xf32, #tpu.memory_space<vmem>>[vector<16xi32>], vector<16xf32>,
      %eq3A_1196 = arith.cmpi eq, %gather3A_1194, %get3A_1144 : vector<16xi32>
      %max3A_1197 = arith.maximumf %select_n3A_1193, %gather3A_1195 : vector<16xf32>
      %select_n3A_1198 = arith.select %eq3A_1196, %max3A_1197, %select_n3A_1193 : vector<16xi1>, vector<16xf32>
      %gather3A_1199 = tpu.vector_load_idx %arg23[%and3A_77] : memref<16xi32, #tpu.memory_space<vmem>>[vector<16xi32>], vector<16xi32>,
      %gather3A_1200 = tpu.vector_load_idx %arg24[%and3A_77] : memref<16xf32, #tpu.memory_space<vmem>>[vector<16xi32>], vector<16xf32>,
      %eq3A_1201 = arith.cmpi eq, %gather3A_1199, %get3A_1144 : vector<16xi32>
      %max3A_1202 = arith.maximumf %select_n3A_1198, %gather3A_1200 : vector<16xf32>
      %select_n3A_1203 = arith.select %eq3A_1201, %max3A_1202, %select_n3A_1198 : vector<16xi1>, vector<16xf32>
      %gather3A_1204 = tpu.vector_load_idx %arg23[%and3A_84] : memref<16xi32, #tpu.memory_space<vmem>>[vector<16xi32>], vector<16xi32>,
      %gather3A_1205 = tpu.vector_load_idx %arg24[%and3A_84] : memref<16xf32, #tpu.memory_space<vmem>>[vector<16xi32>], vector<16xf32>,
      %eq3A_1206 = arith.cmpi eq, %gather3A_1204, %get3A_1144 : vector<16xi32>
      %max3A_1207 = arith.maximumf %select_n3A_1203, %gather3A_1205 : vector<16xf32>
      %select_n3A_1208 = arith.select %eq3A_1206, %max3A_1207, %select_n3A_1203 : vector<16xi1>, vector<16xf32>
      %gather3A_1209 = tpu.vector_load_idx %arg23[%and3A_91] : memref<16xi32, #tpu.memory_space<vmem>>[vector<16xi32>], vector<16xi32>,
      %gather3A_1210 = tpu.vector_load_idx %arg24[%and3A_91] : memref<16xf32, #tpu.memory_space<vmem>>[vector<16xi32>], vector<16xf32>,
      %eq3A_1211 = arith.cmpi eq, %gather3A_1209, %get3A_1144 : vector<16xi32>
      %max3A_1212 = arith.maximumf %select_n3A_1208, %gather3A_1210 : vector<16xf32>
      %select_n3A_1213 = arith.select %eq3A_1211, %max3A_1212, %select_n3A_1208 : vector<16xi1>, vector<16xf32>
      %gather3A_1214 = tpu.vector_load_idx %arg23[%and3A_98] : memref<16xi32, #tpu.memory_space<vmem>>[vector<16xi32>], vector<16xi32>,
      %gather3A_1215 = tpu.vector_load_idx %arg24[%and3A_98] : memref<16xf32, #tpu.memory_space<vmem>>[vector<16xi32>], vector<16xf32>,
      %eq3A_1216 = arith.cmpi eq, %gather3A_1214, %get3A_1144 : vector<16xi32>
      %max3A_1217 = arith.maximumf %select_n3A_1213, %gather3A_1215 : vector<16xf32>
      %select_n3A_1218 = arith.select %eq3A_1216, %max3A_1217, %select_n3A_1213 : vector<16xi1>, vector<16xf32>
      %gather3A_1219 = tpu.vector_load_idx %arg23[%and3A_105] : memref<16xi32, #tpu.memory_space<vmem>>[vector<16xi32>], vector<16xi32>,
      %gather3A_1220 = tpu.vector_load_idx %arg24[%and3A_105] : memref<16xf32, #tpu.memory_space<vmem>>[vector<16xi32>], vector<16xf32>,
      %eq3A_1221 = arith.cmpi eq, %gather3A_1219, %get3A_1144 : vector<16xi32>
      %max3A_1222 = arith.maximumf %select_n3A_1218, %gather3A_1220 : vector<16xf32>
      %select_n3A_1223 = arith.select %eq3A_1221, %max3A_1222, %select_n3A_1218 : vector<16xi1>, vector<16xf32>
      %add3A_1224 = arith.constant 112 : i32
      %add3A_1225 = arith.addi %add3A_1224, %mul3A_123 : i32
      %swap3A_1226 = arith.index_cast %add3A_1225 : i32 to index
      %swap3A_1227 = tpu.vector_load %arg22[%swap3A_1226] {strides = array<i32>} : memref<1008xf32, #tpu.memory_space<vmem>>, vector<16xf32>,
      tpu.vector_store %arg22[%swap3A_1226], %select_n3A_1223 {strides = array<i32>} : memref<1008xf32, #tpu.memory_space<vmem>>, vector<16xf32>,
      %add3A_1228 = arith.constant 112 : i32
      %add3A_1229 = arith.addi %add3A_1228, %mul3A_123 : i32
      %add3A_1230 = arith.constant 112 : i32
      %add3A_1231 = arith.addi %add3A_1230, %mul3A_123 : i32
      "tpu.region"() ({
        %run_scoped3A = tpu.sem_alloc : memref<!tpu.dma_semaphore, #tpu.memory_space<semaphore_mem>>
        %dma_start3A_2149 = tpu.memref_slice %arg22[%add3A_1229] : memref<1008xf32, #tpu.memory_space<vmem>> -> memref<16xf32, #tpu.memory_space<vmem>>
        %dma_start3A_2150 = tpu.memref_slice %arg26[%add3A_1231] : memref<1008xf32, #tpu.memory_space<vmem_shared>> -> memref<16xf32, #tpu.memory_space<vmem_shared>>
        %dma_start3A_2151 = tpu.memref_slice %arg26[%add3A_1231] : memref<1008xf32, #tpu.memory_space<vmem_shared>> -> memref<16xf32, #tpu.memory_space<vmem_shared>>
        %dma_start3A_2152 = tpu.memref_slice %arg22[%add3A_1229] : memref<1008xf32, #tpu.memory_space<vmem>> -> memref<16xf32, #tpu.memory_space<vmem>>
        tpu.enqueue_dma source(%dma_start3A_2152 : memref<16xf32, #tpu.memory_space<vmem>>) target(%dma_start3A_2151 : memref<16xf32, #tpu.memory_space<vmem_shared>>) target_semaphore(%run_scoped3A : memref<!tpu.dma_semaphore, #tpu.memory_space<semaphore_mem>>)
        %dma_wait3A_2153 = tpu.memref_slice %arg22[%add3A_1229] : memref<1008xf32, #tpu.memory_space<vmem>> -> memref<16xf32, #tpu.memory_space<vmem>>
        %dma_wait3A_2154 = tpu.memref_slice %arg26[%add3A_1231] : memref<1008xf32, #tpu.memory_space<vmem_shared>> -> memref<16xf32, #tpu.memory_space<vmem_shared>>
        %dma_wait3A_2155 = tpu.memref_slice %arg26[%add3A_1231] : memref<1008xf32, #tpu.memory_space<vmem_shared>> -> memref<16xf32, #tpu.memory_space<vmem_shared>>
        %dma_wait3A_2156 = tpu.memref_slice %arg22[%add3A_1229] : memref<1008xf32, #tpu.memory_space<vmem>> -> memref<16xf32, #tpu.memory_space<vmem>>
        tpu.wait_dma2 semaphore(%run_scoped3A : memref<!tpu.dma_semaphore, #tpu.memory_space<semaphore_mem>>) src(%dma_wait3A_2156 : memref<16xf32, #tpu.memory_space<vmem>>) dst(%dma_wait3A_2155 : memref<16xf32, #tpu.memory_space<vmem_shared>>)
        tpu.yield
      }) : () -> ()
      %sub3A_1232 = arith.subf %mul3A_685, %div3A_859 : vector<16xf32>
      %sub3A_1233 = arith.subf %mul3A_693, %div3A_862 : vector<16xf32>
      %mul3A_1234 = arith.mulf %div3A_973, %sub3A_1232 : vector<16xf32>
      %mul3A_1235 = arith.mulf %mul3A_1234, %sub3A_1232 : vector<16xf32>
      %mul3A_1236 = arith.constant 2.000000e+00 : f32
      %mul3A_1237 = vector.broadcast %mul3A_1236 : f32 to vector<16xf32>
      %mul3A_1238 = arith.mulf %mul3A_1237, %div3A_976 : vector<16xf32>
      %mul3A_1239 = arith.mulf %mul3A_1238, %sub3A_1232 : vector<16xf32>
      %mul3A_1240 = arith.mulf %mul3A_1239, %sub3A_1233 : vector<16xf32>
      %add3A_1241 = arith.addf %mul3A_1235, %mul3A_1240 : vector<16xf32>
      %mul3A_1242 = arith.mulf %div3A_977, %sub3A_1233 : vector<16xf32>
      %mul3A_1243 = arith.mulf %mul3A_1242, %sub3A_1233 : vector<16xf32>
      %add3A_1244 = arith.addf %add3A_1241, %mul3A_1243 : vector<16xf32>
      %mul3A_1245 = arith.constant -5.000000e-01 : f32
      %mul3A_1246 = vector.broadcast %mul3A_1245 : f32 to vector<16xf32>
      %mul3A_1247 = arith.mulf %mul3A_1246, %add3A_1244 : vector<16xf32>
      %exp3A_1248 = math.exp %mul3A_1247 : vector<16xf32>
      %sub3A_1249 = arith.subf %mul3A_685, %get3A_613 : vector<16xf32>
      %gt3A_1250 = arith.constant 1.000000e-10 : f32
      %gt3A_1251 = vector.broadcast %gt3A_1250 : f32 to vector<16xf32>
      %gt3A_1252 = arith.cmpf ogt, %sub3A_1249, %gt3A_1251 : vector<16xf32>
      %sub3A_1253 = arith.subf %mul3A_693, %get3A_615 : vector<16xf32>
      %gt3A_1254 = arith.constant 1.000000e-10 : f32
      %gt3A_1255 = vector.broadcast %gt3A_1254 : f32 to vector<16xf32>
      %gt3A_1256 = arith.cmpf ogt, %sub3A_1253, %gt3A_1255 : vector<16xf32>
      %and3A_1257 = arith.andi %gt3A_1252, %gt3A_1256 : vector<16xi1>
      %sub3A_1258 = arith.subf %get3A_617, %mul3A_685 : vector<16xf32>
      %gt3A_1259 = arith.constant 1.000000e-10 : f32
      %gt3A_1260 = vector.broadcast %gt3A_1259 : f32 to vector<16xf32>
      %gt3A_1261 = arith.cmpf ogt, %sub3A_1258, %gt3A_1260 : vector<16xf32>
      %and3A_1262 = arith.andi %and3A_1257, %gt3A_1261 : vector<16xi1>
      %sub3A_1263 = arith.subf %get3A_619, %mul3A_693 : vector<16xf32>
      %gt3A_1264 = arith.constant 1.000000e-10 : f32
      %gt3A_1265 = vector.broadcast %gt3A_1264 : f32 to vector<16xf32>
      %gt3A_1266 = arith.cmpf ogt, %sub3A_1263, %gt3A_1265 : vector<16xf32>
      %and3A_1267 = arith.andi %and3A_1262, %gt3A_1266 : vector<16xi1>
      %and3A_1268 = arith.andi %and3A_1267, %lt3A_611 : vector<16xi1>
      %jit3A_1269 = arith.constant 0.000000e+00 : f32
      %broadcast_in_dim3A_1270 = vector.broadcast %jit3A_1269 : f32 to vector<16xf32>
      %select_n3A_1271 = arith.select %and3A_1268, %exp3A_1248, %broadcast_in_dim3A_1270 : vector<16xi1>, vector<16xf32>
      %add3A_1272 = arith.constant 224 : i32
      %add3A_1273 = arith.addi %add3A_1272, %mul3A_123 : i32
      %get3A_1274 = arith.index_cast %add3A_1273 : i32 to index
      %get3A_1275 = tpu.vector_load %arg11[%get3A_1274] {strides = array<i32>} : memref<1008xi32, #tpu.memory_space<vmem>>, vector<16xi32>,
      %swap3A_1276 = arith.constant 0 : index
      %swap3A_1277 = tpu.vector_load %arg23[%swap3A_1276] {strides = array<i32>} : memref<16xi32, #tpu.memory_space<vmem>>, vector<16xi32>,
      tpu.vector_store %arg23[%swap3A_1276], %get3A_1275 {strides = array<i32>} : memref<16xi32, #tpu.memory_space<vmem>>, vector<16xi32>,
      %swap3A_1278 = arith.constant 0 : index
      %swap3A_1279 = tpu.vector_load %arg24[%swap3A_1278] {strides = array<i32>} : memref<16xf32, #tpu.memory_space<vmem>>, vector<16xf32>,
      tpu.vector_store %arg24[%swap3A_1278], %select_n3A_1271 {strides = array<i32>} : memref<16xf32, #tpu.memory_space<vmem>>, vector<16xf32>,
      %gather3A_1280 = tpu.vector_load_idx %arg23[%and3A_7] : memref<16xi32, #tpu.memory_space<vmem>>[vector<16xi32>], vector<16xi32>,
      %gather3A_1281 = tpu.vector_load_idx %arg24[%and3A_7] : memref<16xf32, #tpu.memory_space<vmem>>[vector<16xi32>], vector<16xf32>,
      %eq3A_1282 = arith.cmpi eq, %gather3A_1280, %get3A_1275 : vector<16xi32>
      %max3A_1283 = arith.maximumf %select_n3A_1271, %gather3A_1281 : vector<16xf32>
      %select_n3A_1284 = arith.select %eq3A_1282, %max3A_1283, %select_n3A_1271 : vector<16xi1>, vector<16xf32>
      %gather3A_1285 = tpu.vector_load_idx %arg23[%and3A_14] : memref<16xi32, #tpu.memory_space<vmem>>[vector<16xi32>], vector<16xi32>,
      %gather3A_1286 = tpu.vector_load_idx %arg24[%and3A_14] : memref<16xf32, #tpu.memory_space<vmem>>[vector<16xi32>], vector<16xf32>,
      %eq3A_1287 = arith.cmpi eq, %gather3A_1285, %get3A_1275 : vector<16xi32>
      %max3A_1288 = arith.maximumf %select_n3A_1284, %gather3A_1286 : vector<16xf32>
      %select_n3A_1289 = arith.select %eq3A_1287, %max3A_1288, %select_n3A_1284 : vector<16xi1>, vector<16xf32>
      %gather3A_1290 = tpu.vector_load_idx %arg23[%and3A_21] : memref<16xi32, #tpu.memory_space<vmem>>[vector<16xi32>], vector<16xi32>,
      %gather3A_1291 = tpu.vector_load_idx %arg24[%and3A_21] : memref<16xf32, #tpu.memory_space<vmem>>[vector<16xi32>], vector<16xf32>,
      %eq3A_1292 = arith.cmpi eq, %gather3A_1290, %get3A_1275 : vector<16xi32>
      %max3A_1293 = arith.maximumf %select_n3A_1289, %gather3A_1291 : vector<16xf32>
      %select_n3A_1294 = arith.select %eq3A_1292, %max3A_1293, %select_n3A_1289 : vector<16xi1>, vector<16xf32>
      %gather3A_1295 = tpu.vector_load_idx %arg23[%and3A_28] : memref<16xi32, #tpu.memory_space<vmem>>[vector<16xi32>], vector<16xi32>,
      %gather3A_1296 = tpu.vector_load_idx %arg24[%and3A_28] : memref<16xf32, #tpu.memory_space<vmem>>[vector<16xi32>], vector<16xf32>,
      %eq3A_1297 = arith.cmpi eq, %gather3A_1295, %get3A_1275 : vector<16xi32>
      %max3A_1298 = arith.maximumf %select_n3A_1294, %gather3A_1296 : vector<16xf32>
      %select_n3A_1299 = arith.select %eq3A_1297, %max3A_1298, %select_n3A_1294 : vector<16xi1>, vector<16xf32>
      %gather3A_1300 = tpu.vector_load_idx %arg23[%and3A_35] : memref<16xi32, #tpu.memory_space<vmem>>[vector<16xi32>], vector<16xi32>,
      %gather3A_1301 = tpu.vector_load_idx %arg24[%and3A_35] : memref<16xf32, #tpu.memory_space<vmem>>[vector<16xi32>], vector<16xf32>,
      %eq3A_1302 = arith.cmpi eq, %gather3A_1300, %get3A_1275 : vector<16xi32>
      %max3A_1303 = arith.maximumf %select_n3A_1299, %gather3A_1301 : vector<16xf32>
      %select_n3A_1304 = arith.select %eq3A_1302, %max3A_1303, %select_n3A_1299 : vector<16xi1>, vector<16xf32>
      %gather3A_1305 = tpu.vector_load_idx %arg23[%and3A_42] : memref<16xi32, #tpu.memory_space<vmem>>[vector<16xi32>], vector<16xi32>,
      %gather3A_1306 = tpu.vector_load_idx %arg24[%and3A_42] : memref<16xf32, #tpu.memory_space<vmem>>[vector<16xi32>], vector<16xf32>,
      %eq3A_1307 = arith.cmpi eq, %gather3A_1305, %get3A_1275 : vector<16xi32>
      %max3A_1308 = arith.maximumf %select_n3A_1304, %gather3A_1306 : vector<16xf32>
      %select_n3A_1309 = arith.select %eq3A_1307, %max3A_1308, %select_n3A_1304 : vector<16xi1>, vector<16xf32>
      %gather3A_1310 = tpu.vector_load_idx %arg23[%and3A_49] : memref<16xi32, #tpu.memory_space<vmem>>[vector<16xi32>], vector<16xi32>,
      %gather3A_1311 = tpu.vector_load_idx %arg24[%and3A_49] : memref<16xf32, #tpu.memory_space<vmem>>[vector<16xi32>], vector<16xf32>,
      %eq3A_1312 = arith.cmpi eq, %gather3A_1310, %get3A_1275 : vector<16xi32>
      %max3A_1313 = arith.maximumf %select_n3A_1309, %gather3A_1311 : vector<16xf32>
      %select_n3A_1314 = arith.select %eq3A_1312, %max3A_1313, %select_n3A_1309 : vector<16xi1>, vector<16xf32>
      %gather3A_1315 = tpu.vector_load_idx %arg23[%and3A_56] : memref<16xi32, #tpu.memory_space<vmem>>[vector<16xi32>], vector<16xi32>,
      %gather3A_1316 = tpu.vector_load_idx %arg24[%and3A_56] : memref<16xf32, #tpu.memory_space<vmem>>[vector<16xi32>], vector<16xf32>,
      %eq3A_1317 = arith.cmpi eq, %gather3A_1315, %get3A_1275 : vector<16xi32>
      %max3A_1318 = arith.maximumf %select_n3A_1314, %gather3A_1316 : vector<16xf32>
      %select_n3A_1319 = arith.select %eq3A_1317, %max3A_1318, %select_n3A_1314 : vector<16xi1>, vector<16xf32>
      %gather3A_1320 = tpu.vector_load_idx %arg23[%and3A_63] : memref<16xi32, #tpu.memory_space<vmem>>[vector<16xi32>], vector<16xi32>,
      %gather3A_1321 = tpu.vector_load_idx %arg24[%and3A_63] : memref<16xf32, #tpu.memory_space<vmem>>[vector<16xi32>], vector<16xf32>,
      %eq3A_1322 = arith.cmpi eq, %gather3A_1320, %get3A_1275 : vector<16xi32>
      %max3A_1323 = arith.maximumf %select_n3A_1319, %gather3A_1321 : vector<16xf32>
      %select_n3A_1324 = arith.select %eq3A_1322, %max3A_1323, %select_n3A_1319 : vector<16xi1>, vector<16xf32>
      %gather3A_1325 = tpu.vector_load_idx %arg23[%and3A_70] : memref<16xi32, #tpu.memory_space<vmem>>[vector<16xi32>], vector<16xi32>,
      %gather3A_1326 = tpu.vector_load_idx %arg24[%and3A_70] : memref<16xf32, #tpu.memory_space<vmem>>[vector<16xi32>], vector<16xf32>,
      %eq3A_1327 = arith.cmpi eq, %gather3A_1325, %get3A_1275 : vector<16xi32>
      %max3A_1328 = arith.maximumf %select_n3A_1324, %gather3A_1326 : vector<16xf32>
      %select_n3A_1329 = arith.select %eq3A_1327, %max3A_1328, %select_n3A_1324 : vector<16xi1>, vector<16xf32>
      %gather3A_1330 = tpu.vector_load_idx %arg23[%and3A_77] : memref<16xi32, #tpu.memory_space<vmem>>[vector<16xi32>], vector<16xi32>,
      %gather3A_1331 = tpu.vector_load_idx %arg24[%and3A_77] : memref<16xf32, #tpu.memory_space<vmem>>[vector<16xi32>], vector<16xf32>,
      %eq3A_1332 = arith.cmpi eq, %gather3A_1330, %get3A_1275 : vector<16xi32>
      %max3A_1333 = arith.maximumf %select_n3A_1329, %gather3A_1331 : vector<16xf32>
      %select_n3A_1334 = arith.select %eq3A_1332, %max3A_1333, %select_n3A_1329 : vector<16xi1>, vector<16xf32>
      %gather3A_1335 = tpu.vector_load_idx %arg23[%and3A_84] : memref<16xi32, #tpu.memory_space<vmem>>[vector<16xi32>], vector<16xi32>,
      %gather3A_1336 = tpu.vector_load_idx %arg24[%and3A_84] : memref<16xf32, #tpu.memory_space<vmem>>[vector<16xi32>], vector<16xf32>,
      %eq3A_1337 = arith.cmpi eq, %gather3A_1335, %get3A_1275 : vector<16xi32>
      %max3A_1338 = arith.maximumf %select_n3A_1334, %gather3A_1336 : vector<16xf32>
      %select_n3A_1339 = arith.select %eq3A_1337, %max3A_1338, %select_n3A_1334 : vector<16xi1>, vector<16xf32>
      %gather3A_1340 = tpu.vector_load_idx %arg23[%and3A_91] : memref<16xi32, #tpu.memory_space<vmem>>[vector<16xi32>], vector<16xi32>,
      %gather3A_1341 = tpu.vector_load_idx %arg24[%and3A_91] : memref<16xf32, #tpu.memory_space<vmem>>[vector<16xi32>], vector<16xf32>,
      %eq3A_1342 = arith.cmpi eq, %gather3A_1340, %get3A_1275 : vector<16xi32>
      %max3A_1343 = arith.maximumf %select_n3A_1339, %gather3A_1341 : vector<16xf32>
      %select_n3A_1344 = arith.select %eq3A_1342, %max3A_1343, %select_n3A_1339 : vector<16xi1>, vector<16xf32>
      %gather3A_1345 = tpu.vector_load_idx %arg23[%and3A_98] : memref<16xi32, #tpu.memory_space<vmem>>[vector<16xi32>], vector<16xi32>,
      %gather3A_1346 = tpu.vector_load_idx %arg24[%and3A_98] : memref<16xf32, #tpu.memory_space<vmem>>[vector<16xi32>], vector<16xf32>,
      %eq3A_1347 = arith.cmpi eq, %gather3A_1345, %get3A_1275 : vector<16xi32>
      %max3A_1348 = arith.maximumf %select_n3A_1344, %gather3A_1346 : vector<16xf32>
      %select_n3A_1349 = arith.select %eq3A_1347, %max3A_1348, %select_n3A_1344 : vector<16xi1>, vector<16xf32>
      %gather3A_1350 = tpu.vector_load_idx %arg23[%and3A_105] : memref<16xi32, #tpu.memory_space<vmem>>[vector<16xi32>], vector<16xi32>,
      %gather3A_1351 = tpu.vector_load_idx %arg24[%and3A_105] : memref<16xf32, #tpu.memory_space<vmem>>[vector<16xi32>], vector<16xf32>,
      %eq3A_1352 = arith.cmpi eq, %gather3A_1350, %get3A_1275 : vector<16xi32>
      %max3A_1353 = arith.maximumf %select_n3A_1349, %gather3A_1351 : vector<16xf32>
      %select_n3A_1354 = arith.select %eq3A_1352, %max3A_1353, %select_n3A_1349 : vector<16xi1>, vector<16xf32>
      %add3A_1355 = arith.constant 224 : i32
      %add3A_1356 = arith.addi %add3A_1355, %mul3A_123 : i32
      %swap3A_1357 = arith.index_cast %add3A_1356 : i32 to index
      %swap3A_1358 = tpu.vector_load %arg22[%swap3A_1357] {strides = array<i32>} : memref<1008xf32, #tpu.memory_space<vmem>>, vector<16xf32>,
      tpu.vector_store %arg22[%swap3A_1357], %select_n3A_1354 {strides = array<i32>} : memref<1008xf32, #tpu.memory_space<vmem>>, vector<16xf32>,
      %add3A_1359 = arith.constant 224 : i32
      %add3A_1360 = arith.addi %add3A_1359, %mul3A_123 : i32
      %add3A_1361 = arith.constant 224 : i32
      %add3A_1362 = arith.addi %add3A_1361, %mul3A_123 : i32
      "tpu.region"() ({
        %run_scoped3A = tpu.sem_alloc : memref<!tpu.dma_semaphore, #tpu.memory_space<semaphore_mem>>
        %dma_start3A_2149 = tpu.memref_slice %arg22[%add3A_1360] : memref<1008xf32, #tpu.memory_space<vmem>> -> memref<16xf32, #tpu.memory_space<vmem>>
        %dma_start3A_2150 = tpu.memref_slice %arg26[%add3A_1362] : memref<1008xf32, #tpu.memory_space<vmem_shared>> -> memref<16xf32, #tpu.memory_space<vmem_shared>>
        %dma_start3A_2151 = tpu.memref_slice %arg26[%add3A_1362] : memref<1008xf32, #tpu.memory_space<vmem_shared>> -> memref<16xf32, #tpu.memory_space<vmem_shared>>
        %dma_start3A_2152 = tpu.memref_slice %arg22[%add3A_1360] : memref<1008xf32, #tpu.memory_space<vmem>> -> memref<16xf32, #tpu.memory_space<vmem>>
        tpu.enqueue_dma source(%dma_start3A_2152 : memref<16xf32, #tpu.memory_space<vmem>>) target(%dma_start3A_2151 : memref<16xf32, #tpu.memory_space<vmem_shared>>) target_semaphore(%run_scoped3A : memref<!tpu.dma_semaphore, #tpu.memory_space<semaphore_mem>>)
        %dma_wait3A_2153 = tpu.memref_slice %arg22[%add3A_1360] : memref<1008xf32, #tpu.memory_space<vmem>> -> memref<16xf32, #tpu.memory_space<vmem>>
        %dma_wait3A_2154 = tpu.memref_slice %arg26[%add3A_1362] : memref<1008xf32, #tpu.memory_space<vmem_shared>> -> memref<16xf32, #tpu.memory_space<vmem_shared>>
        %dma_wait3A_2155 = tpu.memref_slice %arg26[%add3A_1362] : memref<1008xf32, #tpu.memory_space<vmem_shared>> -> memref<16xf32, #tpu.memory_space<vmem_shared>>
        %dma_wait3A_2156 = tpu.memref_slice %arg22[%add3A_1360] : memref<1008xf32, #tpu.memory_space<vmem>> -> memref<16xf32, #tpu.memory_space<vmem>>
        tpu.wait_dma2 semaphore(%run_scoped3A : memref<!tpu.dma_semaphore, #tpu.memory_space<semaphore_mem>>) src(%dma_wait3A_2156 : memref<16xf32, #tpu.memory_space<vmem>>) dst(%dma_wait3A_2155 : memref<16xf32, #tpu.memory_space<vmem_shared>>)
        tpu.yield
      }) : () -> ()
      %sub3A_1363 = arith.subf %mul3A_711, %div3A_859 : vector<16xf32>
      %sub3A_1364 = arith.subf %mul3A_719, %div3A_862 : vector<16xf32>
      %mul3A_1365 = arith.mulf %div3A_973, %sub3A_1363 : vector<16xf32>
      %mul3A_1366 = arith.mulf %mul3A_1365, %sub3A_1363 : vector<16xf32>
      %mul3A_1367 = arith.constant 2.000000e+00 : f32
      %mul3A_1368 = vector.broadcast %mul3A_1367 : f32 to vector<16xf32>
      %mul3A_1369 = arith.mulf %mul3A_1368, %div3A_976 : vector<16xf32>
      %mul3A_1370 = arith.mulf %mul3A_1369, %sub3A_1363 : vector<16xf32>
      %mul3A_1371 = arith.mulf %mul3A_1370, %sub3A_1364 : vector<16xf32>
      %add3A_1372 = arith.addf %mul3A_1366, %mul3A_1371 : vector<16xf32>
      %mul3A_1373 = arith.mulf %div3A_977, %sub3A_1364 : vector<16xf32>
      %mul3A_1374 = arith.mulf %mul3A_1373, %sub3A_1364 : vector<16xf32>
      %add3A_1375 = arith.addf %add3A_1372, %mul3A_1374 : vector<16xf32>
      %mul3A_1376 = arith.constant -5.000000e-01 : f32
      %mul3A_1377 = vector.broadcast %mul3A_1376 : f32 to vector<16xf32>
      %mul3A_1378 = arith.mulf %mul3A_1377, %add3A_1375 : vector<16xf32>
      %exp3A_1379 = math.exp %mul3A_1378 : vector<16xf32>
      %sub3A_1380 = arith.subf %mul3A_711, %get3A_613 : vector<16xf32>
      %gt3A_1381 = arith.constant 1.000000e-10 : f32
      %gt3A_1382 = vector.broadcast %gt3A_1381 : f32 to vector<16xf32>
      %gt3A_1383 = arith.cmpf ogt, %sub3A_1380, %gt3A_1382 : vector<16xf32>
      %sub3A_1384 = arith.subf %mul3A_719, %get3A_615 : vector<16xf32>
      %gt3A_1385 = arith.constant 1.000000e-10 : f32
      %gt3A_1386 = vector.broadcast %gt3A_1385 : f32 to vector<16xf32>
      %gt3A_1387 = arith.cmpf ogt, %sub3A_1384, %gt3A_1386 : vector<16xf32>
      %and3A_1388 = arith.andi %gt3A_1383, %gt3A_1387 : vector<16xi1>
      %sub3A_1389 = arith.subf %get3A_617, %mul3A_711 : vector<16xf32>
      %gt3A_1390 = arith.constant 1.000000e-10 : f32
      %gt3A_1391 = vector.broadcast %gt3A_1390 : f32 to vector<16xf32>
      %gt3A_1392 = arith.cmpf ogt, %sub3A_1389, %gt3A_1391 : vector<16xf32>
      %and3A_1393 = arith.andi %and3A_1388, %gt3A_1392 : vector<16xi1>
      %sub3A_1394 = arith.subf %get3A_619, %mul3A_719 : vector<16xf32>
      %gt3A_1395 = arith.constant 1.000000e-10 : f32
      %gt3A_1396 = vector.broadcast %gt3A_1395 : f32 to vector<16xf32>
      %gt3A_1397 = arith.cmpf ogt, %sub3A_1394, %gt3A_1396 : vector<16xf32>
      %and3A_1398 = arith.andi %and3A_1393, %gt3A_1397 : vector<16xi1>
      %and3A_1399 = arith.andi %and3A_1398, %lt3A_611 : vector<16xi1>
      %jit3A_1400 = arith.constant 0.000000e+00 : f32
      %broadcast_in_dim3A_1401 = vector.broadcast %jit3A_1400 : f32 to vector<16xf32>
      %select_n3A_1402 = arith.select %and3A_1399, %exp3A_1379, %broadcast_in_dim3A_1401 : vector<16xi1>, vector<16xf32>
      %add3A_1403 = arith.constant 336 : i32
      %add3A_1404 = arith.addi %add3A_1403, %mul3A_123 : i32
      %get3A_1405 = arith.index_cast %add3A_1404 : i32 to index
      %get3A_1406 = tpu.vector_load %arg11[%get3A_1405] {strides = array<i32>} : memref<1008xi32, #tpu.memory_space<vmem>>, vector<16xi32>,
      %swap3A_1407 = arith.constant 0 : index
      %swap3A_1408 = tpu.vector_load %arg23[%swap3A_1407] {strides = array<i32>} : memref<16xi32, #tpu.memory_space<vmem>>, vector<16xi32>,
      tpu.vector_store %arg23[%swap3A_1407], %get3A_1406 {strides = array<i32>} : memref<16xi32, #tpu.memory_space<vmem>>, vector<16xi32>,
      %swap3A_1409 = arith.constant 0 : index
      %swap3A_1410 = tpu.vector_load %arg24[%swap3A_1409] {strides = array<i32>} : memref<16xf32, #tpu.memory_space<vmem>>, vector<16xf32>,
      tpu.vector_store %arg24[%swap3A_1409], %select_n3A_1402 {strides = array<i32>} : memref<16xf32, #tpu.memory_space<vmem>>, vector<16xf32>,
      %gather3A_1411 = tpu.vector_load_idx %arg23[%and3A_7] : memref<16xi32, #tpu.memory_space<vmem>>[vector<16xi32>], vector<16xi32>,
      %gather3A_1412 = tpu.vector_load_idx %arg24[%and3A_7] : memref<16xf32, #tpu.memory_space<vmem>>[vector<16xi32>], vector<16xf32>,
      %eq3A_1413 = arith.cmpi eq, %gather3A_1411, %get3A_1406 : vector<16xi32>
      %max3A_1414 = arith.maximumf %select_n3A_1402, %gather3A_1412 : vector<16xf32>
      %select_n3A_1415 = arith.select %eq3A_1413, %max3A_1414, %select_n3A_1402 : vector<16xi1>, vector<16xf32>
      %gather3A_1416 = tpu.vector_load_idx %arg23[%and3A_14] : memref<16xi32, #tpu.memory_space<vmem>>[vector<16xi32>], vector<16xi32>,
      %gather3A_1417 = tpu.vector_load_idx %arg24[%and3A_14] : memref<16xf32, #tpu.memory_space<vmem>>[vector<16xi32>], vector<16xf32>,
      %eq3A_1418 = arith.cmpi eq, %gather3A_1416, %get3A_1406 : vector<16xi32>
      %max3A_1419 = arith.maximumf %select_n3A_1415, %gather3A_1417 : vector<16xf32>
      %select_n3A_1420 = arith.select %eq3A_1418, %max3A_1419, %select_n3A_1415 : vector<16xi1>, vector<16xf32>
      %gather3A_1421 = tpu.vector_load_idx %arg23[%and3A_21] : memref<16xi32, #tpu.memory_space<vmem>>[vector<16xi32>], vector<16xi32>,
      %gather3A_1422 = tpu.vector_load_idx %arg24[%and3A_21] : memref<16xf32, #tpu.memory_space<vmem>>[vector<16xi32>], vector<16xf32>,
      %eq3A_1423 = arith.cmpi eq, %gather3A_1421, %get3A_1406 : vector<16xi32>
      %max3A_1424 = arith.maximumf %select_n3A_1420, %gather3A_1422 : vector<16xf32>
      %select_n3A_1425 = arith.select %eq3A_1423, %max3A_1424, %select_n3A_1420 : vector<16xi1>, vector<16xf32>
      %gather3A_1426 = tpu.vector_load_idx %arg23[%and3A_28] : memref<16xi32, #tpu.memory_space<vmem>>[vector<16xi32>], vector<16xi32>,
      %gather3A_1427 = tpu.vector_load_idx %arg24[%and3A_28] : memref<16xf32, #tpu.memory_space<vmem>>[vector<16xi32>], vector<16xf32>,
      %eq3A_1428 = arith.cmpi eq, %gather3A_1426, %get3A_1406 : vector<16xi32>
      %max3A_1429 = arith.maximumf %select_n3A_1425, %gather3A_1427 : vector<16xf32>
      %select_n3A_1430 = arith.select %eq3A_1428, %max3A_1429, %select_n3A_1425 : vector<16xi1>, vector<16xf32>
      %gather3A_1431 = tpu.vector_load_idx %arg23[%and3A_35] : memref<16xi32, #tpu.memory_space<vmem>>[vector<16xi32>], vector<16xi32>,
      %gather3A_1432 = tpu.vector_load_idx %arg24[%and3A_35] : memref<16xf32, #tpu.memory_space<vmem>>[vector<16xi32>], vector<16xf32>,
      %eq3A_1433 = arith.cmpi eq, %gather3A_1431, %get3A_1406 : vector<16xi32>
      %max3A_1434 = arith.maximumf %select_n3A_1430, %gather3A_1432 : vector<16xf32>
      %select_n3A_1435 = arith.select %eq3A_1433, %max3A_1434, %select_n3A_1430 : vector<16xi1>, vector<16xf32>
      %gather3A_1436 = tpu.vector_load_idx %arg23[%and3A_42] : memref<16xi32, #tpu.memory_space<vmem>>[vector<16xi32>], vector<16xi32>,
      %gather3A_1437 = tpu.vector_load_idx %arg24[%and3A_42] : memref<16xf32, #tpu.memory_space<vmem>>[vector<16xi32>], vector<16xf32>,
      %eq3A_1438 = arith.cmpi eq, %gather3A_1436, %get3A_1406 : vector<16xi32>
      %max3A_1439 = arith.maximumf %select_n3A_1435, %gather3A_1437 : vector<16xf32>
      %select_n3A_1440 = arith.select %eq3A_1438, %max3A_1439, %select_n3A_1435 : vector<16xi1>, vector<16xf32>
      %gather3A_1441 = tpu.vector_load_idx %arg23[%and3A_49] : memref<16xi32, #tpu.memory_space<vmem>>[vector<16xi32>], vector<16xi32>,
      %gather3A_1442 = tpu.vector_load_idx %arg24[%and3A_49] : memref<16xf32, #tpu.memory_space<vmem>>[vector<16xi32>], vector<16xf32>,
      %eq3A_1443 = arith.cmpi eq, %gather3A_1441, %get3A_1406 : vector<16xi32>
      %max3A_1444 = arith.maximumf %select_n3A_1440, %gather3A_1442 : vector<16xf32>
      %select_n3A_1445 = arith.select %eq3A_1443, %max3A_1444, %select_n3A_1440 : vector<16xi1>, vector<16xf32>
      %gather3A_1446 = tpu.vector_load_idx %arg23[%and3A_56] : memref<16xi32, #tpu.memory_space<vmem>>[vector<16xi32>], vector<16xi32>,
      %gather3A_1447 = tpu.vector_load_idx %arg24[%and3A_56] : memref<16xf32, #tpu.memory_space<vmem>>[vector<16xi32>], vector<16xf32>,
      %eq3A_1448 = arith.cmpi eq, %gather3A_1446, %get3A_1406 : vector<16xi32>
      %max3A_1449 = arith.maximumf %select_n3A_1445, %gather3A_1447 : vector<16xf32>
      %select_n3A_1450 = arith.select %eq3A_1448, %max3A_1449, %select_n3A_1445 : vector<16xi1>, vector<16xf32>
      %gather3A_1451 = tpu.vector_load_idx %arg23[%and3A_63] : memref<16xi32, #tpu.memory_space<vmem>>[vector<16xi32>], vector<16xi32>,
      %gather3A_1452 = tpu.vector_load_idx %arg24[%and3A_63] : memref<16xf32, #tpu.memory_space<vmem>>[vector<16xi32>], vector<16xf32>,
      %eq3A_1453 = arith.cmpi eq, %gather3A_1451, %get3A_1406 : vector<16xi32>
      %max3A_1454 = arith.maximumf %select_n3A_1450, %gather3A_1452 : vector<16xf32>
      %select_n3A_1455 = arith.select %eq3A_1453, %max3A_1454, %select_n3A_1450 : vector<16xi1>, vector<16xf32>
      %gather3A_1456 = tpu.vector_load_idx %arg23[%and3A_70] : memref<16xi32, #tpu.memory_space<vmem>>[vector<16xi32>], vector<16xi32>,
      %gather3A_1457 = tpu.vector_load_idx %arg24[%and3A_70] : memref<16xf32, #tpu.memory_space<vmem>>[vector<16xi32>], vector<16xf32>,
      %eq3A_1458 = arith.cmpi eq, %gather3A_1456, %get3A_1406 : vector<16xi32>
      %max3A_1459 = arith.maximumf %select_n3A_1455, %gather3A_1457 : vector<16xf32>
      %select_n3A_1460 = arith.select %eq3A_1458, %max3A_1459, %select_n3A_1455 : vector<16xi1>, vector<16xf32>
      %gather3A_1461 = tpu.vector_load_idx %arg23[%and3A_77] : memref<16xi32, #tpu.memory_space<vmem>>[vector<16xi32>], vector<16xi32>,
      %gather3A_1462 = tpu.vector_load_idx %arg24[%and3A_77] : memref<16xf32, #tpu.memory_space<vmem>>[vector<16xi32>], vector<16xf32>,
      %eq3A_1463 = arith.cmpi eq, %gather3A_1461, %get3A_1406 : vector<16xi32>
      %max3A_1464 = arith.maximumf %select_n3A_1460, %gather3A_1462 : vector<16xf32>
      %select_n3A_1465 = arith.select %eq3A_1463, %max3A_1464, %select_n3A_1460 : vector<16xi1>, vector<16xf32>
      %gather3A_1466 = tpu.vector_load_idx %arg23[%and3A_84] : memref<16xi32, #tpu.memory_space<vmem>>[vector<16xi32>], vector<16xi32>,
      %gather3A_1467 = tpu.vector_load_idx %arg24[%and3A_84] : memref<16xf32, #tpu.memory_space<vmem>>[vector<16xi32>], vector<16xf32>,
      %eq3A_1468 = arith.cmpi eq, %gather3A_1466, %get3A_1406 : vector<16xi32>
      %max3A_1469 = arith.maximumf %select_n3A_1465, %gather3A_1467 : vector<16xf32>
      %select_n3A_1470 = arith.select %eq3A_1468, %max3A_1469, %select_n3A_1465 : vector<16xi1>, vector<16xf32>
      %gather3A_1471 = tpu.vector_load_idx %arg23[%and3A_91] : memref<16xi32, #tpu.memory_space<vmem>>[vector<16xi32>], vector<16xi32>,
      %gather3A_1472 = tpu.vector_load_idx %arg24[%and3A_91] : memref<16xf32, #tpu.memory_space<vmem>>[vector<16xi32>], vector<16xf32>,
      %eq3A_1473 = arith.cmpi eq, %gather3A_1471, %get3A_1406 : vector<16xi32>
      %max3A_1474 = arith.maximumf %select_n3A_1470, %gather3A_1472 : vector<16xf32>
      %select_n3A_1475 = arith.select %eq3A_1473, %max3A_1474, %select_n3A_1470 : vector<16xi1>, vector<16xf32>
      %gather3A_1476 = tpu.vector_load_idx %arg23[%and3A_98] : memref<16xi32, #tpu.memory_space<vmem>>[vector<16xi32>], vector<16xi32>,
      %gather3A_1477 = tpu.vector_load_idx %arg24[%and3A_98] : memref<16xf32, #tpu.memory_space<vmem>>[vector<16xi32>], vector<16xf32>,
      %eq3A_1478 = arith.cmpi eq, %gather3A_1476, %get3A_1406 : vector<16xi32>
      %max3A_1479 = arith.maximumf %select_n3A_1475, %gather3A_1477 : vector<16xf32>
      %select_n3A_1480 = arith.select %eq3A_1478, %max3A_1479, %select_n3A_1475 : vector<16xi1>, vector<16xf32>
      %gather3A_1481 = tpu.vector_load_idx %arg23[%and3A_105] : memref<16xi32, #tpu.memory_space<vmem>>[vector<16xi32>], vector<16xi32>,
      %gather3A_1482 = tpu.vector_load_idx %arg24[%and3A_105] : memref<16xf32, #tpu.memory_space<vmem>>[vector<16xi32>], vector<16xf32>,
      %eq3A_1483 = arith.cmpi eq, %gather3A_1481, %get3A_1406 : vector<16xi32>
      %max3A_1484 = arith.maximumf %select_n3A_1480, %gather3A_1482 : vector<16xf32>
      %select_n3A_1485 = arith.select %eq3A_1483, %max3A_1484, %select_n3A_1480 : vector<16xi1>, vector<16xf32>
      %add3A_1486 = arith.constant 336 : i32
      %add3A_1487 = arith.addi %add3A_1486, %mul3A_123 : i32
      %swap3A_1488 = arith.index_cast %add3A_1487 : i32 to index
      %swap3A_1489 = tpu.vector_load %arg22[%swap3A_1488] {strides = array<i32>} : memref<1008xf32, #tpu.memory_space<vmem>>, vector<16xf32>,
      tpu.vector_store %arg22[%swap3A_1488], %select_n3A_1485 {strides = array<i32>} : memref<1008xf32, #tpu.memory_space<vmem>>, vector<16xf32>,
      %add3A_1490 = arith.constant 336 : i32
      %add3A_1491 = arith.addi %add3A_1490, %mul3A_123 : i32
      %add3A_1492 = arith.constant 336 : i32
      %add3A_1493 = arith.addi %add3A_1492, %mul3A_123 : i32
      "tpu.region"() ({
        %run_scoped3A = tpu.sem_alloc : memref<!tpu.dma_semaphore, #tpu.memory_space<semaphore_mem>>
        %dma_start3A_2149 = tpu.memref_slice %arg22[%add3A_1491] : memref<1008xf32, #tpu.memory_space<vmem>> -> memref<16xf32, #tpu.memory_space<vmem>>
        %dma_start3A_2150 = tpu.memref_slice %arg26[%add3A_1493] : memref<1008xf32, #tpu.memory_space<vmem_shared>> -> memref<16xf32, #tpu.memory_space<vmem_shared>>
        %dma_start3A_2151 = tpu.memref_slice %arg26[%add3A_1493] : memref<1008xf32, #tpu.memory_space<vmem_shared>> -> memref<16xf32, #tpu.memory_space<vmem_shared>>
        %dma_start3A_2152 = tpu.memref_slice %arg22[%add3A_1491] : memref<1008xf32, #tpu.memory_space<vmem>> -> memref<16xf32, #tpu.memory_space<vmem>>
        tpu.enqueue_dma source(%dma_start3A_2152 : memref<16xf32, #tpu.memory_space<vmem>>) target(%dma_start3A_2151 : memref<16xf32, #tpu.memory_space<vmem_shared>>) target_semaphore(%run_scoped3A : memref<!tpu.dma_semaphore, #tpu.memory_space<semaphore_mem>>)
        %dma_wait3A_2153 = tpu.memref_slice %arg22[%add3A_1491] : memref<1008xf32, #tpu.memory_space<vmem>> -> memref<16xf32, #tpu.memory_space<vmem>>
        %dma_wait3A_2154 = tpu.memref_slice %arg26[%add3A_1493] : memref<1008xf32, #tpu.memory_space<vmem_shared>> -> memref<16xf32, #tpu.memory_space<vmem_shared>>
        %dma_wait3A_2155 = tpu.memref_slice %arg26[%add3A_1493] : memref<1008xf32, #tpu.memory_space<vmem_shared>> -> memref<16xf32, #tpu.memory_space<vmem_shared>>
        %dma_wait3A_2156 = tpu.memref_slice %arg22[%add3A_1491] : memref<1008xf32, #tpu.memory_space<vmem>> -> memref<16xf32, #tpu.memory_space<vmem>>
        tpu.wait_dma2 semaphore(%run_scoped3A : memref<!tpu.dma_semaphore, #tpu.memory_space<semaphore_mem>>) src(%dma_wait3A_2156 : memref<16xf32, #tpu.memory_space<vmem>>) dst(%dma_wait3A_2155 : memref<16xf32, #tpu.memory_space<vmem_shared>>)
        tpu.yield
      }) : () -> ()
      %sub3A_1494 = arith.subf %mul3A_737, %div3A_859 : vector<16xf32>
      %sub3A_1495 = arith.subf %mul3A_745, %div3A_862 : vector<16xf32>
      %mul3A_1496 = arith.mulf %div3A_973, %sub3A_1494 : vector<16xf32>
      %mul3A_1497 = arith.mulf %mul3A_1496, %sub3A_1494 : vector<16xf32>
      %mul3A_1498 = arith.constant 2.000000e+00 : f32
      %mul3A_1499 = vector.broadcast %mul3A_1498 : f32 to vector<16xf32>
      %mul3A_1500 = arith.mulf %mul3A_1499, %div3A_976 : vector<16xf32>
      %mul3A_1501 = arith.mulf %mul3A_1500, %sub3A_1494 : vector<16xf32>
      %mul3A_1502 = arith.mulf %mul3A_1501, %sub3A_1495 : vector<16xf32>
      %add3A_1503 = arith.addf %mul3A_1497, %mul3A_1502 : vector<16xf32>
      %mul3A_1504 = arith.mulf %div3A_977, %sub3A_1495 : vector<16xf32>
      %mul3A_1505 = arith.mulf %mul3A_1504, %sub3A_1495 : vector<16xf32>
      %add3A_1506 = arith.addf %add3A_1503, %mul3A_1505 : vector<16xf32>
      %mul3A_1507 = arith.constant -5.000000e-01 : f32
      %mul3A_1508 = vector.broadcast %mul3A_1507 : f32 to vector<16xf32>
      %mul3A_1509 = arith.mulf %mul3A_1508, %add3A_1506 : vector<16xf32>
      %exp3A_1510 = math.exp %mul3A_1509 : vector<16xf32>
      %sub3A_1511 = arith.subf %mul3A_737, %get3A_613 : vector<16xf32>
      %gt3A_1512 = arith.constant 1.000000e-10 : f32
      %gt3A_1513 = vector.broadcast %gt3A_1512 : f32 to vector<16xf32>
      %gt3A_1514 = arith.cmpf ogt, %sub3A_1511, %gt3A_1513 : vector<16xf32>
      %sub3A_1515 = arith.subf %mul3A_745, %get3A_615 : vector<16xf32>
      %gt3A_1516 = arith.constant 1.000000e-10 : f32
      %gt3A_1517 = vector.broadcast %gt3A_1516 : f32 to vector<16xf32>
      %gt3A_1518 = arith.cmpf ogt, %sub3A_1515, %gt3A_1517 : vector<16xf32>
      %and3A_1519 = arith.andi %gt3A_1514, %gt3A_1518 : vector<16xi1>
      %sub3A_1520 = arith.subf %get3A_617, %mul3A_737 : vector<16xf32>
      %gt3A_1521 = arith.constant 1.000000e-10 : f32
      %gt3A_1522 = vector.broadcast %gt3A_1521 : f32 to vector<16xf32>
      %gt3A_1523 = arith.cmpf ogt, %sub3A_1520, %gt3A_1522 : vector<16xf32>
      %and3A_1524 = arith.andi %and3A_1519, %gt3A_1523 : vector<16xi1>
      %sub3A_1525 = arith.subf %get3A_619, %mul3A_745 : vector<16xf32>
      %gt3A_1526 = arith.constant 1.000000e-10 : f32
      %gt3A_1527 = vector.broadcast %gt3A_1526 : f32 to vector<16xf32>
      %gt3A_1528 = arith.cmpf ogt, %sub3A_1525, %gt3A_1527 : vector<16xf32>
      %and3A_1529 = arith.andi %and3A_1524, %gt3A_1528 : vector<16xi1>
      %and3A_1530 = arith.andi %and3A_1529, %lt3A_611 : vector<16xi1>
      %jit3A_1531 = arith.constant 0.000000e+00 : f32
      %broadcast_in_dim3A_1532 = vector.broadcast %jit3A_1531 : f32 to vector<16xf32>
      %select_n3A_1533 = arith.select %and3A_1530, %exp3A_1510, %broadcast_in_dim3A_1532 : vector<16xi1>, vector<16xf32>
      %add3A_1534 = arith.constant 448 : i32
      %add3A_1535 = arith.addi %add3A_1534, %mul3A_123 : i32
      %get3A_1536 = arith.index_cast %add3A_1535 : i32 to index
      %get3A_1537 = tpu.vector_load %arg11[%get3A_1536] {strides = array<i32>} : memref<1008xi32, #tpu.memory_space<vmem>>, vector<16xi32>,
      %swap3A_1538 = arith.constant 0 : index
      %swap3A_1539 = tpu.vector_load %arg23[%swap3A_1538] {strides = array<i32>} : memref<16xi32, #tpu.memory_space<vmem>>, vector<16xi32>,
      tpu.vector_store %arg23[%swap3A_1538], %get3A_1537 {strides = array<i32>} : memref<16xi32, #tpu.memory_space<vmem>>, vector<16xi32>,
      %swap3A_1540 = arith.constant 0 : index
      %swap3A_1541 = tpu.vector_load %arg24[%swap3A_1540] {strides = array<i32>} : memref<16xf32, #tpu.memory_space<vmem>>, vector<16xf32>,
      tpu.vector_store %arg24[%swap3A_1540], %select_n3A_1533 {strides = array<i32>} : memref<16xf32, #tpu.memory_space<vmem>>, vector<16xf32>,
      %gather3A_1542 = tpu.vector_load_idx %arg23[%and3A_7] : memref<16xi32, #tpu.memory_space<vmem>>[vector<16xi32>], vector<16xi32>,
      %gather3A_1543 = tpu.vector_load_idx %arg24[%and3A_7] : memref<16xf32, #tpu.memory_space<vmem>>[vector<16xi32>], vector<16xf32>,
      %eq3A_1544 = arith.cmpi eq, %gather3A_1542, %get3A_1537 : vector<16xi32>
      %max3A_1545 = arith.maximumf %select_n3A_1533, %gather3A_1543 : vector<16xf32>
      %select_n3A_1546 = arith.select %eq3A_1544, %max3A_1545, %select_n3A_1533 : vector<16xi1>, vector<16xf32>
      %gather3A_1547 = tpu.vector_load_idx %arg23[%and3A_14] : memref<16xi32, #tpu.memory_space<vmem>>[vector<16xi32>], vector<16xi32>,
      %gather3A_1548 = tpu.vector_load_idx %arg24[%and3A_14] : memref<16xf32, #tpu.memory_space<vmem>>[vector<16xi32>], vector<16xf32>,
      %eq3A_1549 = arith.cmpi eq, %gather3A_1547, %get3A_1537 : vector<16xi32>
      %max3A_1550 = arith.maximumf %select_n3A_1546, %gather3A_1548 : vector<16xf32>
      %select_n3A_1551 = arith.select %eq3A_1549, %max3A_1550, %select_n3A_1546 : vector<16xi1>, vector<16xf32>
      %gather3A_1552 = tpu.vector_load_idx %arg23[%and3A_21] : memref<16xi32, #tpu.memory_space<vmem>>[vector<16xi32>], vector<16xi32>,
      %gather3A_1553 = tpu.vector_load_idx %arg24[%and3A_21] : memref<16xf32, #tpu.memory_space<vmem>>[vector<16xi32>], vector<16xf32>,
      %eq3A_1554 = arith.cmpi eq, %gather3A_1552, %get3A_1537 : vector<16xi32>
      %max3A_1555 = arith.maximumf %select_n3A_1551, %gather3A_1553 : vector<16xf32>
      %select_n3A_1556 = arith.select %eq3A_1554, %max3A_1555, %select_n3A_1551 : vector<16xi1>, vector<16xf32>
      %gather3A_1557 = tpu.vector_load_idx %arg23[%and3A_28] : memref<16xi32, #tpu.memory_space<vmem>>[vector<16xi32>], vector<16xi32>,
      %gather3A_1558 = tpu.vector_load_idx %arg24[%and3A_28] : memref<16xf32, #tpu.memory_space<vmem>>[vector<16xi32>], vector<16xf32>,
      %eq3A_1559 = arith.cmpi eq, %gather3A_1557, %get3A_1537 : vector<16xi32>
      %max3A_1560 = arith.maximumf %select_n3A_1556, %gather3A_1558 : vector<16xf32>
      %select_n3A_1561 = arith.select %eq3A_1559, %max3A_1560, %select_n3A_1556 : vector<16xi1>, vector<16xf32>
      %gather3A_1562 = tpu.vector_load_idx %arg23[%and3A_35] : memref<16xi32, #tpu.memory_space<vmem>>[vector<16xi32>], vector<16xi32>,
      %gather3A_1563 = tpu.vector_load_idx %arg24[%and3A_35] : memref<16xf32, #tpu.memory_space<vmem>>[vector<16xi32>], vector<16xf32>,
      %eq3A_1564 = arith.cmpi eq, %gather3A_1562, %get3A_1537 : vector<16xi32>
      %max3A_1565 = arith.maximumf %select_n3A_1561, %gather3A_1563 : vector<16xf32>
      %select_n3A_1566 = arith.select %eq3A_1564, %max3A_1565, %select_n3A_1561 : vector<16xi1>, vector<16xf32>
      %gather3A_1567 = tpu.vector_load_idx %arg23[%and3A_42] : memref<16xi32, #tpu.memory_space<vmem>>[vector<16xi32>], vector<16xi32>,
      %gather3A_1568 = tpu.vector_load_idx %arg24[%and3A_42] : memref<16xf32, #tpu.memory_space<vmem>>[vector<16xi32>], vector<16xf32>,
      %eq3A_1569 = arith.cmpi eq, %gather3A_1567, %get3A_1537 : vector<16xi32>
      %max3A_1570 = arith.maximumf %select_n3A_1566, %gather3A_1568 : vector<16xf32>
      %select_n3A_1571 = arith.select %eq3A_1569, %max3A_1570, %select_n3A_1566 : vector<16xi1>, vector<16xf32>
      %gather3A_1572 = tpu.vector_load_idx %arg23[%and3A_49] : memref<16xi32, #tpu.memory_space<vmem>>[vector<16xi32>], vector<16xi32>,
      %gather3A_1573 = tpu.vector_load_idx %arg24[%and3A_49] : memref<16xf32, #tpu.memory_space<vmem>>[vector<16xi32>], vector<16xf32>,
      %eq3A_1574 = arith.cmpi eq, %gather3A_1572, %get3A_1537 : vector<16xi32>
      %max3A_1575 = arith.maximumf %select_n3A_1571, %gather3A_1573 : vector<16xf32>
      %select_n3A_1576 = arith.select %eq3A_1574, %max3A_1575, %select_n3A_1571 : vector<16xi1>, vector<16xf32>
      %gather3A_1577 = tpu.vector_load_idx %arg23[%and3A_56] : memref<16xi32, #tpu.memory_space<vmem>>[vector<16xi32>], vector<16xi32>,
      %gather3A_1578 = tpu.vector_load_idx %arg24[%and3A_56] : memref<16xf32, #tpu.memory_space<vmem>>[vector<16xi32>], vector<16xf32>,
      %eq3A_1579 = arith.cmpi eq, %gather3A_1577, %get3A_1537 : vector<16xi32>
      %max3A_1580 = arith.maximumf %select_n3A_1576, %gather3A_1578 : vector<16xf32>
      %select_n3A_1581 = arith.select %eq3A_1579, %max3A_1580, %select_n3A_1576 : vector<16xi1>, vector<16xf32>
      %gather3A_1582 = tpu.vector_load_idx %arg23[%and3A_63] : memref<16xi32, #tpu.memory_space<vmem>>[vector<16xi32>], vector<16xi32>,
      %gather3A_1583 = tpu.vector_load_idx %arg24[%and3A_63] : memref<16xf32, #tpu.memory_space<vmem>>[vector<16xi32>], vector<16xf32>,
      %eq3A_1584 = arith.cmpi eq, %gather3A_1582, %get3A_1537 : vector<16xi32>
      %max3A_1585 = arith.maximumf %select_n3A_1581, %gather3A_1583 : vector<16xf32>
      %select_n3A_1586 = arith.select %eq3A_1584, %max3A_1585, %select_n3A_1581 : vector<16xi1>, vector<16xf32>
      %gather3A_1587 = tpu.vector_load_idx %arg23[%and3A_70] : memref<16xi32, #tpu.memory_space<vmem>>[vector<16xi32>], vector<16xi32>,
      %gather3A_1588 = tpu.vector_load_idx %arg24[%and3A_70] : memref<16xf32, #tpu.memory_space<vmem>>[vector<16xi32>], vector<16xf32>,
      %eq3A_1589 = arith.cmpi eq, %gather3A_1587, %get3A_1537 : vector<16xi32>
      %max3A_1590 = arith.maximumf %select_n3A_1586, %gather3A_1588 : vector<16xf32>
      %select_n3A_1591 = arith.select %eq3A_1589, %max3A_1590, %select_n3A_1586 : vector<16xi1>, vector<16xf32>
      %gather3A_1592 = tpu.vector_load_idx %arg23[%and3A_77] : memref<16xi32, #tpu.memory_space<vmem>>[vector<16xi32>], vector<16xi32>,
      %gather3A_1593 = tpu.vector_load_idx %arg24[%and3A_77] : memref<16xf32, #tpu.memory_space<vmem>>[vector<16xi32>], vector<16xf32>,
      %eq3A_1594 = arith.cmpi eq, %gather3A_1592, %get3A_1537 : vector<16xi32>
      %max3A_1595 = arith.maximumf %select_n3A_1591, %gather3A_1593 : vector<16xf32>
      %select_n3A_1596 = arith.select %eq3A_1594, %max3A_1595, %select_n3A_1591 : vector<16xi1>, vector<16xf32>
      %gather3A_1597 = tpu.vector_load_idx %arg23[%and3A_84] : memref<16xi32, #tpu.memory_space<vmem>>[vector<16xi32>], vector<16xi32>,
      %gather3A_1598 = tpu.vector_load_idx %arg24[%and3A_84] : memref<16xf32, #tpu.memory_space<vmem>>[vector<16xi32>], vector<16xf32>,
      %eq3A_1599 = arith.cmpi eq, %gather3A_1597, %get3A_1537 : vector<16xi32>
      %max3A_1600 = arith.maximumf %select_n3A_1596, %gather3A_1598 : vector<16xf32>
      %select_n3A_1601 = arith.select %eq3A_1599, %max3A_1600, %select_n3A_1596 : vector<16xi1>, vector<16xf32>
      %gather3A_1602 = tpu.vector_load_idx %arg23[%and3A_91] : memref<16xi32, #tpu.memory_space<vmem>>[vector<16xi32>], vector<16xi32>,
      %gather3A_1603 = tpu.vector_load_idx %arg24[%and3A_91] : memref<16xf32, #tpu.memory_space<vmem>>[vector<16xi32>], vector<16xf32>,
      %eq3A_1604 = arith.cmpi eq, %gather3A_1602, %get3A_1537 : vector<16xi32>
      %max3A_1605 = arith.maximumf %select_n3A_1601, %gather3A_1603 : vector<16xf32>
      %select_n3A_1606 = arith.select %eq3A_1604, %max3A_1605, %select_n3A_1601 : vector<16xi1>, vector<16xf32>
      %gather3A_1607 = tpu.vector_load_idx %arg23[%and3A_98] : memref<16xi32, #tpu.memory_space<vmem>>[vector<16xi32>], vector<16xi32>,
      %gather3A_1608 = tpu.vector_load_idx %arg24[%and3A_98] : memref<16xf32, #tpu.memory_space<vmem>>[vector<16xi32>], vector<16xf32>,
      %eq3A_1609 = arith.cmpi eq, %gather3A_1607, %get3A_1537 : vector<16xi32>
      %max3A_1610 = arith.maximumf %select_n3A_1606, %gather3A_1608 : vector<16xf32>
      %select_n3A_1611 = arith.select %eq3A_1609, %max3A_1610, %select_n3A_1606 : vector<16xi1>, vector<16xf32>
      %gather3A_1612 = tpu.vector_load_idx %arg23[%and3A_105] : memref<16xi32, #tpu.memory_space<vmem>>[vector<16xi32>], vector<16xi32>,
      %gather3A_1613 = tpu.vector_load_idx %arg24[%and3A_105] : memref<16xf32, #tpu.memory_space<vmem>>[vector<16xi32>], vector<16xf32>,
      %eq3A_1614 = arith.cmpi eq, %gather3A_1612, %get3A_1537 : vector<16xi32>
      %max3A_1615 = arith.maximumf %select_n3A_1611, %gather3A_1613 : vector<16xf32>
      %select_n3A_1616 = arith.select %eq3A_1614, %max3A_1615, %select_n3A_1611 : vector<16xi1>, vector<16xf32>
      %add3A_1617 = arith.constant 448 : i32
      %add3A_1618 = arith.addi %add3A_1617, %mul3A_123 : i32
      %swap3A_1619 = arith.index_cast %add3A_1618 : i32 to index
      %swap3A_1620 = tpu.vector_load %arg22[%swap3A_1619] {strides = array<i32>} : memref<1008xf32, #tpu.memory_space<vmem>>, vector<16xf32>,
      tpu.vector_store %arg22[%swap3A_1619], %select_n3A_1616 {strides = array<i32>} : memref<1008xf32, #tpu.memory_space<vmem>>, vector<16xf32>,
      %add3A_1621 = arith.constant 448 : i32
      %add3A_1622 = arith.addi %add3A_1621, %mul3A_123 : i32
      %add3A_1623 = arith.constant 448 : i32
      %add3A_1624 = arith.addi %add3A_1623, %mul3A_123 : i32
      "tpu.region"() ({
        %run_scoped3A = tpu.sem_alloc : memref<!tpu.dma_semaphore, #tpu.memory_space<semaphore_mem>>
        %dma_start3A_2149 = tpu.memref_slice %arg22[%add3A_1622] : memref<1008xf32, #tpu.memory_space<vmem>> -> memref<16xf32, #tpu.memory_space<vmem>>
        %dma_start3A_2150 = tpu.memref_slice %arg26[%add3A_1624] : memref<1008xf32, #tpu.memory_space<vmem_shared>> -> memref<16xf32, #tpu.memory_space<vmem_shared>>
        %dma_start3A_2151 = tpu.memref_slice %arg26[%add3A_1624] : memref<1008xf32, #tpu.memory_space<vmem_shared>> -> memref<16xf32, #tpu.memory_space<vmem_shared>>
        %dma_start3A_2152 = tpu.memref_slice %arg22[%add3A_1622] : memref<1008xf32, #tpu.memory_space<vmem>> -> memref<16xf32, #tpu.memory_space<vmem>>
        tpu.enqueue_dma source(%dma_start3A_2152 : memref<16xf32, #tpu.memory_space<vmem>>) target(%dma_start3A_2151 : memref<16xf32, #tpu.memory_space<vmem_shared>>) target_semaphore(%run_scoped3A : memref<!tpu.dma_semaphore, #tpu.memory_space<semaphore_mem>>)
        %dma_wait3A_2153 = tpu.memref_slice %arg22[%add3A_1622] : memref<1008xf32, #tpu.memory_space<vmem>> -> memref<16xf32, #tpu.memory_space<vmem>>
        %dma_wait3A_2154 = tpu.memref_slice %arg26[%add3A_1624] : memref<1008xf32, #tpu.memory_space<vmem_shared>> -> memref<16xf32, #tpu.memory_space<vmem_shared>>
        %dma_wait3A_2155 = tpu.memref_slice %arg26[%add3A_1624] : memref<1008xf32, #tpu.memory_space<vmem_shared>> -> memref<16xf32, #tpu.memory_space<vmem_shared>>
        %dma_wait3A_2156 = tpu.memref_slice %arg22[%add3A_1622] : memref<1008xf32, #tpu.memory_space<vmem>> -> memref<16xf32, #tpu.memory_space<vmem>>
        tpu.wait_dma2 semaphore(%run_scoped3A : memref<!tpu.dma_semaphore, #tpu.memory_space<semaphore_mem>>) src(%dma_wait3A_2156 : memref<16xf32, #tpu.memory_space<vmem>>) dst(%dma_wait3A_2155 : memref<16xf32, #tpu.memory_space<vmem_shared>>)
        tpu.yield
      }) : () -> ()
      %sub3A_1625 = arith.subf %mul3A_763, %div3A_859 : vector<16xf32>
      %sub3A_1626 = arith.subf %mul3A_771, %div3A_862 : vector<16xf32>
      %mul3A_1627 = arith.mulf %div3A_973, %sub3A_1625 : vector<16xf32>
      %mul3A_1628 = arith.mulf %mul3A_1627, %sub3A_1625 : vector<16xf32>
      %mul3A_1629 = arith.constant 2.000000e+00 : f32
      %mul3A_1630 = vector.broadcast %mul3A_1629 : f32 to vector<16xf32>
      %mul3A_1631 = arith.mulf %mul3A_1630, %div3A_976 : vector<16xf32>
      %mul3A_1632 = arith.mulf %mul3A_1631, %sub3A_1625 : vector<16xf32>
      %mul3A_1633 = arith.mulf %mul3A_1632, %sub3A_1626 : vector<16xf32>
      %add3A_1634 = arith.addf %mul3A_1628, %mul3A_1633 : vector<16xf32>
      %mul3A_1635 = arith.mulf %div3A_977, %sub3A_1626 : vector<16xf32>
      %mul3A_1636 = arith.mulf %mul3A_1635, %sub3A_1626 : vector<16xf32>
      %add3A_1637 = arith.addf %add3A_1634, %mul3A_1636 : vector<16xf32>
      %mul3A_1638 = arith.constant -5.000000e-01 : f32
      %mul3A_1639 = vector.broadcast %mul3A_1638 : f32 to vector<16xf32>
      %mul3A_1640 = arith.mulf %mul3A_1639, %add3A_1637 : vector<16xf32>
      %exp3A_1641 = math.exp %mul3A_1640 : vector<16xf32>
      %sub3A_1642 = arith.subf %mul3A_763, %get3A_613 : vector<16xf32>
      %gt3A_1643 = arith.constant 1.000000e-10 : f32
      %gt3A_1644 = vector.broadcast %gt3A_1643 : f32 to vector<16xf32>
      %gt3A_1645 = arith.cmpf ogt, %sub3A_1642, %gt3A_1644 : vector<16xf32>
      %sub3A_1646 = arith.subf %mul3A_771, %get3A_615 : vector<16xf32>
      %gt3A_1647 = arith.constant 1.000000e-10 : f32
      %gt3A_1648 = vector.broadcast %gt3A_1647 : f32 to vector<16xf32>
      %gt3A_1649 = arith.cmpf ogt, %sub3A_1646, %gt3A_1648 : vector<16xf32>
      %and3A_1650 = arith.andi %gt3A_1645, %gt3A_1649 : vector<16xi1>
      %sub3A_1651 = arith.subf %get3A_617, %mul3A_763 : vector<16xf32>
      %gt3A_1652 = arith.constant 1.000000e-10 : f32
      %gt3A_1653 = vector.broadcast %gt3A_1652 : f32 to vector<16xf32>
      %gt3A_1654 = arith.cmpf ogt, %sub3A_1651, %gt3A_1653 : vector<16xf32>
      %and3A_1655 = arith.andi %and3A_1650, %gt3A_1654 : vector<16xi1>
      %sub3A_1656 = arith.subf %get3A_619, %mul3A_771 : vector<16xf32>
      %gt3A_1657 = arith.constant 1.000000e-10 : f32
      %gt3A_1658 = vector.broadcast %gt3A_1657 : f32 to vector<16xf32>
      %gt3A_1659 = arith.cmpf ogt, %sub3A_1656, %gt3A_1658 : vector<16xf32>
      %and3A_1660 = arith.andi %and3A_1655, %gt3A_1659 : vector<16xi1>
      %and3A_1661 = arith.andi %and3A_1660, %lt3A_611 : vector<16xi1>
      %jit3A_1662 = arith.constant 0.000000e+00 : f32
      %broadcast_in_dim3A_1663 = vector.broadcast %jit3A_1662 : f32 to vector<16xf32>
      %select_n3A_1664 = arith.select %and3A_1661, %exp3A_1641, %broadcast_in_dim3A_1663 : vector<16xi1>, vector<16xf32>
      %add3A_1665 = arith.constant 560 : i32
      %add3A_1666 = arith.addi %add3A_1665, %mul3A_123 : i32
      %get3A_1667 = arith.index_cast %add3A_1666 : i32 to index
      %get3A_1668 = tpu.vector_load %arg11[%get3A_1667] {strides = array<i32>} : memref<1008xi32, #tpu.memory_space<vmem>>, vector<16xi32>,
      %swap3A_1669 = arith.constant 0 : index
      %swap3A_1670 = tpu.vector_load %arg23[%swap3A_1669] {strides = array<i32>} : memref<16xi32, #tpu.memory_space<vmem>>, vector<16xi32>,
      tpu.vector_store %arg23[%swap3A_1669], %get3A_1668 {strides = array<i32>} : memref<16xi32, #tpu.memory_space<vmem>>, vector<16xi32>,
      %swap3A_1671 = arith.constant 0 : index
      %swap3A_1672 = tpu.vector_load %arg24[%swap3A_1671] {strides = array<i32>} : memref<16xf32, #tpu.memory_space<vmem>>, vector<16xf32>,
      tpu.vector_store %arg24[%swap3A_1671], %select_n3A_1664 {strides = array<i32>} : memref<16xf32, #tpu.memory_space<vmem>>, vector<16xf32>,
      %gather3A_1673 = tpu.vector_load_idx %arg23[%and3A_7] : memref<16xi32, #tpu.memory_space<vmem>>[vector<16xi32>], vector<16xi32>,
      %gather3A_1674 = tpu.vector_load_idx %arg24[%and3A_7] : memref<16xf32, #tpu.memory_space<vmem>>[vector<16xi32>], vector<16xf32>,
      %eq3A_1675 = arith.cmpi eq, %gather3A_1673, %get3A_1668 : vector<16xi32>
      %max3A_1676 = arith.maximumf %select_n3A_1664, %gather3A_1674 : vector<16xf32>
      %select_n3A_1677 = arith.select %eq3A_1675, %max3A_1676, %select_n3A_1664 : vector<16xi1>, vector<16xf32>
      %gather3A_1678 = tpu.vector_load_idx %arg23[%and3A_14] : memref<16xi32, #tpu.memory_space<vmem>>[vector<16xi32>], vector<16xi32>,
      %gather3A_1679 = tpu.vector_load_idx %arg24[%and3A_14] : memref<16xf32, #tpu.memory_space<vmem>>[vector<16xi32>], vector<16xf32>,
      %eq3A_1680 = arith.cmpi eq, %gather3A_1678, %get3A_1668 : vector<16xi32>
      %max3A_1681 = arith.maximumf %select_n3A_1677, %gather3A_1679 : vector<16xf32>
      %select_n3A_1682 = arith.select %eq3A_1680, %max3A_1681, %select_n3A_1677 : vector<16xi1>, vector<16xf32>
      %gather3A_1683 = tpu.vector_load_idx %arg23[%and3A_21] : memref<16xi32, #tpu.memory_space<vmem>>[vector<16xi32>], vector<16xi32>,
      %gather3A_1684 = tpu.vector_load_idx %arg24[%and3A_21] : memref<16xf32, #tpu.memory_space<vmem>>[vector<16xi32>], vector<16xf32>,
      %eq3A_1685 = arith.cmpi eq, %gather3A_1683, %get3A_1668 : vector<16xi32>
      %max3A_1686 = arith.maximumf %select_n3A_1682, %gather3A_1684 : vector<16xf32>
      %select_n3A_1687 = arith.select %eq3A_1685, %max3A_1686, %select_n3A_1682 : vector<16xi1>, vector<16xf32>
      %gather3A_1688 = tpu.vector_load_idx %arg23[%and3A_28] : memref<16xi32, #tpu.memory_space<vmem>>[vector<16xi32>], vector<16xi32>,
      %gather3A_1689 = tpu.vector_load_idx %arg24[%and3A_28] : memref<16xf32, #tpu.memory_space<vmem>>[vector<16xi32>], vector<16xf32>,
      %eq3A_1690 = arith.cmpi eq, %gather3A_1688, %get3A_1668 : vector<16xi32>
      %max3A_1691 = arith.maximumf %select_n3A_1687, %gather3A_1689 : vector<16xf32>
      %select_n3A_1692 = arith.select %eq3A_1690, %max3A_1691, %select_n3A_1687 : vector<16xi1>, vector<16xf32>
      %gather3A_1693 = tpu.vector_load_idx %arg23[%and3A_35] : memref<16xi32, #tpu.memory_space<vmem>>[vector<16xi32>], vector<16xi32>,
      %gather3A_1694 = tpu.vector_load_idx %arg24[%and3A_35] : memref<16xf32, #tpu.memory_space<vmem>>[vector<16xi32>], vector<16xf32>,
      %eq3A_1695 = arith.cmpi eq, %gather3A_1693, %get3A_1668 : vector<16xi32>
      %max3A_1696 = arith.maximumf %select_n3A_1692, %gather3A_1694 : vector<16xf32>
      %select_n3A_1697 = arith.select %eq3A_1695, %max3A_1696, %select_n3A_1692 : vector<16xi1>, vector<16xf32>
      %gather3A_1698 = tpu.vector_load_idx %arg23[%and3A_42] : memref<16xi32, #tpu.memory_space<vmem>>[vector<16xi32>], vector<16xi32>,
      %gather3A_1699 = tpu.vector_load_idx %arg24[%and3A_42] : memref<16xf32, #tpu.memory_space<vmem>>[vector<16xi32>], vector<16xf32>,
      %eq3A_1700 = arith.cmpi eq, %gather3A_1698, %get3A_1668 : vector<16xi32>
      %max3A_1701 = arith.maximumf %select_n3A_1697, %gather3A_1699 : vector<16xf32>
      %select_n3A_1702 = arith.select %eq3A_1700, %max3A_1701, %select_n3A_1697 : vector<16xi1>, vector<16xf32>
      %gather3A_1703 = tpu.vector_load_idx %arg23[%and3A_49] : memref<16xi32, #tpu.memory_space<vmem>>[vector<16xi32>], vector<16xi32>,
      %gather3A_1704 = tpu.vector_load_idx %arg24[%and3A_49] : memref<16xf32, #tpu.memory_space<vmem>>[vector<16xi32>], vector<16xf32>,
      %eq3A_1705 = arith.cmpi eq, %gather3A_1703, %get3A_1668 : vector<16xi32>
      %max3A_1706 = arith.maximumf %select_n3A_1702, %gather3A_1704 : vector<16xf32>
      %select_n3A_1707 = arith.select %eq3A_1705, %max3A_1706, %select_n3A_1702 : vector<16xi1>, vector<16xf32>
      %gather3A_1708 = tpu.vector_load_idx %arg23[%and3A_56] : memref<16xi32, #tpu.memory_space<vmem>>[vector<16xi32>], vector<16xi32>,
      %gather3A_1709 = tpu.vector_load_idx %arg24[%and3A_56] : memref<16xf32, #tpu.memory_space<vmem>>[vector<16xi32>], vector<16xf32>,
      %eq3A_1710 = arith.cmpi eq, %gather3A_1708, %get3A_1668 : vector<16xi32>
      %max3A_1711 = arith.maximumf %select_n3A_1707, %gather3A_1709 : vector<16xf32>
      %select_n3A_1712 = arith.select %eq3A_1710, %max3A_1711, %select_n3A_1707 : vector<16xi1>, vector<16xf32>
      %gather3A_1713 = tpu.vector_load_idx %arg23[%and3A_63] : memref<16xi32, #tpu.memory_space<vmem>>[vector<16xi32>], vector<16xi32>,
      %gather3A_1714 = tpu.vector_load_idx %arg24[%and3A_63] : memref<16xf32, #tpu.memory_space<vmem>>[vector<16xi32>], vector<16xf32>,
      %eq3A_1715 = arith.cmpi eq, %gather3A_1713, %get3A_1668 : vector<16xi32>
      %max3A_1716 = arith.maximumf %select_n3A_1712, %gather3A_1714 : vector<16xf32>
      %select_n3A_1717 = arith.select %eq3A_1715, %max3A_1716, %select_n3A_1712 : vector<16xi1>, vector<16xf32>
      %gather3A_1718 = tpu.vector_load_idx %arg23[%and3A_70] : memref<16xi32, #tpu.memory_space<vmem>>[vector<16xi32>], vector<16xi32>,
      %gather3A_1719 = tpu.vector_load_idx %arg24[%and3A_70] : memref<16xf32, #tpu.memory_space<vmem>>[vector<16xi32>], vector<16xf32>,
      %eq3A_1720 = arith.cmpi eq, %gather3A_1718, %get3A_1668 : vector<16xi32>
      %max3A_1721 = arith.maximumf %select_n3A_1717, %gather3A_1719 : vector<16xf32>
      %select_n3A_1722 = arith.select %eq3A_1720, %max3A_1721, %select_n3A_1717 : vector<16xi1>, vector<16xf32>
      %gather3A_1723 = tpu.vector_load_idx %arg23[%and3A_77] : memref<16xi32, #tpu.memory_space<vmem>>[vector<16xi32>], vector<16xi32>,
      %gather3A_1724 = tpu.vector_load_idx %arg24[%and3A_77] : memref<16xf32, #tpu.memory_space<vmem>>[vector<16xi32>], vector<16xf32>,
      %eq3A_1725 = arith.cmpi eq, %gather3A_1723, %get3A_1668 : vector<16xi32>
      %max3A_1726 = arith.maximumf %select_n3A_1722, %gather3A_1724 : vector<16xf32>
      %select_n3A_1727 = arith.select %eq3A_1725, %max3A_1726, %select_n3A_1722 : vector<16xi1>, vector<16xf32>
      %gather3A_1728 = tpu.vector_load_idx %arg23[%and3A_84] : memref<16xi32, #tpu.memory_space<vmem>>[vector<16xi32>], vector<16xi32>,
      %gather3A_1729 = tpu.vector_load_idx %arg24[%and3A_84] : memref<16xf32, #tpu.memory_space<vmem>>[vector<16xi32>], vector<16xf32>,
      %eq3A_1730 = arith.cmpi eq, %gather3A_1728, %get3A_1668 : vector<16xi32>
      %max3A_1731 = arith.maximumf %select_n3A_1727, %gather3A_1729 : vector<16xf32>
      %select_n3A_1732 = arith.select %eq3A_1730, %max3A_1731, %select_n3A_1727 : vector<16xi1>, vector<16xf32>
      %gather3A_1733 = tpu.vector_load_idx %arg23[%and3A_91] : memref<16xi32, #tpu.memory_space<vmem>>[vector<16xi32>], vector<16xi32>,
      %gather3A_1734 = tpu.vector_load_idx %arg24[%and3A_91] : memref<16xf32, #tpu.memory_space<vmem>>[vector<16xi32>], vector<16xf32>,
      %eq3A_1735 = arith.cmpi eq, %gather3A_1733, %get3A_1668 : vector<16xi32>
      %max3A_1736 = arith.maximumf %select_n3A_1732, %gather3A_1734 : vector<16xf32>
      %select_n3A_1737 = arith.select %eq3A_1735, %max3A_1736, %select_n3A_1732 : vector<16xi1>, vector<16xf32>
      %gather3A_1738 = tpu.vector_load_idx %arg23[%and3A_98] : memref<16xi32, #tpu.memory_space<vmem>>[vector<16xi32>], vector<16xi32>,
      %gather3A_1739 = tpu.vector_load_idx %arg24[%and3A_98] : memref<16xf32, #tpu.memory_space<vmem>>[vector<16xi32>], vector<16xf32>,
      %eq3A_1740 = arith.cmpi eq, %gather3A_1738, %get3A_1668 : vector<16xi32>
      %max3A_1741 = arith.maximumf %select_n3A_1737, %gather3A_1739 : vector<16xf32>
      %select_n3A_1742 = arith.select %eq3A_1740, %max3A_1741, %select_n3A_1737 : vector<16xi1>, vector<16xf32>
      %gather3A_1743 = tpu.vector_load_idx %arg23[%and3A_105] : memref<16xi32, #tpu.memory_space<vmem>>[vector<16xi32>], vector<16xi32>,
      %gather3A_1744 = tpu.vector_load_idx %arg24[%and3A_105] : memref<16xf32, #tpu.memory_space<vmem>>[vector<16xi32>], vector<16xf32>,
      %eq3A_1745 = arith.cmpi eq, %gather3A_1743, %get3A_1668 : vector<16xi32>
      %max3A_1746 = arith.maximumf %select_n3A_1742, %gather3A_1744 : vector<16xf32>
      %select_n3A_1747 = arith.select %eq3A_1745, %max3A_1746, %select_n3A_1742 : vector<16xi1>, vector<16xf32>
      %add3A_1748 = arith.constant 560 : i32
      %add3A_1749 = arith.addi %add3A_1748, %mul3A_123 : i32
      %swap3A_1750 = arith.index_cast %add3A_1749 : i32 to index
      %swap3A_1751 = tpu.vector_load %arg22[%swap3A_1750] {strides = array<i32>} : memref<1008xf32, #tpu.memory_space<vmem>>, vector<16xf32>,
      tpu.vector_store %arg22[%swap3A_1750], %select_n3A_1747 {strides = array<i32>} : memref<1008xf32, #tpu.memory_space<vmem>>, vector<16xf32>,
      %add3A_1752 = arith.constant 560 : i32
      %add3A_1753 = arith.addi %add3A_1752, %mul3A_123 : i32
      %add3A_1754 = arith.constant 560 : i32
      %add3A_1755 = arith.addi %add3A_1754, %mul3A_123 : i32
      "tpu.region"() ({
        %run_scoped3A = tpu.sem_alloc : memref<!tpu.dma_semaphore, #tpu.memory_space<semaphore_mem>>
        %dma_start3A_2149 = tpu.memref_slice %arg22[%add3A_1753] : memref<1008xf32, #tpu.memory_space<vmem>> -> memref<16xf32, #tpu.memory_space<vmem>>
        %dma_start3A_2150 = tpu.memref_slice %arg26[%add3A_1755] : memref<1008xf32, #tpu.memory_space<vmem_shared>> -> memref<16xf32, #tpu.memory_space<vmem_shared>>
        %dma_start3A_2151 = tpu.memref_slice %arg26[%add3A_1755] : memref<1008xf32, #tpu.memory_space<vmem_shared>> -> memref<16xf32, #tpu.memory_space<vmem_shared>>
        %dma_start3A_2152 = tpu.memref_slice %arg22[%add3A_1753] : memref<1008xf32, #tpu.memory_space<vmem>> -> memref<16xf32, #tpu.memory_space<vmem>>
        tpu.enqueue_dma source(%dma_start3A_2152 : memref<16xf32, #tpu.memory_space<vmem>>) target(%dma_start3A_2151 : memref<16xf32, #tpu.memory_space<vmem_shared>>) target_semaphore(%run_scoped3A : memref<!tpu.dma_semaphore, #tpu.memory_space<semaphore_mem>>)
        %dma_wait3A_2153 = tpu.memref_slice %arg22[%add3A_1753] : memref<1008xf32, #tpu.memory_space<vmem>> -> memref<16xf32, #tpu.memory_space<vmem>>
        %dma_wait3A_2154 = tpu.memref_slice %arg26[%add3A_1755] : memref<1008xf32, #tpu.memory_space<vmem_shared>> -> memref<16xf32, #tpu.memory_space<vmem_shared>>
        %dma_wait3A_2155 = tpu.memref_slice %arg26[%add3A_1755] : memref<1008xf32, #tpu.memory_space<vmem_shared>> -> memref<16xf32, #tpu.memory_space<vmem_shared>>
        %dma_wait3A_2156 = tpu.memref_slice %arg22[%add3A_1753] : memref<1008xf32, #tpu.memory_space<vmem>> -> memref<16xf32, #tpu.memory_space<vmem>>
        tpu.wait_dma2 semaphore(%run_scoped3A : memref<!tpu.dma_semaphore, #tpu.memory_space<semaphore_mem>>) src(%dma_wait3A_2156 : memref<16xf32, #tpu.memory_space<vmem>>) dst(%dma_wait3A_2155 : memref<16xf32, #tpu.memory_space<vmem_shared>>)
        tpu.yield
      }) : () -> ()
      %sub3A_1756 = arith.subf %mul3A_789, %div3A_859 : vector<16xf32>
      %sub3A_1757 = arith.subf %mul3A_797, %div3A_862 : vector<16xf32>
      %mul3A_1758 = arith.mulf %div3A_973, %sub3A_1756 : vector<16xf32>
      %mul3A_1759 = arith.mulf %mul3A_1758, %sub3A_1756 : vector<16xf32>
      %mul3A_1760 = arith.constant 2.000000e+00 : f32
      %mul3A_1761 = vector.broadcast %mul3A_1760 : f32 to vector<16xf32>
      %mul3A_1762 = arith.mulf %mul3A_1761, %div3A_976 : vector<16xf32>
      %mul3A_1763 = arith.mulf %mul3A_1762, %sub3A_1756 : vector<16xf32>
      %mul3A_1764 = arith.mulf %mul3A_1763, %sub3A_1757 : vector<16xf32>
      %add3A_1765 = arith.addf %mul3A_1759, %mul3A_1764 : vector<16xf32>
      %mul3A_1766 = arith.mulf %div3A_977, %sub3A_1757 : vector<16xf32>
      %mul3A_1767 = arith.mulf %mul3A_1766, %sub3A_1757 : vector<16xf32>
      %add3A_1768 = arith.addf %add3A_1765, %mul3A_1767 : vector<16xf32>
      %mul3A_1769 = arith.constant -5.000000e-01 : f32
      %mul3A_1770 = vector.broadcast %mul3A_1769 : f32 to vector<16xf32>
      %mul3A_1771 = arith.mulf %mul3A_1770, %add3A_1768 : vector<16xf32>
      %exp3A_1772 = math.exp %mul3A_1771 : vector<16xf32>
      %sub3A_1773 = arith.subf %mul3A_789, %get3A_613 : vector<16xf32>
      %gt3A_1774 = arith.constant 1.000000e-10 : f32
      %gt3A_1775 = vector.broadcast %gt3A_1774 : f32 to vector<16xf32>
      %gt3A_1776 = arith.cmpf ogt, %sub3A_1773, %gt3A_1775 : vector<16xf32>
      %sub3A_1777 = arith.subf %mul3A_797, %get3A_615 : vector<16xf32>
      %gt3A_1778 = arith.constant 1.000000e-10 : f32
      %gt3A_1779 = vector.broadcast %gt3A_1778 : f32 to vector<16xf32>
      %gt3A_1780 = arith.cmpf ogt, %sub3A_1777, %gt3A_1779 : vector<16xf32>
      %and3A_1781 = arith.andi %gt3A_1776, %gt3A_1780 : vector<16xi1>
      %sub3A_1782 = arith.subf %get3A_617, %mul3A_789 : vector<16xf32>
      %gt3A_1783 = arith.constant 1.000000e-10 : f32
      %gt3A_1784 = vector.broadcast %gt3A_1783 : f32 to vector<16xf32>
      %gt3A_1785 = arith.cmpf ogt, %sub3A_1782, %gt3A_1784 : vector<16xf32>
      %and3A_1786 = arith.andi %and3A_1781, %gt3A_1785 : vector<16xi1>
      %sub3A_1787 = arith.subf %get3A_619, %mul3A_797 : vector<16xf32>
      %gt3A_1788 = arith.constant 1.000000e-10 : f32
      %gt3A_1789 = vector.broadcast %gt3A_1788 : f32 to vector<16xf32>
      %gt3A_1790 = arith.cmpf ogt, %sub3A_1787, %gt3A_1789 : vector<16xf32>
      %and3A_1791 = arith.andi %and3A_1786, %gt3A_1790 : vector<16xi1>
      %and3A_1792 = arith.andi %and3A_1791, %lt3A_611 : vector<16xi1>
      %jit3A_1793 = arith.constant 0.000000e+00 : f32
      %broadcast_in_dim3A_1794 = vector.broadcast %jit3A_1793 : f32 to vector<16xf32>
      %select_n3A_1795 = arith.select %and3A_1792, %exp3A_1772, %broadcast_in_dim3A_1794 : vector<16xi1>, vector<16xf32>
      %add3A_1796 = arith.constant 672 : i32
      %add3A_1797 = arith.addi %add3A_1796, %mul3A_123 : i32
      %get3A_1798 = arith.index_cast %add3A_1797 : i32 to index
      %get3A_1799 = tpu.vector_load %arg11[%get3A_1798] {strides = array<i32>} : memref<1008xi32, #tpu.memory_space<vmem>>, vector<16xi32>,
      %swap3A_1800 = arith.constant 0 : index
      %swap3A_1801 = tpu.vector_load %arg23[%swap3A_1800] {strides = array<i32>} : memref<16xi32, #tpu.memory_space<vmem>>, vector<16xi32>,
      tpu.vector_store %arg23[%swap3A_1800], %get3A_1799 {strides = array<i32>} : memref<16xi32, #tpu.memory_space<vmem>>, vector<16xi32>,
      %swap3A_1802 = arith.constant 0 : index
      %swap3A_1803 = tpu.vector_load %arg24[%swap3A_1802] {strides = array<i32>} : memref<16xf32, #tpu.memory_space<vmem>>, vector<16xf32>,
      tpu.vector_store %arg24[%swap3A_1802], %select_n3A_1795 {strides = array<i32>} : memref<16xf32, #tpu.memory_space<vmem>>, vector<16xf32>,
      %gather3A_1804 = tpu.vector_load_idx %arg23[%and3A_7] : memref<16xi32, #tpu.memory_space<vmem>>[vector<16xi32>], vector<16xi32>,
      %gather3A_1805 = tpu.vector_load_idx %arg24[%and3A_7] : memref<16xf32, #tpu.memory_space<vmem>>[vector<16xi32>], vector<16xf32>,
      %eq3A_1806 = arith.cmpi eq, %gather3A_1804, %get3A_1799 : vector<16xi32>
      %max3A_1807 = arith.maximumf %select_n3A_1795, %gather3A_1805 : vector<16xf32>
      %select_n3A_1808 = arith.select %eq3A_1806, %max3A_1807, %select_n3A_1795 : vector<16xi1>, vector<16xf32>
      %gather3A_1809 = tpu.vector_load_idx %arg23[%and3A_14] : memref<16xi32, #tpu.memory_space<vmem>>[vector<16xi32>], vector<16xi32>,
      %gather3A_1810 = tpu.vector_load_idx %arg24[%and3A_14] : memref<16xf32, #tpu.memory_space<vmem>>[vector<16xi32>], vector<16xf32>,
      %eq3A_1811 = arith.cmpi eq, %gather3A_1809, %get3A_1799 : vector<16xi32>
      %max3A_1812 = arith.maximumf %select_n3A_1808, %gather3A_1810 : vector<16xf32>
      %select_n3A_1813 = arith.select %eq3A_1811, %max3A_1812, %select_n3A_1808 : vector<16xi1>, vector<16xf32>
      %gather3A_1814 = tpu.vector_load_idx %arg23[%and3A_21] : memref<16xi32, #tpu.memory_space<vmem>>[vector<16xi32>], vector<16xi32>,
      %gather3A_1815 = tpu.vector_load_idx %arg24[%and3A_21] : memref<16xf32, #tpu.memory_space<vmem>>[vector<16xi32>], vector<16xf32>,
      %eq3A_1816 = arith.cmpi eq, %gather3A_1814, %get3A_1799 : vector<16xi32>
      %max3A_1817 = arith.maximumf %select_n3A_1813, %gather3A_1815 : vector<16xf32>
      %select_n3A_1818 = arith.select %eq3A_1816, %max3A_1817, %select_n3A_1813 : vector<16xi1>, vector<16xf32>
      %gather3A_1819 = tpu.vector_load_idx %arg23[%and3A_28] : memref<16xi32, #tpu.memory_space<vmem>>[vector<16xi32>], vector<16xi32>,
      %gather3A_1820 = tpu.vector_load_idx %arg24[%and3A_28] : memref<16xf32, #tpu.memory_space<vmem>>[vector<16xi32>], vector<16xf32>,
      %eq3A_1821 = arith.cmpi eq, %gather3A_1819, %get3A_1799 : vector<16xi32>
      %max3A_1822 = arith.maximumf %select_n3A_1818, %gather3A_1820 : vector<16xf32>
      %select_n3A_1823 = arith.select %eq3A_1821, %max3A_1822, %select_n3A_1818 : vector<16xi1>, vector<16xf32>
      %gather3A_1824 = tpu.vector_load_idx %arg23[%and3A_35] : memref<16xi32, #tpu.memory_space<vmem>>[vector<16xi32>], vector<16xi32>,
      %gather3A_1825 = tpu.vector_load_idx %arg24[%and3A_35] : memref<16xf32, #tpu.memory_space<vmem>>[vector<16xi32>], vector<16xf32>,
      %eq3A_1826 = arith.cmpi eq, %gather3A_1824, %get3A_1799 : vector<16xi32>
      %max3A_1827 = arith.maximumf %select_n3A_1823, %gather3A_1825 : vector<16xf32>
      %select_n3A_1828 = arith.select %eq3A_1826, %max3A_1827, %select_n3A_1823 : vector<16xi1>, vector<16xf32>
      %gather3A_1829 = tpu.vector_load_idx %arg23[%and3A_42] : memref<16xi32, #tpu.memory_space<vmem>>[vector<16xi32>], vector<16xi32>,
      %gather3A_1830 = tpu.vector_load_idx %arg24[%and3A_42] : memref<16xf32, #tpu.memory_space<vmem>>[vector<16xi32>], vector<16xf32>,
      %eq3A_1831 = arith.cmpi eq, %gather3A_1829, %get3A_1799 : vector<16xi32>
      %max3A_1832 = arith.maximumf %select_n3A_1828, %gather3A_1830 : vector<16xf32>
      %select_n3A_1833 = arith.select %eq3A_1831, %max3A_1832, %select_n3A_1828 : vector<16xi1>, vector<16xf32>
      %gather3A_1834 = tpu.vector_load_idx %arg23[%and3A_49] : memref<16xi32, #tpu.memory_space<vmem>>[vector<16xi32>], vector<16xi32>,
      %gather3A_1835 = tpu.vector_load_idx %arg24[%and3A_49] : memref<16xf32, #tpu.memory_space<vmem>>[vector<16xi32>], vector<16xf32>,
      %eq3A_1836 = arith.cmpi eq, %gather3A_1834, %get3A_1799 : vector<16xi32>
      %max3A_1837 = arith.maximumf %select_n3A_1833, %gather3A_1835 : vector<16xf32>
      %select_n3A_1838 = arith.select %eq3A_1836, %max3A_1837, %select_n3A_1833 : vector<16xi1>, vector<16xf32>
      %gather3A_1839 = tpu.vector_load_idx %arg23[%and3A_56] : memref<16xi32, #tpu.memory_space<vmem>>[vector<16xi32>], vector<16xi32>,
      %gather3A_1840 = tpu.vector_load_idx %arg24[%and3A_56] : memref<16xf32, #tpu.memory_space<vmem>>[vector<16xi32>], vector<16xf32>,
      %eq3A_1841 = arith.cmpi eq, %gather3A_1839, %get3A_1799 : vector<16xi32>
      %max3A_1842 = arith.maximumf %select_n3A_1838, %gather3A_1840 : vector<16xf32>
      %select_n3A_1843 = arith.select %eq3A_1841, %max3A_1842, %select_n3A_1838 : vector<16xi1>, vector<16xf32>
      %gather3A_1844 = tpu.vector_load_idx %arg23[%and3A_63] : memref<16xi32, #tpu.memory_space<vmem>>[vector<16xi32>], vector<16xi32>,
      %gather3A_1845 = tpu.vector_load_idx %arg24[%and3A_63] : memref<16xf32, #tpu.memory_space<vmem>>[vector<16xi32>], vector<16xf32>,
      %eq3A_1846 = arith.cmpi eq, %gather3A_1844, %get3A_1799 : vector<16xi32>
      %max3A_1847 = arith.maximumf %select_n3A_1843, %gather3A_1845 : vector<16xf32>
      %select_n3A_1848 = arith.select %eq3A_1846, %max3A_1847, %select_n3A_1843 : vector<16xi1>, vector<16xf32>
      %gather3A_1849 = tpu.vector_load_idx %arg23[%and3A_70] : memref<16xi32, #tpu.memory_space<vmem>>[vector<16xi32>], vector<16xi32>,
      %gather3A_1850 = tpu.vector_load_idx %arg24[%and3A_70] : memref<16xf32, #tpu.memory_space<vmem>>[vector<16xi32>], vector<16xf32>,
      %eq3A_1851 = arith.cmpi eq, %gather3A_1849, %get3A_1799 : vector<16xi32>
      %max3A_1852 = arith.maximumf %select_n3A_1848, %gather3A_1850 : vector<16xf32>
      %select_n3A_1853 = arith.select %eq3A_1851, %max3A_1852, %select_n3A_1848 : vector<16xi1>, vector<16xf32>
      %gather3A_1854 = tpu.vector_load_idx %arg23[%and3A_77] : memref<16xi32, #tpu.memory_space<vmem>>[vector<16xi32>], vector<16xi32>,
      %gather3A_1855 = tpu.vector_load_idx %arg24[%and3A_77] : memref<16xf32, #tpu.memory_space<vmem>>[vector<16xi32>], vector<16xf32>,
      %eq3A_1856 = arith.cmpi eq, %gather3A_1854, %get3A_1799 : vector<16xi32>
      %max3A_1857 = arith.maximumf %select_n3A_1853, %gather3A_1855 : vector<16xf32>
      %select_n3A_1858 = arith.select %eq3A_1856, %max3A_1857, %select_n3A_1853 : vector<16xi1>, vector<16xf32>
      %gather3A_1859 = tpu.vector_load_idx %arg23[%and3A_84] : memref<16xi32, #tpu.memory_space<vmem>>[vector<16xi32>], vector<16xi32>,
      %gather3A_1860 = tpu.vector_load_idx %arg24[%and3A_84] : memref<16xf32, #tpu.memory_space<vmem>>[vector<16xi32>], vector<16xf32>,
      %eq3A_1861 = arith.cmpi eq, %gather3A_1859, %get3A_1799 : vector<16xi32>
      %max3A_1862 = arith.maximumf %select_n3A_1858, %gather3A_1860 : vector<16xf32>
      %select_n3A_1863 = arith.select %eq3A_1861, %max3A_1862, %select_n3A_1858 : vector<16xi1>, vector<16xf32>
      %gather3A_1864 = tpu.vector_load_idx %arg23[%and3A_91] : memref<16xi32, #tpu.memory_space<vmem>>[vector<16xi32>], vector<16xi32>,
      %gather3A_1865 = tpu.vector_load_idx %arg24[%and3A_91] : memref<16xf32, #tpu.memory_space<vmem>>[vector<16xi32>], vector<16xf32>,
      %eq3A_1866 = arith.cmpi eq, %gather3A_1864, %get3A_1799 : vector<16xi32>
      %max3A_1867 = arith.maximumf %select_n3A_1863, %gather3A_1865 : vector<16xf32>
      %select_n3A_1868 = arith.select %eq3A_1866, %max3A_1867, %select_n3A_1863 : vector<16xi1>, vector<16xf32>
      %gather3A_1869 = tpu.vector_load_idx %arg23[%and3A_98] : memref<16xi32, #tpu.memory_space<vmem>>[vector<16xi32>], vector<16xi32>,
      %gather3A_1870 = tpu.vector_load_idx %arg24[%and3A_98] : memref<16xf32, #tpu.memory_space<vmem>>[vector<16xi32>], vector<16xf32>,
      %eq3A_1871 = arith.cmpi eq, %gather3A_1869, %get3A_1799 : vector<16xi32>
      %max3A_1872 = arith.maximumf %select_n3A_1868, %gather3A_1870 : vector<16xf32>
      %select_n3A_1873 = arith.select %eq3A_1871, %max3A_1872, %select_n3A_1868 : vector<16xi1>, vector<16xf32>
      %gather3A_1874 = tpu.vector_load_idx %arg23[%and3A_105] : memref<16xi32, #tpu.memory_space<vmem>>[vector<16xi32>], vector<16xi32>,
      %gather3A_1875 = tpu.vector_load_idx %arg24[%and3A_105] : memref<16xf32, #tpu.memory_space<vmem>>[vector<16xi32>], vector<16xf32>,
      %eq3A_1876 = arith.cmpi eq, %gather3A_1874, %get3A_1799 : vector<16xi32>
      %max3A_1877 = arith.maximumf %select_n3A_1873, %gather3A_1875 : vector<16xf32>
      %select_n3A_1878 = arith.select %eq3A_1876, %max3A_1877, %select_n3A_1873 : vector<16xi1>, vector<16xf32>
      %add3A_1879 = arith.constant 672 : i32
      %add3A_1880 = arith.addi %add3A_1879, %mul3A_123 : i32
      %swap3A_1881 = arith.index_cast %add3A_1880 : i32 to index
      %swap3A_1882 = tpu.vector_load %arg22[%swap3A_1881] {strides = array<i32>} : memref<1008xf32, #tpu.memory_space<vmem>>, vector<16xf32>,
      tpu.vector_store %arg22[%swap3A_1881], %select_n3A_1878 {strides = array<i32>} : memref<1008xf32, #tpu.memory_space<vmem>>, vector<16xf32>,
      %add3A_1883 = arith.constant 672 : i32
      %add3A_1884 = arith.addi %add3A_1883, %mul3A_123 : i32
      %add3A_1885 = arith.constant 672 : i32
      %add3A_1886 = arith.addi %add3A_1885, %mul3A_123 : i32
      "tpu.region"() ({
        %run_scoped3A = tpu.sem_alloc : memref<!tpu.dma_semaphore, #tpu.memory_space<semaphore_mem>>
        %dma_start3A_2149 = tpu.memref_slice %arg22[%add3A_1884] : memref<1008xf32, #tpu.memory_space<vmem>> -> memref<16xf32, #tpu.memory_space<vmem>>
        %dma_start3A_2150 = tpu.memref_slice %arg26[%add3A_1886] : memref<1008xf32, #tpu.memory_space<vmem_shared>> -> memref<16xf32, #tpu.memory_space<vmem_shared>>
        %dma_start3A_2151 = tpu.memref_slice %arg26[%add3A_1886] : memref<1008xf32, #tpu.memory_space<vmem_shared>> -> memref<16xf32, #tpu.memory_space<vmem_shared>>
        %dma_start3A_2152 = tpu.memref_slice %arg22[%add3A_1884] : memref<1008xf32, #tpu.memory_space<vmem>> -> memref<16xf32, #tpu.memory_space<vmem>>
        tpu.enqueue_dma source(%dma_start3A_2152 : memref<16xf32, #tpu.memory_space<vmem>>) target(%dma_start3A_2151 : memref<16xf32, #tpu.memory_space<vmem_shared>>) target_semaphore(%run_scoped3A : memref<!tpu.dma_semaphore, #tpu.memory_space<semaphore_mem>>)
        %dma_wait3A_2153 = tpu.memref_slice %arg22[%add3A_1884] : memref<1008xf32, #tpu.memory_space<vmem>> -> memref<16xf32, #tpu.memory_space<vmem>>
        %dma_wait3A_2154 = tpu.memref_slice %arg26[%add3A_1886] : memref<1008xf32, #tpu.memory_space<vmem_shared>> -> memref<16xf32, #tpu.memory_space<vmem_shared>>
        %dma_wait3A_2155 = tpu.memref_slice %arg26[%add3A_1886] : memref<1008xf32, #tpu.memory_space<vmem_shared>> -> memref<16xf32, #tpu.memory_space<vmem_shared>>
        %dma_wait3A_2156 = tpu.memref_slice %arg22[%add3A_1884] : memref<1008xf32, #tpu.memory_space<vmem>> -> memref<16xf32, #tpu.memory_space<vmem>>
        tpu.wait_dma2 semaphore(%run_scoped3A : memref<!tpu.dma_semaphore, #tpu.memory_space<semaphore_mem>>) src(%dma_wait3A_2156 : memref<16xf32, #tpu.memory_space<vmem>>) dst(%dma_wait3A_2155 : memref<16xf32, #tpu.memory_space<vmem_shared>>)
        tpu.yield
      }) : () -> ()
      %sub3A_1887 = arith.subf %mul3A_815, %div3A_859 : vector<16xf32>
      %sub3A_1888 = arith.subf %mul3A_823, %div3A_862 : vector<16xf32>
      %mul3A_1889 = arith.mulf %div3A_973, %sub3A_1887 : vector<16xf32>
      %mul3A_1890 = arith.mulf %mul3A_1889, %sub3A_1887 : vector<16xf32>
      %mul3A_1891 = arith.constant 2.000000e+00 : f32
      %mul3A_1892 = vector.broadcast %mul3A_1891 : f32 to vector<16xf32>
      %mul3A_1893 = arith.mulf %mul3A_1892, %div3A_976 : vector<16xf32>
      %mul3A_1894 = arith.mulf %mul3A_1893, %sub3A_1887 : vector<16xf32>
      %mul3A_1895 = arith.mulf %mul3A_1894, %sub3A_1888 : vector<16xf32>
      %add3A_1896 = arith.addf %mul3A_1890, %mul3A_1895 : vector<16xf32>
      %mul3A_1897 = arith.mulf %div3A_977, %sub3A_1888 : vector<16xf32>
      %mul3A_1898 = arith.mulf %mul3A_1897, %sub3A_1888 : vector<16xf32>
      %add3A_1899 = arith.addf %add3A_1896, %mul3A_1898 : vector<16xf32>
      %mul3A_1900 = arith.constant -5.000000e-01 : f32
      %mul3A_1901 = vector.broadcast %mul3A_1900 : f32 to vector<16xf32>
      %mul3A_1902 = arith.mulf %mul3A_1901, %add3A_1899 : vector<16xf32>
      %exp3A_1903 = math.exp %mul3A_1902 : vector<16xf32>
      %sub3A_1904 = arith.subf %mul3A_815, %get3A_613 : vector<16xf32>
      %gt3A_1905 = arith.constant 1.000000e-10 : f32
      %gt3A_1906 = vector.broadcast %gt3A_1905 : f32 to vector<16xf32>
      %gt3A_1907 = arith.cmpf ogt, %sub3A_1904, %gt3A_1906 : vector<16xf32>
      %sub3A_1908 = arith.subf %mul3A_823, %get3A_615 : vector<16xf32>
      %gt3A_1909 = arith.constant 1.000000e-10 : f32
      %gt3A_1910 = vector.broadcast %gt3A_1909 : f32 to vector<16xf32>
      %gt3A_1911 = arith.cmpf ogt, %sub3A_1908, %gt3A_1910 : vector<16xf32>
      %and3A_1912 = arith.andi %gt3A_1907, %gt3A_1911 : vector<16xi1>
      %sub3A_1913 = arith.subf %get3A_617, %mul3A_815 : vector<16xf32>
      %gt3A_1914 = arith.constant 1.000000e-10 : f32
      %gt3A_1915 = vector.broadcast %gt3A_1914 : f32 to vector<16xf32>
      %gt3A_1916 = arith.cmpf ogt, %sub3A_1913, %gt3A_1915 : vector<16xf32>
      %and3A_1917 = arith.andi %and3A_1912, %gt3A_1916 : vector<16xi1>
      %sub3A_1918 = arith.subf %get3A_619, %mul3A_823 : vector<16xf32>
      %gt3A_1919 = arith.constant 1.000000e-10 : f32
      %gt3A_1920 = vector.broadcast %gt3A_1919 : f32 to vector<16xf32>
      %gt3A_1921 = arith.cmpf ogt, %sub3A_1918, %gt3A_1920 : vector<16xf32>
      %and3A_1922 = arith.andi %and3A_1917, %gt3A_1921 : vector<16xi1>
      %and3A_1923 = arith.andi %and3A_1922, %lt3A_611 : vector<16xi1>
      %jit3A_1924 = arith.constant 0.000000e+00 : f32
      %broadcast_in_dim3A_1925 = vector.broadcast %jit3A_1924 : f32 to vector<16xf32>
      %select_n3A_1926 = arith.select %and3A_1923, %exp3A_1903, %broadcast_in_dim3A_1925 : vector<16xi1>, vector<16xf32>
      %add3A_1927 = arith.constant 784 : i32
      %add3A_1928 = arith.addi %add3A_1927, %mul3A_123 : i32
      %get3A_1929 = arith.index_cast %add3A_1928 : i32 to index
      %get3A_1930 = tpu.vector_load %arg11[%get3A_1929] {strides = array<i32>} : memref<1008xi32, #tpu.memory_space<vmem>>, vector<16xi32>,
      %swap3A_1931 = arith.constant 0 : index
      %swap3A_1932 = tpu.vector_load %arg23[%swap3A_1931] {strides = array<i32>} : memref<16xi32, #tpu.memory_space<vmem>>, vector<16xi32>,
      tpu.vector_store %arg23[%swap3A_1931], %get3A_1930 {strides = array<i32>} : memref<16xi32, #tpu.memory_space<vmem>>, vector<16xi32>,
      %swap3A_1933 = arith.constant 0 : index
      %swap3A_1934 = tpu.vector_load %arg24[%swap3A_1933] {strides = array<i32>} : memref<16xf32, #tpu.memory_space<vmem>>, vector<16xf32>,
      tpu.vector_store %arg24[%swap3A_1933], %select_n3A_1926 {strides = array<i32>} : memref<16xf32, #tpu.memory_space<vmem>>, vector<16xf32>,
      %gather3A_1935 = tpu.vector_load_idx %arg23[%and3A_7] : memref<16xi32, #tpu.memory_space<vmem>>[vector<16xi32>], vector<16xi32>,
      %gather3A_1936 = tpu.vector_load_idx %arg24[%and3A_7] : memref<16xf32, #tpu.memory_space<vmem>>[vector<16xi32>], vector<16xf32>,
      %eq3A_1937 = arith.cmpi eq, %gather3A_1935, %get3A_1930 : vector<16xi32>
      %max3A_1938 = arith.maximumf %select_n3A_1926, %gather3A_1936 : vector<16xf32>
      %select_n3A_1939 = arith.select %eq3A_1937, %max3A_1938, %select_n3A_1926 : vector<16xi1>, vector<16xf32>
      %gather3A_1940 = tpu.vector_load_idx %arg23[%and3A_14] : memref<16xi32, #tpu.memory_space<vmem>>[vector<16xi32>], vector<16xi32>,
      %gather3A_1941 = tpu.vector_load_idx %arg24[%and3A_14] : memref<16xf32, #tpu.memory_space<vmem>>[vector<16xi32>], vector<16xf32>,
      %eq3A_1942 = arith.cmpi eq, %gather3A_1940, %get3A_1930 : vector<16xi32>
      %max3A_1943 = arith.maximumf %select_n3A_1939, %gather3A_1941 : vector<16xf32>
      %select_n3A_1944 = arith.select %eq3A_1942, %max3A_1943, %select_n3A_1939 : vector<16xi1>, vector<16xf32>
      %gather3A_1945 = tpu.vector_load_idx %arg23[%and3A_21] : memref<16xi32, #tpu.memory_space<vmem>>[vector<16xi32>], vector<16xi32>,
      %gather3A_1946 = tpu.vector_load_idx %arg24[%and3A_21] : memref<16xf32, #tpu.memory_space<vmem>>[vector<16xi32>], vector<16xf32>,
      %eq3A_1947 = arith.cmpi eq, %gather3A_1945, %get3A_1930 : vector<16xi32>
      %max3A_1948 = arith.maximumf %select_n3A_1944, %gather3A_1946 : vector<16xf32>
      %select_n3A_1949 = arith.select %eq3A_1947, %max3A_1948, %select_n3A_1944 : vector<16xi1>, vector<16xf32>
      %gather3A_1950 = tpu.vector_load_idx %arg23[%and3A_28] : memref<16xi32, #tpu.memory_space<vmem>>[vector<16xi32>], vector<16xi32>,
      %gather3A_1951 = tpu.vector_load_idx %arg24[%and3A_28] : memref<16xf32, #tpu.memory_space<vmem>>[vector<16xi32>], vector<16xf32>,
      %eq3A_1952 = arith.cmpi eq, %gather3A_1950, %get3A_1930 : vector<16xi32>
      %max3A_1953 = arith.maximumf %select_n3A_1949, %gather3A_1951 : vector<16xf32>
      %select_n3A_1954 = arith.select %eq3A_1952, %max3A_1953, %select_n3A_1949 : vector<16xi1>, vector<16xf32>
      %gather3A_1955 = tpu.vector_load_idx %arg23[%and3A_35] : memref<16xi32, #tpu.memory_space<vmem>>[vector<16xi32>], vector<16xi32>,
      %gather3A_1956 = tpu.vector_load_idx %arg24[%and3A_35] : memref<16xf32, #tpu.memory_space<vmem>>[vector<16xi32>], vector<16xf32>,
      %eq3A_1957 = arith.cmpi eq, %gather3A_1955, %get3A_1930 : vector<16xi32>
      %max3A_1958 = arith.maximumf %select_n3A_1954, %gather3A_1956 : vector<16xf32>
      %select_n3A_1959 = arith.select %eq3A_1957, %max3A_1958, %select_n3A_1954 : vector<16xi1>, vector<16xf32>
      %gather3A_1960 = tpu.vector_load_idx %arg23[%and3A_42] : memref<16xi32, #tpu.memory_space<vmem>>[vector<16xi32>], vector<16xi32>,
      %gather3A_1961 = tpu.vector_load_idx %arg24[%and3A_42] : memref<16xf32, #tpu.memory_space<vmem>>[vector<16xi32>], vector<16xf32>,
      %eq3A_1962 = arith.cmpi eq, %gather3A_1960, %get3A_1930 : vector<16xi32>
      %max3A_1963 = arith.maximumf %select_n3A_1959, %gather3A_1961 : vector<16xf32>
      %select_n3A_1964 = arith.select %eq3A_1962, %max3A_1963, %select_n3A_1959 : vector<16xi1>, vector<16xf32>
      %gather3A_1965 = tpu.vector_load_idx %arg23[%and3A_49] : memref<16xi32, #tpu.memory_space<vmem>>[vector<16xi32>], vector<16xi32>,
      %gather3A_1966 = tpu.vector_load_idx %arg24[%and3A_49] : memref<16xf32, #tpu.memory_space<vmem>>[vector<16xi32>], vector<16xf32>,
      %eq3A_1967 = arith.cmpi eq, %gather3A_1965, %get3A_1930 : vector<16xi32>
      %max3A_1968 = arith.maximumf %select_n3A_1964, %gather3A_1966 : vector<16xf32>
      %select_n3A_1969 = arith.select %eq3A_1967, %max3A_1968, %select_n3A_1964 : vector<16xi1>, vector<16xf32>
      %gather3A_1970 = tpu.vector_load_idx %arg23[%and3A_56] : memref<16xi32, #tpu.memory_space<vmem>>[vector<16xi32>], vector<16xi32>,
      %gather3A_1971 = tpu.vector_load_idx %arg24[%and3A_56] : memref<16xf32, #tpu.memory_space<vmem>>[vector<16xi32>], vector<16xf32>,
      %eq3A_1972 = arith.cmpi eq, %gather3A_1970, %get3A_1930 : vector<16xi32>
      %max3A_1973 = arith.maximumf %select_n3A_1969, %gather3A_1971 : vector<16xf32>
      %select_n3A_1974 = arith.select %eq3A_1972, %max3A_1973, %select_n3A_1969 : vector<16xi1>, vector<16xf32>
      %gather3A_1975 = tpu.vector_load_idx %arg23[%and3A_63] : memref<16xi32, #tpu.memory_space<vmem>>[vector<16xi32>], vector<16xi32>,
      %gather3A_1976 = tpu.vector_load_idx %arg24[%and3A_63] : memref<16xf32, #tpu.memory_space<vmem>>[vector<16xi32>], vector<16xf32>,
      %eq3A_1977 = arith.cmpi eq, %gather3A_1975, %get3A_1930 : vector<16xi32>
      %max3A_1978 = arith.maximumf %select_n3A_1974, %gather3A_1976 : vector<16xf32>
      %select_n3A_1979 = arith.select %eq3A_1977, %max3A_1978, %select_n3A_1974 : vector<16xi1>, vector<16xf32>
      %gather3A_1980 = tpu.vector_load_idx %arg23[%and3A_70] : memref<16xi32, #tpu.memory_space<vmem>>[vector<16xi32>], vector<16xi32>,
      %gather3A_1981 = tpu.vector_load_idx %arg24[%and3A_70] : memref<16xf32, #tpu.memory_space<vmem>>[vector<16xi32>], vector<16xf32>,
      %eq3A_1982 = arith.cmpi eq, %gather3A_1980, %get3A_1930 : vector<16xi32>
      %max3A_1983 = arith.maximumf %select_n3A_1979, %gather3A_1981 : vector<16xf32>
      %select_n3A_1984 = arith.select %eq3A_1982, %max3A_1983, %select_n3A_1979 : vector<16xi1>, vector<16xf32>
      %gather3A_1985 = tpu.vector_load_idx %arg23[%and3A_77] : memref<16xi32, #tpu.memory_space<vmem>>[vector<16xi32>], vector<16xi32>,
      %gather3A_1986 = tpu.vector_load_idx %arg24[%and3A_77] : memref<16xf32, #tpu.memory_space<vmem>>[vector<16xi32>], vector<16xf32>,
      %eq3A_1987 = arith.cmpi eq, %gather3A_1985, %get3A_1930 : vector<16xi32>
      %max3A_1988 = arith.maximumf %select_n3A_1984, %gather3A_1986 : vector<16xf32>
      %select_n3A_1989 = arith.select %eq3A_1987, %max3A_1988, %select_n3A_1984 : vector<16xi1>, vector<16xf32>
      %gather3A_1990 = tpu.vector_load_idx %arg23[%and3A_84] : memref<16xi32, #tpu.memory_space<vmem>>[vector<16xi32>], vector<16xi32>,
      %gather3A_1991 = tpu.vector_load_idx %arg24[%and3A_84] : memref<16xf32, #tpu.memory_space<vmem>>[vector<16xi32>], vector<16xf32>,
      %eq3A_1992 = arith.cmpi eq, %gather3A_1990, %get3A_1930 : vector<16xi32>
      %max3A_1993 = arith.maximumf %select_n3A_1989, %gather3A_1991 : vector<16xf32>
      %select_n3A_1994 = arith.select %eq3A_1992, %max3A_1993, %select_n3A_1989 : vector<16xi1>, vector<16xf32>
      %gather3A_1995 = tpu.vector_load_idx %arg23[%and3A_91] : memref<16xi32, #tpu.memory_space<vmem>>[vector<16xi32>], vector<16xi32>,
      %gather3A_1996 = tpu.vector_load_idx %arg24[%and3A_91] : memref<16xf32, #tpu.memory_space<vmem>>[vector<16xi32>], vector<16xf32>,
      %eq3A_1997 = arith.cmpi eq, %gather3A_1995, %get3A_1930 : vector<16xi32>
      %max3A_1998 = arith.maximumf %select_n3A_1994, %gather3A_1996 : vector<16xf32>
      %select_n3A_1999 = arith.select %eq3A_1997, %max3A_1998, %select_n3A_1994 : vector<16xi1>, vector<16xf32>
      %gather3A_2000 = tpu.vector_load_idx %arg23[%and3A_98] : memref<16xi32, #tpu.memory_space<vmem>>[vector<16xi32>], vector<16xi32>,
      %gather3A_2001 = tpu.vector_load_idx %arg24[%and3A_98] : memref<16xf32, #tpu.memory_space<vmem>>[vector<16xi32>], vector<16xf32>,
      %eq3A_2002 = arith.cmpi eq, %gather3A_2000, %get3A_1930 : vector<16xi32>
      %max3A_2003 = arith.maximumf %select_n3A_1999, %gather3A_2001 : vector<16xf32>
      %select_n3A_2004 = arith.select %eq3A_2002, %max3A_2003, %select_n3A_1999 : vector<16xi1>, vector<16xf32>
      %gather3A_2005 = tpu.vector_load_idx %arg23[%and3A_105] : memref<16xi32, #tpu.memory_space<vmem>>[vector<16xi32>], vector<16xi32>,
      %gather3A_2006 = tpu.vector_load_idx %arg24[%and3A_105] : memref<16xf32, #tpu.memory_space<vmem>>[vector<16xi32>], vector<16xf32>,
      %eq3A_2007 = arith.cmpi eq, %gather3A_2005, %get3A_1930 : vector<16xi32>
      %max3A_2008 = arith.maximumf %select_n3A_2004, %gather3A_2006 : vector<16xf32>
      %select_n3A_2009 = arith.select %eq3A_2007, %max3A_2008, %select_n3A_2004 : vector<16xi1>, vector<16xf32>
      %add3A_2010 = arith.constant 784 : i32
      %add3A_2011 = arith.addi %add3A_2010, %mul3A_123 : i32
      %swap3A_2012 = arith.index_cast %add3A_2011 : i32 to index
      %swap3A_2013 = tpu.vector_load %arg22[%swap3A_2012] {strides = array<i32>} : memref<1008xf32, #tpu.memory_space<vmem>>, vector<16xf32>,
      tpu.vector_store %arg22[%swap3A_2012], %select_n3A_2009 {strides = array<i32>} : memref<1008xf32, #tpu.memory_space<vmem>>, vector<16xf32>,
      %add3A_2014 = arith.constant 784 : i32
      %add3A_2015 = arith.addi %add3A_2014, %mul3A_123 : i32
      %add3A_2016 = arith.constant 784 : i32
      %add3A_2017 = arith.addi %add3A_2016, %mul3A_123 : i32
      "tpu.region"() ({
        %run_scoped3A = tpu.sem_alloc : memref<!tpu.dma_semaphore, #tpu.memory_space<semaphore_mem>>
        %dma_start3A_2149 = tpu.memref_slice %arg22[%add3A_2015] : memref<1008xf32, #tpu.memory_space<vmem>> -> memref<16xf32, #tpu.memory_space<vmem>>
        %dma_start3A_2150 = tpu.memref_slice %arg26[%add3A_2017] : memref<1008xf32, #tpu.memory_space<vmem_shared>> -> memref<16xf32, #tpu.memory_space<vmem_shared>>
        %dma_start3A_2151 = tpu.memref_slice %arg26[%add3A_2017] : memref<1008xf32, #tpu.memory_space<vmem_shared>> -> memref<16xf32, #tpu.memory_space<vmem_shared>>
        %dma_start3A_2152 = tpu.memref_slice %arg22[%add3A_2015] : memref<1008xf32, #tpu.memory_space<vmem>> -> memref<16xf32, #tpu.memory_space<vmem>>
        tpu.enqueue_dma source(%dma_start3A_2152 : memref<16xf32, #tpu.memory_space<vmem>>) target(%dma_start3A_2151 : memref<16xf32, #tpu.memory_space<vmem_shared>>) target_semaphore(%run_scoped3A : memref<!tpu.dma_semaphore, #tpu.memory_space<semaphore_mem>>)
        %dma_wait3A_2153 = tpu.memref_slice %arg22[%add3A_2015] : memref<1008xf32, #tpu.memory_space<vmem>> -> memref<16xf32, #tpu.memory_space<vmem>>
        %dma_wait3A_2154 = tpu.memref_slice %arg26[%add3A_2017] : memref<1008xf32, #tpu.memory_space<vmem_shared>> -> memref<16xf32, #tpu.memory_space<vmem_shared>>
        %dma_wait3A_2155 = tpu.memref_slice %arg26[%add3A_2017] : memref<1008xf32, #tpu.memory_space<vmem_shared>> -> memref<16xf32, #tpu.memory_space<vmem_shared>>
        %dma_wait3A_2156 = tpu.memref_slice %arg22[%add3A_2015] : memref<1008xf32, #tpu.memory_space<vmem>> -> memref<16xf32, #tpu.memory_space<vmem>>
        tpu.wait_dma2 semaphore(%run_scoped3A : memref<!tpu.dma_semaphore, #tpu.memory_space<semaphore_mem>>) src(%dma_wait3A_2156 : memref<16xf32, #tpu.memory_space<vmem>>) dst(%dma_wait3A_2155 : memref<16xf32, #tpu.memory_space<vmem_shared>>)
        tpu.yield
      }) : () -> ()
      %sub3A_2018 = arith.subf %mul3A_841, %div3A_859 : vector<16xf32>
      %sub3A_2019 = arith.subf %mul3A_849, %div3A_862 : vector<16xf32>
      %mul3A_2020 = arith.mulf %div3A_973, %sub3A_2018 : vector<16xf32>
      %mul3A_2021 = arith.mulf %mul3A_2020, %sub3A_2018 : vector<16xf32>
      %mul3A_2022 = arith.constant 2.000000e+00 : f32
      %mul3A_2023 = vector.broadcast %mul3A_2022 : f32 to vector<16xf32>
      %mul3A_2024 = arith.mulf %mul3A_2023, %div3A_976 : vector<16xf32>
      %mul3A_2025 = arith.mulf %mul3A_2024, %sub3A_2018 : vector<16xf32>
      %mul3A_2026 = arith.mulf %mul3A_2025, %sub3A_2019 : vector<16xf32>
      %add3A_2027 = arith.addf %mul3A_2021, %mul3A_2026 : vector<16xf32>
      %mul3A_2028 = arith.mulf %div3A_977, %sub3A_2019 : vector<16xf32>
      %mul3A_2029 = arith.mulf %mul3A_2028, %sub3A_2019 : vector<16xf32>
      %add3A_2030 = arith.addf %add3A_2027, %mul3A_2029 : vector<16xf32>
      %mul3A_2031 = arith.constant -5.000000e-01 : f32
      %mul3A_2032 = vector.broadcast %mul3A_2031 : f32 to vector<16xf32>
      %mul3A_2033 = arith.mulf %mul3A_2032, %add3A_2030 : vector<16xf32>
      %exp3A_2034 = math.exp %mul3A_2033 : vector<16xf32>
      %sub3A_2035 = arith.subf %mul3A_841, %get3A_613 : vector<16xf32>
      %gt3A_2036 = arith.constant 1.000000e-10 : f32
      %gt3A_2037 = vector.broadcast %gt3A_2036 : f32 to vector<16xf32>
      %gt3A_2038 = arith.cmpf ogt, %sub3A_2035, %gt3A_2037 : vector<16xf32>
      %sub3A_2039 = arith.subf %mul3A_849, %get3A_615 : vector<16xf32>
      %gt3A_2040 = arith.constant 1.000000e-10 : f32
      %gt3A_2041 = vector.broadcast %gt3A_2040 : f32 to vector<16xf32>
      %gt3A_2042 = arith.cmpf ogt, %sub3A_2039, %gt3A_2041 : vector<16xf32>
      %and3A_2043 = arith.andi %gt3A_2038, %gt3A_2042 : vector<16xi1>
      %sub3A_2044 = arith.subf %get3A_617, %mul3A_841 : vector<16xf32>
      %gt3A_2045 = arith.constant 1.000000e-10 : f32
      %gt3A_2046 = vector.broadcast %gt3A_2045 : f32 to vector<16xf32>
      %gt3A_2047 = arith.cmpf ogt, %sub3A_2044, %gt3A_2046 : vector<16xf32>
      %and3A_2048 = arith.andi %and3A_2043, %gt3A_2047 : vector<16xi1>
      %sub3A_2049 = arith.subf %get3A_619, %mul3A_849 : vector<16xf32>
      %gt3A_2050 = arith.constant 1.000000e-10 : f32
      %gt3A_2051 = vector.broadcast %gt3A_2050 : f32 to vector<16xf32>
      %gt3A_2052 = arith.cmpf ogt, %sub3A_2049, %gt3A_2051 : vector<16xf32>
      %and3A_2053 = arith.andi %and3A_2048, %gt3A_2052 : vector<16xi1>
      %and3A_2054 = arith.andi %and3A_2053, %lt3A_611 : vector<16xi1>
      %jit3A_2055 = arith.constant 0.000000e+00 : f32
      %broadcast_in_dim3A_2056 = vector.broadcast %jit3A_2055 : f32 to vector<16xf32>
      %select_n3A_2057 = arith.select %and3A_2054, %exp3A_2034, %broadcast_in_dim3A_2056 : vector<16xi1>, vector<16xf32>
      %add3A_2058 = arith.constant 896 : i32
      %add3A_2059 = arith.addi %add3A_2058, %mul3A_123 : i32
      %get3A_2060 = arith.index_cast %add3A_2059 : i32 to index
      %get3A_2061 = tpu.vector_load %arg11[%get3A_2060] {strides = array<i32>} : memref<1008xi32, #tpu.memory_space<vmem>>, vector<16xi32>,
      %swap3A_2062 = arith.constant 0 : index
      %swap3A_2063 = tpu.vector_load %arg23[%swap3A_2062] {strides = array<i32>} : memref<16xi32, #tpu.memory_space<vmem>>, vector<16xi32>,
      tpu.vector_store %arg23[%swap3A_2062], %get3A_2061 {strides = array<i32>} : memref<16xi32, #tpu.memory_space<vmem>>, vector<16xi32>,
      %swap3A_2064 = arith.constant 0 : index
      %swap3A_2065 = tpu.vector_load %arg24[%swap3A_2064] {strides = array<i32>} : memref<16xf32, #tpu.memory_space<vmem>>, vector<16xf32>,
      tpu.vector_store %arg24[%swap3A_2064], %select_n3A_2057 {strides = array<i32>} : memref<16xf32, #tpu.memory_space<vmem>>, vector<16xf32>,
      %gather3A_2066 = tpu.vector_load_idx %arg23[%and3A_7] : memref<16xi32, #tpu.memory_space<vmem>>[vector<16xi32>], vector<16xi32>,
      %gather3A_2067 = tpu.vector_load_idx %arg24[%and3A_7] : memref<16xf32, #tpu.memory_space<vmem>>[vector<16xi32>], vector<16xf32>,
      %eq3A_2068 = arith.cmpi eq, %gather3A_2066, %get3A_2061 : vector<16xi32>
      %max3A_2069 = arith.maximumf %select_n3A_2057, %gather3A_2067 : vector<16xf32>
      %select_n3A_2070 = arith.select %eq3A_2068, %max3A_2069, %select_n3A_2057 : vector<16xi1>, vector<16xf32>
      %gather3A_2071 = tpu.vector_load_idx %arg23[%and3A_14] : memref<16xi32, #tpu.memory_space<vmem>>[vector<16xi32>], vector<16xi32>,
      %gather3A_2072 = tpu.vector_load_idx %arg24[%and3A_14] : memref<16xf32, #tpu.memory_space<vmem>>[vector<16xi32>], vector<16xf32>,
      %eq3A_2073 = arith.cmpi eq, %gather3A_2071, %get3A_2061 : vector<16xi32>
      %max3A_2074 = arith.maximumf %select_n3A_2070, %gather3A_2072 : vector<16xf32>
      %select_n3A_2075 = arith.select %eq3A_2073, %max3A_2074, %select_n3A_2070 : vector<16xi1>, vector<16xf32>
      %gather3A_2076 = tpu.vector_load_idx %arg23[%and3A_21] : memref<16xi32, #tpu.memory_space<vmem>>[vector<16xi32>], vector<16xi32>,
      %gather3A_2077 = tpu.vector_load_idx %arg24[%and3A_21] : memref<16xf32, #tpu.memory_space<vmem>>[vector<16xi32>], vector<16xf32>,
      %eq3A_2078 = arith.cmpi eq, %gather3A_2076, %get3A_2061 : vector<16xi32>
      %max3A_2079 = arith.maximumf %select_n3A_2075, %gather3A_2077 : vector<16xf32>
      %select_n3A_2080 = arith.select %eq3A_2078, %max3A_2079, %select_n3A_2075 : vector<16xi1>, vector<16xf32>
      %gather3A_2081 = tpu.vector_load_idx %arg23[%and3A_28] : memref<16xi32, #tpu.memory_space<vmem>>[vector<16xi32>], vector<16xi32>,
      %gather3A_2082 = tpu.vector_load_idx %arg24[%and3A_28] : memref<16xf32, #tpu.memory_space<vmem>>[vector<16xi32>], vector<16xf32>,
      %eq3A_2083 = arith.cmpi eq, %gather3A_2081, %get3A_2061 : vector<16xi32>
      %max3A_2084 = arith.maximumf %select_n3A_2080, %gather3A_2082 : vector<16xf32>
      %select_n3A_2085 = arith.select %eq3A_2083, %max3A_2084, %select_n3A_2080 : vector<16xi1>, vector<16xf32>
      %gather3A_2086 = tpu.vector_load_idx %arg23[%and3A_35] : memref<16xi32, #tpu.memory_space<vmem>>[vector<16xi32>], vector<16xi32>,
      %gather3A_2087 = tpu.vector_load_idx %arg24[%and3A_35] : memref<16xf32, #tpu.memory_space<vmem>>[vector<16xi32>], vector<16xf32>,
      %eq3A_2088 = arith.cmpi eq, %gather3A_2086, %get3A_2061 : vector<16xi32>
      %max3A_2089 = arith.maximumf %select_n3A_2085, %gather3A_2087 : vector<16xf32>
      %select_n3A_2090 = arith.select %eq3A_2088, %max3A_2089, %select_n3A_2085 : vector<16xi1>, vector<16xf32>
      %gather3A_2091 = tpu.vector_load_idx %arg23[%and3A_42] : memref<16xi32, #tpu.memory_space<vmem>>[vector<16xi32>], vector<16xi32>,
      %gather3A_2092 = tpu.vector_load_idx %arg24[%and3A_42] : memref<16xf32, #tpu.memory_space<vmem>>[vector<16xi32>], vector<16xf32>,
      %eq3A_2093 = arith.cmpi eq, %gather3A_2091, %get3A_2061 : vector<16xi32>
      %max3A_2094 = arith.maximumf %select_n3A_2090, %gather3A_2092 : vector<16xf32>
      %select_n3A_2095 = arith.select %eq3A_2093, %max3A_2094, %select_n3A_2090 : vector<16xi1>, vector<16xf32>
      %gather3A_2096 = tpu.vector_load_idx %arg23[%and3A_49] : memref<16xi32, #tpu.memory_space<vmem>>[vector<16xi32>], vector<16xi32>,
      %gather3A_2097 = tpu.vector_load_idx %arg24[%and3A_49] : memref<16xf32, #tpu.memory_space<vmem>>[vector<16xi32>], vector<16xf32>,
      %eq3A_2098 = arith.cmpi eq, %gather3A_2096, %get3A_2061 : vector<16xi32>
      %max3A_2099 = arith.maximumf %select_n3A_2095, %gather3A_2097 : vector<16xf32>
      %select_n3A_2100 = arith.select %eq3A_2098, %max3A_2099, %select_n3A_2095 : vector<16xi1>, vector<16xf32>
      %gather3A_2101 = tpu.vector_load_idx %arg23[%and3A_56] : memref<16xi32, #tpu.memory_space<vmem>>[vector<16xi32>], vector<16xi32>,
      %gather3A_2102 = tpu.vector_load_idx %arg24[%and3A_56] : memref<16xf32, #tpu.memory_space<vmem>>[vector<16xi32>], vector<16xf32>,
      %eq3A_2103 = arith.cmpi eq, %gather3A_2101, %get3A_2061 : vector<16xi32>
      %max3A_2104 = arith.maximumf %select_n3A_2100, %gather3A_2102 : vector<16xf32>
      %select_n3A_2105 = arith.select %eq3A_2103, %max3A_2104, %select_n3A_2100 : vector<16xi1>, vector<16xf32>
      %gather3A_2106 = tpu.vector_load_idx %arg23[%and3A_63] : memref<16xi32, #tpu.memory_space<vmem>>[vector<16xi32>], vector<16xi32>,
      %gather3A_2107 = tpu.vector_load_idx %arg24[%and3A_63] : memref<16xf32, #tpu.memory_space<vmem>>[vector<16xi32>], vector<16xf32>,
      %eq3A_2108 = arith.cmpi eq, %gather3A_2106, %get3A_2061 : vector<16xi32>
      %max3A_2109 = arith.maximumf %select_n3A_2105, %gather3A_2107 : vector<16xf32>
      %select_n3A_2110 = arith.select %eq3A_2108, %max3A_2109, %select_n3A_2105 : vector<16xi1>, vector<16xf32>
      %gather3A_2111 = tpu.vector_load_idx %arg23[%and3A_70] : memref<16xi32, #tpu.memory_space<vmem>>[vector<16xi32>], vector<16xi32>,
      %gather3A_2112 = tpu.vector_load_idx %arg24[%and3A_70] : memref<16xf32, #tpu.memory_space<vmem>>[vector<16xi32>], vector<16xf32>,
      %eq3A_2113 = arith.cmpi eq, %gather3A_2111, %get3A_2061 : vector<16xi32>
      %max3A_2114 = arith.maximumf %select_n3A_2110, %gather3A_2112 : vector<16xf32>
      %select_n3A_2115 = arith.select %eq3A_2113, %max3A_2114, %select_n3A_2110 : vector<16xi1>, vector<16xf32>
      %gather3A_2116 = tpu.vector_load_idx %arg23[%and3A_77] : memref<16xi32, #tpu.memory_space<vmem>>[vector<16xi32>], vector<16xi32>,
      %gather3A_2117 = tpu.vector_load_idx %arg24[%and3A_77] : memref<16xf32, #tpu.memory_space<vmem>>[vector<16xi32>], vector<16xf32>,
      %eq3A_2118 = arith.cmpi eq, %gather3A_2116, %get3A_2061 : vector<16xi32>
      %max3A_2119 = arith.maximumf %select_n3A_2115, %gather3A_2117 : vector<16xf32>
      %select_n3A_2120 = arith.select %eq3A_2118, %max3A_2119, %select_n3A_2115 : vector<16xi1>, vector<16xf32>
      %gather3A_2121 = tpu.vector_load_idx %arg23[%and3A_84] : memref<16xi32, #tpu.memory_space<vmem>>[vector<16xi32>], vector<16xi32>,
      %gather3A_2122 = tpu.vector_load_idx %arg24[%and3A_84] : memref<16xf32, #tpu.memory_space<vmem>>[vector<16xi32>], vector<16xf32>,
      %eq3A_2123 = arith.cmpi eq, %gather3A_2121, %get3A_2061 : vector<16xi32>
      %max3A_2124 = arith.maximumf %select_n3A_2120, %gather3A_2122 : vector<16xf32>
      %select_n3A_2125 = arith.select %eq3A_2123, %max3A_2124, %select_n3A_2120 : vector<16xi1>, vector<16xf32>
      %gather3A_2126 = tpu.vector_load_idx %arg23[%and3A_91] : memref<16xi32, #tpu.memory_space<vmem>>[vector<16xi32>], vector<16xi32>,
      %gather3A_2127 = tpu.vector_load_idx %arg24[%and3A_91] : memref<16xf32, #tpu.memory_space<vmem>>[vector<16xi32>], vector<16xf32>,
      %eq3A_2128 = arith.cmpi eq, %gather3A_2126, %get3A_2061 : vector<16xi32>
      %max3A_2129 = arith.maximumf %select_n3A_2125, %gather3A_2127 : vector<16xf32>
      %select_n3A_2130 = arith.select %eq3A_2128, %max3A_2129, %select_n3A_2125 : vector<16xi1>, vector<16xf32>
      %gather3A_2131 = tpu.vector_load_idx %arg23[%and3A_98] : memref<16xi32, #tpu.memory_space<vmem>>[vector<16xi32>], vector<16xi32>,
      %gather3A_2132 = tpu.vector_load_idx %arg24[%and3A_98] : memref<16xf32, #tpu.memory_space<vmem>>[vector<16xi32>], vector<16xf32>,
      %eq3A_2133 = arith.cmpi eq, %gather3A_2131, %get3A_2061 : vector<16xi32>
      %max3A_2134 = arith.maximumf %select_n3A_2130, %gather3A_2132 : vector<16xf32>
      %select_n3A_2135 = arith.select %eq3A_2133, %max3A_2134, %select_n3A_2130 : vector<16xi1>, vector<16xf32>
      %gather3A_2136 = tpu.vector_load_idx %arg23[%and3A_105] : memref<16xi32, #tpu.memory_space<vmem>>[vector<16xi32>], vector<16xi32>,
      %gather3A_2137 = tpu.vector_load_idx %arg24[%and3A_105] : memref<16xf32, #tpu.memory_space<vmem>>[vector<16xi32>], vector<16xf32>,
      %eq3A_2138 = arith.cmpi eq, %gather3A_2136, %get3A_2061 : vector<16xi32>
      %max3A_2139 = arith.maximumf %select_n3A_2135, %gather3A_2137 : vector<16xf32>
      %select_n3A_2140 = arith.select %eq3A_2138, %max3A_2139, %select_n3A_2135 : vector<16xi1>, vector<16xf32>
      %add3A_2141 = arith.constant 896 : i32
      %add3A_2142 = arith.addi %add3A_2141, %mul3A_123 : i32
      %swap3A_2143 = arith.index_cast %add3A_2142 : i32 to index
      %swap3A_2144 = tpu.vector_load %arg22[%swap3A_2143] {strides = array<i32>} : memref<1008xf32, #tpu.memory_space<vmem>>, vector<16xf32>,
      tpu.vector_store %arg22[%swap3A_2143], %select_n3A_2140 {strides = array<i32>} : memref<1008xf32, #tpu.memory_space<vmem>>, vector<16xf32>,
      %add3A_2145 = arith.constant 896 : i32
      %add3A_2146 = arith.addi %add3A_2145, %mul3A_123 : i32
      %add3A_2147 = arith.constant 896 : i32
      %add3A_2148 = arith.addi %add3A_2147, %mul3A_123 : i32
      "tpu.region"() ({
        %run_scoped3A = tpu.sem_alloc : memref<!tpu.dma_semaphore, #tpu.memory_space<semaphore_mem>>
        %dma_start3A_2149 = tpu.memref_slice %arg22[%add3A_2146] : memref<1008xf32, #tpu.memory_space<vmem>> -> memref<16xf32, #tpu.memory_space<vmem>>
        %dma_start3A_2150 = tpu.memref_slice %arg26[%add3A_2148] : memref<1008xf32, #tpu.memory_space<vmem_shared>> -> memref<16xf32, #tpu.memory_space<vmem_shared>>
        %dma_start3A_2151 = tpu.memref_slice %arg26[%add3A_2148] : memref<1008xf32, #tpu.memory_space<vmem_shared>> -> memref<16xf32, #tpu.memory_space<vmem_shared>>
        %dma_start3A_2152 = tpu.memref_slice %arg22[%add3A_2146] : memref<1008xf32, #tpu.memory_space<vmem>> -> memref<16xf32, #tpu.memory_space<vmem>>
        tpu.enqueue_dma source(%dma_start3A_2152 : memref<16xf32, #tpu.memory_space<vmem>>) target(%dma_start3A_2151 : memref<16xf32, #tpu.memory_space<vmem_shared>>) target_semaphore(%run_scoped3A : memref<!tpu.dma_semaphore, #tpu.memory_space<semaphore_mem>>)
        %dma_wait3A_2153 = tpu.memref_slice %arg22[%add3A_2146] : memref<1008xf32, #tpu.memory_space<vmem>> -> memref<16xf32, #tpu.memory_space<vmem>>
        %dma_wait3A_2154 = tpu.memref_slice %arg26[%add3A_2148] : memref<1008xf32, #tpu.memory_space<vmem_shared>> -> memref<16xf32, #tpu.memory_space<vmem_shared>>
        %dma_wait3A_2155 = tpu.memref_slice %arg26[%add3A_2148] : memref<1008xf32, #tpu.memory_space<vmem_shared>> -> memref<16xf32, #tpu.memory_space<vmem_shared>>
        %dma_wait3A_2156 = tpu.memref_slice %arg22[%add3A_2146] : memref<1008xf32, #tpu.memory_space<vmem>> -> memref<16xf32, #tpu.memory_space<vmem>>
        tpu.wait_dma2 semaphore(%run_scoped3A : memref<!tpu.dma_semaphore, #tpu.memory_space<semaphore_mem>>) src(%dma_wait3A_2156 : memref<16xf32, #tpu.memory_space<vmem>>) dst(%dma_wait3A_2155 : memref<16xf32, #tpu.memory_space<vmem_shared>>)
        tpu.yield
      }) : () -> ()
    } else {
    }
    %barrier3A = arith.constant 0 : index
    tpu.barrier barrier_id(%barrier3A)
    "tpu.region"() ({
      %run_scoped3A = tpu.sem_alloc : memref<!tpu.dma_semaphore, #tpu.memory_space<semaphore_mem>>
      tpu.enqueue_dma source(%arg26 : memref<1008xf32, #tpu.memory_space<vmem_shared>>) target(%arg22 : memref<1008xf32, #tpu.memory_space<vmem>>) target_semaphore(%run_scoped3A : memref<!tpu.dma_semaphore, #tpu.memory_space<semaphore_mem>>)
      tpu.wait_dma2 semaphore(%run_scoped3A : memref<!tpu.dma_semaphore, #tpu.memory_space<semaphore_mem>>) src(%arg26 : memref<1008xf32, #tpu.memory_space<vmem_shared>>) dst(%arg22 : memref<1008xf32, #tpu.memory_space<vmem>>)
      tpu.yield
    }) : () -> ()
    %broadcast_in_dim3A = arith.constant 0.000000e+00 : f32
    %broadcast_in_dim3A_108 = vector.broadcast %broadcast_in_dim3A : f32 to vector<16xf32>
    %scan3A = arith.constant 0 : i32
    %scan3A_109 = arith.constant 0 : i32
    %scan3A_110 = arith.constant 40 : i32
    %scan3A_111 = arith.addi %scan3A_109, %scan3A_110 : i32
    %scan3A_112 = arith.constant 1 : i32
    %scan3A_113 = scf.for %scan3A_122 = %scan3A_109 to %scan3A_111 step %scan3A_112 iter_args(%scan3A_123 = %scan3A) -> (i32)  : i32 {
      %mul3A_124 = arith.constant 16 : i32
      %mul3A_125 = arith.muli %scan3A_122, %mul3A_124 : i32
      %swap3A = arith.index_cast %mul3A_125 : i32 to index
      %swap3A_126 = tpu.vector_load %arg25[%swap3A] {strides = array<i32>} : memref<640xf32, #tpu.memory_space<vmem>>, vector<16xf32>,
      tpu.vector_store %arg25[%swap3A], %broadcast_in_dim3A_108 {strides = array<i32>} : memref<640xf32, #tpu.memory_space<vmem>>, vector<16xf32>,
      %scan3A_127 = arith.constant 0 : i32
      scf.yield %scan3A_127 : i32
    }
    %scan3A_114 = arith.constant 40 : i32
    %scan3A_115 = arith.constant 0 : i32
    %scan3A_116 = arith.constant 0 : i32
    %scan3A_117 = arith.constant 63 : i32
    %scan3A_118 = arith.addi %scan3A_116, %scan3A_117 : i32
    %scan3A_119 = arith.constant 1 : i32
    %scan3A_120 = scf.for %scan3A_122 = %scan3A_116 to %scan3A_118 step %scan3A_119 iter_args(%scan3A_123 = %scan3A_115) -> (i32)  : i32 {
      %mul3A_124 = arith.constant 16 : i32
      %mul3A_125 = arith.muli %scan3A_122, %mul3A_124 : i32
      %get3A = arith.index_cast %mul3A_125 : i32 to index
      %get3A_126 = tpu.vector_load %arg11[%get3A] {strides = array<i32>} : memref<1008xi32, #tpu.memory_space<vmem>>, vector<16xi32>,
      %mul3A_127 = arith.constant 16 : i32
      %mul3A_128 = arith.muli %scan3A_122, %mul3A_127 : i32
      %get3A_129 = arith.index_cast %mul3A_128 : i32 to index
      %get3A_130 = tpu.vector_load %arg22[%get3A_129] {strides = array<i32>} : memref<1008xf32, #tpu.memory_space<vmem>>, vector<16xf32>,
      %ge3A = vector.broadcast %mul3A_2 : i32 to vector<16xi32>
      %ge3A_131 = arith.cmpi sge, %get3A_126, %ge3A : vector<16xi32>
      %add3A_132 = arith.constant 640 : i32
      %add3A_133 = arith.addi %mul3A_2, %add3A_132 : i32
      %lt3A_134 = vector.broadcast %add3A_133 : i32 to vector<16xi32>
      %lt3A_135 = arith.cmpi slt, %get3A_126, %lt3A_134 : vector<16xi32>
      %and3A_136 = arith.andi %ge3A_131, %lt3A_135 : vector<16xi1>
      %sub3A = vector.broadcast %mul3A_2 : i32 to vector<16xi32>
      %sub3A_137 = arith.subi %get3A_126, %sub3A : vector<16xi32>
      %jit3A = arith.constant 0 : i32
      %broadcast_in_dim3A_138 = vector.broadcast %jit3A : i32 to vector<16xi32>
      %select_n3A = arith.select %and3A_136, %sub3A_137, %broadcast_in_dim3A_138 : vector<16xi1>, vector<16xi32>
      %gather3A = tpu.vector_load_idx %arg25[%select_n3A] masked %and3A_136 : memref<640xf32, #tpu.memory_space<vmem>>[vector<16xi32>], vector<16xf32>, vector<16xi1>
      %max3A = arith.maximumf %gather3A, %get3A_130 : vector<16xf32>
      %select_n3A_139 = arith.select %and3A_136, %max3A, %get3A_130 : vector<16xi1>, vector<16xf32>
      tpu.vector_store_idx %arg25[%select_n3A], %select_n3A_139 masked %and3A_136 : memref<640xf32, #tpu.memory_space<vmem>>[vector<16xi32>], vector<16xf32>, vector<16xi1>
      %scan3A_140 = arith.constant 0 : i32
      scf.yield %scan3A_140 : i32
    }
    %scan3A_121 = arith.constant 63 : i32
    "tpu.region"() ({
      %run_scoped3A = tpu.sem_alloc : memref<!tpu.dma_semaphore, #tpu.memory_space<semaphore_mem>>
      %dma_start3A = tpu.memref_slice %arg10[%mul3A_2] : memref<20480xf32, #tpu.memory_space<hbm>> -> memref<640xf32, #tpu.memory_space<hbm>>
      %dma_start3A_122 = tpu.memref_slice %arg10[%mul3A_2] : memref<20480xf32, #tpu.memory_space<hbm>> -> memref<640xf32, #tpu.memory_space<hbm>>
      tpu.enqueue_dma source(%arg25 : memref<640xf32, #tpu.memory_space<vmem>>) target(%dma_start3A_122 : memref<640xf32, #tpu.memory_space<hbm>>) target_semaphore(%run_scoped3A : memref<!tpu.dma_semaphore, #tpu.memory_space<semaphore_mem>>)
      %dma_wait3A = tpu.memref_slice %arg10[%mul3A_2] : memref<20480xf32, #tpu.memory_space<hbm>> -> memref<640xf32, #tpu.memory_space<hbm>>
      %dma_wait3A_123 = tpu.memref_slice %arg10[%mul3A_2] : memref<20480xf32, #tpu.memory_space<hbm>> -> memref<640xf32, #tpu.memory_space<hbm>>
      tpu.wait_dma2 semaphore(%run_scoped3A : memref<!tpu.dma_semaphore, #tpu.memory_space<semaphore_mem>>) src(%arg25 : memref<640xf32, #tpu.memory_space<vmem>>) dst(%dma_wait3A_123 : memref<640xf32, #tpu.memory_space<hbm>>)
      tpu.yield
    }) : () -> ()
    return
  }
}

module attributes {stable_mosaic.version = 14 : i64} {
  func.func @_tc_body(%arg0: memref<20000x4xf32, #tpu.memory_space<vmem>>, %arg1: memref<20000x80xf32, #tpu.memory_space<vmem>>, %arg2: memref<4x100xf32, #tpu.memory_space<vmem>>, %arg3: memref<1x100xi32, #tpu.memory_space<vmem>>, %arg4: memref<16x112xi32, #tpu.memory_space<vmem>>) attributes {dimension_semantics = [], scalar_prefetch = 0 : i64, scratch_operands = 0 : i64, tpu.core_type = #tpu.core_type<tc>} {
    %get3A = arith.constant 0 : index
    %get3A_0 = arith.constant 0 : index
    %get3A_1 = vector.load %arg2[%get3A, %get3A_0] : memref<4x100xf32, #tpu.memory_space<vmem>>, vector<1x100xf32>
    %get3A_2 = arith.constant 1 : index
    %get3A_3 = arith.constant 0 : index
    %get3A_4 = vector.load %arg2[%get3A_2, %get3A_3] : memref<4x100xf32, #tpu.memory_space<vmem>>, vector<1x100xf32>
    %get3A_5 = arith.constant 2 : index
    %get3A_6 = arith.constant 0 : index
    %get3A_7 = vector.load %arg2[%get3A_5, %get3A_6] : memref<4x100xf32, #tpu.memory_space<vmem>>, vector<1x100xf32>
    %get3A_8 = arith.constant 3 : index
    %get3A_9 = arith.constant 0 : index
    %get3A_10 = vector.load %arg2[%get3A_8, %get3A_9] : memref<4x100xf32, #tpu.memory_space<vmem>>, vector<1x100xf32>
    %sub3A = arith.subf %get3A_7, %get3A_1 : vector<1x100xf32>
    %sub3A_11 = arith.subf %get3A_10, %get3A_4 : vector<1x100xf32>
    %mul3A = arith.mulf %sub3A, %sub3A_11 : vector<1x100xf32>
    %get3A_12 = arith.constant 0 : index
    %get3A_13 = arith.constant 0 : index
    %get3A_14 = vector.load %arg3[%get3A_12, %get3A_13] : memref<1x100xi32, #tpu.memory_space<vmem>>, vector<1x100xi32>
    %iota3A = tpu.iota {dimensions = array<i32: 0>} : vector<80x100xi32>
    %broadcast_in_dim3A = vector.shape_cast %get3A_14 : vector<1x100xi32> to vector<1x100xi32>
    %broadcast_in_dim3A_15 = vector.broadcast %broadcast_in_dim3A : vector<1x100xi32> to vector<80x100xi32>
    %eq3A = arith.cmpi eq, %iota3A, %broadcast_in_dim3A_15 : vector<80x100xi32>
    %convert_element_type3A = arith.extui %eq3A : vector<80x100xi1> to vector<80x100xi32>
    %convert_element_type3A_16 = arith.sitofp %convert_element_type3A : vector<80x100xi32> to vector<80x100xf32>
    %broadcast_in_dim3A_17 = arith.constant -1.000000e+00 : f32
    %broadcast_in_dim3A_18 = vector.broadcast %broadcast_in_dim3A_17 : f32 to vector<16x100xf32>
    %broadcast_in_dim3A_19 = arith.constant 1073741824 : i32
    %broadcast_in_dim3A_20 = vector.broadcast %broadcast_in_dim3A_19 : i32 to vector<16x100xi32>
    %scan3A = arith.constant 0 : i32
    %scan3A_21 = arith.constant 4 : i32
    %scan3A_22 = arith.addi %scan3A, %scan3A_21 : i32
    %scan3A_23 = arith.constant 1 : i32
    %scan3A_24:2 = scf.for %scan3A_30 = %scan3A to %scan3A_22 step %scan3A_23 iter_args(%scan3A_31 = %broadcast_in_dim3A_18, %scan3A_32 = %broadcast_in_dim3A_20) -> (vector<16x100xf32>, vector<16x100xi32>)  : i32 {
      %mul3A_33 = arith.constant 5000 : i32
      %mul3A_34 = arith.muli %scan3A_30, %mul3A_33 : i32
      %get3A_35 = arith.index_cast %mul3A_34 : i32 to index
      %get3A_36 = arith.constant 0 : index
      %get3A_37 = vector.load %arg0[%get3A_35, %get3A_36] : memref<20000x4xf32, #tpu.memory_space<vmem>>, vector<5000x4xf32>
      %slice3A = vector.extract_strided_slice %get3A_37 {offsets = [0, 0], sizes = [5000, 1], strides = [1, 1]} : vector<5000x4xf32> to vector<5000x1xf32>
      %slice3A_38 = vector.extract_strided_slice %get3A_37 {offsets = [0, 1], sizes = [5000, 1], strides = [1, 1]} : vector<5000x4xf32> to vector<5000x1xf32>
      %slice3A_39 = vector.extract_strided_slice %get3A_37 {offsets = [0, 2], sizes = [5000, 1], strides = [1, 1]} : vector<5000x4xf32> to vector<5000x1xf32>
      %slice3A_40 = vector.extract_strided_slice %get3A_37 {offsets = [0, 3], sizes = [5000, 1], strides = [1, 1]} : vector<5000x4xf32> to vector<5000x1xf32>
      %sub3A_41 = arith.subf %slice3A_39, %slice3A : vector<5000x1xf32>
      %sub3A_42 = arith.subf %slice3A_40, %slice3A_38 : vector<5000x1xf32>
      %mul3A_43 = arith.mulf %sub3A_41, %sub3A_42 : vector<5000x1xf32>
      %min3A = vector.broadcast %slice3A_39 : vector<5000x1xf32> to vector<5000x100xf32>
      %min3A_44 = vector.broadcast %get3A_7 : vector<1x100xf32> to vector<5000x100xf32>
      %min3A_45 = arith.minimumf %min3A, %min3A_44 : vector<5000x100xf32>
      %max3A = vector.broadcast %slice3A : vector<5000x1xf32> to vector<5000x100xf32>
      %max3A_46 = vector.broadcast %get3A_1 : vector<1x100xf32> to vector<5000x100xf32>
      %max3A_47 = arith.maximumf %max3A, %max3A_46 : vector<5000x100xf32>
      %sub3A_48 = arith.subf %min3A_45, %max3A_47 : vector<5000x100xf32>
      %max3A_49 = arith.constant 0.000000e+00 : f32
      %max3A_50 = vector.broadcast %max3A_49 : f32 to vector<5000x100xf32>
      %max3A_51 = arith.maximumf %sub3A_48, %max3A_50 : vector<5000x100xf32>
      %min3A_52 = vector.broadcast %slice3A_40 : vector<5000x1xf32> to vector<5000x100xf32>
      %min3A_53 = vector.broadcast %get3A_10 : vector<1x100xf32> to vector<5000x100xf32>
      %min3A_54 = arith.minimumf %min3A_52, %min3A_53 : vector<5000x100xf32>
      %max3A_55 = vector.broadcast %slice3A_38 : vector<5000x1xf32> to vector<5000x100xf32>
      %max3A_56 = vector.broadcast %get3A_4 : vector<1x100xf32> to vector<5000x100xf32>
      %max3A_57 = arith.maximumf %max3A_55, %max3A_56 : vector<5000x100xf32>
      %sub3A_58 = arith.subf %min3A_54, %max3A_57 : vector<5000x100xf32>
      %max3A_59 = arith.constant 0.000000e+00 : f32
      %max3A_60 = vector.broadcast %max3A_59 : f32 to vector<5000x100xf32>
      %max3A_61 = arith.maximumf %sub3A_58, %max3A_60 : vector<5000x100xf32>
      %mul3A_62 = arith.mulf %max3A_51, %max3A_61 : vector<5000x100xf32>
      %add3A = vector.broadcast %mul3A_43 : vector<5000x1xf32> to vector<5000x100xf32>
      %add3A_63 = vector.broadcast %mul3A : vector<1x100xf32> to vector<5000x100xf32>
      %add3A_64 = arith.addf %add3A, %add3A_63 : vector<5000x100xf32>
      %sub3A_65 = arith.subf %add3A_64, %mul3A_62 : vector<5000x100xf32>
      %max3A_66 = arith.constant 9.99999997E-7 : f32
      %max3A_67 = vector.broadcast %max3A_66 : f32 to vector<5000x100xf32>
      %max3A_68 = arith.maximumf %sub3A_65, %max3A_67 : vector<5000x100xf32>
      %div3A = arith.divf %mul3A_62, %max3A_68 : vector<5000x100xf32>
      %gt3A = arith.constant 0.000000e+00 : f32
      %gt3A_69 = vector.broadcast %gt3A : f32 to vector<5000x100xf32>
      %gt3A_70 = arith.cmpf ogt, %div3A, %gt3A_69 : vector<5000x100xf32>
      %max3A_71 = arith.constant 1.000000e-10 : f32
      %max3A_72 = vector.broadcast %max3A_71 : f32 to vector<5000x100xf32>
      %max3A_73 = arith.maximumf %div3A, %max3A_72 : vector<5000x100xf32>
      %pow3A = arith.constant 8.000000e-01 : f32
      %pow3A_74 = vector.broadcast %pow3A : f32 to vector<5000x100xf32>
      %pow3A_75 = math.powf %max3A_73, %pow3A_74 : vector<5000x100xf32>
      %jit3A = arith.constant 0.000000e+00 : f32
      %broadcast_in_dim3A_76 = vector.broadcast %jit3A : f32 to vector<5000x100xf32>
      %select_n3A = arith.select %gt3A_70, %pow3A_75, %broadcast_in_dim3A_76 : vector<5000x100xi1>, vector<5000x100xf32>
      %get3A_77 = arith.index_cast %mul3A_34 : i32 to index
      %get3A_78 = arith.constant 0 : index
      %get3A_79 = vector.load %arg1[%get3A_77, %get3A_78] : memref<20000x80xf32, #tpu.memory_space<vmem>>, vector<5000x80xf32>
      %logistic3A = arith.negf %get3A_79 : vector<5000x80xf32>
      %logistic3A_80 = math.exp %logistic3A : vector<5000x80xf32>
      %logistic3A_81 = arith.constant 1.000000e+00 : f32
      %logistic3A_82 = vector.broadcast %logistic3A_81 : f32 to vector<5000x80xf32>
      %logistic3A_83 = arith.addf %logistic3A_82, %logistic3A_80 : vector<5000x80xf32>
      %logistic3A_84 = arith.divf %logistic3A_82, %logistic3A_83 : vector<5000x80xf32>
      %pow3A_85 = arith.constant 2.000000e-01 : f32
      %pow3A_86 = vector.broadcast %pow3A_85 : f32 to vector<5000x80xf32>
      %pow3A_87 = math.powf %logistic3A_84, %pow3A_86 : vector<5000x80xf32>
      %dot_general3A = arith.constant dense<0.000000e+00> : vector<5000x100xf32>
      %dot_general3A_88 = tpu.matmul %pow3A_87, %convert_element_type3A_16, %dot_general3A {dimension_numbers = #tpu.dot_dimension_numbers<[1], [0], [0], [1], [0, 0, 1, 1], [], []>, precision = #tpu.contract_precision<fp32>, transpose_lhs_hint = false} : vector<5000x80xf32>, vector<80x100xf32>, vector<5000x100xf32> -> vector<5000x100xf32>
      %mul3A_89 = arith.mulf %dot_general3A_88, %select_n3A : vector<5000x100xf32>
      %iota3A_90 = tpu.iota {dimensions = array<i32: 0>} : vector<5000x100xi32>
      %add3A_91 = vector.broadcast %mul3A_34 : i32 to vector<5000x100xi32>
      %add3A_92 = arith.addi %iota3A_90, %add3A_91 : vector<5000x100xi32>
      %concatenate3A_93 = tpu.concatenate %scan3A_31, %mul3A_89 in 0 : vector<16x100xf32>, vector<5000x100xf32> -> vector<5016x100xf32>
      %concatenate3A_94 = tpu.concatenate %scan3A_32, %add3A_92 in 0 : vector<16x100xi32>, vector<5000x100xi32> -> vector<5016x100xi32>
      %slice3A_95 = vector.extract_strided_slice %concatenate3A_93 {offsets = [0, 0], sizes = [2508, 100], strides = [1, 1]} : vector<5016x100xf32> to vector<2508x100xf32>
      %slice3A_96 = vector.extract_strided_slice %concatenate3A_93 {offsets = [2508, 0], sizes = [2508, 100], strides = [1, 1]} : vector<5016x100xf32> to vector<2508x100xf32>
      %slice3A_97 = vector.extract_strided_slice %concatenate3A_94 {offsets = [0, 0], sizes = [2508, 100], strides = [1, 1]} : vector<5016x100xi32> to vector<2508x100xi32>
      %slice3A_98 = vector.extract_strided_slice %concatenate3A_94 {offsets = [2508, 0], sizes = [2508, 100], strides = [1, 1]} : vector<5016x100xi32> to vector<2508x100xi32>
      %ge3A = arith.cmpf oge, %slice3A_95, %slice3A_96 : vector<2508x100xf32>
      %select_n3A_99 = arith.select %ge3A, %slice3A_95, %slice3A_96 : vector<2508x100xi1>, vector<2508x100xf32>
      %select_n3A_100 = arith.select %ge3A, %slice3A_97, %slice3A_98 : vector<2508x100xi1>, vector<2508x100xi32>
      %select_n3A_101 = arith.select %ge3A, %slice3A_96, %slice3A_95 : vector<2508x100xi1>, vector<2508x100xf32>
      %select_n3A_102 = arith.select %ge3A, %slice3A_98, %slice3A_97 : vector<2508x100xi1>, vector<2508x100xi32>
      %reduce_max3A = arith.constant dense<0xFF800000> : vector<100xf32>
      %reduce_max3A_103 = vector.multi_reduction <maximumf>, %select_n3A_99, %reduce_max3A [0] : vector<2508x100xf32> to vector<100xf32>
      %broadcast_in_dim3A_104 = vector.shape_cast %reduce_max3A_103 : vector<100xf32> to vector<1x100xf32>
      %eq3A_105 = vector.broadcast %broadcast_in_dim3A_104 : vector<1x100xf32> to vector<2508x100xf32>
      %eq3A_106 = arith.cmpf oeq, %select_n3A_99, %eq3A_105 : vector<2508x100xf32>
      %jit3A_107 = arith.constant 2147483647 : i32
      %broadcast_in_dim3A_108 = vector.broadcast %jit3A_107 : i32 to vector<2508x100xi32>
      %select_n3A_109 = arith.select %eq3A_106, %select_n3A_100, %broadcast_in_dim3A_108 : vector<2508x100xi1>, vector<2508x100xi32>
      %reduce_min3A = arith.constant dense<2147483647> : vector<100xi32>
      %reduce_min3A_110 = vector.multi_reduction <minsi>, %select_n3A_109, %reduce_min3A [0] : vector<2508x100xi32> to vector<100xi32>
      %broadcast_in_dim3A_111 = vector.shape_cast %reduce_min3A_110 : vector<100xi32> to vector<1x100xi32>
      %eq3A_112 = vector.broadcast %broadcast_in_dim3A_111 : vector<1x100xi32> to vector<2508x100xi32>
      %eq3A_113 = arith.cmpi eq, %select_n3A_100, %eq3A_112 : vector<2508x100xi32>
      %select_n3A_114 = arith.select %eq3A_113, %select_n3A_101, %select_n3A_99 : vector<2508x100xi1>, vector<2508x100xf32>
      %select_n3A_115 = arith.select %eq3A_113, %select_n3A_102, %select_n3A_100 : vector<2508x100xi1>, vector<2508x100xi32>
      %jit3A_116 = arith.constant -1.000000e+00 : f32
      %broadcast_in_dim3A_117 = vector.broadcast %jit3A_116 : f32 to vector<2508x100xf32>
      %select_n3A_118 = arith.select %eq3A_113, %broadcast_in_dim3A_117, %select_n3A_101 : vector<2508x100xi1>, vector<2508x100xf32>
      %reduce_max3A_119 = arith.constant dense<0xFF800000> : vector<100xf32>
      %reduce_max3A_120 = vector.multi_reduction <maximumf>, %select_n3A_114, %reduce_max3A_119 [0] : vector<2508x100xf32> to vector<100xf32>
      %broadcast_in_dim3A_121 = vector.shape_cast %reduce_max3A_120 : vector<100xf32> to vector<1x100xf32>
      %eq3A_122 = vector.broadcast %broadcast_in_dim3A_121 : vector<1x100xf32> to vector<2508x100xf32>
      %eq3A_123 = arith.cmpf oeq, %select_n3A_114, %eq3A_122 : vector<2508x100xf32>
      %jit3A_124 = arith.constant 2147483647 : i32
      %broadcast_in_dim3A_125 = vector.broadcast %jit3A_124 : i32 to vector<2508x100xi32>
      %select_n3A_126 = arith.select %eq3A_123, %select_n3A_115, %broadcast_in_dim3A_125 : vector<2508x100xi1>, vector<2508x100xi32>
      %reduce_min3A_127 = arith.constant dense<2147483647> : vector<100xi32>
      %reduce_min3A_128 = vector.multi_reduction <minsi>, %select_n3A_126, %reduce_min3A_127 [0] : vector<2508x100xi32> to vector<100xi32>
      %broadcast_in_dim3A_129 = vector.shape_cast %reduce_min3A_128 : vector<100xi32> to vector<1x100xi32>
      %eq3A_130 = vector.broadcast %broadcast_in_dim3A_129 : vector<1x100xi32> to vector<2508x100xi32>
      %eq3A_131 = arith.cmpi eq, %select_n3A_115, %eq3A_130 : vector<2508x100xi32>
      %select_n3A_132 = arith.select %eq3A_131, %select_n3A_118, %select_n3A_114 : vector<2508x100xi1>, vector<2508x100xf32>
      %select_n3A_133 = arith.select %eq3A_131, %select_n3A_102, %select_n3A_115 : vector<2508x100xi1>, vector<2508x100xi32>
      %jit3A_134 = arith.constant -1.000000e+00 : f32
      %broadcast_in_dim3A_135 = vector.broadcast %jit3A_134 : f32 to vector<2508x100xf32>
      %select_n3A_136 = arith.select %eq3A_131, %broadcast_in_dim3A_135, %select_n3A_118 : vector<2508x100xi1>, vector<2508x100xf32>
      %reduce_max3A_137 = arith.constant dense<0xFF800000> : vector<100xf32>
      %reduce_max3A_138 = vector.multi_reduction <maximumf>, %select_n3A_132, %reduce_max3A_137 [0] : vector<2508x100xf32> to vector<100xf32>
      %broadcast_in_dim3A_139 = vector.shape_cast %reduce_max3A_138 : vector<100xf32> to vector<1x100xf32>
      %eq3A_140 = vector.broadcast %broadcast_in_dim3A_139 : vector<1x100xf32> to vector<2508x100xf32>
      %eq3A_141 = arith.cmpf oeq, %select_n3A_132, %eq3A_140 : vector<2508x100xf32>
      %jit3A_142 = arith.constant 2147483647 : i32
      %broadcast_in_dim3A_143 = vector.broadcast %jit3A_142 : i32 to vector<2508x100xi32>
      %select_n3A_144 = arith.select %eq3A_141, %select_n3A_133, %broadcast_in_dim3A_143 : vector<2508x100xi1>, vector<2508x100xi32>
      %reduce_min3A_145 = arith.constant dense<2147483647> : vector<100xi32>
      %reduce_min3A_146 = vector.multi_reduction <minsi>, %select_n3A_144, %reduce_min3A_145 [0] : vector<2508x100xi32> to vector<100xi32>
      %broadcast_in_dim3A_147 = vector.shape_cast %reduce_min3A_146 : vector<100xi32> to vector<1x100xi32>
      %eq3A_148 = vector.broadcast %broadcast_in_dim3A_147 : vector<1x100xi32> to vector<2508x100xi32>
      %eq3A_149 = arith.cmpi eq, %select_n3A_133, %eq3A_148 : vector<2508x100xi32>
      %select_n3A_150 = arith.select %eq3A_149, %select_n3A_136, %select_n3A_132 : vector<2508x100xi1>, vector<2508x100xf32>
      %select_n3A_151 = arith.select %eq3A_149, %select_n3A_102, %select_n3A_133 : vector<2508x100xi1>, vector<2508x100xi32>
      %jit3A_152 = arith.constant -1.000000e+00 : f32
      %broadcast_in_dim3A_153 = vector.broadcast %jit3A_152 : f32 to vector<2508x100xf32>
      %select_n3A_154 = arith.select %eq3A_149, %broadcast_in_dim3A_153, %select_n3A_136 : vector<2508x100xi1>, vector<2508x100xf32>
      %reduce_max3A_155 = arith.constant dense<0xFF800000> : vector<100xf32>
      %reduce_max3A_156 = vector.multi_reduction <maximumf>, %select_n3A_150, %reduce_max3A_155 [0] : vector<2508x100xf32> to vector<100xf32>
      %broadcast_in_dim3A_157 = vector.shape_cast %reduce_max3A_156 : vector<100xf32> to vector<1x100xf32>
      %eq3A_158 = vector.broadcast %broadcast_in_dim3A_157 : vector<1x100xf32> to vector<2508x100xf32>
      %eq3A_159 = arith.cmpf oeq, %select_n3A_150, %eq3A_158 : vector<2508x100xf32>
      %jit3A_160 = arith.constant 2147483647 : i32
      %broadcast_in_dim3A_161 = vector.broadcast %jit3A_160 : i32 to vector<2508x100xi32>
      %select_n3A_162 = arith.select %eq3A_159, %select_n3A_151, %broadcast_in_dim3A_161 : vector<2508x100xi1>, vector<2508x100xi32>
      %reduce_min3A_163 = arith.constant dense<2147483647> : vector<100xi32>
      %reduce_min3A_164 = vector.multi_reduction <minsi>, %select_n3A_162, %reduce_min3A_163 [0] : vector<2508x100xi32> to vector<100xi32>
      %broadcast_in_dim3A_165 = vector.shape_cast %reduce_min3A_164 : vector<100xi32> to vector<1x100xi32>
      %eq3A_166 = vector.broadcast %broadcast_in_dim3A_165 : vector<1x100xi32> to vector<2508x100xi32>
      %eq3A_167 = arith.cmpi eq, %select_n3A_151, %eq3A_166 : vector<2508x100xi32>
      %select_n3A_168 = arith.select %eq3A_167, %select_n3A_154, %select_n3A_150 : vector<2508x100xi1>, vector<2508x100xf32>
      %select_n3A_169 = arith.select %eq3A_167, %select_n3A_102, %select_n3A_151 : vector<2508x100xi1>, vector<2508x100xi32>
      %jit3A_170 = arith.constant -1.000000e+00 : f32
      %broadcast_in_dim3A_171 = vector.broadcast %jit3A_170 : f32 to vector<2508x100xf32>
      %select_n3A_172 = arith.select %eq3A_167, %broadcast_in_dim3A_171, %select_n3A_154 : vector<2508x100xi1>, vector<2508x100xf32>
      %reduce_max3A_173 = arith.constant dense<0xFF800000> : vector<100xf32>
      %reduce_max3A_174 = vector.multi_reduction <maximumf>, %select_n3A_168, %reduce_max3A_173 [0] : vector<2508x100xf32> to vector<100xf32>
      %broadcast_in_dim3A_175 = vector.shape_cast %reduce_max3A_174 : vector<100xf32> to vector<1x100xf32>
      %eq3A_176 = vector.broadcast %broadcast_in_dim3A_175 : vector<1x100xf32> to vector<2508x100xf32>
      %eq3A_177 = arith.cmpf oeq, %select_n3A_168, %eq3A_176 : vector<2508x100xf32>
      %jit3A_178 = arith.constant 2147483647 : i32
      %broadcast_in_dim3A_179 = vector.broadcast %jit3A_178 : i32 to vector<2508x100xi32>
      %select_n3A_180 = arith.select %eq3A_177, %select_n3A_169, %broadcast_in_dim3A_179 : vector<2508x100xi1>, vector<2508x100xi32>
      %reduce_min3A_181 = arith.constant dense<2147483647> : vector<100xi32>
      %reduce_min3A_182 = vector.multi_reduction <minsi>, %select_n3A_180, %reduce_min3A_181 [0] : vector<2508x100xi32> to vector<100xi32>
      %broadcast_in_dim3A_183 = vector.shape_cast %reduce_min3A_182 : vector<100xi32> to vector<1x100xi32>
      %eq3A_184 = vector.broadcast %broadcast_in_dim3A_183 : vector<1x100xi32> to vector<2508x100xi32>
      %eq3A_185 = arith.cmpi eq, %select_n3A_169, %eq3A_184 : vector<2508x100xi32>
      %select_n3A_186 = arith.select %eq3A_185, %select_n3A_172, %select_n3A_168 : vector<2508x100xi1>, vector<2508x100xf32>
      %select_n3A_187 = arith.select %eq3A_185, %select_n3A_102, %select_n3A_169 : vector<2508x100xi1>, vector<2508x100xi32>
      %jit3A_188 = arith.constant -1.000000e+00 : f32
      %broadcast_in_dim3A_189 = vector.broadcast %jit3A_188 : f32 to vector<2508x100xf32>
      %select_n3A_190 = arith.select %eq3A_185, %broadcast_in_dim3A_189, %select_n3A_172 : vector<2508x100xi1>, vector<2508x100xf32>
      %reduce_max3A_191 = arith.constant dense<0xFF800000> : vector<100xf32>
      %reduce_max3A_192 = vector.multi_reduction <maximumf>, %select_n3A_186, %reduce_max3A_191 [0] : vector<2508x100xf32> to vector<100xf32>
      %broadcast_in_dim3A_193 = vector.shape_cast %reduce_max3A_192 : vector<100xf32> to vector<1x100xf32>
      %eq3A_194 = vector.broadcast %broadcast_in_dim3A_193 : vector<1x100xf32> to vector<2508x100xf32>
      %eq3A_195 = arith.cmpf oeq, %select_n3A_186, %eq3A_194 : vector<2508x100xf32>
      %jit3A_196 = arith.constant 2147483647 : i32
      %broadcast_in_dim3A_197 = vector.broadcast %jit3A_196 : i32 to vector<2508x100xi32>
      %select_n3A_198 = arith.select %eq3A_195, %select_n3A_187, %broadcast_in_dim3A_197 : vector<2508x100xi1>, vector<2508x100xi32>
      %reduce_min3A_199 = arith.constant dense<2147483647> : vector<100xi32>
      %reduce_min3A_200 = vector.multi_reduction <minsi>, %select_n3A_198, %reduce_min3A_199 [0] : vector<2508x100xi32> to vector<100xi32>
      %broadcast_in_dim3A_201 = vector.shape_cast %reduce_min3A_200 : vector<100xi32> to vector<1x100xi32>
      %eq3A_202 = vector.broadcast %broadcast_in_dim3A_201 : vector<1x100xi32> to vector<2508x100xi32>
      %eq3A_203 = arith.cmpi eq, %select_n3A_187, %eq3A_202 : vector<2508x100xi32>
      %select_n3A_204 = arith.select %eq3A_203, %select_n3A_190, %select_n3A_186 : vector<2508x100xi1>, vector<2508x100xf32>
      %select_n3A_205 = arith.select %eq3A_203, %select_n3A_102, %select_n3A_187 : vector<2508x100xi1>, vector<2508x100xi32>
      %jit3A_206 = arith.constant -1.000000e+00 : f32
      %broadcast_in_dim3A_207 = vector.broadcast %jit3A_206 : f32 to vector<2508x100xf32>
      %select_n3A_208 = arith.select %eq3A_203, %broadcast_in_dim3A_207, %select_n3A_190 : vector<2508x100xi1>, vector<2508x100xf32>
      %reduce_max3A_209 = arith.constant dense<0xFF800000> : vector<100xf32>
      %reduce_max3A_210 = vector.multi_reduction <maximumf>, %select_n3A_204, %reduce_max3A_209 [0] : vector<2508x100xf32> to vector<100xf32>
      %broadcast_in_dim3A_211 = vector.shape_cast %reduce_max3A_210 : vector<100xf32> to vector<1x100xf32>
      %eq3A_212 = vector.broadcast %broadcast_in_dim3A_211 : vector<1x100xf32> to vector<2508x100xf32>
      %eq3A_213 = arith.cmpf oeq, %select_n3A_204, %eq3A_212 : vector<2508x100xf32>
      %jit3A_214 = arith.constant 2147483647 : i32
      %broadcast_in_dim3A_215 = vector.broadcast %jit3A_214 : i32 to vector<2508x100xi32>
      %select_n3A_216 = arith.select %eq3A_213, %select_n3A_205, %broadcast_in_dim3A_215 : vector<2508x100xi1>, vector<2508x100xi32>
      %reduce_min3A_217 = arith.constant dense<2147483647> : vector<100xi32>
      %reduce_min3A_218 = vector.multi_reduction <minsi>, %select_n3A_216, %reduce_min3A_217 [0] : vector<2508x100xi32> to vector<100xi32>
      %broadcast_in_dim3A_219 = vector.shape_cast %reduce_min3A_218 : vector<100xi32> to vector<1x100xi32>
      %eq3A_220 = vector.broadcast %broadcast_in_dim3A_219 : vector<1x100xi32> to vector<2508x100xi32>
      %eq3A_221 = arith.cmpi eq, %select_n3A_205, %eq3A_220 : vector<2508x100xi32>
      %select_n3A_222 = arith.select %eq3A_221, %select_n3A_208, %select_n3A_204 : vector<2508x100xi1>, vector<2508x100xf32>
      %select_n3A_223 = arith.select %eq3A_221, %select_n3A_102, %select_n3A_205 : vector<2508x100xi1>, vector<2508x100xi32>
      %jit3A_224 = arith.constant -1.000000e+00 : f32
      %broadcast_in_dim3A_225 = vector.broadcast %jit3A_224 : f32 to vector<2508x100xf32>
      %select_n3A_226 = arith.select %eq3A_221, %broadcast_in_dim3A_225, %select_n3A_208 : vector<2508x100xi1>, vector<2508x100xf32>
      %reduce_max3A_227 = arith.constant dense<0xFF800000> : vector<100xf32>
      %reduce_max3A_228 = vector.multi_reduction <maximumf>, %select_n3A_222, %reduce_max3A_227 [0] : vector<2508x100xf32> to vector<100xf32>
      %broadcast_in_dim3A_229 = vector.shape_cast %reduce_max3A_228 : vector<100xf32> to vector<1x100xf32>
      %eq3A_230 = vector.broadcast %broadcast_in_dim3A_229 : vector<1x100xf32> to vector<2508x100xf32>
      %eq3A_231 = arith.cmpf oeq, %select_n3A_222, %eq3A_230 : vector<2508x100xf32>
      %jit3A_232 = arith.constant 2147483647 : i32
      %broadcast_in_dim3A_233 = vector.broadcast %jit3A_232 : i32 to vector<2508x100xi32>
      %select_n3A_234 = arith.select %eq3A_231, %select_n3A_223, %broadcast_in_dim3A_233 : vector<2508x100xi1>, vector<2508x100xi32>
      %reduce_min3A_235 = arith.constant dense<2147483647> : vector<100xi32>
      %reduce_min3A_236 = vector.multi_reduction <minsi>, %select_n3A_234, %reduce_min3A_235 [0] : vector<2508x100xi32> to vector<100xi32>
      %broadcast_in_dim3A_237 = vector.shape_cast %reduce_min3A_236 : vector<100xi32> to vector<1x100xi32>
      %eq3A_238 = vector.broadcast %broadcast_in_dim3A_237 : vector<1x100xi32> to vector<2508x100xi32>
      %eq3A_239 = arith.cmpi eq, %select_n3A_223, %eq3A_238 : vector<2508x100xi32>
      %select_n3A_240 = arith.select %eq3A_239, %select_n3A_226, %select_n3A_222 : vector<2508x100xi1>, vector<2508x100xf32>
      %select_n3A_241 = arith.select %eq3A_239, %select_n3A_102, %select_n3A_223 : vector<2508x100xi1>, vector<2508x100xi32>
      %reduce_max3A_242 = arith.constant dense<0xFF800000> : vector<100xf32>
      %reduce_max3A_243 = vector.multi_reduction <maximumf>, %select_n3A_240, %reduce_max3A_242 [0] : vector<2508x100xf32> to vector<100xf32>
      %broadcast_in_dim3A_244 = vector.shape_cast %reduce_max3A_243 : vector<100xf32> to vector<1x100xf32>
      %eq3A_245 = vector.broadcast %broadcast_in_dim3A_244 : vector<1x100xf32> to vector<2508x100xf32>
      %eq3A_246 = arith.cmpf oeq, %select_n3A_240, %eq3A_245 : vector<2508x100xf32>
      %jit3A_247 = arith.constant 2147483647 : i32
      %broadcast_in_dim3A_248 = vector.broadcast %jit3A_247 : i32 to vector<2508x100xi32>
      %select_n3A_249 = arith.select %eq3A_246, %select_n3A_241, %broadcast_in_dim3A_248 : vector<2508x100xi1>, vector<2508x100xi32>
      %reduce_min3A_250 = arith.constant dense<2147483647> : vector<100xi32>
      %reduce_min3A_251 = vector.multi_reduction <minsi>, %select_n3A_249, %reduce_min3A_250 [0] : vector<2508x100xi32> to vector<100xi32>
      %broadcast_in_dim3A_252 = vector.shape_cast %reduce_min3A_251 : vector<100xi32> to vector<1x100xi32>
      %broadcast_in_dim3A_253 = arith.constant -1.000000e+00 : f32
      %broadcast_in_dim3A_254 = vector.broadcast %broadcast_in_dim3A_253 : f32 to vector<7x100xf32>
      %broadcast_in_dim3A_255 = arith.constant 1073741824 : i32
      %broadcast_in_dim3A_256 = vector.broadcast %broadcast_in_dim3A_255 : i32 to vector<7x100xi32>
      %concatenate3A_257 = tpu.concatenate %broadcast_in_dim3A_104, %broadcast_in_dim3A_121, %broadcast_in_dim3A_139, %broadcast_in_dim3A_157, %broadcast_in_dim3A_175, %broadcast_in_dim3A_193, %broadcast_in_dim3A_211, %broadcast_in_dim3A_229, %broadcast_in_dim3A_244, %broadcast_in_dim3A_254 in 0 : vector<1x100xf32>, vector<1x100xf32>, vector<1x100xf32>, vector<1x100xf32>, vector<1x100xf32>, vector<1x100xf32>, vector<1x100xf32>, vector<1x100xf32>, vector<1x100xf32>, vector<7x100xf32> -> vector<16x100xf32>
      %concatenate3A_258 = tpu.concatenate %broadcast_in_dim3A_111, %broadcast_in_dim3A_129, %broadcast_in_dim3A_147, %broadcast_in_dim3A_165, %broadcast_in_dim3A_183, %broadcast_in_dim3A_201, %broadcast_in_dim3A_219, %broadcast_in_dim3A_237, %broadcast_in_dim3A_252, %broadcast_in_dim3A_256 in 0 : vector<1x100xi32>, vector<1x100xi32>, vector<1x100xi32>, vector<1x100xi32>, vector<1x100xi32>, vector<1x100xi32>, vector<1x100xi32>, vector<1x100xi32>, vector<1x100xi32>, vector<7x100xi32> -> vector<16x100xi32>
      scf.yield %concatenate3A_257, %concatenate3A_258 : vector<16x100xf32>, vector<16x100xi32>
    }
    %scan3A_25 = arith.constant 4 : i32
    %broadcast_in_dim3A_26 = arith.constant 20000 : i32
    %broadcast_in_dim3A_27 = vector.broadcast %broadcast_in_dim3A_26 : i32 to vector<16x12xi32>
    %concatenate3A = tpu.concatenate %scan3A_24#1, %broadcast_in_dim3A_27 in 1 : vector<16x100xi32>, vector<16x12xi32> -> vector<16x112xi32>
    %swap3A = arith.constant 0 : index
    %swap3A_28 = arith.constant 0 : index
    %swap3A_29 = vector.load %arg4[%swap3A, %swap3A_28] : memref<16x112xi32, #tpu.memory_space<vmem>>, vector<16x112xi32>
    tpu.vector_store %arg4[%swap3A, %swap3A_28], %concatenate3A {strides = array<i32>} : memref<16x112xi32, #tpu.memory_space<vmem>>, vector<16x112xi32>,
    return
  }
}

</mosaic_0001>

<sc_bundles>
// kernel: kernel.4.cloned.1.call-start
scs
__scs_entry_jumppad:
0x0: {  	(pc) =	sbr.rel $0x88, $3  }
0x1: {  	(tag) =	ssettag $0x0;
	lr =	simm.s32 $0x1  }
0x2: {  	[smem:$0x3F9C] =	sst lr;
	_ =	strace $0xD0000000  }
0x3: {  	_ = 	snop  }
0x4: {  	_ = 	snop  }
0x5: {  	_ = 	snop  }
0x6: {  	_ = 	snop  }
0x7: {  	_ = 	snop  }
__scs_overlays_trampoline_lowered:
0x8: {  	[smem:$0x3FAB] =	sst s0  }
0x9: {  	[smem:$0x3FAC] =	sst s1  }
0xa: {  	[smem:$0x3FAD] =	sst s2  }
0xb: {  	[smem:$0x3FAE] =	sst s3  }
0xc: {  	[smem:$0x3FAF] =	sst s4  }
0xd: {  	[smem:$0x3FB0] =	sst s5  }
0xe: {  	[smem:$0x3FB1] =	sst s6  }
0xf: {  	[smem:$0x3FB2] =	sst s7  }
0x10: {  	[smem:$0x3FB3] =	sst s8  }
0x11: {  	[smem:$0x3FB4] =	sst s9;
	s0 =	simm.s32 @!p0 $0x0  }
0x12: {  	s1 =	sld [smem:$0x3F9A];
	s0 =	simm.s32 @p0 $0x1  }
0x13: {  	[smem:$0x3FB5] =	sst s0;
	s0 =	simm.s32 @!p1 $0x0  }
0x14: {  	s2 =	sld [smem:$0x3F99];
	s0 =	simm.s32 @p1 $0x1  }
0x15: {  	[smem:$0x3FB6] =	sst s0;
	s0 =	simm.s32 @!p2 $0x0  }
0x16: {  	s3 =	sld [smem:$0x3FDB];
	s0 =	simm.s32 @p2 $0x1  }
0x17: {  	s4 =	simm.s32 $0x1BF5;
	[smem:$0x3FB8] =	sst s0  }
0x18: {  	s0 =	sld [smem:$0x3F9B];
	_ =	swait.ge [sflag:s4], $0x0  }
0x19: {  	s7 =	sld [smem:$0x3F9C]  }
0x1a: {  	s8 =	sadd.s32 $0xFFFFE003, lr  }
0x1b: {  	s9 =	sadd.s32 $0xFFFFFEF7, lr;
	s5 =	simm.s32 $0xFFFFFFFF;
	p2 =	slt.u32 s8, $0xFFFFF086  }
0x1c: {  	p1 =	slt.u32 s9, $0xF7A;
	s5 =	simm.s32 @!p2 $0x0  }
0x1d: {  	s5 =	simm.s32 @p1 $0x1;
	p0 =	seq.s32 s7, s2  }
0x1e: {  	s7 =	smul.u32 @!p0 $0xF7A, s2;
	p2 =	seq.s32 @!p0 s5, $0x0  }
0x1f: {  	s9 =	smul.u32 $0xF7A, s1;
	s8 =	simm.s32 @!p0 $0x1BF5;
	p2 =	por !p2, p0  }
0x20: {  	[sflag:s8] =	ssyncset.s32 @!p0 $0xFFFFF086;
	s6 =	sadd.s32 @!p0 s3, s7;
	s7 =	simm.s32 @!p0 $0x108  }
0x21: {  	s3 =	sadd.s32 s3, s9;
	s6 =	sadd.s32 @!p0 $0x88, s6;
	s7 =	simm.s32 @p2 $0x1082  }
0x22: {  	[simem:s7], [sflag:s8] =	dma.local @!p0 [hbm:s6], $0xF7A  }
0x23: {  	s9 =	sor.u32 $0xD0000000, s2;
	s6 =	simm.s32 $0x108;
	_ =	swait.ge @!p0 [sflag:s8], $0x0  }
0x24: {  	s3 =	sadd.s32 $0x88, s3;
	s6 =	simm.s32 @!p1 $0x1082;
	[sflag:s4] =	ssyncset.s32 $0xFFFFF086  }
0x25: {  	[simem:s6], [sflag:s4] =	dma.local [hbm:s3], $0xF7A  }
0x26: {  	[smem:$0x3F9C] =	sst s1;
	(tag) =	ssettag s2;
	_ =	strace s9  }
0x27: {  	s1 =	sld [smem:$0x3FAC]  }
0x28: {  	s2 =	sld [smem:$0x3FAD]  }
0x29: {  	s4 =	sld [smem:$0x3FAF]  }
0x2a: {  	p0 =	seq.s32 s5, $0x0;
	s5 =	sld [smem:$0x3FB0]  }
0x2b: {  	s6 =	sld [smem:$0x3FB1]  }
0x2c: {  	s7 =	sld [smem:$0x3FB2]  }
0x2d: {  	s3 =	simm.s32 $0x108;
	s8 =	sld [smem:$0x3FB3]  }
0x2e: {  	s3 =	simm.s32 @!p0 $0x1082;
	s9 =	sld [smem:$0x3FB4]  }
0x2f: {  	lr =	sadd.s32 s0, s3;
	s0 =	sld [smem:$0x3FAB]  }
0x30: {  	s3 =	sld [smem:$0x3FAE]  }
0x31: {  	[smem:$0x3FB7] =	sst s10  }
0x32: {  	s10 =	sld [smem:$0x3FB5];
	_ =	sdelay $0x3  }
0x33: {  	p0 =	seq.s32 s10, $0x1;
	s10 =	sld [smem:$0x3FB7];
	_ =	sdelay $0x3  }
0x34: {  	[smem:$0x3FB7] =	sst s10  }
0x35: {  	s10 =	sld [smem:$0x3FB6];
	_ =	sdelay $0x3  }
0x36: {  	p1 =	seq.s32 s10, $0x1;
	s10 =	sld [smem:$0x3FB7];
	_ =	sdelay $0x3  }
0x37: {  	[smem:$0x3FB7] =	sst s10  }
0x38: {  	s10 =	sld [smem:$0x3FB8]  }
0x39: {  	_ = 	snop;
	(pc) =	sbr.ind lr, $3  }
0x3a: {  	_ = 	snop  }
0x3b: {  	_ = 	snop  }
0x3c: {  	p2 =	seq.s32 s10, $0x1;
	s10 =	sld [smem:$0x3FB7]  }
0x3d: {  	_ =	shalt  }
0x3e: {  	_ =	shalt  }
0x3f: {  	_ =	shalt  }
0x40: {  	_ =	shalt  }
0x41: {  	_ =	shalt  }
0x42: {  	_ =	shalt  }
0x43: {  	_ =	shalt  }
0x44: {  	_ =	shalt  }
0x45: {  	_ =	shalt  }
0x46: {  	_ =	shalt  }
0x47: {  	_ =	shalt  }
0x48: {  	_ =	shalt  }
0x49: {  	_ =	shalt  }
0x4a: {  	_ =	shalt  }
0x4b: {  	_ =	shalt  }
0x4c: {  	_ =	shalt  }
0x4d: {  	_ =	shalt  }
0x4e: {  	_ =	shalt  }
0x4f: {  	_ =	shalt  }
0x50: {  	_ =	shalt  }
0x51: {  	_ =	shalt  }
0x52: {  	_ =	shalt  }
0x53: {  	_ =	shalt  }
0x54: {  	_ =	shalt  }
0x55: {  	_ =	shalt  }
0x56: {  	_ =	shalt  }
0x57: {  	_ =	shalt  }
0x58: {  	_ =	shalt  }
0x59: {  	_ =	shalt  }
0x5a: {  	_ =	shalt  }
0x5b: {  	_ =	shalt  }
0x5c: {  	_ =	shalt  }
0x5d: {  	_ =	shalt  }
0x5e: {  	_ =	shalt  }
0x5f: {  	_ =	shalt  }
0x60: {  	_ =	shalt  }
0x61: {  	_ =	shalt  }
0x62: {  	_ =	shalt  }
0x63: {  	_ =	shalt  }
0x64: {  	_ =	shalt  }
0x65: {  	_ =	shalt  }
0x66: {  	_ =	shalt  }
0x67: {  	_ =	shalt  }
0x68: {  	_ =	shalt  }
0x69: {  	_ =	shalt  }
0x6a: {  	_ =	shalt  }
0x6b: {  	_ =	shalt  }
0x6c: {  	_ =	shalt  }
0x6d: {  	_ =	shalt  }
0x6e: {  	_ =	shalt  }
0x6f: {  	_ =	shalt  }
0x70: {  	_ =	shalt  }
0x71: {  	_ =	shalt  }
0x72: {  	_ =	shalt  }
0x73: {  	_ =	shalt  }
0x74: {  	_ =	shalt  }
0x75: {  	_ =	shalt  }
0x76: {  	_ =	shalt  }
0x77: {  	_ =	shalt  }
0x78: {  	_ =	shalt  }
0x79: {  	_ =	shalt  }
0x7a: {  	_ =	shalt  }
0x7b: {  	_ =	shalt  }
0x7c: {  	_ =	shalt  }
0x7d: {  	_ =	shalt  }
0x7e: {  	_ =	shalt  }
0x7f: {  	_ =	shalt  }
0x80: {  	_ =	shalt  }
0x81: {  	_ =	shalt  }
0x82: {  	_ =	shalt  }
0x83: {  	_ =	shalt  }
0x84: {  	_ =	shalt  }
0x85: {  	_ =	shalt  }
0x86: {  	_ =	shalt  }
0x87: {  	_ =	shalt  }
.Lfunc_end0:
.L_simem_size_0:
called_computation_lowered:
.L_overlay_start_0:
0x88: {  	s2 =	sld [smem:$0x3FD9]  }
0x89: {  	s3 =	sld [smem:$0x3FFE];
	_ =	sdelay $0x1  }
0x8a: {  	s1 =	srdreg.scid  }
0x8b: {  	s0 =	sand.u32 $0x1, s1  }
0x8c: {  	s17 =	sshll.u32 s0, $0xA;
	s2 =	sadd.s32 s3, s2  }
0x8d: {  	s2 =	sadd.s32 s2, s17  }
0x8e: {  	[smem:$0x3FC3] =	sst s2  }
0x8f: {  	_ = 	snop  }
0x90: {  	s2 =	sld [smem:$0x3FD0];
	(tm) =	ssettm $0x1  }
0x91: {  	s18 =	sld [smem:$0x3FFB];
	_ =	sdelay $0x3  }
0x92: {  	_ =	strace s18  }
0x93: {  	s3 =	sld [smem:$0x3FFC];
	_ =	sdelay $0x3  }
0x94: {  	_ =	strace s3  }
0x95: {  	s3 =	sld [smem:$0x3FFD];
	_ =	sdelay $0x3  }
0x96: {  	_ =	strace s3  }
0x97: {  	_ =	strace $0x8FFFFFFF  }
0x98: {  	s19 =	sld [smem:$0x3FDB];
	_ =	sdelay $0x1  }
0x99: {  	s4 =	simm.s32 $_scs_section_size  }
0x9a: {  	s5 =	simm.s32 $_size__tile_overlayer_lowered;
	s6 =	simm.s32 $_tile_overlayer_lowered  }
0x9b: {  	s22 =	simm.s32 $0x1BFF;
	s21 =	sshll.u32 s6, $0x1;
	s3 =	sadd.s32 s4, s19  }
0x9c: {  	s7 =	simm.s32 $0x0;
	s20 =	sshll.u32 s5, $0x1;
	s5 =	sadd.s32 s21, s3  }
0x9d: {  	[timem:s7], [sflag:s22] =	dma.local [hbm:s5], s20  }
0x9e: {  	_ =	swait.ge [sflag:s22], s20  }
0x9f: {  	s4 =	ssub.s32 $0x0, s20;
	[sflag:s22] =	ssyncset.done $0x0  }
0xa0: {  	[sflag:s22] =	ssyncadd.s32 s4;
	_ =	sdelay $0x1  }
0xa1: {  	s23 =	simm.s32 $0x1B8B  }
0xa2: {  	_ =	swait.ge [sflag:s23], $0x1  }
0xa3: {  	[sflag:s23] =	ssyncset.done $0x0  }
0xa4: {  	s25 =	simm.s32 $0x1B8E;
	s24 =	sld [smem:$0x3FFE];
	[sflag:s23] =	ssyncadd.s32 $0xFFFFFFFF  }
0xa5: {  	s26 =	simm.s32 $execute0_lowered;
	[smem:$0x3FD2] =	sst s25  }
0xa6: {  	s5 =	sshll.u32 s26, $0x1;
	_ =	strace $0x80000046;
	[dreg:$0x1] =	wrdreg $0xFFFFFFFF  }
0xa7: {  	s28 =	simm.s32 $_size_execute0_lowered;
	s3 =	sadd.s32 s3, s5;
	[dreg:$0x0] =	wrdreg $0x0  }
0xa8: {  	s5 =	sshll.u32 s28, $0x1;
	[dreg:$0x2] =	wrdreg s3  }
0xa9: {  	[dreg:$0x3] =	wrdreg s5  }
0xaa: {  	[dreg:$0x4] =	wrdreg $0xC0  }
0xab: {  	_ =	task [dreg:s7], $0x5FFFF  }
0xac: {  	[dreg:$0x1] =	wrdreg $0xFFFFFFFF  }
0xad: {  	[dreg:$0x0] =	wrdreg $0x60  }
0xae: {  	[dreg:$0x2] =	wrdreg s24  }
0xaf: {  	[dreg:$0x3] =	wrdreg s2  }
0xb0: {  	[dreg:$0x4] =	wrdreg $0x25800  }
0xb1: {  	[dreg:$0x5] =	wrdreg $0x9  }
0xb2: {  	_ =	task.clear_ibuf [dreg:s7], $0x6FFFF;
	_ =	strace $0x90000046  }
0xb3: {  	s29 =	simm.s32 $0x9;
	_ =	strace $0x80000048  }
0xb4: {  	_ =	swait.ge [sflag:s29], $0x1  }
0xb5: {  	[sflag:s29] =	ssyncadd.s32 $0xFFFFFFFF  }
0xb6: {  	_ =	strace $0x90000048  }
0xb7: {  	_ =	sfence  }
0xb8: {  	s30 =	sld [smem:$0x0];
	_ =	sdelay $0x2  }
0xb9: {  	s31 =	sshll.u32 s1, $0xD;
	s1 =	sshrl.u32 s1, $0x2  }
0xba: {  	s3 =	sand.u32 $0x4000, s31;
	s1 =	sadd.s32 s1, s30  }
0xbb: {  	s0 =	sor.u32 s3, s0;
	s1 =	sshll.u32 s1, $0x11  }
0xbc: {  	s0 =	sor.u32 s1, s0  }
0xbd: {  	s0 =	sadd.s32 $0x8F2B, s0  }
0xbe: {  	[sflag:s0] =	ssyncadd.remote.s32 $0x1  }
0xbf: {  	_ =	sfence.sel $0xFFFF  }
0xc0: {  	[dreg:$0x0] =	wrdreg $0xFFFFFFFF;
	(pc) =	sbr.abs _section_cstart, $3  }
0xc1: {  	[dreg:$0x1] =	wrdreg $0xFFFFFFFF  }
0xc2: {  	_ =	task.clear_ibuf [dreg:s7], $0x2FFFF;
	_ =	strace $0x9FFFFFFF  }
0xc3: {  	(tm) =	ssettm $0x7FFFFFFF  }
tec
execute0_lowered:
.L_overlay_start_1:
0x0: {  	(tag) =	ssettag $0x1  }
0x1: {  	s0 =	rddreg [dreg:$0x0]  }
0x2: {  	s1 =	rddreg [dreg:$0x1]  }
0x3: {  	s2 =	rddreg [dreg:$0x2]  }
0x4: {  	s3 =	simm.s32 $0x0;
	s4 =	srdreg.scid;
	s8 =	stileid.u32  }
0x5: {  	[smem:$0x7FF] =	sst s3;
	s6 =	sand.u32 $0x1, s4;
	s10 =	sadd.s32 $0x1400, s0  }
0x6: {  	s11 =	sadd.s32 $0x1800, s0;
	_ =	strace $0x80000047;
	[dreg:$0x5] =	wrdreg s10  }
0x7: {  	s9 =	sshll.u32 s8, $0x1;
	s12 =	sadd.s32 $0x1A00, s0;
	[dreg:$0x6] =	wrdreg s11  }
0x8: {  	s13 =	sadd.s32 $0x1C00, s0;
	s14 =	sadd.s32 $0x1600, s0;
	[dreg:$0x7] =	wrdreg s12  }
0x9: {  	s5 =	sor.u32 s6, s9;
	s9 =	sadd.s32 $0x1200, s0;
	[dreg:$0x8] =	wrdreg s13  }
0xa: {  	[dreg:$0x9] =	wrdreg s14;
	s7 =	smul.u32 $0x280, s5;
	s5 =	sshll.u32 s8, $0x4  }
0xb: {  	[dreg:$0x4] =	wrdreg s9;
	s16 =	sor.u32 $0x400, s5  }
0xc: {  	s17 =	sor.u32 $0xC00, s5;
	[dreg:$0xa] =	wrdreg s16  }
0xd: {  	s18 =	sor.u32 $0x800, s5;
	[dreg:$0xb] =	wrdreg s17  }
0xe: {  	s19 =	sor.u32 $0x1000, s5;
	[dreg:$0xc] =	wrdreg s18  }
0xf: {  	s21 =	sadd.s32 $0x470, s5;
	[dreg:$0xd] =	wrdreg s19  }
0x10: {  	s22 =	sadd.s32 $0xC70, s5;
	[dreg:$0xe] =	wrdreg s21  }
0x11: {  	s23 =	sadd.s32 $0x870, s5;
	[dreg:$0xf] =	wrdreg s22  }
0x12: {  	s4 =	sadd.s32 $0x1000, s0;
	s24 =	sadd.s32 $0x1070, s5;
	[dreg:$0x10] =	wrdreg s23  }
0x13: {  	s6 =	ssub.s32 $0x2, s6;
	s26 =	sadd.s32 $0x4E0, s5;
	[dreg:$0x11] =	wrdreg s24  }
0x14: {  	s12 =	sadd.s32 $0x1E00, s0;
	s29 =	sadd.s32 $0xCE0, s5;
	[dreg:$0x12] =	wrdreg s26  }
0x15: {  	s15 =	sshrl.u32 s6, $0x1;
	s31 =	sadd.s32 $0x8E0, s5;
	[dreg:$0x13] =	wrdreg s29  }
0x16: {  	s0 =	ssub.s32 s6, s15;
	s6 =	sadd.s32 $0x550, s5;
	[dreg:$0x14] =	wrdreg s31  }
0x17: {  	p0 =	sgt.u32 s8, $0x6;
	s8 =	sadd.s32 $0x950, s5;
	[dreg:$0x16] =	wrdreg s6  }
0x18: {  	s9 =	sadd.s32 $0x1150, s5;
	[dreg:$0x18] =	wrdreg s8  }
0x19: {  	s10 =	sadd.s32 $0x5C0, s5;
	[dreg:$0x19] =	wrdreg s9  }
0x1a: {  	s11 =	sadd.s32 $0xDC0, s5;
	[dreg:$0x1a] =	wrdreg s10  }
0x1b: {  	s13 =	sadd.s32 $0x9C0, s5;
	[dreg:$0x1b] =	wrdreg s11  }
0x1c: {  	s14 =	sadd.s32 $0x11C0, s5;
	[dreg:$0x1c] =	wrdreg s13  }
0x1d: {  	v0 =	vimm.f32 $9.000000000e+00;
	v1 =	vimm.s32 $0xFEDCBA9;
	s15 =	sadd.s32 $0x630, s5;
	s20 =	sadd.s32 $0x280, s7;
	[dreg:$0x1d] =	wrdreg s14  }
0x1e: {  	v3 =	vlaneseq.u32;
	(erf) = vrcp.f32 v0;
	v0 =	vmov s7;
	s25 =	sshrl.u32 s7, $0x3;
	s7 =	sadd.s32 $0xD50, s5;
	[dreg:$0x1e] =	wrdreg s15  }
0x1f: {  	v6 =	vimm.s32 $0x98765432;
	vm1 =	vmmov $0xffff;
	v20 =	vimm.s32 $0xEDCBA987;
	s16 =	sadd.s32 $0xE30, s5;
	[dreg:$0x17] =	wrdreg s7  }
0x20: {  	v21 =	vimm.s32 $0xFEDCBA98;
	v22 =	vimm.s32 $0x76543210;
	v4 =	vunpack.c.l.s4.s8 v1;
	s18 =	sadd.s32 $0xA30, s5;
	[dreg:$0x1f] =	wrdreg s16  }
0x21: {  	v1 =	vimm.s32 $0x87654321;
	v3 =	vmul.u32 $0xFFFFFFFF, v3;
	v6 =	vunpack.c.l.s4.s8 v6;
	s19 =	sadd.s32 $0x1230, s5;
	[smem:$0x7E6] =	sst s18  }
0x22: {  	v20 =	vunpack.c.l.s4.s8 v20;
	v5 =	vunpack.c.l.s4.s8 v1;
	v1 =	vimm.s32 $0x10FEDCBA;
	s21 =	sadd.s32 $0xEA0, s5;
	[smem:$0x7E7] =	sst s19  }
0x23: {  	v21 =	vunpack.c.l.s4.s8 v21;
	v7 =	vunpack.c.l.s4.s8 v1;
	v9 =	vunpack.c.0.s8.s32 v4;
	s24 =	sadd.s32 $0xAA0, s5;
	[smem:$0x7E9] =	sst s21  }
0x24: {  	v3 =	vadd.s32 $0x64, v3;
	v12 =	vunpack.c.0.s8.s32 v6;
	v4 =	vimm.s32 $0x210FEDCB;
	s26 =	sadd.s32 $0x12A0, s5;
	[smem:$0x7EA] =	sst s24  }
0x25: {  	v6 =	vimm.s32 $0x3210FEDC;
	v20 =	vunpack.c.0.s8.s32 v20;
	v2 =	vmov s5;
	s29 =	sadd.s32 $0x710, s5;
	[smem:$0x7EB] =	sst s26  }
0x26: {  	v10 =	vunpack.c.0.s8.s32 v5;
	v5 =	vimm.s32 $0xA9876543;
	v4 =	vunpack.c.l.s4.s8 v4;
	s30 =	sadd.s32 $0x150, s5;
	s31 =	sadd.s32 $0xF10, s5;
	[smem:$0x7EC] =	sst s29  }
0x27: {  	s28 =	sadd.s32 $0x310, s5;
	v11 =	vunpack.c.0.s8.s32 v7;
	vm0 =	vlt.u32 v2, v3;
	v5 =	vunpack.c.l.s4.s8 v5;
	s6 =	sadd.s32 $0x1310, s5;
	[smem:$0x7ED] =	sst s31  }
0x28: {  	s17 =	sadd.s32 $0x70, s5;
	v7 =	vimm.s32 $0xBA987654;
	s8 =	sor.u32 $0x780, s5;
	v1 =	vmov s20;
	v2 =	vcombine.low v10, v9;
	[smem:$0x7EF] =	sst s6  }
0x29: {  	s22 =	sadd.s32 $0xE0, s5;
	s9 =	sor.u32 $0xF80, s5;
	v13 =	vunpack.c.0.s8.s32 v4;
	v4 =	vimm.s32 $0x43210FED;
	[smem:$0x7F0] =	sst s8;
	v10 =	vcombine.low v9, v10  }
0x2a: {  	s13 =	sadd.s32 $0x230, s5;
	s10 =	sor.u32 $0xB80, s5;
	[smem:$0x7F1] =	sst s9;
	v3 =	vcombine.low v12, v11;
	v14 =	vunpack.c.0.s8.s32 v5;
	v5 =	vunpack.c.l.s4.s8 v6  }
0x2b: {  	s11 =	sor.u32 $0x1380, s5;
	s14 =	sor.u32 $0x1E00, s5;
	[smem:$0x7F2] =	sst s10;
	v6 =	vunpack.c.l.s4.s8 v7;
	v7 =	vimm.s32 $0xCBA98765;
	v4 =	vunpack.c.l.s4.s8 v4  }
0x2c: {  	s15 =	sadd.s32 s5, s2;
	s23 =	sadd.s32 s1, s25;
	[smem:$0x7F3] =	sst s11;
	v11 =	vcombine.low v11, v12;
	v2 =	vand.u32 $0xF, v2;
	v7 =	vunpack.c.l.s4.s8 v7  }
0x2d: {  	s25 =	smax.u32 s0, $0x1;
	s1 =	sadd.s32 $0x10E0, s5;
	[smem:$0x7F4] =	sst s14;
	v10 =	vand.u32 $0xF, v10;
	v3 =	vand.u32 $0xF, v3;
	v8 =	vcombine.low v14, v13  }
0x2e: {  	s7 =	sadd.s32 $0x1C0, s5;
	s19 =	sadd.s32 $0x2A0, s5;
	[smem:$0x7F5] =	sst s15;
	v15 =	vunpack.c.0.s8.s32 v5;
	v16 =	vunpack.c.0.s8.s32 v6;
	v5 =	vimm.s32 $0x543210FE  }
0x2f: {  	s20 =	sadd.s32 $0x6A0, s5;
	s6 =	sor.u32 $0x380, s5;
	[dreg:$0x15] =	wrdreg s1;
	v17 =	vunpack.c.0.s8.s32 v4;
	v6 =	vimm.s32 $0xDCBA9876;
	v12 =	vcombine.low v13, v14  }
0x30: {  	s16 =	sadd.s32 $0x1E70, s5;
	s18 =	sadd.s32 s17, s2;
	[smem:$0x7E8] =	sst s20;
	v11 =	vand.u32 $0xF, v11;
	v18 =	vunpack.c.0.s8.s32 v7;
	v5 =	vunpack.c.l.s4.s8 v5  }
0x31: {  	s21 =	sadd.s32 s22, s2;
	s24 =	sadd.s32 $0x1F50, s5;
	[smem:$0x7F6] =	sst s16;
	v6 =	vunpack.c.l.s4.s8 v6;
	v4 =	vand.u32 $0xF, v8;
	v7 =	vcombine.low v16, v15  }
0x32: {  	s26 =	sadd.s32 s30, s2;
	s29 =	sadd.s32 $0x1FC0, s5;
	[smem:$0x7F7] =	sst s18;
	v8 =	vimm.s32 $0x6543210F;
	v13 =	vcombine.low v15, v16;
	v12 =	vand.u32 $0xF, v12  }
0x33: {  	s0 =	sadd.s32 $0x2030, s5;
	s8 =	sadd.s32 $0x20A0, s5;
	[smem:$0x7F9] =	sst s21;
	v19 =	vcombine.low v18, v17;
	v8 =	vunpack.c.l.s4.s8 v8;
	v23 =	vunpack.c.0.s8.s32 v5  }
0x34: {  	s10 =	sadd.s32 $0x2110, s5;
	s11 =	sadd.s32 s28, s2;
	[smem:$0x7FA] =	sst s24;
	v24 =	vunpack.c.0.s8.s32 v6;
	v6 =	vunpack.c.l.s4.s8 v22;
	v14 =	vcombine.low v17, v18  }
0x35: {  	s14 =	sadd.s32 $0x2180, s5;
	s1 =	sadd.s32 $0xB10, s5;
	[smem:$0x7FB] =	sst s26;
	v18 =	vimm.f32 $0.0e+00;
	v5 =	vand.u32 $0xF, v7;
	v13 =	vand.u32 $0xF, v13  }
0x36: {  	s20 =	sadd.s32 $0x1EE0, s5;
	[smem:$0x7FC] =	sst s29;
	s31 =	sadd.s32 s7, s2;
	v62 =	vunpack.c.0.s8.s32 v8;
	v8 =	vunpack.c.0.s8.s32 v21;
	v7 =	vcombine.low v24, v23  }
0x37: {  	s9 =	sadd.s32 s19, s2;
	s15 =	sadd.s32 s6, s2;
	s16 =	simm.s32 $0x2;
	v63 =	vunpack.c.0.s8.s32 v6;
	v6 =	vand.u32 $0xF, v19;
	v16 =	vcombine.low v23, v24  }
0x38: {  	s18 =	simm.s32 $0x1;
	s21 =	simm.s32 $0x2280;
	[smem:$0x7EE] =	sst s1;
	v14 =	vand.u32 $0xF, v14;
	v19 =	vcombine.low v20, v62;
	v17 =	vcombine.low v62, v20  }
0x39: {  	s24 =	simm.s32 $0x2300;
	s26 =	simm.s32 $0x0;
	[smem:$0x7F8] =	sst s20;
	v8 =	vand.u32 $0xF, v8;
	v7 =	vand.u32 $0xF, v7;
	v16 =	vand.u32 $0xF, v16  }
0x3a: {  	[smem:$0x7FD] =	sst s31;
	s1 =	sadd.s32 s13, s2;
	s20 =	simm.s32 $0x2200;
	v15 =	vpop (erf);
	v8 =	vcombine.low v8, v63;
	v9 =	vand.u32 $0xF, v19;
	v17 =	vand.u32 $0xF, v17  }
.LBB2_1:
.Ltmp0:
0x3b: {  	(pc) =	sbr.rel @p0 .LBB2_3-.Ltmp0, $4  }
0x3c: {  	[tilespmem:s3], [sflag:$0x2] =	stream.linear.gather [hbm4b:s4+s3], $0x3F0, $0x38;
	[tilespmem:$0x25C0] =	vst v63  }
0x3d: {  	_ =	swait.ge [sflag:s16], $0x3F0  }
0x3e: {  	[sflag:s16] =	ssyncset.done $0x0  }
0x3f: {  	[sflag:s16] =	ssyncadd.s32 $0xFFFFFC10  }
0x40: {  	s29 =	rddreg [dreg:$0x4];
	s31 =	simm.s32 $0x1400  }
0x41: {  	[tilespmem:s31], [sflag:$0x2] =	stream.linear.gather [hbm4b:s29+s3], $0x400, $0x38;
	[tilespmem:$0x25C0] =	vst v63  }
0x42: {  	_ =	swait.ge [sflag:s16], $0x400  }
0x43: {  	[sflag:s16] =	ssyncset.done $0x0  }
0x44: {  	s31 =	simm.s32 $0x1800;
	s29 =	rddreg [dreg:$0x5];
	[sflag:s16] =	ssyncadd.s32 $0xFFFFFC00  }
0x45: {  	[tilespmem:s31], [sflag:$0x2] =	stream.linear.gather [hbm4b:s29+s3], $0x400, $0x38;
	[tilespmem:$0x25C0] =	vst v63  }
0x46: {  	_ =	swait.ge [sflag:s16], $0x400  }
0x47: {  	[sflag:s16] =	ssyncset.done $0x0  }
0x48: {  	s31 =	simm.s32 $0x1C00;
	s29 =	rddreg [dreg:$0x6];
	[sflag:s16] =	ssyncadd.s32 $0xFFFFFC00  }
0x49: {  	[tilespmem:s31], [sflag:$0x2] =	stream.linear.gather [hbm4b:s29+s3], $0x80, $0x38;
	[tilespmem:$0x25C0] =	vst v63  }
0x4a: {  	_ =	swait.ge [sflag:s16], $0x80  }
0x4b: {  	[sflag:s16] =	ssyncset.done $0x0  }
0x4c: {  	s31 =	simm.s32 $0x1C80;
	s29 =	rddreg [dreg:$0x7];
	[sflag:s16] =	ssyncadd.s32 $0xFFFFFF80  }
0x4d: {  	[tilespmem:s31], [sflag:$0x2] =	stream.linear.gather [hbm4b:s29+s3], $0x80, $0x38;
	[tilespmem:$0x25C0] =	vst v63  }
0x4e: {  	_ =	swait.ge [sflag:s16], $0x80  }
0x4f: {  	[sflag:s16] =	ssyncset.done $0x0  }
0x50: {  	s31 =	simm.s32 $0x1D00;
	s29 =	rddreg [dreg:$0x8];
	[sflag:s16] =	ssyncadd.s32 $0xFFFFFF80  }
0x51: {  	[tilespmem:s31], [sflag:$0x2] =	stream.linear.gather [hbm4b:s29+s3], $0x80, $0x38;
	[tilespmem:$0x25C0] =	vst v63  }
0x52: {  	_ =	swait.ge [sflag:s16], $0x80  }
0x53: {  	[sflag:s16] =	ssyncset.done $0x0  }
0x54: {  	s31 =	simm.s32 $0x1D80;
	s29 =	rddreg [dreg:$0x9];
	[sflag:s16] =	ssyncadd.s32 $0xFFFFFF80  }
0x55: {  	[tilespmem:s31], [sflag:$0x2] =	stream.linear.gather [hbm4b:s29+s3], $0x80, $0x38;
	[tilespmem:$0x25C0] =	vst v63  }
0x56: {  	_ =	swait.ge [sflag:s16], $0x80  }
0x57: {  	[sflag:s16] =	ssyncset.done $0x0  }
0x58: {  	[sflag:s16] =	ssyncadd.s32 $0xFFFFFF80  }
0x59: {  	v19 =	vld [tilespmem:s5+$0x0];
	_ =	sdelay $0x4  }
0x5a: {  	vm2 =	vlt.s32 v19, $0x4E1F  }
0x5b: {  	v19 =	vnsel vm2, $0x4E1F, v19  }
0x5c: {  	v19 =	vshll.u32 v19, $0x2;
	_ =	sdelay $0x1  }
0x5d: {  	v20 =	vor.u32 $0x1, v19;
	_ =	sdelay $0x1  }
0x5e: {  	s31 =	rddreg [dreg:$0xa];
	v21 =	vor.u32 $0x2, v19  }
0x5f: {  	[tilespmem:s31], [sflag:$0x1] =	stream.indirect_vreg.gather [hbm4b:s12+s3], $0x1, v19, vm1, $0xb8;
	[tilespmem:$0x25C0] =	vst v63  }
0x60: {  	v19 =	vor.u32 $0x3, v19;
	s31 =	rddreg [dreg:$0xb]  }
0x61: {  	[tilespmem:s31], [sflag:$0x1] =	stream.indirect_vreg.gather [hbm4b:s12+s3], $0x1, v20, vm1, $0xb8;
	[tilespmem:$0x25C0] =	vst v63  }
0x62: {  	s31 =	rddreg [dreg:$0xc]  }
0x63: {  	[tilespmem:s31], [sflag:$0x1] =	stream.indirect_vreg.gather [hbm4b:s12+s3], $0x1, v21, vm1, $0xb8;
	[tilespmem:$0x25C0] =	vst v63  }
0x64: {  	s31 =	rddreg [dreg:$0xd]  }
0x65: {  	[tilespmem:s31], [sflag:$0x1] =	stream.indirect_vreg.gather [hbm4b:s12+s3], $0x1, v19, vm1, $0xb8;
	[tilespmem:$0x25C0] =	vst v63  }
0x66: {  	v19 =	vld [tilespmem:s5+$0x70];
	_ =	sdelay $0x4  }
0x67: {  	vm2 =	vlt.s32 v19, $0x4E1F  }
0x68: {  	v19 =	vnsel vm2, $0x4E1F, v19  }
0x69: {  	v19 =	vshll.u32 v19, $0x2;
	_ =	sdelay $0x1  }
0x6a: {  	v20 =	vor.u32 $0x1, v19;
	_ =	sdelay $0x1  }
0x6b: {  	s31 =	rddreg [dreg:$0xe];
	v53 =	vor.u32 $0x2, v19  }
0x6c: {  	[tilespmem:s31], [sflag:$0x1] =	stream.indirect_vreg.gather [hbm4b:s12+s3], $0x1, v19, vm1, $0xb8;
	[tilespmem:$0x25C0] =	vst v63  }
0x6d: {  	v19 =	vor.u32 $0x3, v19;
	s31 =	rddreg [dreg:$0xf]  }
0x6e: {  	[tilespmem:s31], [sflag:$0x1] =	stream.indirect_vreg.gather [hbm4b:s12+s3], $0x1, v20, vm1, $0xb8;
	[tilespmem:$0x25C0] =	vst v63  }
0x6f: {  	s31 =	rddreg [dreg:$0x10]  }
0x70: {  	[tilespmem:s31], [sflag:$0x1] =	stream.indirect_vreg.gather [hbm4b:s12+s3], $0x1, v53, vm1, $0xb8;
	[tilespmem:$0x25C0] =	vst v63  }
0x71: {  	s31 =	rddreg [dreg:$0x11]  }
0x72: {  	[tilespmem:s31], [sflag:$0x1] =	stream.indirect_vreg.gather [hbm4b:s12+s3], $0x1, v19, vm1, $0xb8;
	[tilespmem:$0x25C0] =	vst v63  }
0x73: {  	v19 =	vld [tilespmem:s5+$0xE0];
	_ =	sdelay $0x4  }
0x74: {  	vm2 =	vlt.s32 v19, $0x4E1F  }
0x75: {  	v19 =	vnsel vm2, $0x4E1F, v19  }
0x76: {  	v19 =	vshll.u32 v19, $0x2;
	_ =	sdelay $0x1  }
0x77: {  	v20 =	vor.u32 $0x1, v19;
	_ =	sdelay $0x1  }
0x78: {  	s31 =	rddreg [dreg:$0x12];
	v54 =	vor.u32 $0x2, v19  }
0x79: {  	[tilespmem:s31], [sflag:$0x1] =	stream.indirect_vreg.gather [hbm4b:s12+s3], $0x1, v19, vm1, $0xb8;
	[tilespmem:$0x25C0] =	vst v63  }
0x7a: {  	v19 =	vor.u32 $0x3, v19;
	s31 =	rddreg [dreg:$0x13]  }
0x7b: {  	[tilespmem:s31], [sflag:$0x1] =	stream.indirect_vreg.gather [hbm4b:s12+s3], $0x1, v20, vm1, $0xb8;
	[tilespmem:$0x25C0] =	vst v63  }
0x7c: {  	s31 =	rddreg [dreg:$0x14]  }
0x7d: {  	[tilespmem:s31], [sflag:$0x1] =	stream.indirect_vreg.gather [hbm4b:s12+s3], $0x1, v54, vm1, $0xb8;
	[tilespmem:$0x25C0] =	vst v63  }
0x7e: {  	s31 =	rddreg [dreg:$0x15]  }
0x7f: {  	[tilespmem:s31], [sflag:$0x1] =	stream.indirect_vreg.gather [hbm4b:s12+s3], $0x1, v19, vm1, $0xb8;
	[tilespmem:$0x25C0] =	vst v63  }
0x80: {  	v19 =	vld [tilespmem:s5+$0x150];
	_ =	sdelay $0x4  }
0x81: {  	vm2 =	vlt.s32 v19, $0x4E1F  }
0x82: {  	v19 =	vnsel vm2, $0x4E1F, v19  }
0x83: {  	v19 =	vshll.u32 v19, $0x2;
	_ =	sdelay $0x1  }
0x84: {  	v20 =	vor.u32 $0x1, v19;
	_ =	sdelay $0x1  }
0x85: {  	s31 =	rddreg [dreg:$0x16];
	v55 =	vor.u32 $0x2, v19  }
0x86: {  	[tilespmem:s31], [sflag:$0x1] =	stream.indirect_vreg.gather [hbm4b:s12+s3], $0x1, v19, vm1, $0xb8;
	[tilespmem:$0x25C0] =	vst v63  }
0x87: {  	v19 =	vor.u32 $0x3, v19;
	s31 =	rddreg [dreg:$0x17]  }
0x88: {  	[tilespmem:s31], [sflag:$0x1] =	stream.indirect_vreg.gather [hbm4b:s12+s3], $0x1, v20, vm1, $0xb8;
	[tilespmem:$0x25C0] =	vst v63  }
0x89: {  	s31 =	rddreg [dreg:$0x18]  }
0x8a: {  	[tilespmem:s31], [sflag:$0x1] =	stream.indirect_vreg.gather [hbm4b:s12+s3], $0x1, v55, vm1, $0xb8;
	[tilespmem:$0x25C0] =	vst v63  }
0x8b: {  	s31 =	rddreg [dreg:$0x19]  }
0x8c: {  	[tilespmem:s31], [sflag:$0x1] =	stream.indirect_vreg.gather [hbm4b:s12+s3], $0x1, v19, vm1, $0xb8;
	[tilespmem:$0x25C0] =	vst v63  }
0x8d: {  	v19 =	vld [tilespmem:s5+$0x1C0];
	_ =	sdelay $0x4  }
0x8e: {  	vm2 =	vlt.s32 v19, $0x4E1F  }
0x8f: {  	v19 =	vnsel vm2, $0x4E1F, v19  }
0x90: {  	v19 =	vshll.u32 v19, $0x2;
	_ =	sdelay $0x1  }
0x91: {  	v20 =	vor.u32 $0x1, v19;
	_ =	sdelay $0x1  }
0x92: {  	s31 =	rddreg [dreg:$0x1a];
	v56 =	vor.u32 $0x2, v19  }
0x93: {  	[tilespmem:s31], [sflag:$0x1] =	stream.indirect_vreg.gather [hbm4b:s12+s3], $0x1, v19, vm1, $0xb8;
	[tilespmem:$0x25C0] =	vst v63  }
0x94: {  	v19 =	vor.u32 $0x3, v19;
	s31 =	rddreg [dreg:$0x1b]  }
0x95: {  	[tilespmem:s31], [sflag:$0x1] =	stream.indirect_vreg.gather [hbm4b:s12+s3], $0x1, v20, vm1, $0xb8;
	[tilespmem:$0x25C0] =	vst v63  }
0x96: {  	s31 =	rddreg [dreg:$0x1c]  }
0x97: {  	[tilespmem:s31], [sflag:$0x1] =	stream.indirect_vreg.gather [hbm4b:s12+s3], $0x1, v56, vm1, $0xb8;
	[tilespmem:$0x25C0] =	vst v63  }
0x98: {  	s31 =	rddreg [dreg:$0x1d]  }
0x99: {  	[tilespmem:s31], [sflag:$0x1] =	stream.indirect_vreg.gather [hbm4b:s12+s3], $0x1, v19, vm1, $0xb8;
	[tilespmem:$0x25C0] =	vst v63  }
0x9a: {  	v19 =	vld [tilespmem:s5+$0x230];
	_ =	sdelay $0x4  }
0x9b: {  	vm2 =	vlt.s32 v19, $0x4E1F  }
0x9c: {  	v19 =	vnsel vm2, $0x4E1F, v19  }
0x9d: {  	v19 =	vshll.u32 v19, $0x2;
	_ =	sdelay $0x1  }
0x9e: {  	v20 =	vor.u32 $0x1, v19;
	_ =	sdelay $0x1  }
0x9f: {  	s31 =	rddreg [dreg:$0x1e]  }
0xa0: {  	[tilespmem:s31], [sflag:$0x1] =	stream.indirect_vreg.gather [hbm4b:s12+s3], $0x1, v19, vm1, $0xb8;
	[tilespmem:$0x25C0] =	vst v63  }
0xa1: {  	v57 =	vor.u32 $0x2, v19;
	s31 =	rddreg [dreg:$0x1f]  }
0xa2: {  	[tilespmem:s31], [sflag:$0x1] =	stream.indirect_vreg.gather [hbm4b:s12+s3], $0x1, v20, vm1, $0xb8;
	[tilespmem:$0x25C0] =	vst v63  }
0xa3: {  	s31 =	sld [smem:$0x7E6];
	_ =	sdelay $0x1  }
0xa4: {  	v19 =	vor.u32 $0x3, v19  }
0xa5: {  	[tilespmem:s31], [sflag:$0x1] =	stream.indirect_vreg.gather [hbm4b:s12+s3], $0x1, v57, vm1, $0xb8;
	[tilespmem:$0x25C0] =	vst v63  }
0xa6: {  	s31 =	sld [smem:$0x7E7];
	_ =	sdelay $0x2  }
0xa7: {  	[tilespmem:s31], [sflag:$0x1] =	stream.indirect_vreg.gather [hbm4b:s12+s3], $0x1, v19, vm1, $0xb8;
	[tilespmem:$0x25C0] =	vst v63  }
0xa8: {  	v19 =	vld [tilespmem:s5+$0x2A0];
	_ =	sdelay $0x4  }
0xa9: {  	vm2 =	vlt.s32 v19, $0x4E1F  }
0xaa: {  	v19 =	vnsel vm2, $0x4E1F, v19  }
0xab: {  	v19 =	vshll.u32 v19, $0x2;
	_ =	sdelay $0x1  }
0xac: {  	s31 =	sld [smem:$0x7E8];
	_ =	sdelay $0x1  }
0xad: {  	v20 =	vor.u32 $0x1, v19  }
0xae: {  	[tilespmem:s31], [sflag:$0x1] =	stream.indirect_vreg.gather [hbm4b:s12+s3], $0x1, v19, vm1, $0xb8;
	[tilespmem:$0x25C0] =	vst v63  }
0xaf: {  	s31 =	sld [smem:$0x7E9];
	_ =	sdelay $0x1  }
0xb0: {  	v58 =	vor.u32 $0x2, v19  }
0xb1: {  	[tilespmem:s31], [sflag:$0x1] =	stream.indirect_vreg.gather [hbm4b:s12+s3], $0x1, v20, vm1, $0xb8;
	[tilespmem:$0x25C0] =	vst v63  }
0xb2: {  	s31 =	sld [smem:$0x7EA];
	_ =	sdelay $0x1  }
0xb3: {  	v19 =	vor.u32 $0x3, v19  }
0xb4: {  	[tilespmem:s31], [sflag:$0x1] =	stream.indirect_vreg.gather [hbm4b:s12+s3], $0x1, v58, vm1, $0xb8;
	[tilespmem:$0x25C0] =	vst v63  }
0xb5: {  	s31 =	sld [smem:$0x7EB];
	_ =	sdelay $0x2  }
0xb6: {  	[tilespmem:s31], [sflag:$0x1] =	stream.indirect_vreg.gather [hbm4b:s12+s3], $0x1, v19, vm1, $0xb8;
	[tilespmem:$0x25C0] =	vst v63  }
0xb7: {  	v19 =	vld [tilespmem:s5+$0x310];
	_ =	sdelay $0x4  }
0xb8: {  	vm2 =	vlt.s32 v19, $0x4E1F  }
0xb9: {  	v19 =	vnsel vm2, $0x4E1F, v19  }
0xba: {  	v19 =	vshll.u32 v19, $0x2;
	_ =	sdelay $0x1  }
0xbb: {  	s31 =	sld [smem:$0x7EC];
	_ =	sdelay $0x1  }
0xbc: {  	v20 =	vor.u32 $0x1, v19  }
0xbd: {  	[tilespmem:s31], [sflag:$0x1] =	stream.indirect_vreg.gather [hbm4b:s12+s3], $0x1, v19, vm1, $0xb8;
	[tilespmem:$0x25C0] =	vst v63  }
0xbe: {  	s31 =	sld [smem:$0x7ED];
	_ =	sdelay $0x1  }
0xbf: {  	v59 =	vor.u32 $0x2, v19  }
0xc0: {  	[tilespmem:s31], [sflag:$0x1] =	stream.indirect_vreg.gather [hbm4b:s12+s3], $0x1, v20, vm1, $0xb8;
	[tilespmem:$0x25C0] =	vst v63  }
0xc1: {  	s31 =	sld [smem:$0x7EE];
	_ =	sdelay $0x1  }
0xc2: {  	v19 =	vor.u32 $0x3, v19  }
0xc3: {  	[tilespmem:s31], [sflag:$0x1] =	stream.indirect_vreg.gather [hbm4b:s12+s3], $0x1, v59, vm1, $0xb8;
	[tilespmem:$0x25C0] =	vst v63  }
0xc4: {  	s31 =	sld [smem:$0x7EF];
	_ =	sdelay $0x2  }
0xc5: {  	[tilespmem:s31], [sflag:$0x1] =	stream.indirect_vreg.gather [hbm4b:s12+s3], $0x1, v19, vm1, $0xb8;
	[tilespmem:$0x25C0] =	vst v63  }
0xc6: {  	v19 =	vld [tilespmem:s6+$0x0];
	_ =	sdelay $0x4  }
0xc7: {  	vm2 =	vlt.s32 v19, $0x4E1F  }
0xc8: {  	v19 =	vnsel vm2, $0x4E1F, v19  }
0xc9: {  	v19 =	vshll.u32 v19, $0x2;
	_ =	sdelay $0x1  }
0xca: {  	s31 =	sld [smem:$0x7F0];
	_ =	sdelay $0x1  }
0xcb: {  	v20 =	vor.u32 $0x1, v19  }
0xcc: {  	[tilespmem:s31], [sflag:$0x1] =	stream.indirect_vreg.gather [hbm4b:s12+s3], $0x1, v19, vm1, $0xb8;
	[tilespmem:$0x25C0] =	vst v63  }
0xcd: {  	v60 =	vor.u32 $0x2, v19;
	s29 =	sld [smem:$0x7F1];
	_ =	sdelay $0x1  }
0xce: {  	s31 =	sld [smem:$0x7F2]  }
0xcf: {  	[tilespmem:s29], [sflag:$0x1] =	stream.indirect_vreg.gather [hbm4b:s12+s3], $0x1, v20, vm1, $0xb8;
	[tilespmem:$0x25C0] =	vst v63  }
0xd0: {  	v19 =	vor.u32 $0x3, v19  }
0xd1: {  	[tilespmem:s31], [sflag:$0x1] =	stream.indirect_vreg.gather [hbm4b:s12+s3], $0x1, v60, vm1, $0xb8;
	[tilespmem:$0x25C0] =	vst v63  }
0xd2: {  	s31 =	sld [smem:$0x7F3];
	_ =	sdelay $0x2  }
0xd3: {  	[tilespmem:s31], [sflag:$0x1] =	stream.indirect_vreg.gather [hbm4b:s12+s3], $0x1, v19, vm1, $0xb8;
	[tilespmem:$0x25C0] =	vst v63  }
0xd4: {  	_ =	swait.ge [sflag:s18], $0x10  }
0xd5: {  	[sflag:s18] =	ssyncset.done $0x0  }
0xd6: {  	[sflag:s18] =	ssyncadd.s32 $0xFFFFFFF0  }
0xd7: {  	_ =	swait.ge [sflag:s18], $0x10  }
0xd8: {  	[sflag:s18] =	ssyncset.done $0x0  }
0xd9: {  	[sflag:s18] =	ssyncadd.s32 $0xFFFFFFF0  }
0xda: {  	_ =	swait.ge [sflag:s18], $0x10  }
0xdb: {  	[sflag:s18] =	ssyncset.done $0x0  }
0xdc: {  	[sflag:s18] =	ssyncadd.s32 $0xFFFFFFF0  }
0xdd: {  	_ =	swait.ge [sflag:s18], $0x10  }
0xde: {  	[sflag:s18] =	ssyncset.done $0x0  }
0xdf: {  	[sflag:s18] =	ssyncadd.s32 $0xFFFFFFF0  }
0xe0: {  	_ =	swait.ge [sflag:s18], $0x10  }
0xe1: {  	[sflag:s18] =	ssyncset.done $0x0  }
0xe2: {  	[sflag:s18] =	ssyncadd.s32 $0xFFFFFFF0  }
0xe3: {  	_ =	swait.ge [sflag:s18], $0x10  }
0xe4: {  	[sflag:s18] =	ssyncset.done $0x0  }
0xe5: {  	[sflag:s18] =	ssyncadd.s32 $0xFFFFFFF0  }
0xe6: {  	_ =	swait.ge [sflag:s18], $0x10  }
0xe7: {  	[sflag:s18] =	ssyncset.done $0x0  }
0xe8: {  	[sflag:s18] =	ssyncadd.s32 $0xFFFFFFF0  }
0xe9: {  	_ =	swait.ge [sflag:s18], $0x10  }
0xea: {  	[sflag:s18] =	ssyncset.done $0x0  }
0xeb: {  	[sflag:s18] =	ssyncadd.s32 $0xFFFFFFF0  }
0xec: {  	_ =	swait.ge [sflag:s18], $0x10  }
0xed: {  	[sflag:s18] =	ssyncset.done $0x0  }
0xee: {  	[sflag:s18] =	ssyncadd.s32 $0xFFFFFFF0  }
0xef: {  	_ =	swait.ge [sflag:s18], $0x10  }
0xf0: {  	[sflag:s18] =	ssyncset.done $0x0  }
0xf1: {  	[sflag:s18] =	ssyncadd.s32 $0xFFFFFFF0  }
0xf2: {  	_ =	swait.ge [sflag:s18], $0x10  }
0xf3: {  	[sflag:s18] =	ssyncset.done $0x0  }
0xf4: {  	[sflag:s18] =	ssyncadd.s32 $0xFFFFFFF0  }
0xf5: {  	_ =	swait.ge [sflag:s18], $0x10  }
0xf6: {  	[sflag:s18] =	ssyncset.done $0x0  }
0xf7: {  	[sflag:s18] =	ssyncadd.s32 $0xFFFFFFF0  }
0xf8: {  	_ =	swait.ge [sflag:s18], $0x10  }
0xf9: {  	[sflag:s18] =	ssyncset.done $0x0  }
0xfa: {  	[sflag:s18] =	ssyncadd.s32 $0xFFFFFFF0  }
0xfb: {  	_ =	swait.ge [sflag:s18], $0x10  }
0xfc: {  	[sflag:s18] =	ssyncset.done $0x0  }
0xfd: {  	[sflag:s18] =	ssyncadd.s32 $0xFFFFFFF0  }
0xfe: {  	_ =	swait.ge [sflag:s18], $0x10  }
0xff: {  	[sflag:s18] =	ssyncset.done $0x0  }
0x100: {  	[sflag:s18] =	ssyncadd.s32 $0xFFFFFFF0  }
0x101: {  	_ =	swait.ge [sflag:s18], $0x10  }
0x102: {  	[sflag:s18] =	ssyncset.done $0x0  }
0x103: {  	[sflag:s18] =	ssyncadd.s32 $0xFFFFFFF0  }
0x104: {  	_ =	swait.ge [sflag:s18], $0x10  }
0x105: {  	[sflag:s18] =	ssyncset.done $0x0  }
0x106: {  	[sflag:s18] =	ssyncadd.s32 $0xFFFFFFF0  }
0x107: {  	_ =	swait.ge [sflag:s18], $0x10  }
0x108: {  	[sflag:s18] =	ssyncset.done $0x0  }
0x109: {  	[sflag:s18] =	ssyncadd.s32 $0xFFFFFFF0  }
0x10a: {  	_ =	swait.ge [sflag:s18], $0x10  }
0x10b: {  	[sflag:s18] =	ssyncset.done $0x0  }
0x10c: {  	[sflag:s18] =	ssyncadd.s32 $0xFFFFFFF0  }
0x10d: {  	_ =	swait.ge [sflag:s18], $0x10  }
0x10e: {  	[sflag:s18] =	ssyncset.done $0x0  }
0x10f: {  	[sflag:s18] =	ssyncadd.s32 $0xFFFFFFF0  }
0x110: {  	_ =	swait.ge [sflag:s18], $0x10  }
0x111: {  	[sflag:s18] =	ssyncset.done $0x0  }
0x112: {  	[sflag:s18] =	ssyncadd.s32 $0xFFFFFFF0  }
0x113: {  	_ =	swait.ge [sflag:s18], $0x10  }
0x114: {  	[sflag:s18] =	ssyncset.done $0x0  }
0x115: {  	[sflag:s18] =	ssyncadd.s32 $0xFFFFFFF0  }
0x116: {  	_ =	swait.ge [sflag:s18], $0x10  }
0x117: {  	[sflag:s18] =	ssyncset.done $0x0  }
0x118: {  	[sflag:s18] =	ssyncadd.s32 $0xFFFFFFF0  }
0x119: {  	_ =	swait.ge [sflag:s18], $0x10  }
0x11a: {  	[sflag:s18] =	ssyncset.done $0x0  }
0x11b: {  	[sflag:s18] =	ssyncadd.s32 $0xFFFFFFF0  }
0x11c: {  	_ =	swait.ge [sflag:s18], $0x10  }
0x11d: {  	[sflag:s18] =	ssyncset.done $0x0  }
0x11e: {  	[sflag:s18] =	ssyncadd.s32 $0xFFFFFFF0  }
0x11f: {  	_ =	swait.ge [sflag:s18], $0x10  }
0x120: {  	[sflag:s18] =	ssyncset.done $0x0  }
0x121: {  	[sflag:s18] =	ssyncadd.s32 $0xFFFFFFF0  }
0x122: {  	_ =	swait.ge [sflag:s18], $0x10  }
0x123: {  	[sflag:s18] =	ssyncset.done $0x0  }
0x124: {  	[sflag:s18] =	ssyncadd.s32 $0xFFFFFFF0  }
0x125: {  	_ =	swait.ge [sflag:s18], $0x10  }
0x126: {  	[sflag:s18] =	ssyncset.done $0x0  }
0x127: {  	[sflag:s18] =	ssyncadd.s32 $0xFFFFFFF0  }
0x128: {  	_ =	swait.ge [sflag:s18], $0x10  }
0x129: {  	[sflag:s18] =	ssyncset.done $0x0  }
0x12a: {  	[sflag:s18] =	ssyncadd.s32 $0xFFFFFFF0  }
0x12b: {  	_ =	swait.ge [sflag:s18], $0x10  }
0x12c: {  	[sflag:s18] =	ssyncset.done $0x0  }
0x12d: {  	[sflag:s18] =	ssyncadd.s32 $0xFFFFFFF0  }
0x12e: {  	_ =	swait.ge [sflag:s18], $0x10  }
0x12f: {  	[sflag:s18] =	ssyncset.done $0x0  }
0x130: {  	[sflag:s18] =	ssyncadd.s32 $0xFFFFFFF0  }
0x131: {  	_ =	swait.ge [sflag:s18], $0x10  }
0x132: {  	[sflag:s18] =	ssyncset.done $0x0  }
0x133: {  	[sflag:s18] =	ssyncadd.s32 $0xFFFFFFF0  }
0x134: {  	_ =	swait.ge [sflag:s18], $0x10  }
0x135: {  	[sflag:s18] =	ssyncset.done $0x0  }
0x136: {  	[sflag:s18] =	ssyncadd.s32 $0xFFFFFFF0  }
0x137: {  	_ =	swait.ge [sflag:s18], $0x10  }
0x138: {  	[sflag:s18] =	ssyncset.done $0x0  }
0x139: {  	[sflag:s18] =	ssyncadd.s32 $0xFFFFFFF0  }
0x13a: {  	_ =	swait.ge [sflag:s18], $0x10  }
0x13b: {  	[sflag:s18] =	ssyncset.done $0x0  }
0x13c: {  	[sflag:s18] =	ssyncadd.s32 $0xFFFFFFF0  }
0x13d: {  	_ =	swait.ge [sflag:s18], $0x10  }
0x13e: {  	[sflag:s18] =	ssyncset.done $0x0  }
0x13f: {  	[sflag:s18] =	ssyncadd.s32 $0xFFFFFFF0  }
0x140: {  	v19 =	vld [tilespmem:s5+$0x400]  }
0x141: {  	v20 =	vld [tilespmem:s5+$0x800]  }
0x142: {  	v61 =	vld [tilespmem:s5+$0xC00]  }
0x143: {  	v22 =	vld [tilespmem:s5+$0x1000]  }
0x144: {  	v23 =	vld [tilespmem:s5+$0x1400]  }
0x145: {  	v24 =	vld [tilespmem:s5+$0x1800]  }
0x146: {  	v25 =	vld [tilespmem:s17+$0x400]  }
0x147: {  	v26 =	vld [tilespmem:s17+$0x800]  }
0x148: {  	v27 =	vld [tilespmem:s17+$0xC00]  }
0x149: {  	v28 =	vld [tilespmem:s17+$0x1000]  }
0x14a: {  	v29 =	vld [tilespmem:s17+$0x1400]  }
0x14b: {  	v30 =	vld [tilespmem:s17+$0x1800]  }
0x14c: {  	v31 =	vld [tilespmem:s22+$0x400]  }
0x14d: {  	v32 =	vld [tilespmem:s22+$0x800]  }
0x14e: {  	v33 =	vld [tilespmem:s22+$0xC00]  }
0x14f: {  	v34 =	vld [tilespmem:s22+$0x1000]  }
0x150: {  	v35 =	vld [tilespmem:s22+$0x1400]  }
0x151: {  	v36 =	vld [tilespmem:s22+$0x1800]  }
0x152: {  	v37 =	vld [tilespmem:s30+$0x400]  }
0x153: {  	v38 =	vld [tilespmem:s30+$0x800]  }
0x154: {  	v39 =	vld [tilespmem:s30+$0xC00]  }
0x155: {  	v46 =	vld [tilespmem:s30+$0x1000]  }
0x156: {  	v47 =	vld [tilespmem:s30+$0x1400]  }
0x157: {  	v21 =	vld [tilespmem:s30+$0x1800]  }
0x158: {  	v62 =	vld [tilespmem:s7+$0x400]  }
0x159: {  	v63 =	vld [tilespmem:s7+$0x1000]  }
0x15a: {  	v53 =	vadd.f32 v26, v25;
	v26 =	vld [tilespmem:s7+$0x1400]  }
0x15b: {  	v54 =	vadd.f32 v28, v27;
	v28 =	vld [tilespmem:s7+$0x1800]  }
0x15c: {  	v56 =	vadd.f32 v32, v31;
	v32 =	vld [tilespmem:s13+$0x800]  }
0x15d: {  	v57 =	vadd.f32 v34, v33;
	v33 =	vld [tilespmem:s13+$0xC00]  }
0x15e: {  	v19 =	vadd.f32 v20, v19;
	v20 =	vadd.f32 v22, v61;
	v25 =	vld [tilespmem:s13+$0x1000]  }
0x15f: {  	v61 =	vld [tilespmem:s19+$0x400]  }
0x160: {  	v60 =	vadd.f32 v46, v39;
	v46 =	vld [tilespmem:s6+$0x400];
	v45 =	vmul.f32 $5.000000000e-01, v19;
	v44 =	vmul.f32 $5.000000000e-01, v20  }
0x161: {  	v59 =	vadd.f32 v38, v37;
	v19 =	vld [tilespmem:s7+$0x800];
	v43 =	vmul.f32 $5.000000000e-01, v53;
	v42 =	vmul.f32 $5.000000000e-01, v54  }
0x162: {  	v20 =	vld [tilespmem:s7+$0xC00];
	v41 =	vmul.f32 $5.000000000e-01, v56;
	v40 =	vmul.f32 $5.000000000e-01, v57;
	v48 =	vadd.f32 v23, v45  }
0x163: {  	v53 =	vld [tilespmem:s13+$0x1800];
	v39 =	vmul.f32 $5.000000000e-01, v59;
	v49 =	vadd.f32 v24, v44;
	v29 =	vadd.f32 v29, v43  }
0x164: {  	v54 =	vld [tilespmem:s19+$0x800];
	v38 =	vmul.f32 $5.000000000e-01, v60;
	v30 =	vadd.f32 v30, v42;
	v51 =	vadd.f32 v35, v41  }
0x165: {  	v57 =	vld [tilespmem:s28+$0xC00];
	v52 =	vadd.f32 v36, v40;
	v47 =	vadd.f32 v47, v39  }
0x166: {  	v24 =	vld [tilespmem:s13+$0x400];
	v56 =	vadd.f32 v21, v38;
	v55 =	vadd.f32 $0.0e+00, v48  }
0x167: {  	v50 =	vadd.f32 $0.0e+00, v49;
	v19 =	vadd.f32 v19, v62;
	v62 =	vld [tilespmem:s19+$0x1000]  }
0x168: {  	v20 =	vadd.f32 v63, v20;
	v63 =	vld [tilespmem:s19+$0x1400];
	v27 =	vadd.f32 v29, v55  }
0x169: {  	v25 =	vadd.f32 v25, v33;
	v58 =	vadd.f32 v30, v50;
	v55 =	vld [tilespmem:s19+$0xC00]  }
0x16a: {  	v60 =	vadd.f32 v54, v61;
	v50 =	vld [tilespmem:s13+$0x1400];
	v27 =	vadd.f32 v51, v27  }
0x16b: {  	v37 =	vmul.f32 $5.000000000e-01, v19;
	v36 =	vmul.f32 $5.000000000e-01, v20;
	v19 =	vld [tilespmem:s19+$0x1800];
	v31 =	vadd.f32 v52, v58  }
0x16c: {  	v24 =	vadd.f32 v32, v24;
	v20 =	vadd.f32 v47, v27;
	v27 =	vld [tilespmem:s28+$0x400]  }
0x16d: {  	v34 =	vmul.f32 $5.000000000e-01, v25;
	v28 =	vadd.f32 v28, v36;
	v35 =	vadd.f32 v56, v31;
	v31 =	vld [tilespmem:s28+$0x800]  }
0x16e: {  	v33 =	vmul.f32 $5.000000000e-01, v60;
	v58 =	vld [tilespmem:s28+$0x1000];
	v26 =	vadd.f32 v26, v37;
	v22 =	vadd.f32 v62, v55  }
0x16f: {  	v54 =	vld [tilespmem:s6+$0x800];
	v53 =	vadd.f32 v53, v34;
	v23 =	vadd.f32 v28, v35;
	v35 =	vmul.f32 $5.000000000e-01, v24  }
0x170: {  	v59 =	vadd.f32 v63, v33;
	v55 =	vld [tilespmem:s6+$0x1000];
	v20 =	vadd.f32 v26, v20;
	v32 =	vmul.f32 $5.000000000e-01, v22  }
0x171: {  	v22 =	vld [tilespmem:s6+$0xC00];
	v50 =	vadd.f32 v50, v35;
	v23 =	vadd.f32 v53, v23  }
0x172: {  	v25 =	vld [tilespmem:s28+$0x1400];
	v60 =	vadd.f32 v19, v32;
	v21 =	vadd.f32 v31, v27  }
0x173: {  	v61 =	vadd.f32 v58, v57;
	v19 =	vld [tilespmem:s28+$0x1800];
	v20 =	vadd.f32 v50, v20  }
0x174: {  	v57 =	vld [tilespmem:s6+$0x1400];
	v63 =	vadd.f32 v60, v23;
	v24 =	vmul.f32 $5.000000000e-01, v21  }
0x175: {  	v23 =	vmul.f32 $5.000000000e-01, v61;
	v61 =	vld [tilespmem:s6+$0x1800];
	v62 =	vadd.f32 v59, v20;
	v20 =	vadd.f32 v54, v46  }
0x176: {  	v22 =	vadd.f32 v55, v22  }
0x177: {  	v25 =	vadd.f32 v25, v24;
	v20 =	vmul.f32 $5.000000000e-01, v20  }
0x178: {  	v27 =	vadd.f32 v19, v23;
	v19 =	vmul.f32 $5.000000000e-01, v22  }
0x179: {  	v62 =	vadd.f32 v25, v62;
	v46 =	vadd.f32 v57, v20  }
0x17a: {  	v63 =	vadd.f32 v27, v63;
	v54 =	vadd.f32 v61, v19  }
0x17b: {  	v58 =	vadd.f32 v46, v62  }
0x17c: {  	v31 =	vadd.f32 v54, v63  }
0x17d: {  	v22 =	vmul.f32 v58, v15  }
0x17e: {  	v21 =	vmul.f32 v31, v15  }
0x17f: {  	v61 =	vsub.f32 v48, v22  }
0x180: {  	v62 =	vsub.f32 v49, v21;
	v29 =	vsub.f32 v29, v22  }
0x181: {  	v30 =	vsub.f32 v30, v21;
	v51 =	vsub.f32 v51, v22  }
0x182: {  	v52 =	vsub.f32 v52, v21;
	v47 =	vsub.f32 v47, v22  }
0x183: {  	v26 =	vsub.f32 v26, v22;
	v28 =	vsub.f32 v28, v21;
	v49 =	vmul.f32 v62, v61  }
0x184: {  	v25 =	vsub.f32 v25, v22;
	v31 =	vmul.f32 v61, v61;
	v48 =	vmul.f32 v62, v62  }
0x185: {  	v27 =	vsub.f32 v27, v21;
	v63 =	vmul.f32 v29, v29;
	v29 =	vmul.f32 v30, v29  }
0x186: {  	v46 =	vsub.f32 v46, v22;
	v30 =	vmul.f32 v30, v30;
	v57 =	vmul.f32 v51, v51  }
0x187: {  	v58 =	vmul.f32 v52, v51;
	v61 =	vmul.f32 v52, v52;
	v62 =	vsub.f32 v56, v21  }
0x188: {  	v55 =	vmul.f32 v26, v26;
	v26 =	vmul.f32 v28, v26;
	v49 =	vadd.f32 $0.0e+00, v49  }
0x189: {  	v28 =	vmul.f32 v28, v28;
	v31 =	vadd.f32 v63, v31;
	v30 =	vadd.f32 v30, v48  }
0x18a: {  	v56 =	vsub.f32 v50, v22;
	v63 =	vmul.f32 v47, v47;
	v29 =	vadd.f32 v49, v29  }
0x18b: {  	v52 =	vmul.f32 v62, v62;
	v31 =	vadd.f32 v31, v57;
	v30 =	vadd.f32 v30, v61  }
0x18c: {  	v47 =	vmul.f32 v62, v47;
	v57 =	vsub.f32 v53, v21;
	v29 =	vadd.f32 v29, v58  }
0x18d: {  	v31 =	vadd.f32 v31, v63;
	v30 =	vadd.f32 v30, v52;
	v58 =	vmul.f32 v56, v56  }
0x18e: {  	v61 =	vmul.f32 v57, v56;
	v63 =	vsub.f32 v59, v22;
	v29 =	vadd.f32 v29, v47  }
0x18f: {  	v62 =	vmul.f32 v57, v57;
	v52 =	vsub.f32 v60, v21;
	v31 =	vadd.f32 v31, v55  }
0x190: {  	v57 =	vmul.f32 v25, v25;
	v28 =	vadd.f32 v30, v28;
	v26 =	vadd.f32 v29, v26  }
0x191: {  	v53 =	vmul.f32 v63, v63;
	v55 =	vmul.f32 v52, v63;
	v29 =	vadd.f32 v31, v58  }
0x192: {  	v56 =	vmul.f32 v52, v52;
	v28 =	vadd.f32 v28, v62;
	v26 =	vadd.f32 v26, v61  }
0x193: {  	v25 =	vmul.f32 v27, v25;
	v58 =	vsub.f32 v54, v21;
	v29 =	vadd.f32 v29, v53  }
0x194: {  	v27 =	vmul.f32 v27, v27;
	v28 =	vadd.f32 v28, v56;
	v26 =	vadd.f32 v26, v55  }
0x195: {  	v59 =	vmul.f32 v46, v46;
	v60 =	vmul.f32 v58, v46;
	v29 =	vadd.f32 v29, v57  }
0x196: {  	v30 =	vmul.f32 v58, v58;
	v27 =	vadd.f32 v28, v27;
	v25 =	vadd.f32 v26, v25  }
0x197: {  	v26 =	vadd.f32 v29, v59  }
0x198: {  	v27 =	vadd.f32 v27, v30;
	v25 =	vadd.f32 v25, v60  }
0x199: {  	v26 =	vmul.f32 v26, v15  }
0x19a: {  	v27 =	vmul.f32 v27, v15;
	v25 =	vmul.f32 v25, v15;
	_ =	sdelay $0x1  }
0x19b: {  	v61 =	vmul.f32 v27, v26;
	v62 =	vmul.f32 v25, v25;
	_ =	sdelay $0x1  }
0x19c: {  	v28 =	vsub.f32 v61, v62;
	_ =	sdelay $0x1  }
0x19d: {  	v28 =	vadd.f32 $1.000000010e-10, v28;
	_ =	sdelay $0x1  }
0x19e: {  	(erf) = vrcp.f32 v28;
	_ =	sdelay $0x7  }
0x19f: {  	v25 =	vsub.f32 $0.0e+00, v25  }
0x1a0: {  	v28 =	vpop (erf)  }
0x1a1: {  	v25 =	vmul.f32 v28, v25;
	_ =	sdelay $0x1  }
0x1a2: {  	v63 =	vsub.f32 v45, v22;
	v31 =	vmul.f32 v28, v27;
	v30 =	vadd.f32 v25, v25  }
0x1a3: {  	v47 =	vsub.f32 v44, v21;
	v29 =	vmul.f32 v28, v26  }
0x1a4: {  	v46 =	vmul.f32 v31, v63;
	v48 =	vmul.f32 v30, v63  }
0x1a5: {  	v50 =	vmul.f32 v29, v47  }
0x1a6: {  	v25 =	vmul.f32 v46, v63;
	v49 =	vmul.f32 v48, v47;
	_ =	sdelay $0x1  }
0x1a7: {  	v26 =	vmul.f32 v50, v47;
	v25 =	vadd.f32 v49, v25;
	_ =	sdelay $0x1  }
0x1a8: {  	v25 =	vadd.f32 v25, v26;
	_ =	sdelay $0x1  }
0x1a9: {  	v25 =	vmul.f32 $-5.000000000e-01, v25  }
0x1aa: {  	v27 =	vld [tilespmem:s5+$0x1C80]  }
0x1ab: {  	v26 =	vld [tilespmem:s5+$0x1C00];
	v51 =	vmul.f32 $1.442695020e+00, v25  }
0x1ac: {  	v28 =	vld [tilespmem:s5+$0x1D00]  }
0x1ad: {  	v25 =	vld [tilespmem:s5+$0x1D80];
	(erf) = vpow2.f32 v51;
	_ =	sdelay $0x2  }
0x1ae: {  	v53 =	vsub.f32 v44, v27;
	v52 =	vsub.f32 v45, v26  }
0x1af: {  	v45 =	vsub.f32 v28, v45  }
0x1b0: {  	v46 =	vld [tilespmem:s5+$0x0];
	vm3 =	vgt.f32 v53, $1.000000010e-10;
	vm2 =	vgt.f32 v52, $1.000000010e-10;
	v44 =	vsub.f32 v25, v44  }
0x1b1: {  	vm2 =	vmand vm2, vm3;
	vm3 =	vgt.f32 v45, $1.000000010e-10  }
0x1b2: {  	vm2 =	vmand vm3, vm2;
	vm3 =	vgt.f32 v44, $1.000000010e-10  }
0x1b3: {  	vm2 =	vmand vm3, vm2  }
0x1b4: {  	vm2 =	vmand vm0, vm2;
	v54 =	vpop (erf)  }
0x1b5: {  	[tilespmem:$0x2200] =	vst v46;
	v44 =	vnsel vm2, $0x0, v54  }
0x1b6: {  	[tilespmem:$0x2280] =	vst v44  }
0x1b7: {  	v55 =	vld.idx.msk [tilespmem:v2+s20+$0x0], $0xffff  }
0x1b8: {  	v56 =	vld.idx.msk [tilespmem:v2+s21+$0x0], $0xffff  }
0x1b9: {  	v57 =	vld.idx.msk [tilespmem:v3+s20+$0x0], $0xffff  }
0x1ba: {  	v58 =	vld.idx.msk [tilespmem:v3+s21+$0x0], $0xffff  }
0x1bb: {  	v59 =	vld.idx.msk [tilespmem:v4+s20+$0x0], $0xffff  }
0x1bc: {  	v60 =	vld.idx.msk [tilespmem:v4+s21+$0x0], $0xffff  }
0x1bd: {  	v62 =	vld.idx.msk [tilespmem:v5+s20+$0x0], $0xffff;
	vm2 =	veq.s32 v55, v46;
	v61 =	vmax.f32 v44, v56  }
0x1be: {  	v63 =	vld.idx.msk [tilespmem:v5+s21+$0x0], $0xffff;
	v44 =	vsel vm2, v61, v44  }
0x1bf: {  	v55 =	vld.idx.msk [tilespmem:v6+s20+$0x0], $0xffff;
	vm2 =	veq.s32 v57, v46;
	v54 =	vmax.f32 v44, v58  }
0x1c0: {  	v56 =	vld.idx.msk [tilespmem:v6+s21+$0x0], $0xffff;
	v44 =	vsel vm2, v54, v44  }
0x1c1: {  	v58 =	vld.idx.msk [tilespmem:v7+s20+$0x0], $0xffff;
	vm2 =	veq.s32 v59, v46;
	v57 =	vmax.f32 v44, v60  }
0x1c2: {  	v59 =	vld.idx.msk [tilespmem:v7+s21+$0x0], $0xffff;
	v44 =	vsel vm2, v57, v44  }
0x1c3: {  	v61 =	vld.idx.msk [tilespmem:v9+s21+$0x0], $0xffff;
	vm2 =	veq.s32 v62, v46;
	v45 =	vmax.f32 v44, v63  }
0x1c4: {  	v60 =	vld.idx.msk [tilespmem:v9+s20+$0x0], $0xffff;
	v44 =	vsel vm2, v45, v44  }
0x1c5: {  	v62 =	vld.idx.msk [tilespmem:v8+s20+$0x0], $0xffff;
	vm2 =	veq.s32 v55, v46;
	v48 =	vmax.f32 v44, v56  }
0x1c6: {  	v63 =	vld.idx.msk [tilespmem:v8+s21+$0x0], $0xffff;
	v44 =	vsel vm2, v48, v44  }
0x1c7: {  	v54 =	vld.idx.msk [tilespmem:v10+s20+$0x0], $0xffff;
	vm2 =	veq.s32 v58, v46;
	v50 =	vmax.f32 v44, v59  }
0x1c8: {  	v55 =	vld.idx.msk [tilespmem:v10+s21+$0x0], $0xffff;
	v44 =	vsel vm2, v50, v44  }
0x1c9: {  	v57 =	vld.idx.msk [tilespmem:v11+s21+$0x0], $0xffff;
	vm2 =	veq.s32 v60, v46;
	v45 =	vmax.f32 v44, v61  }
0x1ca: {  	v56 =	vld.idx.msk [tilespmem:v11+s20+$0x0], $0xffff;
	v44 =	vsel vm2, v45, v44  }
0x1cb: {  	v58 =	vld.idx.msk [tilespmem:v12+s20+$0x0], $0xffff;
	vm2 =	veq.s32 v62, v46;
	v48 =	vmax.f32 v44, v63  }
0x1cc: {  	v59 =	vld.idx.msk [tilespmem:v12+s21+$0x0], $0xffff;
	v44 =	vsel vm2, v48, v44  }
0x1cd: {  	v60 =	vld.idx.msk [tilespmem:v13+s20+$0x0], $0xffff;
	vm2 =	veq.s32 v54, v46;
	v50 =	vmax.f32 v44, v55  }
0x1ce: {  	v61 =	vld.idx.msk [tilespmem:v13+s21+$0x0], $0xffff;
	v44 =	vsel vm2, v50, v44  }
0x1cf: {  	v47 =	vld.idx.msk [tilespmem:v14+s20+$0x0], $0xffff;
	v62 =	vsub.f32 v43, v22;
	vm2 =	veq.s32 v56, v46;
	v45 =	vmax.f32 v44, v57  }
0x1d0: {  	v44 =	vsel vm2, v45, v44;
	v45 =	vld.idx.msk [tilespmem:v14+s21+$0x0], $0xffff  }
0x1d1: {  	v49 =	vld.idx.msk [tilespmem:v16+s20+$0x0], $0xffff;
	v63 =	vmul.f32 v31, v62;
	vm2 =	veq.s32 v58, v46;
	v48 =	vmax.f32 v44, v59  }
0x1d2: {  	v57 =	vsub.f32 v42, v21;
	v58 =	vmul.f32 v30, v62;
	v44 =	vsel vm2, v48, v44;
	v48 =	vld.idx.msk [tilespmem:v16+s21+$0x0], $0xffff  }
0x1d3: {  	v52 =	vmul.f32 v63, v62;
	v59 =	vld.idx.msk [tilespmem:v17+s20+$0x0], $0xffff;
	vm2 =	veq.s32 v60, v46;
	v50 =	vmax.f32 v44, v61  }
0x1d4: {  	v62 =	vmul.f32 v29, v57;
	v60 =	vld.idx.msk [tilespmem:v17+s21+$0x0], $0xffff;
	v61 =	vmul.f32 v58, v57;
	v44 =	vsel vm2, v50, v44  }
0x1d5: {  	vm2 =	veq.s32 v47, v46;
	v45 =	vmax.f32 v44, v45  }
0x1d6: {  	v63 =	vadd.f32 v61, v52;
	v52 =	vmul.f32 v62, v57;
	v44 =	vsel vm2, v45, v44  }
0x1d7: {  	vm2 =	veq.s32 v49, v46;
	v48 =	vmax.f32 v44, v48  }
0x1d8: {  	s29 =	sld [smem:$0x7F4];
	v45 =	vadd.f32 v63, v52;
	v44 =	vsel vm2, v48, v44  }
0x1d9: {  	s31 =	sld [smem:$0x7F5];
	vm2 =	veq.s32 v59, v46;
	v53 =	vmax.f32 v44, v60  }
0x1da: {  	v45 =	vmul.f32 $-5.000000000e-01, v45;
	v44 =	vsel vm2, v53, v44  }
0x1db: {  	[tilespmem:s5+$0x1E00] =	vst v44  }
0x1dc: {  	v54 =	vmul.f32 $1.442695020e+00, v45;
	[spmem:s31] =	stream.linear.scatter [tilespmem:s29], [sflag:$0x2], $0x10, $0x38;
	[tilespmem:$0x25C0] =	vst v63  }
0x1dd: {  	_ =	swait.ge [sflag:s16], $0x10  }
0x1de: {  	(erf) = vpow2.f32 v54;
	_ =	sdelay $0x2  }
0x1df: {  	v55 =	vsub.f32 v43, v26;
	v56 =	vsub.f32 v42, v27;
	[sflag:s16] =	ssyncset.done $0x0  }
0x1e0: {  	v43 =	vsub.f32 v28, v43;
	[sflag:s16] =	ssyncadd.s32 $0xFFFFFFF0  }
0x1e1: {  	v42 =	vsub.f32 v25, v42;
	vm3 =	vgt.f32 v56, $1.000000010e-10;
	vm2 =	vgt.f32 v55, $1.000000010e-10;
	v44 =	vld [tilespmem:s5+$0x70]  }
0x1e2: {  	vm2 =	vmand vm2, vm3;
	vm3 =	vgt.f32 v43, $1.000000010e-10  }
0x1e3: {  	vm2 =	vmand vm3, vm2;
	vm3 =	vgt.f32 v42, $1.000000010e-10  }
0x1e4: {  	vm2 =	vmand vm3, vm2  }
0x1e5: {  	vm2 =	vmand vm0, vm2;
	v57 =	vpop (erf)  }
0x1e6: {  	[tilespmem:$0x2200] =	vst v44;
	v42 =	vnsel vm2, $0x0, v57  }
0x1e7: {  	[tilespmem:$0x2280] =	vst v42  }
0x1e8: {  	v58 =	vld.idx.msk [tilespmem:v2+s20+$0x0], $0xffff  }
0x1e9: {  	v59 =	vld.idx.msk [tilespmem:v2+s21+$0x0], $0xffff  }
0x1ea: {  	v60 =	vld.idx.msk [tilespmem:v3+s20+$0x0], $0xffff  }
0x1eb: {  	v61 =	vld.idx.msk [tilespmem:v3+s21+$0x0], $0xffff  }
0x1ec: {  	v62 =	vld.idx.msk [tilespmem:v4+s20+$0x0], $0xffff  }
0x1ed: {  	v63 =	vld.idx.msk [tilespmem:v4+s21+$0x0], $0xffff  }
0x1ee: {  	v52 =	vld.idx.msk [tilespmem:v5+s20+$0x0], $0xffff;
	vm2 =	veq.s32 v58, v44;
	v51 =	vmax.f32 v42, v59  }
0x1ef: {  	v53 =	vld.idx.msk [tilespmem:v5+s21+$0x0], $0xffff;
	v42 =	vsel vm2, v51, v42  }
0x1f0: {  	v55 =	vld.idx.msk [tilespmem:v6+s20+$0x0], $0xffff;
	vm2 =	veq.s32 v60, v44;
	v54 =	vmax.f32 v42, v61  }
0x1f1: {  	v56 =	vld.idx.msk [tilespmem:v6+s21+$0x0], $0xffff;
	v42 =	vsel vm2, v54, v42  }
0x1f2: {  	v58 =	vld.idx.msk [tilespmem:v7+s20+$0x0], $0xffff;
	vm2 =	veq.s32 v62, v44;
	v57 =	vmax.f32 v42, v63  }
0x1f3: {  	v59 =	vld.idx.msk [tilespmem:v7+s21+$0x0], $0xffff;
	v42 =	vsel vm2, v57, v42  }
0x1f4: {  	v60 =	vld.idx.msk [tilespmem:v9+s20+$0x0], $0xffff;
	vm2 =	veq.s32 v52, v44;
	v43 =	vmax.f32 v42, v53  }
0x1f5: {  	v61 =	vld.idx.msk [tilespmem:v9+s21+$0x0], $0xffff;
	v42 =	vsel vm2, v43, v42  }
0x1f6: {  	v62 =	vld.idx.msk [tilespmem:v8+s20+$0x0], $0xffff;
	vm2 =	veq.s32 v55, v44;
	v46 =	vmax.f32 v42, v56  }
0x1f7: {  	v63 =	vld.idx.msk [tilespmem:v8+s21+$0x0], $0xffff;
	v42 =	vsel vm2, v46, v42  }
0x1f8: {  	v52 =	vld.idx.msk [tilespmem:v10+s20+$0x0], $0xffff;
	vm2 =	veq.s32 v58, v44;
	v48 =	vmax.f32 v42, v59  }
0x1f9: {  	v53 =	vld.idx.msk [tilespmem:v10+s21+$0x0], $0xffff;
	v42 =	vsel vm2, v48, v42  }
0x1fa: {  	v54 =	vld.idx.msk [tilespmem:v11+s20+$0x0], $0xffff;
	vm2 =	veq.s32 v60, v44;
	v43 =	vmax.f32 v42, v61  }
0x1fb: {  	v55 =	vld.idx.msk [tilespmem:v11+s21+$0x0], $0xffff;
	v42 =	vsel vm2, v43, v42  }
0x1fc: {  	v57 =	vld.idx.msk [tilespmem:v12+s21+$0x0], $0xffff;
	vm2 =	veq.s32 v62, v44;
	v46 =	vmax.f32 v42, v63  }
0x1fd: {  	v56 =	vld.idx.msk [tilespmem:v12+s20+$0x0], $0xffff;
	v42 =	vsel vm2, v46, v42  }
0x1fe: {  	v58 =	vld.idx.msk [tilespmem:v13+s20+$0x0], $0xffff;
	vm2 =	veq.s32 v52, v44;
	v48 =	vmax.f32 v42, v53  }
0x1ff: {  	v59 =	vld.idx.msk [tilespmem:v13+s21+$0x0], $0xffff;
	v42 =	vsel vm2, v48, v42  }
0x200: {  	v45 =	vld.idx.msk [tilespmem:v14+s20+$0x0], $0xffff;
	v60 =	vsub.f32 v41, v22;
	vm2 =	veq.s32 v54, v44;
	v43 =	vmax.f32 v42, v55  }
0x201: {  	v61 =	vld.idx.msk [tilespmem:v14+s21+$0x0], $0xffff;
	v42 =	vsel vm2, v43, v42  }
0x202: {  	v47 =	vld.idx.msk [tilespmem:v16+s20+$0x0], $0xffff;
	v62 =	vmul.f32 v31, v60;
	vm2 =	veq.s32 v56, v44;
	v46 =	vmax.f32 v42, v57  }
0x203: {  	v63 =	vsub.f32 v40, v21;
	v56 =	vmul.f32 v30, v60;
	v42 =	vsel vm2, v46, v42;
	v46 =	vld.idx.msk [tilespmem:v16+s21+$0x0], $0xffff  }
0x204: {  	v50 =	vmul.f32 v62, v60;
	v57 =	vld.idx.msk [tilespmem:v17+s20+$0x0], $0xffff;
	vm2 =	veq.s32 v58, v44;
	v48 =	vmax.f32 v42, v59  }
0x205: {  	v60 =	vmul.f32 v29, v63;
	v58 =	vld.idx.msk [tilespmem:v17+s21+$0x0], $0xffff;
	v59 =	vmul.f32 v56, v63;
	v42 =	vsel vm2, v48, v42  }
0x206: {  	vm2 =	veq.s32 v45, v44;
	v43 =	vmax.f32 v42, v61  }
0x207: {  	v62 =	vmul.f32 v60, v63;
	v61 =	vadd.f32 v59, v50;
	v42 =	vsel vm2, v43, v42  }
0x208: {  	vm2 =	veq.s32 v47, v44;
	v46 =	vmax.f32 v42, v46  }
0x209: {  	s29 =	sld [smem:$0x7F6];
	v43 =	vadd.f32 v61, v62;
	v42 =	vsel vm2, v46, v42  }
0x20a: {  	s31 =	sld [smem:$0x7F7];
	vm2 =	veq.s32 v57, v44;
	v63 =	vmax.f32 v42, v58  }
0x20b: {  	v43 =	vmul.f32 $-5.000000000e-01, v43;
	v42 =	vsel vm2, v63, v42  }
0x20c: {  	[tilespmem:s17+$0x1E00] =	vst v42  }
0x20d: {  	v47 =	vmul.f32 $1.442695020e+00, v43;
	[spmem:s31] =	stream.linear.scatter [tilespmem:s29], [sflag:$0x2], $0x10, $0x38;
	[tilespmem:$0x25C0] =	vst v63  }
0x20e: {  	_ =	swait.ge [sflag:s16], $0x10  }
0x20f: {  	(erf) = vpow2.f32 v47;
	_ =	sdelay $0x2  }
0x210: {  	v49 =	vsub.f32 v40, v27;
	v48 =	vsub.f32 v41, v26;
	[sflag:s16] =	ssyncset.done $0x0  }
0x211: {  	v41 =	vsub.f32 v28, v41;
	[sflag:s16] =	ssyncadd.s32 $0xFFFFFFF0  }
0x212: {  	vm3 =	vgt.f32 v49, $1.000000010e-10;
	v40 =	vsub.f32 v25, v40;
	vm2 =	vgt.f32 v48, $1.000000010e-10;
	v42 =	vld [tilespmem:s5+$0xE0]  }
0x213: {  	vm2 =	vmand vm2, vm3;
	vm3 =	vgt.f32 v41, $1.000000010e-10  }
0x214: {  	vm2 =	vmand vm3, vm2;
	vm3 =	vgt.f32 v40, $1.000000010e-10  }
0x215: {  	vm2 =	vmand vm3, vm2  }
0x216: {  	vm2 =	vmand vm0, vm2;
	v50 =	vpop (erf)  }
0x217: {  	[tilespmem:$0x2200] =	vst v42;
	v40 =	vnsel vm2, $0x0, v50  }
0x218: {  	[tilespmem:$0x2280] =	vst v40  }
0x219: {  	v51 =	vld.idx.msk [tilespmem:v2+s20+$0x0], $0xffff  }
0x21a: {  	v52 =	vld.idx.msk [tilespmem:v2+s21+$0x0], $0xffff  }
0x21b: {  	v53 =	vld.idx.msk [tilespmem:v3+s20+$0x0], $0xffff  }
0x21c: {  	v54 =	vld.idx.msk [tilespmem:v3+s21+$0x0], $0xffff  }
0x21d: {  	v55 =	vld.idx.msk [tilespmem:v4+s20+$0x0], $0xffff  }
0x21e: {  	v56 =	vld.idx.msk [tilespmem:v4+s21+$0x0], $0xffff  }
0x21f: {  	v58 =	vld.idx.msk [tilespmem:v5+s20+$0x0], $0xffff;
	vm2 =	veq.s32 v51, v42;
	v57 =	vmax.f32 v40, v52  }
0x220: {  	v59 =	vld.idx.msk [tilespmem:v5+s21+$0x0], $0xffff;
	v40 =	vsel vm2, v57, v40  }
0x221: {  	v61 =	vld.idx.msk [tilespmem:v6+s20+$0x0], $0xffff;
	vm2 =	veq.s32 v53, v42;
	v60 =	vmax.f32 v40, v54  }
0x222: {  	v62 =	vld.idx.msk [tilespmem:v6+s21+$0x0], $0xffff;
	v40 =	vsel vm2, v60, v40  }
0x223: {  	v48 =	vld.idx.msk [tilespmem:v7+s20+$0x0], $0xffff;
	vm2 =	veq.s32 v55, v42;
	v63 =	vmax.f32 v40, v56  }
0x224: {  	v49 =	vld.idx.msk [tilespmem:v7+s21+$0x0], $0xffff;
	v40 =	vsel vm2, v63, v40  }
0x225: {  	v50 =	vld.idx.msk [tilespmem:v9+s20+$0x0], $0xffff;
	vm2 =	veq.s32 v58, v42;
	v41 =	vmax.f32 v40, v59  }
0x226: {  	v51 =	vld.idx.msk [tilespmem:v9+s21+$0x0], $0xffff;
	v40 =	vsel vm2, v41, v40  }
0x227: {  	v52 =	vld.idx.msk [tilespmem:v8+s20+$0x0], $0xffff;
	vm2 =	veq.s32 v61, v42;
	v44 =	vmax.f32 v40, v62  }
0x228: {  	v53 =	vld.idx.msk [tilespmem:v8+s21+$0x0], $0xffff;
	v40 =	vsel vm2, v44, v40  }
0x229: {  	v54 =	vld.idx.msk [tilespmem:v10+s20+$0x0], $0xffff;
	vm2 =	veq.s32 v48, v42;
	v46 =	vmax.f32 v40, v49  }
0x22a: {  	v55 =	vld.idx.msk [tilespmem:v10+s21+$0x0], $0xffff;
	v40 =	vsel vm2, v46, v40  }
0x22b: {  	v57 =	vld.idx.msk [tilespmem:v11+s21+$0x0], $0xffff;
	vm2 =	veq.s32 v50, v42;
	v41 =	vmax.f32 v40, v51  }
0x22c: {  	v56 =	vld.idx.msk [tilespmem:v11+s20+$0x0], $0xffff;
	v40 =	vsel vm2, v41, v40  }
0x22d: {  	v58 =	vld.idx.msk [tilespmem:v12+s20+$0x0], $0xffff;
	vm2 =	veq.s32 v52, v42;
	v44 =	vmax.f32 v40, v53  }
0x22e: {  	v59 =	vld.idx.msk [tilespmem:v12+s21+$0x0], $0xffff;
	v40 =	vsel vm2, v44, v40  }
0x22f: {  	v60 =	vld.idx.msk [tilespmem:v13+s20+$0x0], $0xffff;
	vm2 =	veq.s32 v54, v42;
	v46 =	vmax.f32 v40, v55  }
0x230: {  	v61 =	vld.idx.msk [tilespmem:v13+s21+$0x0], $0xffff;
	v40 =	vsel vm2, v46, v40  }
0x231: {  	v43 =	vld.idx.msk [tilespmem:v14+s20+$0x0], $0xffff;
	v62 =	vsub.f32 v39, v22;
	vm2 =	veq.s32 v56, v42;
	v41 =	vmax.f32 v40, v57  }
0x232: {  	v63 =	vld.idx.msk [tilespmem:v14+s21+$0x0], $0xffff;
	v40 =	vsel vm2, v41, v40  }
0x233: {  	v45 =	vld.idx.msk [tilespmem:v16+s20+$0x0], $0xffff;
	v54 =	vmul.f32 v31, v62;
	vm2 =	veq.s32 v58, v42;
	v44 =	vmax.f32 v40, v59  }
0x234: {  	v55 =	vld.idx.msk [tilespmem:v16+s21+$0x0], $0xffff;
	v56 =	vsub.f32 v38, v21;
	v57 =	vmul.f32 v30, v62;
	v40 =	vsel vm2, v44, v40  }
0x235: {  	v48 =	vmul.f32 v54, v62;
	v58 =	vld.idx.msk [tilespmem:v17+s20+$0x0], $0xffff;
	vm2 =	veq.s32 v60, v42;
	v46 =	vmax.f32 v40, v61  }
0x236: {  	v59 =	vld.idx.msk [tilespmem:v17+s21+$0x0], $0xffff;
	v60 =	vmul.f32 v57, v56;
	v61 =	vmul.f32 v29, v56;
	v40 =	vsel vm2, v46, v40  }
0x237: {  	vm2 =	veq.s32 v43, v42;
	v41 =	vmax.f32 v40, v63  }
0x238: {  	v62 =	vadd.f32 v60, v48;
	v63 =	vmul.f32 v61, v56;
	v40 =	vsel vm2, v41, v40  }
0x239: {  	vm2 =	veq.s32 v45, v42;
	v44 =	vmax.f32 v40, v55  }
0x23a: {  	s29 =	sld [smem:$0x7F8];
	v41 =	vadd.f32 v62, v63;
	v40 =	vsel vm2, v44, v40  }
0x23b: {  	s31 =	sld [smem:$0x7F9];
	vm2 =	veq.s32 v58, v42;
	v48 =	vmax.f32 v40, v59  }
0x23c: {  	v41 =	vmul.f32 $-5.000000000e-01, v41;
	v40 =	vsel vm2, v48, v40  }
0x23d: {  	[tilespmem:s22+$0x1E00] =	vst v40  }
0x23e: {  	v49 =	vmul.f32 $1.442695020e+00, v41;
	[spmem:s31] =	stream.linear.scatter [tilespmem:s29], [sflag:$0x2], $0x10, $0x38;
	[tilespmem:$0x25C0] =	vst v63  }
0x23f: {  	_ =	swait.ge [sflag:s16], $0x10  }
0x240: {  	(erf) = vpow2.f32 v49;
	_ =	sdelay $0x2  }
0x241: {  	v50 =	vsub.f32 v39, v26;
	v51 =	vsub.f32 v38, v27;
	[sflag:s16] =	ssyncset.done $0x0  }
0x242: {  	v39 =	vsub.f32 v28, v39;
	[sflag:s16] =	ssyncadd.s32 $0xFFFFFFF0  }
0x243: {  	vm3 =	vgt.f32 v51, $1.000000010e-10;
	v38 =	vsub.f32 v25, v38;
	vm2 =	vgt.f32 v50, $1.000000010e-10;
	v40 =	vld [tilespmem:s5+$0x150]  }
0x244: {  	vm2 =	vmand vm2, vm3;
	vm3 =	vgt.f32 v39, $1.000000010e-10  }
0x245: {  	vm2 =	vmand vm3, vm2;
	vm3 =	vgt.f32 v38, $1.000000010e-10  }
0x246: {  	vm2 =	vmand vm3, vm2  }
0x247: {  	vm2 =	vmand vm0, vm2;
	v52 =	vpop (erf)  }
0x248: {  	[tilespmem:$0x2200] =	vst v40;
	v38 =	vnsel vm2, $0x0, v52  }
0x249: {  	[tilespmem:$0x2280] =	vst v38  }
0x24a: {  	v53 =	vld.idx.msk [tilespmem:v2+s20+$0x0], $0xffff  }
0x24b: {  	v54 =	vld.idx.msk [tilespmem:v2+s21+$0x0], $0xffff  }
0x24c: {  	v55 =	vld.idx.msk [tilespmem:v3+s20+$0x0], $0xffff  }
0x24d: {  	v56 =	vld.idx.msk [tilespmem:v3+s21+$0x0], $0xffff  }
0x24e: {  	v57 =	vld.idx.msk [tilespmem:v4+s20+$0x0], $0xffff  }
0x24f: {  	v58 =	vld.idx.msk [tilespmem:v4+s21+$0x0], $0xffff  }
0x250: {  	v60 =	vld.idx.msk [tilespmem:v5+s20+$0x0], $0xffff;
	vm2 =	veq.s32 v53, v40;
	v59 =	vmax.f32 v38, v54  }
0x251: {  	v61 =	vld.idx.msk [tilespmem:v5+s21+$0x0], $0xffff;
	v38 =	vsel vm2, v59, v38  }
0x252: {  	v63 =	vld.idx.msk [tilespmem:v6+s20+$0x0], $0xffff;
	vm2 =	veq.s32 v55, v40;
	v62 =	vmax.f32 v38, v56  }
0x253: {  	v48 =	vld.idx.msk [tilespmem:v6+s21+$0x0], $0xffff;
	v38 =	vsel vm2, v62, v38  }
0x254: {  	v50 =	vld.idx.msk [tilespmem:v7+s20+$0x0], $0xffff;
	vm2 =	veq.s32 v57, v40;
	v49 =	vmax.f32 v38, v58  }
0x255: {  	v51 =	vld.idx.msk [tilespmem:v7+s21+$0x0], $0xffff;
	v38 =	vsel vm2, v49, v38  }
0x256: {  	v52 =	vld.idx.msk [tilespmem:v9+s20+$0x0], $0xffff;
	vm2 =	veq.s32 v60, v40;
	v39 =	vmax.f32 v38, v61  }
0x257: {  	v53 =	vld.idx.msk [tilespmem:v9+s21+$0x0], $0xffff;
	v38 =	vsel vm2, v39, v38  }
0x258: {  	v54 =	vld.idx.msk [tilespmem:v8+s20+$0x0], $0xffff;
	vm2 =	veq.s32 v63, v40;
	v42 =	vmax.f32 v38, v48  }
0x259: {  	v55 =	vld.idx.msk [tilespmem:v8+s21+$0x0], $0xffff;
	v38 =	vsel vm2, v42, v38  }
0x25a: {  	v56 =	vld.idx.msk [tilespmem:v10+s20+$0x0], $0xffff;
	vm2 =	veq.s32 v50, v40;
	v44 =	vmax.f32 v38, v51  }
0x25b: {  	v57 =	vld.idx.msk [tilespmem:v10+s21+$0x0], $0xffff;
	v38 =	vsel vm2, v44, v38  }
0x25c: {  	v59 =	vld.idx.msk [tilespmem:v11+s21+$0x0], $0xffff;
	vm2 =	veq.s32 v52, v40;
	v39 =	vmax.f32 v38, v53  }
0x25d: {  	v58 =	vld.idx.msk [tilespmem:v11+s20+$0x0], $0xffff;
	v38 =	vsel vm2, v39, v38  }
0x25e: {  	v60 =	vld.idx.msk [tilespmem:v12+s20+$0x0], $0xffff;
	vm2 =	veq.s32 v54, v40;
	v42 =	vmax.f32 v38, v55  }
0x25f: {  	v61 =	vld.idx.msk [tilespmem:v12+s21+$0x0], $0xffff;
	v38 =	vsel vm2, v42, v38  }
0x260: {  	v62 =	vld.idx.msk [tilespmem:v13+s20+$0x0], $0xffff;
	vm2 =	veq.s32 v56, v40;
	v44 =	vmax.f32 v38, v57  }
0x261: {  	v63 =	vld.idx.msk [tilespmem:v13+s21+$0x0], $0xffff;
	v38 =	vsel vm2, v44, v38  }
0x262: {  	v52 =	vld.idx.msk [tilespmem:v14+s20+$0x0], $0xffff;
	v53 =	vsub.f32 v37, v22;
	vm2 =	veq.s32 v58, v40;
	v39 =	vmax.f32 v38, v59  }
0x263: {  	v54 =	vld.idx.msk [tilespmem:v14+s21+$0x0], $0xffff;
	v38 =	vsel vm2, v39, v38  }
0x264: {  	v55 =	vld.idx.msk [tilespmem:v16+s20+$0x0], $0xffff;
	v56 =	vmul.f32 v31, v53;
	vm2 =	veq.s32 v60, v40;
	v42 =	vmax.f32 v38, v61  }
0x265: {  	v57 =	vld.idx.msk [tilespmem:v16+s21+$0x0], $0xffff;
	v58 =	vsub.f32 v36, v21;
	v59 =	vmul.f32 v30, v53;
	v38 =	vsel vm2, v42, v38  }
0x266: {  	v46 =	vmul.f32 v56, v53;
	v60 =	vld.idx.msk [tilespmem:v17+s20+$0x0], $0xffff;
	vm2 =	veq.s32 v62, v40;
	v44 =	vmax.f32 v38, v63  }
0x267: {  	v61 =	vld.idx.msk [tilespmem:v17+s21+$0x0], $0xffff;
	v62 =	vmul.f32 v59, v58;
	v63 =	vmul.f32 v29, v58;
	v38 =	vsel vm2, v44, v38  }
0x268: {  	vm2 =	veq.s32 v52, v40;
	v39 =	vmax.f32 v38, v54  }
0x269: {  	v51 =	vadd.f32 v62, v46;
	v52 =	vmul.f32 v63, v58;
	v38 =	vsel vm2, v39, v38  }
0x26a: {  	vm2 =	veq.s32 v55, v40;
	v42 =	vmax.f32 v38, v57  }
0x26b: {  	s29 =	sld [smem:$0x7FA];
	v39 =	vadd.f32 v51, v52;
	v38 =	vsel vm2, v42, v38  }
0x26c: {  	s31 =	sld [smem:$0x7FB];
	vm2 =	veq.s32 v60, v40;
	v53 =	vmax.f32 v38, v61  }
0x26d: {  	v39 =	vmul.f32 $-5.000000000e-01, v39;
	v38 =	vsel vm2, v53, v38  }
0x26e: {  	[tilespmem:s30+$0x1E00] =	vst v38  }
0x26f: {  	v54 =	vmul.f32 $1.442695020e+00, v39;
	[spmem:s31] =	stream.linear.scatter [tilespmem:s29], [sflag:$0x2], $0x10, $0x38;
	[tilespmem:$0x25C0] =	vst v63  }
0x270: {  	_ =	swait.ge [sflag:s16], $0x10  }
0x271: {  	(erf) = vpow2.f32 v54;
	_ =	sdelay $0x2  }
0x272: {  	v56 =	vsub.f32 v36, v27;
	v55 =	vsub.f32 v37, v26;
	[sflag:s16] =	ssyncset.done $0x0  }
0x273: {  	v37 =	vsub.f32 v28, v37;
	[sflag:s16] =	ssyncadd.s32 $0xFFFFFFF0  }
0x274: {  	v36 =	vsub.f32 v25, v36;
	vm3 =	vgt.f32 v56, $1.000000010e-10;
	vm2 =	vgt.f32 v55, $1.000000010e-10;
	v38 =	vld [tilespmem:s5+$0x1C0]  }
0x275: {  	vm2 =	vmand vm2, vm3;
	vm3 =	vgt.f32 v37, $1.000000010e-10  }
0x276: {  	vm2 =	vmand vm3, vm2;
	vm3 =	vgt.f32 v36, $1.000000010e-10  }
0x277: {  	vm2 =	vmand vm3, vm2  }
0x278: {  	vm2 =	vmand vm0, vm2;
	v57 =	vpop (erf)  }
0x279: {  	[tilespmem:$0x2200] =	vst v38;
	v36 =	vnsel vm2, $0x0, v57  }
0x27a: {  	[tilespmem:$0x2280] =	vst v36  }
0x27b: {  	v58 =	vld.idx.msk [tilespmem:v2+s20+$0x0], $0xffff  }
0x27c: {  	v59 =	vld.idx.msk [tilespmem:v2+s21+$0x0], $0xffff  }
0x27d: {  	v60 =	vld.idx.msk [tilespmem:v3+s20+$0x0], $0xffff  }
0x27e: {  	v61 =	vld.idx.msk [tilespmem:v3+s21+$0x0], $0xffff  }
0x27f: {  	v62 =	vld.idx.msk [tilespmem:v4+s20+$0x0], $0xffff  }
0x280: {  	v63 =	vld.idx.msk [tilespmem:v4+s21+$0x0], $0xffff  }
0x281: {  	v46 =	vld.idx.msk [tilespmem:v5+s20+$0x0], $0xffff;
	vm2 =	veq.s32 v58, v38;
	v45 =	vmax.f32 v36, v59  }
0x282: {  	v47 =	vld.idx.msk [tilespmem:v5+s21+$0x0], $0xffff;
	v36 =	vsel vm2, v45, v36  }
0x283: {  	v49 =	vld.idx.msk [tilespmem:v6+s20+$0x0], $0xffff;
	vm2 =	veq.s32 v60, v38;
	v48 =	vmax.f32 v36, v61  }
0x284: {  	v50 =	vld.idx.msk [tilespmem:v6+s21+$0x0], $0xffff;
	v36 =	vsel vm2, v48, v36  }
0x285: {  	v52 =	vld.idx.msk [tilespmem:v7+s20+$0x0], $0xffff;
	vm2 =	veq.s32 v62, v38;
	v51 =	vmax.f32 v36, v63  }
0x286: {  	v53 =	vld.idx.msk [tilespmem:v7+s21+$0x0], $0xffff;
	v36 =	vsel vm2, v51, v36  }
0x287: {  	v54 =	vld.idx.msk [tilespmem:v9+s20+$0x0], $0xffff;
	vm2 =	veq.s32 v46, v38;
	v37 =	vmax.f32 v36, v47  }
0x288: {  	v55 =	vld.idx.msk [tilespmem:v9+s21+$0x0], $0xffff;
	v36 =	vsel vm2, v37, v36  }
0x289: {  	v56 =	vld.idx.msk [tilespmem:v8+s20+$0x0], $0xffff;
	vm2 =	veq.s32 v49, v38;
	v40 =	vmax.f32 v36, v50  }
0x28a: {  	v57 =	vld.idx.msk [tilespmem:v8+s21+$0x0], $0xffff;
	v36 =	vsel vm2, v40, v36  }
0x28b: {  	v58 =	vld.idx.msk [tilespmem:v10+s20+$0x0], $0xffff;
	vm2 =	veq.s32 v52, v38;
	v42 =	vmax.f32 v36, v53  }
0x28c: {  	v59 =	vld.idx.msk [tilespmem:v10+s21+$0x0], $0xffff;
	v36 =	vsel vm2, v42, v36  }
0x28d: {  	v60 =	vld.idx.msk [tilespmem:v11+s20+$0x0], $0xffff;
	vm2 =	veq.s32 v54, v38;
	v37 =	vmax.f32 v36, v55  }
0x28e: {  	v61 =	vld.idx.msk [tilespmem:v11+s21+$0x0], $0xffff;
	v36 =	vsel vm2, v37, v36  }
0x28f: {  	v62 =	vld.idx.msk [tilespmem:v12+s20+$0x0], $0xffff;
	vm2 =	veq.s32 v56, v38;
	v40 =	vmax.f32 v36, v57  }
0x290: {  	v63 =	vld.idx.msk [tilespmem:v12+s21+$0x0], $0xffff;
	v36 =	vsel vm2, v40, v36  }
0x291: {  	v48 =	vld.idx.msk [tilespmem:v13+s20+$0x0], $0xffff;
	vm2 =	veq.s32 v58, v38;
	v42 =	vmax.f32 v36, v59  }
0x292: {  	v49 =	vld.idx.msk [tilespmem:v13+s21+$0x0], $0xffff;
	v36 =	vsel vm2, v42, v36  }
0x293: {  	v51 =	vsub.f32 v35, v22;
	v50 =	vld.idx.msk [tilespmem:v14+s20+$0x0], $0xffff;
	vm2 =	veq.s32 v60, v38;
	v37 =	vmax.f32 v36, v61  }
0x294: {  	v52 =	vld.idx.msk [tilespmem:v14+s21+$0x0], $0xffff;
	v36 =	vsel vm2, v37, v36  }
0x295: {  	v53 =	vld.idx.msk [tilespmem:v16+s20+$0x0], $0xffff;
	v54 =	vmul.f32 v31, v51;
	vm2 =	veq.s32 v62, v38;
	v40 =	vmax.f32 v36, v63  }
0x296: {  	v55 =	vld.idx.msk [tilespmem:v16+s21+$0x0], $0xffff;
	v56 =	vsub.f32 v34, v21;
	v57 =	vmul.f32 v30, v51;
	v36 =	vsel vm2, v40, v36  }
0x297: {  	v44 =	vmul.f32 v54, v51;
	v58 =	vld.idx.msk [tilespmem:v17+s20+$0x0], $0xffff;
	vm2 =	veq.s32 v48, v38;
	v42 =	vmax.f32 v36, v49  }
0x298: {  	v59 =	vld.idx.msk [tilespmem:v17+s21+$0x0], $0xffff;
	v60 =	vmul.f32 v57, v56;
	v61 =	vmul.f32 v29, v56;
	v36 =	vsel vm2, v42, v36  }
0x299: {  	vm2 =	veq.s32 v50, v38;
	v37 =	vmax.f32 v36, v52  }
0x29a: {  	v62 =	vadd.f32 v60, v44;
	v63 =	vmul.f32 v61, v56;
	v36 =	vsel vm2, v37, v36  }
0x29b: {  	vm2 =	veq.s32 v53, v38;
	v40 =	vmax.f32 v36, v55  }
0x29c: {  	s29 =	sld [smem:$0x7FC];
	v37 =	vadd.f32 v62, v63;
	v36 =	vsel vm2, v40, v36  }
0x29d: {  	s31 =	sld [smem:$0x7FD];
	vm2 =	veq.s32 v58, v38;
	v40 =	vmax.f32 v36, v59  }
0x29e: {  	v37 =	vmul.f32 $-5.000000000e-01, v37;
	v36 =	vsel vm2, v40, v36  }
0x29f: {  	[tilespmem:s7+$0x1E00] =	vst v36  }
0x2a0: {  	v41 =	vmul.f32 $1.442695020e+00, v37;
	[spmem:s31] =	stream.linear.scatter [tilespmem:s29], [sflag:$0x2], $0x10, $0x38;
	[tilespmem:$0x25C0] =	vst v63  }
0x2a1: {  	_ =	swait.ge [sflag:s16], $0x10  }
0x2a2: {  	(erf) = vpow2.f32 v41;
	_ =	sdelay $0x2  }
0x2a3: {  	v43 =	vsub.f32 v34, v27;
	v42 =	vsub.f32 v35, v26;
	[sflag:s16] =	ssyncset.done $0x0  }
0x2a4: {  	v35 =	vsub.f32 v28, v35;
	[sflag:s16] =	ssyncadd.s32 $0xFFFFFFF0  }
0x2a5: {  	vm3 =	vgt.f32 v43, $1.000000010e-10;
	v34 =	vsub.f32 v25, v34;
	vm2 =	vgt.f32 v42, $1.000000010e-10;
	v36 =	vld [tilespmem:s5+$0x230]  }
0x2a6: {  	vm2 =	vmand vm2, vm3;
	vm3 =	vgt.f32 v35, $1.000000010e-10  }
0x2a7: {  	vm2 =	vmand vm3, vm2;
	vm3 =	vgt.f32 v34, $1.000000010e-10  }
0x2a8: {  	vm2 =	vmand vm3, vm2  }
0x2a9: {  	vm2 =	vmand vm0, vm2;
	v44 =	vpop (erf)  }
0x2aa: {  	[tilespmem:$0x2200] =	vst v36;
	v34 =	vnsel vm2, $0x0, v44  }
0x2ab: {  	[tilespmem:$0x2280] =	vst v34  }
0x2ac: {  	v45 =	vld.idx.msk [tilespmem:v2+s20+$0x0], $0xffff  }
0x2ad: {  	v46 =	vld.idx.msk [tilespmem:v2+s21+$0x0], $0xffff  }
0x2ae: {  	v47 =	vld.idx.msk [tilespmem:v3+s20+$0x0], $0xffff  }
0x2af: {  	v48 =	vld.idx.msk [tilespmem:v3+s21+$0x0], $0xffff  }
0x2b0: {  	v49 =	vld.idx.msk [tilespmem:v4+s20+$0x0], $0xffff  }
0x2b1: {  	v50 =	vld.idx.msk [tilespmem:v4+s21+$0x0], $0xffff  }
0x2b2: {  	v52 =	vld.idx.msk [tilespmem:v5+s20+$0x0], $0xffff;
	vm2 =	veq.s32 v45, v36;
	v51 =	vmax.f32 v34, v46  }
0x2b3: {  	v53 =	vld.idx.msk [tilespmem:v5+s21+$0x0], $0xffff;
	v34 =	vsel vm2, v51, v34  }
0x2b4: {  	v55 =	vld.idx.msk [tilespmem:v6+s20+$0x0], $0xffff;
	vm2 =	veq.s32 v47, v36;
	v54 =	vmax.f32 v34, v48  }
0x2b5: {  	v56 =	vld.idx.msk [tilespmem:v6+s21+$0x0], $0xffff;
	v34 =	vsel vm2, v54, v34  }
0x2b6: {  	v58 =	vld.idx.msk [tilespmem:v7+s20+$0x0], $0xffff;
	vm2 =	veq.s32 v49, v36;
	v57 =	vmax.f32 v34, v50  }
0x2b7: {  	v59 =	vld.idx.msk [tilespmem:v7+s21+$0x0], $0xffff;
	v34 =	vsel vm2, v57, v34  }
0x2b8: {  	v60 =	vld.idx.msk [tilespmem:v9+s20+$0x0], $0xffff;
	vm2 =	veq.s32 v52, v36;
	v35 =	vmax.f32 v34, v53  }
0x2b9: {  	v61 =	vld.idx.msk [tilespmem:v9+s21+$0x0], $0xffff;
	v34 =	vsel vm2, v35, v34  }
0x2ba: {  	v62 =	vld.idx.msk [tilespmem:v8+s20+$0x0], $0xffff;
	vm2 =	veq.s32 v55, v36;
	v38 =	vmax.f32 v34, v56  }
0x2bb: {  	v63 =	vld.idx.msk [tilespmem:v8+s21+$0x0], $0xffff;
	v34 =	vsel vm2, v38, v34  }
0x2bc: {  	v44 =	vld.idx.msk [tilespmem:v10+s20+$0x0], $0xffff;
	vm2 =	veq.s32 v58, v36;
	v40 =	vmax.f32 v34, v59  }
0x2bd: {  	v45 =	vld.idx.msk [tilespmem:v10+s21+$0x0], $0xffff;
	v34 =	vsel vm2, v40, v34  }
0x2be: {  	v46 =	vld.idx.msk [tilespmem:v11+s20+$0x0], $0xffff;
	vm2 =	veq.s32 v60, v36;
	v35 =	vmax.f32 v34, v61  }
0x2bf: {  	v47 =	vld.idx.msk [tilespmem:v11+s21+$0x0], $0xffff;
	v34 =	vsel vm2, v35, v34  }
0x2c0: {  	v48 =	vld.idx.msk [tilespmem:v12+s20+$0x0], $0xffff;
	vm2 =	veq.s32 v62, v36;
	v38 =	vmax.f32 v34, v63  }
0x2c1: {  	v49 =	vld.idx.msk [tilespmem:v12+s21+$0x0], $0xffff;
	v34 =	vsel vm2, v38, v34  }
0x2c2: {  	v51 =	vld.idx.msk [tilespmem:v13+s21+$0x0], $0xffff;
	vm2 =	veq.s32 v44, v36;
	v40 =	vmax.f32 v34, v45  }
0x2c3: {  	v50 =	vld.idx.msk [tilespmem:v13+s20+$0x0], $0xffff;
	v34 =	vsel vm2, v40, v34  }
0x2c4: {  	v54 =	vld.idx.msk [tilespmem:v14+s21+$0x0], $0xffff;
	v53 =	vsub.f32 v33, v22;
	vm2 =	veq.s32 v46, v36;
	v35 =	vmax.f32 v34, v47  }
0x2c5: {  	v52 =	vld.idx.msk [tilespmem:v14+s20+$0x0], $0xffff;
	v34 =	vsel vm2, v35, v34  }
0x2c6: {  	v57 =	vld.idx.msk [tilespmem:v16+s21+$0x0], $0xffff;
	v56 =	vmul.f32 v31, v53;
	vm2 =	veq.s32 v48, v36;
	v38 =	vmax.f32 v34, v49  }
0x2c7: {  	v55 =	vld.idx.msk [tilespmem:v16+s20+$0x0], $0xffff;
	v58 =	vsub.f32 v32, v21;
	v59 =	vmul.f32 v30, v53;
	v34 =	vsel vm2, v38, v34  }
0x2c8: {  	v42 =	vmul.f32 v56, v53;
	v60 =	vld.idx.msk [tilespmem:v17+s20+$0x0], $0xffff;
	vm2 =	veq.s32 v50, v36;
	v40 =	vmax.f32 v34, v51  }
0x2c9: {  	v61 =	vld.idx.msk [tilespmem:v17+s21+$0x0], $0xffff;
	v62 =	vmul.f32 v59, v58;
	v63 =	vmul.f32 v29, v58;
	v34 =	vsel vm2, v40, v34  }
0x2ca: {  	vm2 =	veq.s32 v52, v36;
	v35 =	vmax.f32 v34, v54  }
0x2cb: {  	v43 =	vadd.f32 v62, v42;
	v44 =	vmul.f32 v63, v58;
	v34 =	vsel vm2, v35, v34  }
0x2cc: {  	vm2 =	veq.s32 v55, v36;
	v38 =	vmax.f32 v34, v57  }
0x2cd: {  	v35 =	vadd.f32 v43, v44;
	v34 =	vsel vm2, v38, v34  }
0x2ce: {  	vm2 =	veq.s32 v60, v36;
	v45 =	vmax.f32 v34, v61  }
0x2cf: {  	v35 =	vmul.f32 $-5.000000000e-01, v35;
	v34 =	vsel vm2, v45, v34  }
0x2d0: {  	[tilespmem:s13+$0x1E00] =	vst v34  }
0x2d1: {  	v46 =	vmul.f32 $1.442695020e+00, v35;
	[spmem:s1] =	stream.linear.scatter [tilespmem:s0], [sflag:$0x2], $0x10, $0x38;
	[tilespmem:$0x25C0] =	vst v63  }
0x2d2: {  	_ =	swait.ge [sflag:s16], $0x10  }
0x2d3: {  	(erf) = vpow2.f32 v46;
	_ =	sdelay $0x2  }
0x2d4: {  	v47 =	vsub.f32 v33, v26;
	v48 =	vsub.f32 v32, v27;
	[sflag:s16] =	ssyncset.done $0x0  }
0x2d5: {  	v33 =	vsub.f32 v28, v33;
	[sflag:s16] =	ssyncadd.s32 $0xFFFFFFF0  }
0x2d6: {  	v32 =	vsub.f32 v25, v32;
	vm3 =	vgt.f32 v48, $1.000000010e-10;
	vm2 =	vgt.f32 v47, $1.000000010e-10;
	v34 =	vld [tilespmem:s5+$0x2A0]  }
0x2d7: {  	vm2 =	vmand vm2, vm3;
	vm3 =	vgt.f32 v33, $1.000000010e-10  }
0x2d8: {  	vm2 =	vmand vm3, vm2;
	vm3 =	vgt.f32 v32, $1.000000010e-10  }
0x2d9: {  	vm2 =	vmand vm3, vm2  }
0x2da: {  	vm2 =	vmand vm0, vm2;
	v49 =	vpop (erf)  }
0x2db: {  	[tilespmem:$0x2200] =	vst v34;
	v32 =	vnsel vm2, $0x0, v49  }
0x2dc: {  	[tilespmem:$0x2280] =	vst v32  }
0x2dd: {  	v50 =	vld.idx.msk [tilespmem:v2+s20+$0x0], $0xffff  }
0x2de: {  	v51 =	vld.idx.msk [tilespmem:v2+s21+$0x0], $0xffff  }
0x2df: {  	v52 =	vld.idx.msk [tilespmem:v3+s20+$0x0], $0xffff  }
0x2e0: {  	v53 =	vld.idx.msk [tilespmem:v3+s21+$0x0], $0xffff  }
0x2e1: {  	v54 =	vld.idx.msk [tilespmem:v4+s20+$0x0], $0xffff  }
0x2e2: {  	v55 =	vld.idx.msk [tilespmem:v4+s21+$0x0], $0xffff  }
0x2e3: {  	v57 =	vld.idx.msk [tilespmem:v5+s20+$0x0], $0xffff;
	vm2 =	veq.s32 v50, v34;
	v56 =	vmax.f32 v32, v51  }
0x2e4: {  	v58 =	vld.idx.msk [tilespmem:v5+s21+$0x0], $0xffff;
	v32 =	vsel vm2, v56, v32  }
0x2e5: {  	v60 =	vld.idx.msk [tilespmem:v6+s20+$0x0], $0xffff;
	vm2 =	veq.s32 v52, v34;
	v59 =	vmax.f32 v32, v53  }
0x2e6: {  	v61 =	vld.idx.msk [tilespmem:v6+s21+$0x0], $0xffff;
	v32 =	vsel vm2, v59, v32  }
0x2e7: {  	v63 =	vld.idx.msk [tilespmem:v7+s20+$0x0], $0xffff;
	vm2 =	veq.s32 v54, v34;
	v62 =	vmax.f32 v32, v55  }
0x2e8: {  	v42 =	vld.idx.msk [tilespmem:v7+s21+$0x0], $0xffff;
	v32 =	vsel vm2, v62, v32  }
0x2e9: {  	v43 =	vld.idx.msk [tilespmem:v9+s20+$0x0], $0xffff;
	vm2 =	veq.s32 v57, v34;
	v33 =	vmax.f32 v32, v58  }
0x2ea: {  	v44 =	vld.idx.msk [tilespmem:v9+s21+$0x0], $0xffff;
	v32 =	vsel vm2, v33, v32  }
0x2eb: {  	v45 =	vld.idx.msk [tilespmem:v8+s20+$0x0], $0xffff;
	vm2 =	veq.s32 v60, v34;
	v36 =	vmax.f32 v32, v61  }
0x2ec: {  	v46 =	vld.idx.msk [tilespmem:v8+s21+$0x0], $0xffff;
	v32 =	vsel vm2, v36, v32  }
0x2ed: {  	v47 =	vld.idx.msk [tilespmem:v10+s20+$0x0], $0xffff;
	vm2 =	veq.s32 v63, v34;
	v38 =	vmax.f32 v32, v42  }
0x2ee: {  	v48 =	vld.idx.msk [tilespmem:v10+s21+$0x0], $0xffff;
	v32 =	vsel vm2, v38, v32  }
0x2ef: {  	v49 =	vld.idx.msk [tilespmem:v11+s20+$0x0], $0xffff;
	vm2 =	veq.s32 v43, v34;
	v33 =	vmax.f32 v32, v44  }
0x2f0: {  	v50 =	vld.idx.msk [tilespmem:v11+s21+$0x0], $0xffff;
	v32 =	vsel vm2, v33, v32  }
0x2f1: {  	v51 =	vld.idx.msk [tilespmem:v12+s20+$0x0], $0xffff;
	vm2 =	veq.s32 v45, v34;
	v36 =	vmax.f32 v32, v46  }
0x2f2: {  	v52 =	vld.idx.msk [tilespmem:v12+s21+$0x0], $0xffff;
	v32 =	vsel vm2, v36, v32  }
0x2f3: {  	v53 =	vld.idx.msk [tilespmem:v13+s20+$0x0], $0xffff;
	vm2 =	veq.s32 v47, v34;
	v38 =	vmax.f32 v32, v48  }
0x2f4: {  	v54 =	vld.idx.msk [tilespmem:v13+s21+$0x0], $0xffff;
	v32 =	vsel vm2, v38, v32  }
0x2f5: {  	v56 =	vsub.f32 v24, v22;
	v55 =	vld.idx.msk [tilespmem:v14+s20+$0x0], $0xffff;
	vm2 =	veq.s32 v49, v34;
	v33 =	vmax.f32 v32, v50  }
0x2f6: {  	v57 =	vld.idx.msk [tilespmem:v14+s21+$0x0], $0xffff;
	v32 =	vsel vm2, v33, v32  }
0x2f7: {  	v59 =	vmul.f32 v31, v56;
	v58 =	vld.idx.msk [tilespmem:v16+s20+$0x0], $0xffff;
	vm2 =	veq.s32 v51, v34;
	v36 =	vmax.f32 v32, v52  }
0x2f8: {  	v62 =	vmul.f32 v30, v56;
	v60 =	vld.idx.msk [tilespmem:v16+s21+$0x0], $0xffff;
	v61 =	vsub.f32 v23, v21;
	v32 =	vsel vm2, v36, v32  }
0x2f9: {  	v40 =	vmul.f32 v59, v56;
	v63 =	vld.idx.msk [tilespmem:v17+s20+$0x0], $0xffff;
	vm2 =	veq.s32 v53, v34;
	v38 =	vmax.f32 v32, v54  }
0x2fa: {  	v45 =	vld.idx.msk [tilespmem:v17+s21+$0x0], $0xffff;
	v46 =	vmul.f32 v62, v61;
	v47 =	vmul.f32 v29, v61;
	v32 =	vsel vm2, v38, v32  }
0x2fb: {  	vm2 =	veq.s32 v55, v34;
	v33 =	vmax.f32 v32, v57  }
0x2fc: {  	v48 =	vadd.f32 v46, v40;
	v49 =	vmul.f32 v47, v61;
	v32 =	vsel vm2, v33, v32  }
0x2fd: {  	vm2 =	veq.s32 v58, v34;
	v36 =	vmax.f32 v32, v60  }
0x2fe: {  	v33 =	vadd.f32 v48, v49;
	v32 =	vsel vm2, v36, v32  }
0x2ff: {  	vm2 =	veq.s32 v63, v34;
	v50 =	vmax.f32 v32, v45  }
0x300: {  	v33 =	vmul.f32 $-5.000000000e-01, v33;
	v32 =	vsel vm2, v50, v32  }
0x301: {  	[tilespmem:s19+$0x1E00] =	vst v32  }
0x302: {  	v51 =	vmul.f32 $1.442695020e+00, v33;
	[spmem:s9] =	stream.linear.scatter [tilespmem:s8], [sflag:$0x2], $0x10, $0x38;
	[tilespmem:$0x25C0] =	vst v63  }
0x303: {  	_ =	swait.ge [sflag:s16], $0x10  }
0x304: {  	(erf) = vpow2.f32 v51;
	_ =	sdelay $0x2  }
0x305: {  	v52 =	vsub.f32 v24, v26;
	v53 =	vsub.f32 v23, v27;
	[sflag:s16] =	ssyncset.done $0x0  }
0x306: {  	v24 =	vsub.f32 v28, v24;
	[sflag:s16] =	ssyncadd.s32 $0xFFFFFFF0  }
0x307: {  	v23 =	vsub.f32 v25, v23;
	vm3 =	vgt.f32 v53, $1.000000010e-10;
	vm2 =	vgt.f32 v52, $1.000000010e-10;
	v32 =	vld [tilespmem:s5+$0x310]  }
0x308: {  	vm2 =	vmand vm2, vm3;
	vm3 =	vgt.f32 v24, $1.000000010e-10  }
0x309: {  	vm2 =	vmand vm3, vm2;
	vm3 =	vgt.f32 v23, $1.000000010e-10  }
0x30a: {  	vm2 =	vmand vm3, vm2  }
0x30b: {  	vm2 =	vmand vm0, vm2;
	v54 =	vpop (erf)  }
0x30c: {  	[tilespmem:$0x2200] =	vst v32;
	v23 =	vnsel vm2, $0x0, v54  }
0x30d: {  	[tilespmem:$0x2280] =	vst v23  }
0x30e: {  	v55 =	vld.idx.msk [tilespmem:v2+s20+$0x0], $0xffff  }
0x30f: {  	v56 =	vld.idx.msk [tilespmem:v2+s21+$0x0], $0xffff  }
0x310: {  	v57 =	vld.idx.msk [tilespmem:v3+s20+$0x0], $0xffff  }
0x311: {  	v58 =	vld.idx.msk [tilespmem:v3+s21+$0x0], $0xffff  }
0x312: {  	v59 =	vld.idx.msk [tilespmem:v4+s20+$0x0], $0xffff  }
0x313: {  	v60 =	vld.idx.msk [tilespmem:v4+s21+$0x0], $0xffff  }
0x314: {  	v62 =	vld.idx.msk [tilespmem:v5+s20+$0x0], $0xffff;
	vm2 =	veq.s32 v55, v32;
	v61 =	vmax.f32 v23, v56  }
0x315: {  	v63 =	vld.idx.msk [tilespmem:v5+s21+$0x0], $0xffff;
	v23 =	vsel vm2, v61, v23  }
0x316: {  	v41 =	vld.idx.msk [tilespmem:v6+s20+$0x0], $0xffff;
	vm2 =	veq.s32 v57, v32;
	v40 =	vmax.f32 v23, v58  }
0x317: {  	v42 =	vld.idx.msk [tilespmem:v6+s21+$0x0], $0xffff;
	v23 =	vsel vm2, v40, v23  }
0x318: {  	v44 =	vld.idx.msk [tilespmem:v7+s20+$0x0], $0xffff;
	vm2 =	veq.s32 v59, v32;
	v43 =	vmax.f32 v23, v60  }
0x319: {  	v45 =	vld.idx.msk [tilespmem:v7+s21+$0x0], $0xffff;
	v23 =	vsel vm2, v43, v23  }
0x31a: {  	v46 =	vld.idx.msk [tilespmem:v9+s20+$0x0], $0xffff;
	vm2 =	veq.s32 v62, v32;
	v24 =	vmax.f32 v23, v63  }
0x31b: {  	v47 =	vld.idx.msk [tilespmem:v9+s21+$0x0], $0xffff;
	v23 =	vsel vm2, v24, v23  }
0x31c: {  	v48 =	vld.idx.msk [tilespmem:v8+s20+$0x0], $0xffff;
	vm2 =	veq.s32 v41, v32;
	v34 =	vmax.f32 v23, v42  }
0x31d: {  	v49 =	vld.idx.msk [tilespmem:v8+s21+$0x0], $0xffff;
	v23 =	vsel vm2, v34, v23  }
0x31e: {  	v50 =	vld.idx.msk [tilespmem:v10+s20+$0x0], $0xffff;
	vm2 =	veq.s32 v44, v32;
	v36 =	vmax.f32 v23, v45  }
0x31f: {  	v51 =	vld.idx.msk [tilespmem:v10+s21+$0x0], $0xffff;
	v23 =	vsel vm2, v36, v23  }
0x320: {  	v52 =	vld.idx.msk [tilespmem:v11+s20+$0x0], $0xffff;
	vm2 =	veq.s32 v46, v32;
	v24 =	vmax.f32 v23, v47  }
0x321: {  	v53 =	vld.idx.msk [tilespmem:v11+s21+$0x0], $0xffff;
	v23 =	vsel vm2, v24, v23  }
0x322: {  	v54 =	vld.idx.msk [tilespmem:v12+s20+$0x0], $0xffff;
	vm2 =	veq.s32 v48, v32;
	v34 =	vmax.f32 v23, v49  }
0x323: {  	v55 =	vld.idx.msk [tilespmem:v12+s21+$0x0], $0xffff;
	v23 =	vsel vm2, v34, v23  }
0x324: {  	v56 =	vld.idx.msk [tilespmem:v13+s20+$0x0], $0xffff;
	vm2 =	veq.s32 v50, v32;
	v36 =	vmax.f32 v23, v51  }
0x325: {  	v57 =	vld.idx.msk [tilespmem:v13+s21+$0x0], $0xffff;
	v23 =	vsel vm2, v36, v23  }
0x326: {  	v22 =	vsub.f32 v20, v22;
	v58 =	vld.idx.msk [tilespmem:v14+s20+$0x0], $0xffff;
	vm2 =	veq.s32 v52, v32;
	v24 =	vmax.f32 v23, v53  }
0x327: {  	v59 =	vld.idx.msk [tilespmem:v14+s21+$0x0], $0xffff;
	v23 =	vsel vm2, v24, v23  }
0x328: {  	v31 =	vmul.f32 v31, v22;
	v61 =	vld.idx.msk [tilespmem:v16+s21+$0x0], $0xffff;
	vm2 =	veq.s32 v54, v32;
	v34 =	vmax.f32 v23, v55  }
0x329: {  	v30 =	vmul.f32 v30, v22;
	v21 =	vsub.f32 v19, v21;
	v60 =	vld.idx.msk [tilespmem:v16+s20+$0x0], $0xffff;
	v23 =	vsel vm2, v34, v23  }
0x32a: {  	v22 =	vmul.f32 v31, v22;
	v62 =	vld.idx.msk [tilespmem:v17+s20+$0x0], $0xffff;
	vm2 =	veq.s32 v56, v32;
	v36 =	vmax.f32 v23, v57  }
0x32b: {  	v30 =	vmul.f32 v30, v21;
	v29 =	vmul.f32 v29, v21;
	v63 =	vld.idx.msk [tilespmem:v17+s21+$0x0], $0xffff;
	v23 =	vsel vm2, v36, v23  }
0x32c: {  	vm2 =	veq.s32 v58, v32;
	v24 =	vmax.f32 v23, v59  }
0x32d: {  	v22 =	vadd.f32 v30, v22;
	v21 =	vmul.f32 v29, v21;
	v23 =	vsel vm2, v24, v23  }
0x32e: {  	vm2 =	veq.s32 v60, v32;
	v24 =	vmax.f32 v23, v61  }
0x32f: {  	v21 =	vadd.f32 v22, v21;
	v23 =	vsel vm2, v24, v23  }
0x330: {  	vm2 =	veq.s32 v62, v32;
	v33 =	vmax.f32 v23, v63  }
0x331: {  	v21 =	vmul.f32 $-5.000000000e-01, v21;
	v22 =	vsel vm2, v33, v23  }
0x332: {  	[tilespmem:s28+$0x1E00] =	vst v22  }
0x333: {  	v21 =	vmul.f32 $1.442695020e+00, v21;
	[spmem:s11] =	stream.linear.scatter [tilespmem:s10], [sflag:$0x2], $0x10, $0x38;
	[tilespmem:$0x25C0] =	vst v63  }
0x334: {  	_ =	swait.ge [sflag:s16], $0x10  }
0x335: {  	(erf) = vpow2.f32 v21;
	_ =	sdelay $0x2  }
0x336: {  	v35 =	vsub.f32 v19, v27;
	v34 =	vsub.f32 v20, v26;
	[sflag:s16] =	ssyncset.done $0x0  }
0x337: {  	v20 =	vsub.f32 v28, v20;
	[sflag:s16] =	ssyncadd.s32 $0xFFFFFFF0  }
0x338: {  	v19 =	vsub.f32 v25, v19;
	vm3 =	vgt.f32 v35, $1.000000010e-10;
	vm2 =	vgt.f32 v34, $1.000000010e-10;
	v36 =	vld [tilespmem:s6+$0x0]  }
0x339: {  	vm2 =	vmand vm2, vm3;
	vm3 =	vgt.f32 v20, $1.000000010e-10  }
0x33a: {  	vm2 =	vmand vm3, vm2;
	vm3 =	vgt.f32 v19, $1.000000010e-10  }
0x33b: {  	vm2 =	vmand vm3, vm2  }
0x33c: {  	vm2 =	vmand vm0, vm2;
	v19 =	vpop (erf)  }
0x33d: {  	[tilespmem:$0x2200] =	vst v36;
	v19 =	vnsel vm2, $0x0, v19  }
0x33e: {  	[tilespmem:$0x2280] =	vst v19  }
0x33f: {  	v20 =	vld.idx.msk [tilespmem:v2+s20+$0x0], $0xffff  }
0x340: {  	v37 =	vld.idx.msk [tilespmem:v2+s21+$0x0], $0xffff  }
0x341: {  	v38 =	vld.idx.msk [tilespmem:v3+s20+$0x0], $0xffff  }
0x342: {  	v39 =	vld.idx.msk [tilespmem:v3+s21+$0x0], $0xffff  }
0x343: {  	v40 =	vld.idx.msk [tilespmem:v4+s20+$0x0], $0xffff  }
0x344: {  	v41 =	vld.idx.msk [tilespmem:v4+s21+$0x0], $0xffff  }
0x345: {  	v42 =	vld.idx.msk [tilespmem:v5+s20+$0x0], $0xffff;
	vm2 =	veq.s32 v20, v36;
	v20 =	vmax.f32 v19, v37  }
0x346: {  	v19 =	vsel vm2, v20, v19;
	v20 =	vld.idx.msk [tilespmem:v5+s21+$0x0], $0xffff  }
0x347: {  	v44 =	vld.idx.msk [tilespmem:v6+s20+$0x0], $0xffff;
	vm2 =	veq.s32 v38, v36;
	v43 =	vmax.f32 v19, v39  }
0x348: {  	v45 =	vld.idx.msk [tilespmem:v6+s21+$0x0], $0xffff;
	v19 =	vsel vm2, v43, v19  }
0x349: {  	v47 =	vld.idx.msk [tilespmem:v7+s20+$0x0], $0xffff;
	vm2 =	veq.s32 v40, v36;
	v46 =	vmax.f32 v19, v41  }
0x34a: {  	v48 =	vld.idx.msk [tilespmem:v7+s21+$0x0], $0xffff;
	v19 =	vsel vm2, v46, v19  }
0x34b: {  	v49 =	vld.idx.msk [tilespmem:v9+s20+$0x0], $0xffff;
	vm2 =	veq.s32 v42, v36;
	v20 =	vmax.f32 v19, v20  }
0x34c: {  	v19 =	vsel vm2, v20, v19;
	v20 =	vld.idx.msk [tilespmem:v9+s21+$0x0], $0xffff  }
0x34d: {  	v50 =	vld.idx.msk [tilespmem:v8+s20+$0x0], $0xffff;
	vm2 =	veq.s32 v44, v36;
	v23 =	vmax.f32 v19, v45  }
0x34e: {  	v51 =	vld.idx.msk [tilespmem:v8+s21+$0x0], $0xffff;
	v19 =	vsel vm2, v23, v19  }
0x34f: {  	v52 =	vld.idx.msk [tilespmem:v10+s20+$0x0], $0xffff;
	vm2 =	veq.s32 v47, v36;
	v25 =	vmax.f32 v19, v48  }
0x350: {  	v53 =	vld.idx.msk [tilespmem:v10+s21+$0x0], $0xffff;
	v19 =	vsel vm2, v25, v19  }
0x351: {  	v54 =	vld.idx.msk [tilespmem:v11+s20+$0x0], $0xffff;
	vm2 =	veq.s32 v49, v36;
	v20 =	vmax.f32 v19, v20  }
0x352: {  	v19 =	vsel vm2, v20, v19;
	v20 =	vld.idx.msk [tilespmem:v11+s21+$0x0], $0xffff  }
0x353: {  	v55 =	vld.idx.msk [tilespmem:v12+s20+$0x0], $0xffff;
	vm2 =	veq.s32 v50, v36;
	v23 =	vmax.f32 v19, v51  }
0x354: {  	v56 =	vld.idx.msk [tilespmem:v12+s21+$0x0], $0xffff;
	v19 =	vsel vm2, v23, v19  }
0x355: {  	v57 =	vld.idx.msk [tilespmem:v13+s20+$0x0], $0xffff;
	vm2 =	veq.s32 v52, v36;
	v25 =	vmax.f32 v19, v53  }
0x356: {  	v58 =	vld.idx.msk [tilespmem:v13+s21+$0x0], $0xffff;
	v19 =	vsel vm2, v25, v19  }
0x357: {  	v59 =	vld.idx.msk [tilespmem:v14+s20+$0x0], $0xffff;
	vm2 =	veq.s32 v54, v36;
	v20 =	vmax.f32 v19, v20  }
0x358: {  	v19 =	vsel vm2, v20, v19;
	v20 =	vld.idx.msk [tilespmem:v14+s21+$0x0], $0xffff  }
0x359: {  	v60 =	vld.idx.msk [tilespmem:v16+s20+$0x0], $0xffff;
	vm2 =	veq.s32 v55, v36;
	v23 =	vmax.f32 v19, v56  }
0x35a: {  	v61 =	vld.idx.msk [tilespmem:v16+s21+$0x0], $0xffff;
	v19 =	vsel vm2, v23, v19  }
0x35b: {  	v62 =	vld.idx.msk [tilespmem:v17+s20+$0x0], $0xffff;
	vm2 =	veq.s32 v57, v36;
	v25 =	vmax.f32 v19, v58  }
0x35c: {  	v63 =	vld.idx.msk [tilespmem:v17+s21+$0x0], $0xffff;
	v19 =	vsel vm2, v25, v19  }
0x35d: {  	vm2 =	veq.s32 v59, v36;
	v20 =	vmax.f32 v19, v20  }
0x35e: {  	v19 =	vsel vm2, v20, v19  }
0x35f: {  	vm2 =	veq.s32 v60, v36;
	v20 =	vmax.f32 v19, v61  }
0x360: {  	v19 =	vsel vm2, v20, v19  }
0x361: {  	vm2 =	veq.s32 v62, v36;
	v20 =	vmax.f32 v19, v63  }
0x362: {  	v19 =	vsel vm2, v20, v19  }
0x363: {  	[tilespmem:s6+$0x1E00] =	vst v19  }
0x364: {  	[spmem:s15] =	stream.linear.scatter [tilespmem:s14], [sflag:$0x2], $0x10, $0x38;
	[tilespmem:$0x25C0] =	vst v63  }
0x365: {  	_ =	swait.ge [sflag:s16], $0x10  }
0x366: {  	[sflag:s16] =	ssyncset.done $0x0  }
0x367: {  	[sflag:s16] =	ssyncadd.s32 $0xFFFFFFF0  }
.LBB2_3:
0x368: {  	[bflag:$0x0] =	sbarrier.arrive $0xFFFF;
	s29 =	simm.s32 $0x1E00  }
0x369: {  	[tilespmem:s29], [sflag:$0x2] =	stream.linear.gather [spmem:s2], $0x400, $0x38;
	[tilespmem:$0x25C0] =	vst v63  }
0x36a: {  	_ =	swait.ge [sflag:s16], $0x400  }
0x36b: {  	[sflag:s16] =	ssyncset.done $0x0  }
0x36c: {  	[sflag:s16] =	ssyncadd.s32 $0xFFFFFC00  }
0x36d: {  	[tilespmem:$0x2300] =	vst v18  }
0x36e: {  	[tilespmem:$0x2310] =	vst v18  }
0x36f: {  	[tilespmem:$0x2320] =	vst v18  }
0x370: {  	[tilespmem:$0x2330] =	vst v18  }
0x371: {  	[tilespmem:$0x2340] =	vst v18  }
0x372: {  	[tilespmem:$0x2350] =	vst v18  }
0x373: {  	[tilespmem:$0x2360] =	vst v18  }
0x374: {  	[tilespmem:$0x2370] =	vst v18  }
0x375: {  	[tilespmem:$0x2380] =	vst v18  }
0x376: {  	[tilespmem:$0x2390] =	vst v18  }
0x377: {  	[tilespmem:$0x23A0] =	vst v18  }
0x378: {  	[tilespmem:$0x23B0] =	vst v18  }
0x379: {  	[tilespmem:$0x23C0] =	vst v18  }
0x37a: {  	[tilespmem:$0x23D0] =	vst v18  }
0x37b: {  	[tilespmem:$0x23E0] =	vst v18  }
0x37c: {  	[tilespmem:$0x23F0] =	vst v18  }
0x37d: {  	[tilespmem:$0x2400] =	vst v18  }
0x37e: {  	[tilespmem:$0x2410] =	vst v18  }
0x37f: {  	[tilespmem:$0x2420] =	vst v18  }
0x380: {  	[tilespmem:$0x2430] =	vst v18  }
0x381: {  	[tilespmem:$0x2440] =	vst v18  }
0x382: {  	[tilespmem:$0x2450] =	vst v18  }
0x383: {  	[tilespmem:$0x2460] =	vst v18  }
0x384: {  	[tilespmem:$0x2470] =	vst v18  }
0x385: {  	[tilespmem:$0x2480] =	vst v18  }
0x386: {  	[tilespmem:$0x2490] =	vst v18  }
0x387: {  	[tilespmem:$0x24A0] =	vst v18  }
0x388: {  	[tilespmem:$0x24B0] =	vst v18  }
0x389: {  	[tilespmem:$0x24C0] =	vst v18  }
0x38a: {  	[tilespmem:$0x24D0] =	vst v18  }
0x38b: {  	[tilespmem:$0x24E0] =	vst v18  }
0x38c: {  	[tilespmem:$0x24F0] =	vst v18  }
0x38d: {  	[tilespmem:$0x2500] =	vst v18  }
0x38e: {  	[tilespmem:$0x2510] =	vst v18  }
0x38f: {  	[tilespmem:$0x2520] =	vst v18  }
0x390: {  	[tilespmem:$0x2530] =	vst v18  }
0x391: {  	[tilespmem:$0x2540] =	vst v18  }
0x392: {  	[tilespmem:$0x2550] =	vst v18  }
0x393: {  	[tilespmem:$0x2560] =	vst v18  }
0x394: {  	s31 =	simm.s32 $0x0;
	s29 =	simm.s32 $0x40;
	[tilespmem:$0x2570] =	vst v18  }
.LBB2_4:
0x395: {  	p1 =	sne.s32 s29, $0xF80;
	v19 =	vld [tilespmem:s31+$0x0];
	_ =	sdelay $0x4  }
0x396: {  	vm2 =	vge.s32 v19, v0;
	vm3 =	vlt.s32 v19, v1  }
0x397: {  	v19 =	vsub.s32 v19, v0;
	vm2 =	vmand vm2, vm3  }
0x398: {  	v19 =	vnsel vm2, $0x0, v19;
	_ =	sdelay $0x4  }
0x399: {  	v20 =	vld.idx.msk [tilespmem:v19+s24+$0x0], vm2  }
0x39a: {  	v21 =	vld [tilespmem:s31+$0x1E00];
	_ =	sdelay $0x2  }
.Ltmp1:
0x39b: {  	(pc) =	sbr.rel @p1 .LBB2_4-.Ltmp1, $4  }
0x39c: {  	_ = 	snop  }
0x39d: {  	v20 =	vmax.f32 v20, v21  }
0x39e: {  	v20 =	vsel vm2, v20, v21  }
0x39f: {  	s31 =	sshra.s32 s29, $0x2;
	s29 =	sadd.s32 $0x40, s29;
	[tilespmem:v19+s24+$0x0] =	vst.idx.msk vm2, v20  }
0x3a0: {  	v19 =	vld [tilespmem:s31+$0x0];
	_ =	sdelay $0x4  }
0x3a1: {  	vm2 =	vge.s32 v19, v0;
	vm3 =	vlt.s32 v19, v1  }
0x3a2: {  	v19 =	vsub.s32 v19, v0;
	vm2 =	vmand vm2, vm3  }
0x3a3: {  	v19 =	vnsel vm2, $0x0, v19;
	_ =	sdelay $0x3  }
0x3a4: {  	v21 =	vld [tilespmem:s31+$0x1E00]  }
0x3a5: {  	v20 =	vld.idx.msk [tilespmem:v19+s24+$0x0], vm2;
	_ =	sdelay $0x4  }
0x3a6: {  	s26 =	sadd.s32 $0x1, s26;
	v20 =	vmax.f32 v20, v21  }
0x3a7: {  	p1 =	sne.s32 s26, s25;
	v20 =	vsel vm2, v20, v21  }
.Ltmp2:
0x3a8: {  	[tilespmem:v19+s24+$0x0] =	vst.idx.msk vm2, v20;
	(pc) =	sbr.rel @p1 .LBB2_1-.Ltmp2, $4  }
0x3a9: {  	[hbm4b:s23+s3] =	stream.linear.scatter [tilespmem:s24], [sflag:$0x2], $0x280, $0x38;
	[tilespmem:$0x25C0] =	vst v63  }
0x3aa: {  	_ =	swait.ge [sflag:s16], $0x280  }
0x3ab: {  	[sflag:s16] =	ssyncset.done $0x0  }
0x3ac: {  	[sflag:s16] =	ssyncadd.s32 $0xFFFFFD80  }
0x3ad: {  	_ =	sfence.sel $0x180000  }
0x3ae: {  	[bflag:$0x0] =	sbarrier.arrive $0xFFFF  }
0x3af: {  	_ =	strace $0x90000047  }
0x3b0: {  	s0 =	stileid.u32;
	[bflag:$0x2] =	sbarrier.arrive $0xFFFF  }
0x3b1: {  	p0 =	sne.s32 s0, $0x0;
	s0 =	rddreg [dreg:$0x3]  }
0x3b2: {  	s0 =	sadd.s32 @!p0 $0x100000, s0  }
0x3b3: {  	[sflag:s0] =	ssyncadd.tile.s32 @!p0 $0x1;
	_ =	shalt  }
.Lfunc_end2:
_tile_overlayer_lowered:
.L_overlay_start_2:
0x3b4: {  	(tag) =	ssettag $0x2  }
0x3b5: {  	s0 =	rddreg [dreg:$0x0];
	s2 =	stileid.u32  }
0x3b6: {  	s1 =	rddreg [dreg:$0x1];
	p0 =	sne.s32 s2, $0x0  }
0x3b7: {  	s3 =	rddreg [dreg:$0x2];
	[bflag:$0x3] =	sbarrier.arrive $0xFFFF;
	s2 =	simm.s32 @!p0 $0x1C02  }
0x3b8: {  	[timem:s3], [sflag:s2] =	dma.local @!p0 [hbm:s0], s1  }
0x3b9: {  	s0 =	simm.s32 @!p0 $0x2  }
0x3ba: {  	_ =	swait.ge @!p0 [sflag:s0], s1  }
0x3bb: {  	s1 =	ssub.s32 @!p0 $0x0, s1;
	[sflag:s0] =	ssyncset.done @!p0 $0x0  }
0x3bc: {  	[sflag:s0] =	ssyncadd.s32 @!p0 s1  }
0x3bd: {  	[bflag:$0x3] =	sbarrier.arrive $0xFFFF  }
0x3be: {  	_ =	shalt  }

</sc_bundles>
